<compile_context>
chip_gen: v7x
topology: tpu7x:2x2x1
jax: 0.10.2.dev20260603
libtpu: 0.0.44.dev20260713+nightly
codegen_flags: <defaults>
</compile_context>

<pallas_src>
import functools

import jax
import jax.numpy as jnp
from jax import lax
from jax.experimental import pallas as pl
from jax.experimental.pallas import tpu as pltpu
from jax.experimental.pallas import tpu_sc as plsc

N = 10000
D = 128
E = 160000

NC = 2
NS = 16

C = 80
EPT = E // NS
RPT = EPT // C
NPAD = 10240
ZR = NPAD // NS

RB = 2048
GRID = 5
NB = 5
BF = jnp.bfloat16


def _mesh():
    return plsc.VectorSubcoreMesh(core_axis_name="c", subcore_axis_name="s")


_SC_PARAMS = pltpu.CompilerParams(use_tc_tiling_on_sc=False)


def _sc_degrees(s0, d0, s1, d1):
    @functools.partial(
        pl.kernel,
        out_type=jax.ShapeDtypeStruct((NC, 2, NPAD), jnp.float32),
        mesh=_mesh(),
        compiler_params=_SC_PARAMS,
        scratch_types=[
            pltpu.VMEM((EPT,), jnp.int32),
            pltpu.VMEM((EPT,), jnp.int32),
            pltpu.VMEM((C,), jnp.float32),
            pltpu.VMEM((ZR,), jnp.float32),
            pltpu.VMEM_SHARED((NPAD,), jnp.float32),
            pltpu.VMEM_SHARED((NPAD,), jnp.float32),
        ] + [pltpu.SemaphoreType.DMA] * NB,
    )
    def k(s0h, d0h, s1h, d1h, out, src_v, dst_v, ones_v, zero_v, dout_sp, din_sp,
          *sems):
        cid = lax.axis_index("c")
        sid = lax.axis_index("s")

        for i in range(ZR // 16):
            zero_v[pl.ds(i * 16, 16)] = jnp.zeros((16,), jnp.float32)
        for i in range(C // 16):
            ones_v[pl.ds(i * 16, 16)] = jnp.ones((16,), jnp.float32)

        pltpu.sync_copy(zero_v, dout_sp.at[pl.ds(sid * ZR, ZR)])
        pltpu.sync_copy(zero_v, din_sp.at[pl.ds(sid * ZR, ZR)])

        e0 = sid * EPT

        @pl.when(cid == 0)
        def _():
            pltpu.sync_copy(s0h.at[pl.ds(e0, EPT)], src_v)
            pltpu.sync_copy(d0h.at[pl.ds(e0, EPT)], dst_v)

        @pl.when(cid == 1)
        def _():
            pltpu.sync_copy(s1h.at[pl.ds(e0, EPT)], src_v)
            pltpu.sync_copy(d1h.at[pl.ds(e0, EPT)], dst_v)

        plsc.subcore_barrier()

        @pl.loop(0, RPT, step=NB)
        def _(c0):
            descs = []
            for b in range(NB):
                descs.append(pltpu.async_copy(
                    ones_v, dout_sp.at[src_v.at[pl.ds((c0 + b) * C, C)]],
                    sems[b], add=True))
                descs.append(pltpu.async_copy(
                    ones_v, din_sp.at[dst_v.at[pl.ds((c0 + b) * C, C)]],
                    sems[b], add=True))
            for dsc in descs:
                dsc.wait()

        plsc.subcore_barrier()

        pltpu.sync_copy(dout_sp.at[pl.ds(sid * ZR, ZR)],
                        out.at[cid, 0, pl.ds(sid * ZR, ZR)])
        pltpu.sync_copy(din_sp.at[pl.ds(sid * ZR, ZR)],
                        out.at[cid, 1, pl.ds(sid * ZR, ZR)])

    return k(s0, d0, s1, d1)


def _sc_aggregate(hs, s0, d0, s1, d1):
    @functools.partial(
        pl.kernel,
        out_type=jax.ShapeDtypeStruct((NC, NPAD, D), BF),
        mesh=_mesh(),
        compiler_params=_SC_PARAMS,
        scratch_types=[
            pltpu.VMEM((EPT,), jnp.int32),
            pltpu.VMEM((EPT,), jnp.int32),
            pltpu.VMEM((NB, C, D), BF),
            pltpu.VMEM_SHARED((NPAD, D), BF),
        ] + [pltpu.SemaphoreType.DMA] * (2 * NB),
    )
    def k(hsh, s0h, d0h, s1h, d1h, out, src_v, dst_v, rows_v, agg_sp,
          *sems):
        gsems, ssems = sems[:NB], sems[NB:]
        cid = lax.axis_index("c")
        sid = lax.axis_index("s")

        @pl.loop(0, C)
        def _(r):
            for j in range(D // 32):
                rows_v[0, r, pl.ds(j * 32, 32)] = jnp.zeros((32,), BF)

        for b in range(8):
            pltpu.sync_copy(
                rows_v.at[0], agg_sp.at[pl.ds(sid * ZR + b * (ZR // 8), ZR // 8)])

        e0 = sid * EPT

        @pl.when(cid == 0)
        def _():
            pltpu.sync_copy(s0h.at[pl.ds(e0, EPT)], src_v)
            pltpu.sync_copy(d0h.at[pl.ds(e0, EPT)], dst_v)

        @pl.when(cid == 1)
        def _():
            pltpu.sync_copy(s1h.at[pl.ds(e0, EPT)], src_v)
            pltpu.sync_copy(d1h.at[pl.ds(e0, EPT)], dst_v)

        hh = hsh.at[cid]

        def agg_loop():
            for b in range(NB - 1):
                pltpu.async_copy(hh.at[src_v.at[pl.ds(b * C, C)]],
                                 rows_v.at[b], gsems[b])

            plsc.subcore_barrier()

            @pl.loop(0, RPT, step=NB)
            def _(c0):
                for b in range(NB):
                    c = c0 + b
                    pltpu.make_async_copy(
                        hh.at[src_v.at[pl.ds(c * C, C)]], rows_v.at[b],
                        gsems[b]).wait()
                    pltpu.async_copy(rows_v.at[b],
                                     agg_sp.at[dst_v.at[pl.ds(c * C, C)]],
                                     ssems[b], add=True)

                    nb = (b + NB - 1) % NB

                    @pl.when(c + NB - 1 < RPT)
                    def _(c=c, b=b, nb=nb):
                        @pl.when(c > 0)
                        def _():
                            pltpu.make_async_copy(
                                rows_v.at[nb],
                                agg_sp.at[dst_v.at[pl.ds((c - 1) * C, C)]],
                                ssems[nb]).wait()

                        pltpu.async_copy(
                            hh.at[src_v.at[pl.ds((c + NB - 1) * C, C)]],
                            rows_v.at[nb], gsems[nb])

            for b in range(NB):
                c = RPT - NB + b
                pltpu.make_async_copy(
                    rows_v.at[b % NB],
                    agg_sp.at[dst_v.at[pl.ds(c * C, C)]],
                    ssems[c % NB]).wait()

        agg_loop()

        plsc.subcore_barrier()

        pltpu.sync_copy(agg_sp.at[pl.ds(sid * ZR, ZR)],
                        out.at[cid, pl.ds(sid * ZR, ZR)])

    return k(hs, s0, d0, s1, d1)


def _rsqrt_deg(d):
    return lax.rsqrt(jnp.maximum(d, 1.0))


def _tc_prescale(x, dout0, dout1):
    def body(x_ref, d0_ref, d1_ref, h_ref):
        xb = x_ref[...]
        h_ref[0] = (xb * _rsqrt_deg(d0_ref[...])).astype(BF)
        h_ref[1] = (xb * _rsqrt_deg(d1_ref[...])).astype(BF)

    return pl.pallas_call(
        body,
        grid=(GRID,),
        in_specs=[
            pl.BlockSpec((RB, D), lambda i: (i, 0)),
            pl.BlockSpec((RB, 1), lambda i: (i, 0)),
            pl.BlockSpec((RB, 1), lambda i: (i, 0)),
        ],
        out_specs=pl.BlockSpec((2, RB, D), lambda i: (0, i, 0)),
        out_shape=jax.ShapeDtypeStruct((2, NPAD, D), BF),
    )(x, dout0, dout1)


def _l2norm(h):
    n = jnp.sqrt(jnp.sum(h * h, axis=-1, keepdims=True))
    return h / jnp.maximum(n, 1e-12)


def _tc_layer(agg, din0, din1, dout0, dout1, W0, b0, W1, b1):
    def body(a0_ref, a1_ref, di0_ref, di1_ref, do0_ref, do1_ref,
             w0_ref, bb0_ref, w1_ref, bb1_ref, h_ref):
        r0 = a0_ref[0].astype(jnp.float32) * _rsqrt_deg(di0_ref[...])
        r1 = a1_ref[0].astype(jnp.float32) * _rsqrt_deg(di1_ref[...])
        o = (jnp.dot(r0, w0_ref[...], preferred_element_type=jnp.float32)
             + jnp.dot(r1, w1_ref[...], preferred_element_type=jnp.float32)
             + bb0_ref[...] + bb1_ref[...])
        h = _l2norm(jnp.maximum(o, 0.0))
        h_ref[0] = (h * _rsqrt_deg(do0_ref[...])).astype(BF)
        h_ref[1] = (h * _rsqrt_deg(do1_ref[...])).astype(BF)

    full = pl.BlockSpec((D, D), lambda i: (0, 0))
    bias = pl.BlockSpec((1, D), lambda i: (0, 0))
    col = pl.BlockSpec((RB, 1), lambda i: (i, 0))
    blk = pl.BlockSpec((RB, D), lambda i: (i, 0))
    agg0 = pl.BlockSpec((1, RB, D), lambda i: (0, i, 0))
    agg1 = pl.BlockSpec((1, RB, D), lambda i: (1, i, 0))
    return pl.pallas_call(
        body,
        grid=(GRID,),
        in_specs=[agg0, agg1, col, col, col, col, full, bias, full, bias],
        out_specs=pl.BlockSpec((2, RB, D), lambda i: (0, i, 0)),
        out_shape=jax.ShapeDtypeStruct((2, NPAD, D), BF),
    )(agg, agg, din0, din1, dout0, dout1, W0, b0, W1, b1)


def _tc_final(agg, din0, din1, x, W0, b0, W1, b1):
    def body(a0_ref, a1_ref, di0_ref, di1_ref, x_ref,
             w0_ref, bb0_ref, w1_ref, bb1_ref, y_ref):
        r0 = a0_ref[0].astype(jnp.float32) * _rsqrt_deg(di0_ref[...])
        r1 = a1_ref[0].astype(jnp.float32) * _rsqrt_deg(di1_ref[...])
        o = (jnp.dot(r0, w0_ref[...], preferred_element_type=jnp.float32)
             + jnp.dot(r1, w1_ref[...], preferred_element_type=jnp.float32)
             + bb0_ref[...] + bb1_ref[...])
        h = _l2norm(jnp.maximum(o, 0.0))
        y = jnp.maximum(h + x_ref[...], 0.0)
        y_ref[...] = _l2norm(y)

    full = pl.BlockSpec((D, D), lambda i: (0, 0))
    bias = pl.BlockSpec((1, D), lambda i: (0, 0))
    col = pl.BlockSpec((RB, 1), lambda i: (i, 0))
    blk = pl.BlockSpec((RB, D), lambda i: (i, 0))
    agg0 = pl.BlockSpec((1, RB, D), lambda i: (0, i, 0))
    agg1 = pl.BlockSpec((1, RB, D), lambda i: (1, i, 0))
    return pl.pallas_call(
        body,
        grid=(GRID,),
        in_specs=[agg0, agg1, col, col, blk, full, bias, full, bias],
        out_specs=blk,
        out_shape=jax.ShapeDtypeStruct((N, D), jnp.float32),
    )(agg, agg, din0, din1, x, W0, b0, W1, b1)


def kernel(x, edge_index_r0, edge_index_r1, W00, b00, W01, b01, W10, b10, W11, b11):
    s0 = edge_index_r0[0]
    d0 = edge_index_r0[1]
    s1 = edge_index_r1[0]
    d1 = edge_index_r1[1]

    dg = _sc_degrees(s0, d0, s1, d1)
    dout0 = dg[0, 0].reshape(NPAD, 1)
    din0 = dg[0, 1].reshape(NPAD, 1)
    dout1 = dg[1, 0].reshape(NPAD, 1)
    din1 = dg[1, 1].reshape(NPAD, 1)

    b00r = b00.reshape(1, D)
    b01r = b01.reshape(1, D)
    b10r = b10.reshape(1, D)
    b11r = b11.reshape(1, D)

    hs = _tc_prescale(x, dout0, dout1)

    agg = _sc_aggregate(hs, s0, d0, s1, d1)
    h1s = _tc_layer(agg, din0, din1, dout0, dout1, W00, b00r, W01, b01r)

    agg2 = _sc_aggregate(h1s, s0, d0, s1, d1)
    return _tc_final(agg2, din0, din1, x, W10, b10r, W11, b11r)

# --- scband reference (transcript-rebuilt; emitter-appended) ---
"""Pipeline reference for scband-hgnnskip-stage-47227460387334 (READ-ONLY COPY).

The authoritative reference and input builder live on the scoring server;
editing this copy changes nothing except your own understanding.
"""

import jax, jax.numpy as jnp
import numpy as np

N = 10000
D = 128
E = 160000


def _l2norm(x):
    n = jnp.sqrt(jnp.sum(x * x, axis=-1, keepdims=True))
    return x / jnp.clip(n, 1e-12)


def _gcn_conv(h, src, dst, W, b):
    # DGL GraphConv with norm='both': D_dst^{-1/2} A^T D_src^{-1/2} X W + b
    ones = jnp.ones(src.shape[0], dtype=h.dtype)
    deg_out = jnp.clip(jax.ops.segment_sum(ones, src, num_segments=N), 1.0)
    deg_in = jnp.clip(jax.ops.segment_sum(ones, dst, num_segments=N), 1.0)
    hs = h * (deg_out ** -0.5)[:, None]
    msgs = hs[src]  # gather over edges
    agg = jax.ops.segment_sum(msgs, dst, num_segments=N)  # scatter-add
    rst = agg * (deg_in ** -0.5)[:, None]
    return rst @ W + b


def _hetero_layer(h, e0, e1, W0, b0, W1, b1):
    # HeteroGraphConv with sum aggregation over relations, then act + l2norm
    out = _gcn_conv(h, e0[0], e0[1], W0, b0) + _gcn_conv(h, e1[0], e1[1], W1, b1)
    out = jax.nn.relu(out)  # dropout=0.0 (eval), no BN
    return _l2norm(out)  # has_l2norm=True per layer


def setup_inputs(seed: int = 0):
    key = jax.random.key(seed)
    ks = jax.random.split(key, 12)
    scale = 0.05
    inp = {}
    inp["x"] = jax.random.normal(ks[0], (N, D), dtype=jnp.float32)
    inp["edge_index_r0"] = jax.random.randint(ks[1], (2, E), 0, N, dtype=jnp.int32)
    inp["edge_index_r1"] = jax.random.randint(ks[2], (2, E), 0, N, dtype=jnp.int32)
    # learned params: 1 block (num_layers=2, skip_every=2) x 2 layers x 2 relations
    inp["W00"] = jax.random.normal(ks[3], (D, D), dtype=jnp.float32) * scale
    inp["b00"] = jnp.zeros((D,), dtype=jnp.float32)
    inp["W01"] = jax.random.normal(ks[4], (D, D), dtype=jnp.float32) * scale
    inp["b01"] = jnp.zeros((D,), dtype=jnp.float32)
    inp["W10"] = jax.random.normal(ks[5], (D, D), dtype=jnp.float32) * scale
    inp["b10"] = jnp.zeros((D,), dtype=jnp.float32)
    inp["W11"] = jax.random.normal(ks[6], (D, D), dtype=jnp.float32) * scale
    inp["b11"] = jnp.zeros((D,), dtype=jnp.float32)
    return inp


def reference(x, edge_index_r0, edge_index_r1, W00, b00, W01, b01, W10, b10, W11, b11):
    # HGNNSkipStage with stage_type='skipsum': one HGNNSkipBlock of 2 layers
    h0 = x
    h = _hetero_layer(x, edge_index_r0, edge_index_r1, W00, b00, W01, b01)
    h = _hetero_layer(h, edge_index_r0, edge_index_r1, W10, b10, W11, b11)
    h = jax.nn.relu(h + h0)  # skipsum then block act
    return _l2norm(h)  # stage-level l2norm (has_l2norm=True)

if __name__ == "__main__":
    import jax
    _d = setup_inputs()
    print(jax.jit(kernel)(*tuple(_d.values())))

</pallas_src>

<mosaic_0001>
#map = affine_map<(d0, d1) -> (0, 0, 0)>
#map1 = affine_map<(d0, d1) -> (0)>
module attributes {stable_mosaic.version = 14 : i64} {
  func.func @k(%arg0: i32, %arg1: i32, %arg2: memref<2x10240x128xbf16, #tpu.memory_space<hbm>>, %arg3: memref<160000xi32, #tpu.memory_space<hbm>>, %arg4: memref<160000xi32, #tpu.memory_space<hbm>>, %arg5: memref<160000xi32, #tpu.memory_space<hbm>>, %arg6: memref<160000xi32, #tpu.memory_space<hbm>>, %arg7: memref<2x10240x128xbf16, #tpu.memory_space<hbm>>, %arg8: memref<10000xi32, #tpu.memory_space<vmem>>, %arg9: memref<10000xi32, #tpu.memory_space<vmem>>, %arg10: memref<5x80x128xbf16, #tpu.memory_space<vmem>>, %arg11: memref<10240x128xbf16, #tpu.memory_space<vmem_shared>>, %arg12: memref<!tpu.dma_semaphore, #tpu.memory_space<semaphore_mem>>, %arg13: memref<!tpu.dma_semaphore, #tpu.memory_space<semaphore_mem>>, %arg14: memref<!tpu.dma_semaphore, #tpu.memory_space<semaphore_mem>>, %arg15: memref<!tpu.dma_semaphore, #tpu.memory_space<semaphore_mem>>, %arg16: memref<!tpu.dma_semaphore, #tpu.memory_space<semaphore_mem>>, %arg17: memref<!tpu.dma_semaphore, #tpu.memory_space<semaphore_mem>>, %arg18: memref<!tpu.dma_semaphore, #tpu.memory_space<semaphore_mem>>, %arg19: memref<!tpu.dma_semaphore, #tpu.memory_space<semaphore_mem>>, %arg20: memref<!tpu.dma_semaphore, #tpu.memory_space<semaphore_mem>>, %arg21: memref<!tpu.dma_semaphore, #tpu.memory_space<semaphore_mem>>) attributes {dimension_semantics = [#tpu.dimension_semantics<core_parallel>, #tpu.dimension_semantics<subcore_parallel>], iteration_bounds = array<i64: 2, 16>, scalar_prefetch = 0 : i64, scratch_operands = 14 : i64, tpu.core_type = #tpu.core_type<sc_vector_subcore>, window_params = [{transform_indices = #map}, {transform_indices = #map1}, {transform_indices = #map1}, {transform_indices = #map1}, {transform_indices = #map1}, {transform_indices = #map}]} {
    %scan3A = arith.constant 0 : i32
    %scan3A_0 = arith.constant 80 : i32
    %scan3A_1 = arith.addi %scan3A, %scan3A_0 : i32
    %scan3A_2 = arith.constant 1 : i32
    scf.for %scan3A_164 = %scan3A to %scan3A_1 step %scan3A_2  : i32 {
      %mul3A_165 = arith.constant 1 : i32
      %mul3A_166 = arith.muli %scan3A_164, %mul3A_165 : i32
      %add3A_167 = arith.constant 0 : i32
      %add3A_168 = arith.addi %add3A_167, %mul3A_166 : i32
      %broadcast_in_dim3A = arith.constant 0.000000e+00 : bf16
      %broadcast_in_dim3A_169 = vector.broadcast %broadcast_in_dim3A : bf16 to vector<32xbf16>
      %swap3A = arith.constant 0 : i32
      %swap3A_170 = arith.index_cast %swap3A : i32 to index
      %swap3A_171 = arith.index_cast %add3A_168 : i32 to index
      %swap3A_172 = arith.constant 0 : index
      %swap3A_173 = tpu.vector_load %arg10[%swap3A_170, %swap3A_171, %swap3A_172] {strides = array<i32>} : memref<5x80x128xbf16, #tpu.memory_space<vmem>>, vector<1x1x32xbf16>,
      %swap3A_174 = vector.shape_cast %swap3A_173 : vector<1x1x32xbf16> to vector<32xbf16>
      %swap3A_175 = vector.shape_cast %broadcast_in_dim3A_169 : vector<32xbf16> to vector<1x1x32xbf16>
      tpu.vector_store %arg10[%swap3A_170, %swap3A_171, %swap3A_172], %swap3A_175 {strides = array<i32>} : memref<5x80x128xbf16, #tpu.memory_space<vmem>>, vector<1x1x32xbf16>,
      %broadcast_in_dim3A_176 = arith.constant 0.000000e+00 : bf16
      %broadcast_in_dim3A_177 = vector.broadcast %broadcast_in_dim3A_176 : bf16 to vector<32xbf16>
      %swap3A_178 = arith.constant 0 : i32
      %swap3A_179 = arith.index_cast %swap3A_178 : i32 to index
      %swap3A_180 = arith.index_cast %add3A_168 : i32 to index
      %swap3A_181 = arith.constant 32 : index
      %swap3A_182 = tpu.vector_load %arg10[%swap3A_179, %swap3A_180, %swap3A_181] {strides = array<i32>} : memref<5x80x128xbf16, #tpu.memory_space<vmem>>, vector<1x1x32xbf16>,
      %swap3A_183 = vector.shape_cast %swap3A_182 : vector<1x1x32xbf16> to vector<32xbf16>
      %swap3A_184 = vector.shape_cast %broadcast_in_dim3A_177 : vector<32xbf16> to vector<1x1x32xbf16>
      tpu.vector_store %arg10[%swap3A_179, %swap3A_180, %swap3A_181], %swap3A_184 {strides = array<i32>} : memref<5x80x128xbf16, #tpu.memory_space<vmem>>, vector<1x1x32xbf16>,
      %broadcast_in_dim3A_185 = arith.constant 0.000000e+00 : bf16
      %broadcast_in_dim3A_186 = vector.broadcast %broadcast_in_dim3A_185 : bf16 to vector<32xbf16>
      %swap3A_187 = arith.constant 0 : i32
      %swap3A_188 = arith.index_cast %swap3A_187 : i32 to index
      %swap3A_189 = arith.index_cast %add3A_168 : i32 to index
      %swap3A_190 = arith.constant 64 : index
      %swap3A_191 = tpu.vector_load %arg10[%swap3A_188, %swap3A_189, %swap3A_190] {strides = array<i32>} : memref<5x80x128xbf16, #tpu.memory_space<vmem>>, vector<1x1x32xbf16>,
      %swap3A_192 = vector.shape_cast %swap3A_191 : vector<1x1x32xbf16> to vector<32xbf16>
      %swap3A_193 = vector.shape_cast %broadcast_in_dim3A_186 : vector<32xbf16> to vector<1x1x32xbf16>
      tpu.vector_store %arg10[%swap3A_188, %swap3A_189, %swap3A_190], %swap3A_193 {strides = array<i32>} : memref<5x80x128xbf16, #tpu.memory_space<vmem>>, vector<1x1x32xbf16>,
      %broadcast_in_dim3A_194 = arith.constant 0.000000e+00 : bf16
      %broadcast_in_dim3A_195 = vector.broadcast %broadcast_in_dim3A_194 : bf16 to vector<32xbf16>
      %swap3A_196 = arith.constant 0 : i32
      %swap3A_197 = arith.index_cast %swap3A_196 : i32 to index
      %swap3A_198 = arith.index_cast %add3A_168 : i32 to index
      %swap3A_199 = arith.constant 96 : index
      %swap3A_200 = tpu.vector_load %arg10[%swap3A_197, %swap3A_198, %swap3A_199] {strides = array<i32>} : memref<5x80x128xbf16, #tpu.memory_space<vmem>>, vector<1x1x32xbf16>,
      %swap3A_201 = vector.shape_cast %swap3A_200 : vector<1x1x32xbf16> to vector<32xbf16>
      %swap3A_202 = vector.shape_cast %broadcast_in_dim3A_195 : vector<32xbf16> to vector<1x1x32xbf16>
      tpu.vector_store %arg10[%swap3A_197, %swap3A_198, %swap3A_199], %swap3A_202 {strides = array<i32>} : memref<5x80x128xbf16, #tpu.memory_space<vmem>>, vector<1x1x32xbf16>,
    }
    %scan3A_3 = arith.constant 80 : i32
    %mul3A = arith.constant 640 : i32
    %mul3A_4 = arith.muli %arg1, %mul3A : i32
    %add3A = arith.constant 0 : i32
    %add3A_5 = arith.addi %mul3A_4, %add3A : i32
    %run_scoped3A = arith.constant 0 : i32
    "tpu.region"() ({
      %run_scoped3A_164 = tpu.sem_alloc : memref<!tpu.dma_semaphore, #tpu.memory_space<semaphore_mem>>
      %dma_start3A_165 = arith.constant 0 : i32
      %dma_start3A_166 = arith.constant 0 : i32
      %dma_start3A_167 = tpu.memref_slice %arg10[%run_scoped3A, %dma_start3A_165, %dma_start3A_166] : memref<5x80x128xbf16, #tpu.memory_space<vmem>> -> memref<1x80x128xbf16, #tpu.memory_space<vmem>>
      %dma_start3A_168 = tpu.memref_squeeze %dma_start3A_167 : memref<1x80x128xbf16, #tpu.memory_space<vmem>> -> memref<80x128xbf16, #tpu.memory_space<vmem>>
      %dma_start3A_169 = arith.constant 0 : i32
      %dma_start3A_170 = tpu.memref_slice %arg11[%add3A_5, %dma_start3A_169] : memref<10240x128xbf16, #tpu.memory_space<vmem_shared>> -> memref<80x128xbf16, #tpu.memory_space<vmem_shared>>
      %dma_start3A_171 = arith.constant 0 : i32
      %dma_start3A_172 = tpu.memref_slice %arg11[%add3A_5, %dma_start3A_171] : memref<10240x128xbf16, #tpu.memory_space<vmem_shared>> -> memref<80x128xbf16, #tpu.memory_space<vmem_shared>>
      %dma_start3A_173 = arith.constant 0 : i32
      %dma_start3A_174 = arith.constant 0 : i32
      %dma_start3A_175 = tpu.memref_slice %arg10[%run_scoped3A, %dma_start3A_173, %dma_start3A_174] : memref<5x80x128xbf16, #tpu.memory_space<vmem>> -> memref<1x80x128xbf16, #tpu.memory_space<vmem>>
      %dma_start3A_176 = tpu.memref_squeeze %dma_start3A_175 : memref<1x80x128xbf16, #tpu.memory_space<vmem>> -> memref<80x128xbf16, #tpu.memory_space<vmem>>
      tpu.enqueue_dma source(%dma_start3A_176 : memref<80x128xbf16, #tpu.memory_space<vmem>>) target(%dma_start3A_172 : memref<80x128xbf16, #tpu.memory_space<vmem_shared>>) target_semaphore(%run_scoped3A_164 : memref<!tpu.dma_semaphore, #tpu.memory_space<semaphore_mem>>)
      %dma_wait3A_177 = arith.constant 0 : i32
      %dma_wait3A_178 = arith.constant 0 : i32
      %dma_wait3A_179 = tpu.memref_slice %arg10[%run_scoped3A, %dma_wait3A_177, %dma_wait3A_178] : memref<5x80x128xbf16, #tpu.memory_space<vmem>> -> memref<1x80x128xbf16, #tpu.memory_space<vmem>>
      %dma_wait3A_180 = tpu.memref_squeeze %dma_wait3A_179 : memref<1x80x128xbf16, #tpu.memory_space<vmem>> -> memref<80x128xbf16, #tpu.memory_space<vmem>>
      %dma_wait3A_181 = arith.constant 0 : i32
      %dma_wait3A_182 = tpu.memref_slice %arg11[%add3A_5, %dma_wait3A_181] : memref<10240x128xbf16, #tpu.memory_space<vmem_shared>> -> memref<80x128xbf16, #tpu.memory_space<vmem_shared>>
      %dma_wait3A_183 = arith.constant 0 : i32
      %dma_wait3A_184 = tpu.memref_slice %arg11[%add3A_5, %dma_wait3A_183] : memref<10240x128xbf16, #tpu.memory_space<vmem_shared>> -> memref<80x128xbf16, #tpu.memory_space<vmem_shared>>
      %dma_wait3A_185 = arith.constant 0 : i32
      %dma_wait3A_186 = arith.constant 0 : i32
      %dma_wait3A_187 = tpu.memref_slice %arg10[%run_scoped3A, %dma_wait3A_185, %dma_wait3A_186] : memref<5x80x128xbf16, #tpu.memory_space<vmem>> -> memref<1x80x128xbf16, #tpu.memory_space<vmem>>
      %dma_wait3A_188 = tpu.memref_squeeze %dma_wait3A_187 : memref<1x80x128xbf16, #tpu.memory_space<vmem>> -> memref<80x128xbf16, #tpu.memory_space<vmem>>
      tpu.wait_dma2 semaphore(%run_scoped3A_164 : memref<!tpu.dma_semaphore, #tpu.memory_space<semaphore_mem>>) src(%dma_wait3A_188 : memref<80x128xbf16, #tpu.memory_space<vmem>>) dst(%dma_wait3A_184 : memref<80x128xbf16, #tpu.memory_space<vmem_shared>>)
      tpu.yield
    }) : () -> ()
    %mul3A_6 = arith.constant 640 : i32
    %mul3A_7 = arith.muli %arg1, %mul3A_6 : i32
    %add3A_8 = arith.constant 80 : i32
    %add3A_9 = arith.addi %mul3A_7, %add3A_8 : i32
    %run_scoped3A_10 = arith.constant 0 : i32
    "tpu.region"() ({
      %run_scoped3A_164 = tpu.sem_alloc : memref<!tpu.dma_semaphore, #tpu.memory_space<semaphore_mem>>
      %dma_start3A_165 = arith.constant 0 : i32
      %dma_start3A_166 = arith.constant 0 : i32
      %dma_start3A_167 = tpu.memref_slice %arg10[%run_scoped3A_10, %dma_start3A_165, %dma_start3A_166] : memref<5x80x128xbf16, #tpu.memory_space<vmem>> -> memref<1x80x128xbf16, #tpu.memory_space<vmem>>
      %dma_start3A_168 = tpu.memref_squeeze %dma_start3A_167 : memref<1x80x128xbf16, #tpu.memory_space<vmem>> -> memref<80x128xbf16, #tpu.memory_space<vmem>>
      %dma_start3A_169 = arith.constant 0 : i32
      %dma_start3A_170 = tpu.memref_slice %arg11[%add3A_9, %dma_start3A_169] : memref<10240x128xbf16, #tpu.memory_space<vmem_shared>> -> memref<80x128xbf16, #tpu.memory_space<vmem_shared>>
      %dma_start3A_171 = arith.constant 0 : i32
      %dma_start3A_172 = tpu.memref_slice %arg11[%add3A_9, %dma_start3A_171] : memref<10240x128xbf16, #tpu.memory_space<vmem_shared>> -> memref<80x128xbf16, #tpu.memory_space<vmem_shared>>
      %dma_start3A_173 = arith.constant 0 : i32
      %dma_start3A_174 = arith.constant 0 : i32
      %dma_start3A_175 = tpu.memref_slice %arg10[%run_scoped3A_10, %dma_start3A_173, %dma_start3A_174] : memref<5x80x128xbf16, #tpu.memory_space<vmem>> -> memref<1x80x128xbf16, #tpu.memory_space<vmem>>
      %dma_start3A_176 = tpu.memref_squeeze %dma_start3A_175 : memref<1x80x128xbf16, #tpu.memory_space<vmem>> -> memref<80x128xbf16, #tpu.memory_space<vmem>>
      tpu.enqueue_dma source(%dma_start3A_176 : memref<80x128xbf16, #tpu.memory_space<vmem>>) target(%dma_start3A_172 : memref<80x128xbf16, #tpu.memory_space<vmem_shared>>) target_semaphore(%run_scoped3A_164 : memref<!tpu.dma_semaphore, #tpu.memory_space<semaphore_mem>>)
      %dma_wait3A_177 = arith.constant 0 : i32
      %dma_wait3A_178 = arith.constant 0 : i32
      %dma_wait3A_179 = tpu.memref_slice %arg10[%run_scoped3A_10, %dma_wait3A_177, %dma_wait3A_178] : memref<5x80x128xbf16, #tpu.memory_space<vmem>> -> memref<1x80x128xbf16, #tpu.memory_space<vmem>>
      %dma_wait3A_180 = tpu.memref_squeeze %dma_wait3A_179 : memref<1x80x128xbf16, #tpu.memory_space<vmem>> -> memref<80x128xbf16, #tpu.memory_space<vmem>>
      %dma_wait3A_181 = arith.constant 0 : i32
      %dma_wait3A_182 = tpu.memref_slice %arg11[%add3A_9, %dma_wait3A_181] : memref<10240x128xbf16, #tpu.memory_space<vmem_shared>> -> memref<80x128xbf16, #tpu.memory_space<vmem_shared>>
      %dma_wait3A_183 = arith.constant 0 : i32
      %dma_wait3A_184 = tpu.memref_slice %arg11[%add3A_9, %dma_wait3A_183] : memref<10240x128xbf16, #tpu.memory_space<vmem_shared>> -> memref<80x128xbf16, #tpu.memory_space<vmem_shared>>
      %dma_wait3A_185 = arith.constant 0 : i32
      %dma_wait3A_186 = arith.constant 0 : i32
      %dma_wait3A_187 = tpu.memref_slice %arg10[%run_scoped3A_10, %dma_wait3A_185, %dma_wait3A_186] : memref<5x80x128xbf16, #tpu.memory_space<vmem>> -> memref<1x80x128xbf16, #tpu.memory_space<vmem>>
      %dma_wait3A_188 = tpu.memref_squeeze %dma_wait3A_187 : memref<1x80x128xbf16, #tpu.memory_space<vmem>> -> memref<80x128xbf16, #tpu.memory_space<vmem>>
      tpu.wait_dma2 semaphore(%run_scoped3A_164 : memref<!tpu.dma_semaphore, #tpu.memory_space<semaphore_mem>>) src(%dma_wait3A_188 : memref<80x128xbf16, #tpu.memory_space<vmem>>) dst(%dma_wait3A_184 : memref<80x128xbf16, #tpu.memory_space<vmem_shared>>)
      tpu.yield
    }) : () -> ()
    %mul3A_11 = arith.constant 640 : i32
    %mul3A_12 = arith.muli %arg1, %mul3A_11 : i32
    %add3A_13 = arith.constant 160 : i32
    %add3A_14 = arith.addi %mul3A_12, %add3A_13 : i32
    %run_scoped3A_15 = arith.constant 0 : i32
    "tpu.region"() ({
      %run_scoped3A_164 = tpu.sem_alloc : memref<!tpu.dma_semaphore, #tpu.memory_space<semaphore_mem>>
      %dma_start3A_165 = arith.constant 0 : i32
      %dma_start3A_166 = arith.constant 0 : i32
      %dma_start3A_167 = tpu.memref_slice %arg10[%run_scoped3A_15, %dma_start3A_165, %dma_start3A_166] : memref<5x80x128xbf16, #tpu.memory_space<vmem>> -> memref<1x80x128xbf16, #tpu.memory_space<vmem>>
      %dma_start3A_168 = tpu.memref_squeeze %dma_start3A_167 : memref<1x80x128xbf16, #tpu.memory_space<vmem>> -> memref<80x128xbf16, #tpu.memory_space<vmem>>
      %dma_start3A_169 = arith.constant 0 : i32
      %dma_start3A_170 = tpu.memref_slice %arg11[%add3A_14, %dma_start3A_169] : memref<10240x128xbf16, #tpu.memory_space<vmem_shared>> -> memref<80x128xbf16, #tpu.memory_space<vmem_shared>>
      %dma_start3A_171 = arith.constant 0 : i32
      %dma_start3A_172 = tpu.memref_slice %arg11[%add3A_14, %dma_start3A_171] : memref<10240x128xbf16, #tpu.memory_space<vmem_shared>> -> memref<80x128xbf16, #tpu.memory_space<vmem_shared>>
      %dma_start3A_173 = arith.constant 0 : i32
      %dma_start3A_174 = arith.constant 0 : i32
      %dma_start3A_175 = tpu.memref_slice %arg10[%run_scoped3A_15, %dma_start3A_173, %dma_start3A_174] : memref<5x80x128xbf16, #tpu.memory_space<vmem>> -> memref<1x80x128xbf16, #tpu.memory_space<vmem>>
      %dma_start3A_176 = tpu.memref_squeeze %dma_start3A_175 : memref<1x80x128xbf16, #tpu.memory_space<vmem>> -> memref<80x128xbf16, #tpu.memory_space<vmem>>
      tpu.enqueue_dma source(%dma_start3A_176 : memref<80x128xbf16, #tpu.memory_space<vmem>>) target(%dma_start3A_172 : memref<80x128xbf16, #tpu.memory_space<vmem_shared>>) target_semaphore(%run_scoped3A_164 : memref<!tpu.dma_semaphore, #tpu.memory_space<semaphore_mem>>)
      %dma_wait3A_177 = arith.constant 0 : i32
      %dma_wait3A_178 = arith.constant 0 : i32
      %dma_wait3A_179 = tpu.memref_slice %arg10[%run_scoped3A_15, %dma_wait3A_177, %dma_wait3A_178] : memref<5x80x128xbf16, #tpu.memory_space<vmem>> -> memref<1x80x128xbf16, #tpu.memory_space<vmem>>
      %dma_wait3A_180 = tpu.memref_squeeze %dma_wait3A_179 : memref<1x80x128xbf16, #tpu.memory_space<vmem>> -> memref<80x128xbf16, #tpu.memory_space<vmem>>
      %dma_wait3A_181 = arith.constant 0 : i32
      %dma_wait3A_182 = tpu.memref_slice %arg11[%add3A_14, %dma_wait3A_181] : memref<10240x128xbf16, #tpu.memory_space<vmem_shared>> -> memref<80x128xbf16, #tpu.memory_space<vmem_shared>>
      %dma_wait3A_183 = arith.constant 0 : i32
      %dma_wait3A_184 = tpu.memref_slice %arg11[%add3A_14, %dma_wait3A_183] : memref<10240x128xbf16, #tpu.memory_space<vmem_shared>> -> memref<80x128xbf16, #tpu.memory_space<vmem_shared>>
      %dma_wait3A_185 = arith.constant 0 : i32
      %dma_wait3A_186 = arith.constant 0 : i32
      %dma_wait3A_187 = tpu.memref_slice %arg10[%run_scoped3A_15, %dma_wait3A_185, %dma_wait3A_186] : memref<5x80x128xbf16, #tpu.memory_space<vmem>> -> memref<1x80x128xbf16, #tpu.memory_space<vmem>>
      %dma_wait3A_188 = tpu.memref_squeeze %dma_wait3A_187 : memref<1x80x128xbf16, #tpu.memory_space<vmem>> -> memref<80x128xbf16, #tpu.memory_space<vmem>>
      tpu.wait_dma2 semaphore(%run_scoped3A_164 : memref<!tpu.dma_semaphore, #tpu.memory_space<semaphore_mem>>) src(%dma_wait3A_188 : memref<80x128xbf16, #tpu.memory_space<vmem>>) dst(%dma_wait3A_184 : memref<80x128xbf16, #tpu.memory_space<vmem_shared>>)
      tpu.yield
    }) : () -> ()
    %mul3A_16 = arith.constant 640 : i32
    %mul3A_17 = arith.muli %arg1, %mul3A_16 : i32
    %add3A_18 = arith.constant 240 : i32
    %add3A_19 = arith.addi %mul3A_17, %add3A_18 : i32
    %run_scoped3A_20 = arith.constant 0 : i32
    "tpu.region"() ({
      %run_scoped3A_164 = tpu.sem_alloc : memref<!tpu.dma_semaphore, #tpu.memory_space<semaphore_mem>>
      %dma_start3A_165 = arith.constant 0 : i32
      %dma_start3A_166 = arith.constant 0 : i32
      %dma_start3A_167 = tpu.memref_slice %arg10[%run_scoped3A_20, %dma_start3A_165, %dma_start3A_166] : memref<5x80x128xbf16, #tpu.memory_space<vmem>> -> memref<1x80x128xbf16, #tpu.memory_space<vmem>>
      %dma_start3A_168 = tpu.memref_squeeze %dma_start3A_167 : memref<1x80x128xbf16, #tpu.memory_space<vmem>> -> memref<80x128xbf16, #tpu.memory_space<vmem>>
      %dma_start3A_169 = arith.constant 0 : i32
      %dma_start3A_170 = tpu.memref_slice %arg11[%add3A_19, %dma_start3A_169] : memref<10240x128xbf16, #tpu.memory_space<vmem_shared>> -> memref<80x128xbf16, #tpu.memory_space<vmem_shared>>
      %dma_start3A_171 = arith.constant 0 : i32
      %dma_start3A_172 = tpu.memref_slice %arg11[%add3A_19, %dma_start3A_171] : memref<10240x128xbf16, #tpu.memory_space<vmem_shared>> -> memref<80x128xbf16, #tpu.memory_space<vmem_shared>>
      %dma_start3A_173 = arith.constant 0 : i32
      %dma_start3A_174 = arith.constant 0 : i32
      %dma_start3A_175 = tpu.memref_slice %arg10[%run_scoped3A_20, %dma_start3A_173, %dma_start3A_174] : memref<5x80x128xbf16, #tpu.memory_space<vmem>> -> memref<1x80x128xbf16, #tpu.memory_space<vmem>>
      %dma_start3A_176 = tpu.memref_squeeze %dma_start3A_175 : memref<1x80x128xbf16, #tpu.memory_space<vmem>> -> memref<80x128xbf16, #tpu.memory_space<vmem>>
      tpu.enqueue_dma source(%dma_start3A_176 : memref<80x128xbf16, #tpu.memory_space<vmem>>) target(%dma_start3A_172 : memref<80x128xbf16, #tpu.memory_space<vmem_shared>>) target_semaphore(%run_scoped3A_164 : memref<!tpu.dma_semaphore, #tpu.memory_space<semaphore_mem>>)
      %dma_wait3A_177 = arith.constant 0 : i32
      %dma_wait3A_178 = arith.constant 0 : i32
      %dma_wait3A_179 = tpu.memref_slice %arg10[%run_scoped3A_20, %dma_wait3A_177, %dma_wait3A_178] : memref<5x80x128xbf16, #tpu.memory_space<vmem>> -> memref<1x80x128xbf16, #tpu.memory_space<vmem>>
      %dma_wait3A_180 = tpu.memref_squeeze %dma_wait3A_179 : memref<1x80x128xbf16, #tpu.memory_space<vmem>> -> memref<80x128xbf16, #tpu.memory_space<vmem>>
      %dma_wait3A_181 = arith.constant 0 : i32
      %dma_wait3A_182 = tpu.memref_slice %arg11[%add3A_19, %dma_wait3A_181] : memref<10240x128xbf16, #tpu.memory_space<vmem_shared>> -> memref<80x128xbf16, #tpu.memory_space<vmem_shared>>
      %dma_wait3A_183 = arith.constant 0 : i32
      %dma_wait3A_184 = tpu.memref_slice %arg11[%add3A_19, %dma_wait3A_183] : memref<10240x128xbf16, #tpu.memory_space<vmem_shared>> -> memref<80x128xbf16, #tpu.memory_space<vmem_shared>>
      %dma_wait3A_185 = arith.constant 0 : i32
      %dma_wait3A_186 = arith.constant 0 : i32
      %dma_wait3A_187 = tpu.memref_slice %arg10[%run_scoped3A_20, %dma_wait3A_185, %dma_wait3A_186] : memref<5x80x128xbf16, #tpu.memory_space<vmem>> -> memref<1x80x128xbf16, #tpu.memory_space<vmem>>
      %dma_wait3A_188 = tpu.memref_squeeze %dma_wait3A_187 : memref<1x80x128xbf16, #tpu.memory_space<vmem>> -> memref<80x128xbf16, #tpu.memory_space<vmem>>
      tpu.wait_dma2 semaphore(%run_scoped3A_164 : memref<!tpu.dma_semaphore, #tpu.memory_space<semaphore_mem>>) src(%dma_wait3A_188 : memref<80x128xbf16, #tpu.memory_space<vmem>>) dst(%dma_wait3A_184 : memref<80x128xbf16, #tpu.memory_space<vmem_shared>>)
      tpu.yield
    }) : () -> ()
    %mul3A_21 = arith.constant 640 : i32
    %mul3A_22 = arith.muli %arg1, %mul3A_21 : i32
    %add3A_23 = arith.constant 320 : i32
    %add3A_24 = arith.addi %mul3A_22, %add3A_23 : i32
    %run_scoped3A_25 = arith.constant 0 : i32
    "tpu.region"() ({
      %run_scoped3A_164 = tpu.sem_alloc : memref<!tpu.dma_semaphore, #tpu.memory_space<semaphore_mem>>
      %dma_start3A_165 = arith.constant 0 : i32
      %dma_start3A_166 = arith.constant 0 : i32
      %dma_start3A_167 = tpu.memref_slice %arg10[%run_scoped3A_25, %dma_start3A_165, %dma_start3A_166] : memref<5x80x128xbf16, #tpu.memory_space<vmem>> -> memref<1x80x128xbf16, #tpu.memory_space<vmem>>
      %dma_start3A_168 = tpu.memref_squeeze %dma_start3A_167 : memref<1x80x128xbf16, #tpu.memory_space<vmem>> -> memref<80x128xbf16, #tpu.memory_space<vmem>>
      %dma_start3A_169 = arith.constant 0 : i32
      %dma_start3A_170 = tpu.memref_slice %arg11[%add3A_24, %dma_start3A_169] : memref<10240x128xbf16, #tpu.memory_space<vmem_shared>> -> memref<80x128xbf16, #tpu.memory_space<vmem_shared>>
      %dma_start3A_171 = arith.constant 0 : i32
      %dma_start3A_172 = tpu.memref_slice %arg11[%add3A_24, %dma_start3A_171] : memref<10240x128xbf16, #tpu.memory_space<vmem_shared>> -> memref<80x128xbf16, #tpu.memory_space<vmem_shared>>
      %dma_start3A_173 = arith.constant 0 : i32
      %dma_start3A_174 = arith.constant 0 : i32
      %dma_start3A_175 = tpu.memref_slice %arg10[%run_scoped3A_25, %dma_start3A_173, %dma_start3A_174] : memref<5x80x128xbf16, #tpu.memory_space<vmem>> -> memref<1x80x128xbf16, #tpu.memory_space<vmem>>
      %dma_start3A_176 = tpu.memref_squeeze %dma_start3A_175 : memref<1x80x128xbf16, #tpu.memory_space<vmem>> -> memref<80x128xbf16, #tpu.memory_space<vmem>>
      tpu.enqueue_dma source(%dma_start3A_176 : memref<80x128xbf16, #tpu.memory_space<vmem>>) target(%dma_start3A_172 : memref<80x128xbf16, #tpu.memory_space<vmem_shared>>) target_semaphore(%run_scoped3A_164 : memref<!tpu.dma_semaphore, #tpu.memory_space<semaphore_mem>>)
      %dma_wait3A_177 = arith.constant 0 : i32
      %dma_wait3A_178 = arith.constant 0 : i32
      %dma_wait3A_179 = tpu.memref_slice %arg10[%run_scoped3A_25, %dma_wait3A_177, %dma_wait3A_178] : memref<5x80x128xbf16, #tpu.memory_space<vmem>> -> memref<1x80x128xbf16, #tpu.memory_space<vmem>>
      %dma_wait3A_180 = tpu.memref_squeeze %dma_wait3A_179 : memref<1x80x128xbf16, #tpu.memory_space<vmem>> -> memref<80x128xbf16, #tpu.memory_space<vmem>>
      %dma_wait3A_181 = arith.constant 0 : i32
      %dma_wait3A_182 = tpu.memref_slice %arg11[%add3A_24, %dma_wait3A_181] : memref<10240x128xbf16, #tpu.memory_space<vmem_shared>> -> memref<80x128xbf16, #tpu.memory_space<vmem_shared>>
      %dma_wait3A_183 = arith.constant 0 : i32
      %dma_wait3A_184 = tpu.memref_slice %arg11[%add3A_24, %dma_wait3A_183] : memref<10240x128xbf16, #tpu.memory_space<vmem_shared>> -> memref<80x128xbf16, #tpu.memory_space<vmem_shared>>
      %dma_wait3A_185 = arith.constant 0 : i32
      %dma_wait3A_186 = arith.constant 0 : i32
      %dma_wait3A_187 = tpu.memref_slice %arg10[%run_scoped3A_25, %dma_wait3A_185, %dma_wait3A_186] : memref<5x80x128xbf16, #tpu.memory_space<vmem>> -> memref<1x80x128xbf16, #tpu.memory_space<vmem>>
      %dma_wait3A_188 = tpu.memref_squeeze %dma_wait3A_187 : memref<1x80x128xbf16, #tpu.memory_space<vmem>> -> memref<80x128xbf16, #tpu.memory_space<vmem>>
      tpu.wait_dma2 semaphore(%run_scoped3A_164 : memref<!tpu.dma_semaphore, #tpu.memory_space<semaphore_mem>>) src(%dma_wait3A_188 : memref<80x128xbf16, #tpu.memory_space<vmem>>) dst(%dma_wait3A_184 : memref<80x128xbf16, #tpu.memory_space<vmem_shared>>)
      tpu.yield
    }) : () -> ()
    %mul3A_26 = arith.constant 640 : i32
    %mul3A_27 = arith.muli %arg1, %mul3A_26 : i32
    %add3A_28 = arith.constant 400 : i32
    %add3A_29 = arith.addi %mul3A_27, %add3A_28 : i32
    %run_scoped3A_30 = arith.constant 0 : i32
    "tpu.region"() ({
      %run_scoped3A_164 = tpu.sem_alloc : memref<!tpu.dma_semaphore, #tpu.memory_space<semaphore_mem>>
      %dma_start3A_165 = arith.constant 0 : i32
      %dma_start3A_166 = arith.constant 0 : i32
      %dma_start3A_167 = tpu.memref_slice %arg10[%run_scoped3A_30, %dma_start3A_165, %dma_start3A_166] : memref<5x80x128xbf16, #tpu.memory_space<vmem>> -> memref<1x80x128xbf16, #tpu.memory_space<vmem>>
      %dma_start3A_168 = tpu.memref_squeeze %dma_start3A_167 : memref<1x80x128xbf16, #tpu.memory_space<vmem>> -> memref<80x128xbf16, #tpu.memory_space<vmem>>
      %dma_start3A_169 = arith.constant 0 : i32
      %dma_start3A_170 = tpu.memref_slice %arg11[%add3A_29, %dma_start3A_169] : memref<10240x128xbf16, #tpu.memory_space<vmem_shared>> -> memref<80x128xbf16, #tpu.memory_space<vmem_shared>>
      %dma_start3A_171 = arith.constant 0 : i32
      %dma_start3A_172 = tpu.memref_slice %arg11[%add3A_29, %dma_start3A_171] : memref<10240x128xbf16, #tpu.memory_space<vmem_shared>> -> memref<80x128xbf16, #tpu.memory_space<vmem_shared>>
      %dma_start3A_173 = arith.constant 0 : i32
      %dma_start3A_174 = arith.constant 0 : i32
      %dma_start3A_175 = tpu.memref_slice %arg10[%run_scoped3A_30, %dma_start3A_173, %dma_start3A_174] : memref<5x80x128xbf16, #tpu.memory_space<vmem>> -> memref<1x80x128xbf16, #tpu.memory_space<vmem>>
      %dma_start3A_176 = tpu.memref_squeeze %dma_start3A_175 : memref<1x80x128xbf16, #tpu.memory_space<vmem>> -> memref<80x128xbf16, #tpu.memory_space<vmem>>
      tpu.enqueue_dma source(%dma_start3A_176 : memref<80x128xbf16, #tpu.memory_space<vmem>>) target(%dma_start3A_172 : memref<80x128xbf16, #tpu.memory_space<vmem_shared>>) target_semaphore(%run_scoped3A_164 : memref<!tpu.dma_semaphore, #tpu.memory_space<semaphore_mem>>)
      %dma_wait3A_177 = arith.constant 0 : i32
      %dma_wait3A_178 = arith.constant 0 : i32
      %dma_wait3A_179 = tpu.memref_slice %arg10[%run_scoped3A_30, %dma_wait3A_177, %dma_wait3A_178] : memref<5x80x128xbf16, #tpu.memory_space<vmem>> -> memref<1x80x128xbf16, #tpu.memory_space<vmem>>
      %dma_wait3A_180 = tpu.memref_squeeze %dma_wait3A_179 : memref<1x80x128xbf16, #tpu.memory_space<vmem>> -> memref<80x128xbf16, #tpu.memory_space<vmem>>
      %dma_wait3A_181 = arith.constant 0 : i32
      %dma_wait3A_182 = tpu.memref_slice %arg11[%add3A_29, %dma_wait3A_181] : memref<10240x128xbf16, #tpu.memory_space<vmem_shared>> -> memref<80x128xbf16, #tpu.memory_space<vmem_shared>>
      %dma_wait3A_183 = arith.constant 0 : i32
      %dma_wait3A_184 = tpu.memref_slice %arg11[%add3A_29, %dma_wait3A_183] : memref<10240x128xbf16, #tpu.memory_space<vmem_shared>> -> memref<80x128xbf16, #tpu.memory_space<vmem_shared>>
      %dma_wait3A_185 = arith.constant 0 : i32
      %dma_wait3A_186 = arith.constant 0 : i32
      %dma_wait3A_187 = tpu.memref_slice %arg10[%run_scoped3A_30, %dma_wait3A_185, %dma_wait3A_186] : memref<5x80x128xbf16, #tpu.memory_space<vmem>> -> memref<1x80x128xbf16, #tpu.memory_space<vmem>>
      %dma_wait3A_188 = tpu.memref_squeeze %dma_wait3A_187 : memref<1x80x128xbf16, #tpu.memory_space<vmem>> -> memref<80x128xbf16, #tpu.memory_space<vmem>>
      tpu.wait_dma2 semaphore(%run_scoped3A_164 : memref<!tpu.dma_semaphore, #tpu.memory_space<semaphore_mem>>) src(%dma_wait3A_188 : memref<80x128xbf16, #tpu.memory_space<vmem>>) dst(%dma_wait3A_184 : memref<80x128xbf16, #tpu.memory_space<vmem_shared>>)
      tpu.yield
    }) : () -> ()
    %mul3A_31 = arith.constant 640 : i32
    %mul3A_32 = arith.muli %arg1, %mul3A_31 : i32
    %add3A_33 = arith.constant 480 : i32
    %add3A_34 = arith.addi %mul3A_32, %add3A_33 : i32
    %run_scoped3A_35 = arith.constant 0 : i32
    "tpu.region"() ({
      %run_scoped3A_164 = tpu.sem_alloc : memref<!tpu.dma_semaphore, #tpu.memory_space<semaphore_mem>>
      %dma_start3A_165 = arith.constant 0 : i32
      %dma_start3A_166 = arith.constant 0 : i32
      %dma_start3A_167 = tpu.memref_slice %arg10[%run_scoped3A_35, %dma_start3A_165, %dma_start3A_166] : memref<5x80x128xbf16, #tpu.memory_space<vmem>> -> memref<1x80x128xbf16, #tpu.memory_space<vmem>>
      %dma_start3A_168 = tpu.memref_squeeze %dma_start3A_167 : memref<1x80x128xbf16, #tpu.memory_space<vmem>> -> memref<80x128xbf16, #tpu.memory_space<vmem>>
      %dma_start3A_169 = arith.constant 0 : i32
      %dma_start3A_170 = tpu.memref_slice %arg11[%add3A_34, %dma_start3A_169] : memref<10240x128xbf16, #tpu.memory_space<vmem_shared>> -> memref<80x128xbf16, #tpu.memory_space<vmem_shared>>
      %dma_start3A_171 = arith.constant 0 : i32
      %dma_start3A_172 = tpu.memref_slice %arg11[%add3A_34, %dma_start3A_171] : memref<10240x128xbf16, #tpu.memory_space<vmem_shared>> -> memref<80x128xbf16, #tpu.memory_space<vmem_shared>>
      %dma_start3A_173 = arith.constant 0 : i32
      %dma_start3A_174 = arith.constant 0 : i32
      %dma_start3A_175 = tpu.memref_slice %arg10[%run_scoped3A_35, %dma_start3A_173, %dma_start3A_174] : memref<5x80x128xbf16, #tpu.memory_space<vmem>> -> memref<1x80x128xbf16, #tpu.memory_space<vmem>>
      %dma_start3A_176 = tpu.memref_squeeze %dma_start3A_175 : memref<1x80x128xbf16, #tpu.memory_space<vmem>> -> memref<80x128xbf16, #tpu.memory_space<vmem>>
      tpu.enqueue_dma source(%dma_start3A_176 : memref<80x128xbf16, #tpu.memory_space<vmem>>) target(%dma_start3A_172 : memref<80x128xbf16, #tpu.memory_space<vmem_shared>>) target_semaphore(%run_scoped3A_164 : memref<!tpu.dma_semaphore, #tpu.memory_space<semaphore_mem>>)
      %dma_wait3A_177 = arith.constant 0 : i32
      %dma_wait3A_178 = arith.constant 0 : i32
      %dma_wait3A_179 = tpu.memref_slice %arg10[%run_scoped3A_35, %dma_wait3A_177, %dma_wait3A_178] : memref<5x80x128xbf16, #tpu.memory_space<vmem>> -> memref<1x80x128xbf16, #tpu.memory_space<vmem>>
      %dma_wait3A_180 = tpu.memref_squeeze %dma_wait3A_179 : memref<1x80x128xbf16, #tpu.memory_space<vmem>> -> memref<80x128xbf16, #tpu.memory_space<vmem>>
      %dma_wait3A_181 = arith.constant 0 : i32
      %dma_wait3A_182 = tpu.memref_slice %arg11[%add3A_34, %dma_wait3A_181] : memref<10240x128xbf16, #tpu.memory_space<vmem_shared>> -> memref<80x128xbf16, #tpu.memory_space<vmem_shared>>
      %dma_wait3A_183 = arith.constant 0 : i32
      %dma_wait3A_184 = tpu.memref_slice %arg11[%add3A_34, %dma_wait3A_183] : memref<10240x128xbf16, #tpu.memory_space<vmem_shared>> -> memref<80x128xbf16, #tpu.memory_space<vmem_shared>>
      %dma_wait3A_185 = arith.constant 0 : i32
      %dma_wait3A_186 = arith.constant 0 : i32
      %dma_wait3A_187 = tpu.memref_slice %arg10[%run_scoped3A_35, %dma_wait3A_185, %dma_wait3A_186] : memref<5x80x128xbf16, #tpu.memory_space<vmem>> -> memref<1x80x128xbf16, #tpu.memory_space<vmem>>
      %dma_wait3A_188 = tpu.memref_squeeze %dma_wait3A_187 : memref<1x80x128xbf16, #tpu.memory_space<vmem>> -> memref<80x128xbf16, #tpu.memory_space<vmem>>
      tpu.wait_dma2 semaphore(%run_scoped3A_164 : memref<!tpu.dma_semaphore, #tpu.memory_space<semaphore_mem>>) src(%dma_wait3A_188 : memref<80x128xbf16, #tpu.memory_space<vmem>>) dst(%dma_wait3A_184 : memref<80x128xbf16, #tpu.memory_space<vmem_shared>>)
      tpu.yield
    }) : () -> ()
    %mul3A_36 = arith.constant 640 : i32
    %mul3A_37 = arith.muli %arg1, %mul3A_36 : i32
    %add3A_38 = arith.constant 560 : i32
    %add3A_39 = arith.addi %mul3A_37, %add3A_38 : i32
    %run_scoped3A_40 = arith.constant 0 : i32
    "tpu.region"() ({
      %run_scoped3A_164 = tpu.sem_alloc : memref<!tpu.dma_semaphore, #tpu.memory_space<semaphore_mem>>
      %dma_start3A_165 = arith.constant 0 : i32
      %dma_start3A_166 = arith.constant 0 : i32
      %dma_start3A_167 = tpu.memref_slice %arg10[%run_scoped3A_40, %dma_start3A_165, %dma_start3A_166] : memref<5x80x128xbf16, #tpu.memory_space<vmem>> -> memref<1x80x128xbf16, #tpu.memory_space<vmem>>
      %dma_start3A_168 = tpu.memref_squeeze %dma_start3A_167 : memref<1x80x128xbf16, #tpu.memory_space<vmem>> -> memref<80x128xbf16, #tpu.memory_space<vmem>>
      %dma_start3A_169 = arith.constant 0 : i32
      %dma_start3A_170 = tpu.memref_slice %arg11[%add3A_39, %dma_start3A_169] : memref<10240x128xbf16, #tpu.memory_space<vmem_shared>> -> memref<80x128xbf16, #tpu.memory_space<vmem_shared>>
      %dma_start3A_171 = arith.constant 0 : i32
      %dma_start3A_172 = tpu.memref_slice %arg11[%add3A_39, %dma_start3A_171] : memref<10240x128xbf16, #tpu.memory_space<vmem_shared>> -> memref<80x128xbf16, #tpu.memory_space<vmem_shared>>
      %dma_start3A_173 = arith.constant 0 : i32
      %dma_start3A_174 = arith.constant 0 : i32
      %dma_start3A_175 = tpu.memref_slice %arg10[%run_scoped3A_40, %dma_start3A_173, %dma_start3A_174] : memref<5x80x128xbf16, #tpu.memory_space<vmem>> -> memref<1x80x128xbf16, #tpu.memory_space<vmem>>
      %dma_start3A_176 = tpu.memref_squeeze %dma_start3A_175 : memref<1x80x128xbf16, #tpu.memory_space<vmem>> -> memref<80x128xbf16, #tpu.memory_space<vmem>>
      tpu.enqueue_dma source(%dma_start3A_176 : memref<80x128xbf16, #tpu.memory_space<vmem>>) target(%dma_start3A_172 : memref<80x128xbf16, #tpu.memory_space<vmem_shared>>) target_semaphore(%run_scoped3A_164 : memref<!tpu.dma_semaphore, #tpu.memory_space<semaphore_mem>>)
      %dma_wait3A_177 = arith.constant 0 : i32
      %dma_wait3A_178 = arith.constant 0 : i32
      %dma_wait3A_179 = tpu.memref_slice %arg10[%run_scoped3A_40, %dma_wait3A_177, %dma_wait3A_178] : memref<5x80x128xbf16, #tpu.memory_space<vmem>> -> memref<1x80x128xbf16, #tpu.memory_space<vmem>>
      %dma_wait3A_180 = tpu.memref_squeeze %dma_wait3A_179 : memref<1x80x128xbf16, #tpu.memory_space<vmem>> -> memref<80x128xbf16, #tpu.memory_space<vmem>>
      %dma_wait3A_181 = arith.constant 0 : i32
      %dma_wait3A_182 = tpu.memref_slice %arg11[%add3A_39, %dma_wait3A_181] : memref<10240x128xbf16, #tpu.memory_space<vmem_shared>> -> memref<80x128xbf16, #tpu.memory_space<vmem_shared>>
      %dma_wait3A_183 = arith.constant 0 : i32
      %dma_wait3A_184 = tpu.memref_slice %arg11[%add3A_39, %dma_wait3A_183] : memref<10240x128xbf16, #tpu.memory_space<vmem_shared>> -> memref<80x128xbf16, #tpu.memory_space<vmem_shared>>
      %dma_wait3A_185 = arith.constant 0 : i32
      %dma_wait3A_186 = arith.constant 0 : i32
      %dma_wait3A_187 = tpu.memref_slice %arg10[%run_scoped3A_40, %dma_wait3A_185, %dma_wait3A_186] : memref<5x80x128xbf16, #tpu.memory_space<vmem>> -> memref<1x80x128xbf16, #tpu.memory_space<vmem>>
      %dma_wait3A_188 = tpu.memref_squeeze %dma_wait3A_187 : memref<1x80x128xbf16, #tpu.memory_space<vmem>> -> memref<80x128xbf16, #tpu.memory_space<vmem>>
      tpu.wait_dma2 semaphore(%run_scoped3A_164 : memref<!tpu.dma_semaphore, #tpu.memory_space<semaphore_mem>>) src(%dma_wait3A_188 : memref<80x128xbf16, #tpu.memory_space<vmem>>) dst(%dma_wait3A_184 : memref<80x128xbf16, #tpu.memory_space<vmem_shared>>)
      tpu.yield
    }) : () -> ()
    %mul3A_41 = arith.constant 10000 : i32
    %mul3A_42 = arith.muli %arg1, %mul3A_41 : i32
    %eq3A = arith.constant 0 : i32
    %eq3A_43 = arith.cmpi eq, %arg0, %eq3A : i32
    %convert_element_type3A = arith.extui %eq3A_43 : i1 to i32
    %cond3A = arith.constant 0 : i32
    %cond3A_44 = arith.cmpi ne, %convert_element_type3A, %cond3A : i32
    scf.if %cond3A_44 {
      "tpu.region"() ({
        %run_scoped3A_164 = tpu.sem_alloc : memref<!tpu.dma_semaphore, #tpu.memory_space<semaphore_mem>>
        %dma_start3A_165 = tpu.memref_slice %arg3[%mul3A_42] : memref<160000xi32, #tpu.memory_space<hbm>> -> memref<10000xi32, #tpu.memory_space<hbm>>
        %dma_start3A_166 = tpu.memref_slice %arg3[%mul3A_42] : memref<160000xi32, #tpu.memory_space<hbm>> -> memref<10000xi32, #tpu.memory_space<hbm>>
        tpu.enqueue_dma source(%dma_start3A_166 : memref<10000xi32, #tpu.memory_space<hbm>>) target(%arg8 : memref<10000xi32, #tpu.memory_space<vmem>>) target_semaphore(%run_scoped3A_164 : memref<!tpu.dma_semaphore, #tpu.memory_space<semaphore_mem>>)
        %dma_wait3A_167 = tpu.memref_slice %arg3[%mul3A_42] : memref<160000xi32, #tpu.memory_space<hbm>> -> memref<10000xi32, #tpu.memory_space<hbm>>
        %dma_wait3A_168 = tpu.memref_slice %arg3[%mul3A_42] : memref<160000xi32, #tpu.memory_space<hbm>> -> memref<10000xi32, #tpu.memory_space<hbm>>
        tpu.wait_dma2 semaphore(%run_scoped3A_164 : memref<!tpu.dma_semaphore, #tpu.memory_space<semaphore_mem>>) src(%dma_wait3A_168 : memref<10000xi32, #tpu.memory_space<hbm>>) dst(%arg8 : memref<10000xi32, #tpu.memory_space<vmem>>)
        tpu.yield
      }) : () -> ()
      "tpu.region"() ({
        %run_scoped3A_164 = tpu.sem_alloc : memref<!tpu.dma_semaphore, #tpu.memory_space<semaphore_mem>>
        %dma_start3A_165 = tpu.memref_slice %arg4[%mul3A_42] : memref<160000xi32, #tpu.memory_space<hbm>> -> memref<10000xi32, #tpu.memory_space<hbm>>
        %dma_start3A_166 = tpu.memref_slice %arg4[%mul3A_42] : memref<160000xi32, #tpu.memory_space<hbm>> -> memref<10000xi32, #tpu.memory_space<hbm>>
        tpu.enqueue_dma source(%dma_start3A_166 : memref<10000xi32, #tpu.memory_space<hbm>>) target(%arg9 : memref<10000xi32, #tpu.memory_space<vmem>>) target_semaphore(%run_scoped3A_164 : memref<!tpu.dma_semaphore, #tpu.memory_space<semaphore_mem>>)
        %dma_wait3A_167 = tpu.memref_slice %arg4[%mul3A_42] : memref<160000xi32, #tpu.memory_space<hbm>> -> memref<10000xi32, #tpu.memory_space<hbm>>
        %dma_wait3A_168 = tpu.memref_slice %arg4[%mul3A_42] : memref<160000xi32, #tpu.memory_space<hbm>> -> memref<10000xi32, #tpu.memory_space<hbm>>
        tpu.wait_dma2 semaphore(%run_scoped3A_164 : memref<!tpu.dma_semaphore, #tpu.memory_space<semaphore_mem>>) src(%dma_wait3A_168 : memref<10000xi32, #tpu.memory_space<hbm>>) dst(%arg9 : memref<10000xi32, #tpu.memory_space<vmem>>)
        tpu.yield
      }) : () -> ()
    } else {
    }
    %eq3A_45 = arith.constant 1 : i32
    %eq3A_46 = arith.cmpi eq, %arg0, %eq3A_45 : i32
    %convert_element_type3A_47 = arith.extui %eq3A_46 : i1 to i32
    %cond3A_48 = arith.constant 0 : i32
    %cond3A_49 = arith.cmpi ne, %convert_element_type3A_47, %cond3A_48 : i32
    scf.if %cond3A_49 {
      "tpu.region"() ({
        %run_scoped3A_164 = tpu.sem_alloc : memref<!tpu.dma_semaphore, #tpu.memory_space<semaphore_mem>>
        %dma_start3A_165 = tpu.memref_slice %arg5[%mul3A_42] : memref<160000xi32, #tpu.memory_space<hbm>> -> memref<10000xi32, #tpu.memory_space<hbm>>
        %dma_start3A_166 = tpu.memref_slice %arg5[%mul3A_42] : memref<160000xi32, #tpu.memory_space<hbm>> -> memref<10000xi32, #tpu.memory_space<hbm>>
        tpu.enqueue_dma source(%dma_start3A_166 : memref<10000xi32, #tpu.memory_space<hbm>>) target(%arg8 : memref<10000xi32, #tpu.memory_space<vmem>>) target_semaphore(%run_scoped3A_164 : memref<!tpu.dma_semaphore, #tpu.memory_space<semaphore_mem>>)
        %dma_wait3A_167 = tpu.memref_slice %arg5[%mul3A_42] : memref<160000xi32, #tpu.memory_space<hbm>> -> memref<10000xi32, #tpu.memory_space<hbm>>
        %dma_wait3A_168 = tpu.memref_slice %arg5[%mul3A_42] : memref<160000xi32, #tpu.memory_space<hbm>> -> memref<10000xi32, #tpu.memory_space<hbm>>
        tpu.wait_dma2 semaphore(%run_scoped3A_164 : memref<!tpu.dma_semaphore, #tpu.memory_space<semaphore_mem>>) src(%dma_wait3A_168 : memref<10000xi32, #tpu.memory_space<hbm>>) dst(%arg8 : memref<10000xi32, #tpu.memory_space<vmem>>)
        tpu.yield
      }) : () -> ()
      "tpu.region"() ({
        %run_scoped3A_164 = tpu.sem_alloc : memref<!tpu.dma_semaphore, #tpu.memory_space<semaphore_mem>>
        %dma_start3A_165 = tpu.memref_slice %arg6[%mul3A_42] : memref<160000xi32, #tpu.memory_space<hbm>> -> memref<10000xi32, #tpu.memory_space<hbm>>
        %dma_start3A_166 = tpu.memref_slice %arg6[%mul3A_42] : memref<160000xi32, #tpu.memory_space<hbm>> -> memref<10000xi32, #tpu.memory_space<hbm>>
        tpu.enqueue_dma source(%dma_start3A_166 : memref<10000xi32, #tpu.memory_space<hbm>>) target(%arg9 : memref<10000xi32, #tpu.memory_space<vmem>>) target_semaphore(%run_scoped3A_164 : memref<!tpu.dma_semaphore, #tpu.memory_space<semaphore_mem>>)
        %dma_wait3A_167 = tpu.memref_slice %arg6[%mul3A_42] : memref<160000xi32, #tpu.memory_space<hbm>> -> memref<10000xi32, #tpu.memory_space<hbm>>
        %dma_wait3A_168 = tpu.memref_slice %arg6[%mul3A_42] : memref<160000xi32, #tpu.memory_space<hbm>> -> memref<10000xi32, #tpu.memory_space<hbm>>
        tpu.wait_dma2 semaphore(%run_scoped3A_164 : memref<!tpu.dma_semaphore, #tpu.memory_space<semaphore_mem>>) src(%dma_wait3A_168 : memref<10000xi32, #tpu.memory_space<hbm>>) dst(%arg9 : memref<10000xi32, #tpu.memory_space<vmem>>)
        tpu.yield
      }) : () -> ()
    } else {
    }
    %dma_start3A = arith.constant 0 : i32
    %dma_start3A_50 = arith.constant 0 : i32
    %dma_start3A_51 = arith.constant 0 : i32
    %dma_start3A_52 = tpu.memref_slice %arg10[%dma_start3A, %dma_start3A_50, %dma_start3A_51] : memref<5x80x128xbf16, #tpu.memory_space<vmem>> -> memref<1x80x128xbf16, #tpu.memory_space<vmem>>
    %dma_start3A_53 = tpu.memref_squeeze %dma_start3A_52 : memref<1x80x128xbf16, #tpu.memory_space<vmem>> -> memref<80x128xbf16, #tpu.memory_space<vmem>>
    %dma_start3A_54 = arith.constant 0 : i32
    %dma_start3A_55 = tpu.memref_slice %arg8[%dma_start3A_54] : memref<10000xi32, #tpu.memory_space<vmem>> -> memref<80xi32, #tpu.memory_space<vmem>>
    %dma_start3A_56 = arith.constant 0 : i32
    %dma_start3A_57 = arith.constant 0 : i32
    %dma_start3A_58 = tpu.memref_slice %arg2[%arg0, %dma_start3A_56, %dma_start3A_57] : memref<2x10240x128xbf16, #tpu.memory_space<hbm>> -> memref<1x10240x128xbf16, #tpu.memory_space<hbm>>
    %dma_start3A_59 = tpu.memref_squeeze %dma_start3A_58 : memref<1x10240x128xbf16, #tpu.memory_space<hbm>> -> memref<10240x128xbf16, #tpu.memory_space<hbm>>
    %dma_start3A_60 = arith.constant 0 : i32
    %dma_start3A_61 = arith.constant 0 : i32
    %dma_start3A_62 = tpu.memref_slice %dma_start3A_59[%dma_start3A_60, %dma_start3A_61] : memref<10240x128xbf16, #tpu.memory_space<hbm>> -> memref<10240x128xbf16, #tpu.memory_space<hbm>>
    tpu.enqueue_indirect_dma source(%dma_start3A_62 : memref<10240x128xbf16, #tpu.memory_space<hbm>>) target(%dma_start3A_53 : memref<80x128xbf16, #tpu.memory_space<vmem>>) offsets(%dma_start3A_55 : memref<80xi32, #tpu.memory_space<vmem>>) semaphore(%arg12 : memref<!tpu.dma_semaphore, #tpu.memory_space<semaphore_mem>>)
    %dma_start3A_63 = arith.constant 1 : i32
    %dma_start3A_64 = arith.constant 0 : i32
    %dma_start3A_65 = arith.constant 0 : i32
    %dma_start3A_66 = tpu.memref_slice %arg10[%dma_start3A_63, %dma_start3A_64, %dma_start3A_65] : memref<5x80x128xbf16, #tpu.memory_space<vmem>> -> memref<1x80x128xbf16, #tpu.memory_space<vmem>>
    %dma_start3A_67 = tpu.memref_squeeze %dma_start3A_66 : memref<1x80x128xbf16, #tpu.memory_space<vmem>> -> memref<80x128xbf16, #tpu.memory_space<vmem>>
    %dma_start3A_68 = arith.constant 80 : i32
    %dma_start3A_69 = tpu.memref_slice %arg8[%dma_start3A_68] : memref<10000xi32, #tpu.memory_space<vmem>> -> memref<80xi32, #tpu.memory_space<vmem>>
    %dma_start3A_70 = arith.constant 0 : i32
    %dma_start3A_71 = arith.constant 0 : i32
    %dma_start3A_72 = tpu.memref_slice %arg2[%arg0, %dma_start3A_70, %dma_start3A_71] : memref<2x10240x128xbf16, #tpu.memory_space<hbm>> -> memref<1x10240x128xbf16, #tpu.memory_space<hbm>>
    %dma_start3A_73 = tpu.memref_squeeze %dma_start3A_72 : memref<1x10240x128xbf16, #tpu.memory_space<hbm>> -> memref<10240x128xbf16, #tpu.memory_space<hbm>>
    %dma_start3A_74 = arith.constant 0 : i32
    %dma_start3A_75 = arith.constant 0 : i32
    %dma_start3A_76 = tpu.memref_slice %dma_start3A_73[%dma_start3A_74, %dma_start3A_75] : memref<10240x128xbf16, #tpu.memory_space<hbm>> -> memref<10240x128xbf16, #tpu.memory_space<hbm>>
    tpu.enqueue_indirect_dma source(%dma_start3A_76 : memref<10240x128xbf16, #tpu.memory_space<hbm>>) target(%dma_start3A_67 : memref<80x128xbf16, #tpu.memory_space<vmem>>) offsets(%dma_start3A_69 : memref<80xi32, #tpu.memory_space<vmem>>) semaphore(%arg13 : memref<!tpu.dma_semaphore, #tpu.memory_space<semaphore_mem>>)
    %dma_start3A_77 = arith.constant 2 : i32
    %dma_start3A_78 = arith.constant 0 : i32
    %dma_start3A_79 = arith.constant 0 : i32
    %dma_start3A_80 = tpu.memref_slice %arg10[%dma_start3A_77, %dma_start3A_78, %dma_start3A_79] : memref<5x80x128xbf16, #tpu.memory_space<vmem>> -> memref<1x80x128xbf16, #tpu.memory_space<vmem>>
    %dma_start3A_81 = tpu.memref_squeeze %dma_start3A_80 : memref<1x80x128xbf16, #tpu.memory_space<vmem>> -> memref<80x128xbf16, #tpu.memory_space<vmem>>
    %dma_start3A_82 = arith.constant 160 : i32
    %dma_start3A_83 = tpu.memref_slice %arg8[%dma_start3A_82] : memref<10000xi32, #tpu.memory_space<vmem>> -> memref<80xi32, #tpu.memory_space<vmem>>
    %dma_start3A_84 = arith.constant 0 : i32
    %dma_start3A_85 = arith.constant 0 : i32
    %dma_start3A_86 = tpu.memref_slice %arg2[%arg0, %dma_start3A_84, %dma_start3A_85] : memref<2x10240x128xbf16, #tpu.memory_space<hbm>> -> memref<1x10240x128xbf16, #tpu.memory_space<hbm>>
    %dma_start3A_87 = tpu.memref_squeeze %dma_start3A_86 : memref<1x10240x128xbf16, #tpu.memory_space<hbm>> -> memref<10240x128xbf16, #tpu.memory_space<hbm>>
    %dma_start3A_88 = arith.constant 0 : i32
    %dma_start3A_89 = arith.constant 0 : i32
    %dma_start3A_90 = tpu.memref_slice %dma_start3A_87[%dma_start3A_88, %dma_start3A_89] : memref<10240x128xbf16, #tpu.memory_space<hbm>> -> memref<10240x128xbf16, #tpu.memory_space<hbm>>
    tpu.enqueue_indirect_dma source(%dma_start3A_90 : memref<10240x128xbf16, #tpu.memory_space<hbm>>) target(%dma_start3A_81 : memref<80x128xbf16, #tpu.memory_space<vmem>>) offsets(%dma_start3A_83 : memref<80xi32, #tpu.memory_space<vmem>>) semaphore(%arg14 : memref<!tpu.dma_semaphore, #tpu.memory_space<semaphore_mem>>)
    %dma_start3A_91 = arith.constant 3 : i32
    %dma_start3A_92 = arith.constant 0 : i32
    %dma_start3A_93 = arith.constant 0 : i32
    %dma_start3A_94 = tpu.memref_slice %arg10[%dma_start3A_91, %dma_start3A_92, %dma_start3A_93] : memref<5x80x128xbf16, #tpu.memory_space<vmem>> -> memref<1x80x128xbf16, #tpu.memory_space<vmem>>
    %dma_start3A_95 = tpu.memref_squeeze %dma_start3A_94 : memref<1x80x128xbf16, #tpu.memory_space<vmem>> -> memref<80x128xbf16, #tpu.memory_space<vmem>>
    %dma_start3A_96 = arith.constant 240 : i32
    %dma_start3A_97 = tpu.memref_slice %arg8[%dma_start3A_96] : memref<10000xi32, #tpu.memory_space<vmem>> -> memref<80xi32, #tpu.memory_space<vmem>>
    %dma_start3A_98 = arith.constant 0 : i32
    %dma_start3A_99 = arith.constant 0 : i32
    %dma_start3A_100 = tpu.memref_slice %arg2[%arg0, %dma_start3A_98, %dma_start3A_99] : memref<2x10240x128xbf16, #tpu.memory_space<hbm>> -> memref<1x10240x128xbf16, #tpu.memory_space<hbm>>
    %dma_start3A_101 = tpu.memref_squeeze %dma_start3A_100 : memref<1x10240x128xbf16, #tpu.memory_space<hbm>> -> memref<10240x128xbf16, #tpu.memory_space<hbm>>
    %dma_start3A_102 = arith.constant 0 : i32
    %dma_start3A_103 = arith.constant 0 : i32
    %dma_start3A_104 = tpu.memref_slice %dma_start3A_101[%dma_start3A_102, %dma_start3A_103] : memref<10240x128xbf16, #tpu.memory_space<hbm>> -> memref<10240x128xbf16, #tpu.memory_space<hbm>>
    tpu.enqueue_indirect_dma source(%dma_start3A_104 : memref<10240x128xbf16, #tpu.memory_space<hbm>>) target(%dma_start3A_95 : memref<80x128xbf16, #tpu.memory_space<vmem>>) offsets(%dma_start3A_97 : memref<80xi32, #tpu.memory_space<vmem>>) semaphore(%arg15 : memref<!tpu.dma_semaphore, #tpu.memory_space<semaphore_mem>>)
    %barrier3A = arith.constant 0 : index
    tpu.barrier barrier_id(%barrier3A)
    %scan3A_105 = arith.constant 0 : i32
    %scan3A_106 = arith.constant 25 : i32
    %scan3A_107 = arith.addi %scan3A_105, %scan3A_106 : i32
    %scan3A_108 = arith.constant 1 : i32
    scf.for %scan3A_164 = %scan3A_105 to %scan3A_107 step %scan3A_108  : i32 {
      %mul3A_165 = arith.constant 5 : i32
      %mul3A_166 = arith.muli %scan3A_164, %mul3A_165 : i32
      %add3A_167 = arith.constant 0 : i32
      %add3A_168 = arith.addi %add3A_167, %mul3A_166 : i32
      %add3A_169 = arith.constant 0 : i32
      %add3A_170 = arith.addi %add3A_168, %add3A_169 : i32
      %mul3A_171 = arith.constant 80 : i32
      %mul3A_172 = arith.muli %add3A_170, %mul3A_171 : i32
      %dma_wait3A_173 = arith.constant 0 : i32
      %dma_wait3A_174 = arith.constant 0 : i32
      %dma_wait3A_175 = arith.constant 0 : i32
      %dma_wait3A_176 = tpu.memref_slice %arg10[%dma_wait3A_173, %dma_wait3A_174, %dma_wait3A_175] : memref<5x80x128xbf16, #tpu.memory_space<vmem>> -> memref<1x80x128xbf16, #tpu.memory_space<vmem>>
      %dma_wait3A_177 = tpu.memref_squeeze %dma_wait3A_176 : memref<1x80x128xbf16, #tpu.memory_space<vmem>> -> memref<80x128xbf16, #tpu.memory_space<vmem>>
      %dma_wait3A_178 = tpu.memref_slice %arg8[%mul3A_172] : memref<10000xi32, #tpu.memory_space<vmem>> -> memref<80xi32, #tpu.memory_space<vmem>>
      %dma_wait3A_179 = arith.constant 0 : i32
      %dma_wait3A_180 = arith.constant 0 : i32
      %dma_wait3A_181 = tpu.memref_slice %arg2[%arg0, %dma_wait3A_179, %dma_wait3A_180] : memref<2x10240x128xbf16, #tpu.memory_space<hbm>> -> memref<1x10240x128xbf16, #tpu.memory_space<hbm>>
      %dma_wait3A_182 = tpu.memref_squeeze %dma_wait3A_181 : memref<1x10240x128xbf16, #tpu.memory_space<hbm>> -> memref<10240x128xbf16, #tpu.memory_space<hbm>>
      %dma_wait3A_183 = arith.constant 0 : i32
      %dma_wait3A_184 = arith.constant 0 : i32
      %dma_wait3A_185 = tpu.memref_slice %dma_wait3A_182[%dma_wait3A_183, %dma_wait3A_184] : memref<10240x128xbf16, #tpu.memory_space<hbm>> -> memref<10240x128xbf16, #tpu.memory_space<hbm>>
      tpu.wait_indirect_dma semaphore(%arg12 : memref<!tpu.dma_semaphore, #tpu.memory_space<semaphore_mem>>) src(%dma_wait3A_185 : memref<10240x128xbf16, #tpu.memory_space<hbm>>) dst(%dma_wait3A_177 : memref<80x128xbf16, #tpu.memory_space<vmem>>)
      %mul3A_186 = arith.constant 80 : i32
      %mul3A_187 = arith.muli %add3A_170, %mul3A_186 : i32
      %dma_start3A_188 = arith.constant 0 : i32
      %dma_start3A_189 = arith.constant 0 : i32
      %dma_start3A_190 = arith.constant 0 : i32
      %dma_start3A_191 = tpu.memref_slice %arg10[%dma_start3A_188, %dma_start3A_189, %dma_start3A_190] : memref<5x80x128xbf16, #tpu.memory_space<vmem>> -> memref<1x80x128xbf16, #tpu.memory_space<vmem>>
      %dma_start3A_192 = tpu.memref_squeeze %dma_start3A_191 : memref<1x80x128xbf16, #tpu.memory_space<vmem>> -> memref<80x128xbf16, #tpu.memory_space<vmem>>
      %dma_start3A_193 = tpu.memref_slice %arg9[%mul3A_187] : memref<10000xi32, #tpu.memory_space<vmem>> -> memref<80xi32, #tpu.memory_space<vmem>>
      %dma_start3A_194 = arith.constant 0 : i32
      %dma_start3A_195 = arith.constant 0 : i32
      %dma_start3A_196 = tpu.memref_slice %arg11[%dma_start3A_194, %dma_start3A_195] : memref<10240x128xbf16, #tpu.memory_space<vmem_shared>> -> memref<10240x128xbf16, #tpu.memory_space<vmem_shared>>
      tpu.enqueue_indirect_dma source(%dma_start3A_192 : memref<80x128xbf16, #tpu.memory_space<vmem>>) target(%dma_start3A_196 : memref<10240x128xbf16, #tpu.memory_space<vmem_shared>>) offsets(%dma_start3A_193 : memref<80xi32, #tpu.memory_space<vmem>>) semaphore(%arg17 : memref<!tpu.dma_semaphore, #tpu.memory_space<semaphore_mem>>) {add = true}
      %add3A_197 = arith.constant 5 : i32
      %add3A_198 = arith.addi %add3A_170, %add3A_197 : i32
      %sub3A = arith.constant 1 : i32
      %sub3A_199 = arith.subi %add3A_198, %sub3A : i32
      %lt3A = arith.constant 125 : i32
      %lt3A_200 = arith.cmpi slt, %sub3A_199, %lt3A : i32
      %convert_element_type3A_201 = arith.extui %lt3A_200 : i1 to i32
      %cond3A_202 = arith.constant 0 : i32
      %cond3A_203 = arith.cmpi ne, %convert_element_type3A_201, %cond3A_202 : i32
      scf.if %cond3A_203 {
        %gt3A = arith.constant 0 : i32
        %gt3A_352 = arith.cmpi sgt, %add3A_170, %gt3A : i32
        %convert_element_type3A_353 = arith.extui %gt3A_352 : i1 to i32
        %cond3A_354 = arith.constant 0 : i32
        %cond3A_355 = arith.cmpi ne, %convert_element_type3A_353, %cond3A_354 : i32
        scf.if %cond3A_355 {
          %sub3A_375 = arith.constant 1 : i32
          %sub3A_376 = arith.subi %add3A_170, %sub3A_375 : i32
          %mul3A_377 = arith.constant 80 : i32
          %mul3A_378 = arith.muli %sub3A_376, %mul3A_377 : i32
          %dma_wait3A_379 = arith.constant 4 : i32
          %dma_wait3A_380 = arith.constant 0 : i32
          %dma_wait3A_381 = arith.constant 0 : i32
          %dma_wait3A_382 = tpu.memref_slice %arg10[%dma_wait3A_379, %dma_wait3A_380, %dma_wait3A_381] : memref<5x80x128xbf16, #tpu.memory_space<vmem>> -> memref<1x80x128xbf16, #tpu.memory_space<vmem>>
          %dma_wait3A_383 = tpu.memref_squeeze %dma_wait3A_382 : memref<1x80x128xbf16, #tpu.memory_space<vmem>> -> memref<80x128xbf16, #tpu.memory_space<vmem>>
          %dma_wait3A_384 = tpu.memref_slice %arg9[%mul3A_378] : memref<10000xi32, #tpu.memory_space<vmem>> -> memref<80xi32, #tpu.memory_space<vmem>>
          %dma_wait3A_385 = arith.constant 0 : i32
          %dma_wait3A_386 = arith.constant 0 : i32
          %dma_wait3A_387 = tpu.memref_slice %arg11[%dma_wait3A_385, %dma_wait3A_386] : memref<10240x128xbf16, #tpu.memory_space<vmem_shared>> -> memref<10240x128xbf16, #tpu.memory_space<vmem_shared>>
          tpu.wait_indirect_dma semaphore(%arg21 : memref<!tpu.dma_semaphore, #tpu.memory_space<semaphore_mem>>) src(%dma_wait3A_383 : memref<80x128xbf16, #tpu.memory_space<vmem>>) dst(%dma_wait3A_387 : memref<10240x128xbf16, #tpu.memory_space<vmem_shared>>)
        } else {
        }
        %add3A_356 = arith.constant 5 : i32
        %add3A_357 = arith.addi %add3A_170, %add3A_356 : i32
        %sub3A_358 = arith.constant 1 : i32
        %sub3A_359 = arith.subi %add3A_357, %sub3A_358 : i32
        %mul3A_360 = arith.constant 80 : i32
        %mul3A_361 = arith.muli %sub3A_359, %mul3A_360 : i32
        %dma_start3A_362 = arith.constant 4 : i32
        %dma_start3A_363 = arith.constant 0 : i32
        %dma_start3A_364 = arith.constant 0 : i32
        %dma_start3A_365 = tpu.memref_slice %arg10[%dma_start3A_362, %dma_start3A_363, %dma_start3A_364] : memref<5x80x128xbf16, #tpu.memory_space<vmem>> -> memref<1x80x128xbf16, #tpu.memory_space<vmem>>
        %dma_start3A_366 = tpu.memref_squeeze %dma_start3A_365 : memref<1x80x128xbf16, #tpu.memory_space<vmem>> -> memref<80x128xbf16, #tpu.memory_space<vmem>>
        %dma_start3A_367 = tpu.memref_slice %arg8[%mul3A_361] : memref<10000xi32, #tpu.memory_space<vmem>> -> memref<80xi32, #tpu.memory_space<vmem>>
        %dma_start3A_368 = arith.constant 0 : i32
        %dma_start3A_369 = arith.constant 0 : i32
        %dma_start3A_370 = tpu.memref_slice %arg2[%arg0, %dma_start3A_368, %dma_start3A_369] : memref<2x10240x128xbf16, #tpu.memory_space<hbm>> -> memref<1x10240x128xbf16, #tpu.memory_space<hbm>>
        %dma_start3A_371 = tpu.memref_squeeze %dma_start3A_370 : memref<1x10240x128xbf16, #tpu.memory_space<hbm>> -> memref<10240x128xbf16, #tpu.memory_space<hbm>>
        %dma_start3A_372 = arith.constant 0 : i32
        %dma_start3A_373 = arith.constant 0 : i32
        %dma_start3A_374 = tpu.memref_slice %dma_start3A_371[%dma_start3A_372, %dma_start3A_373] : memref<10240x128xbf16, #tpu.memory_space<hbm>> -> memref<10240x128xbf16, #tpu.memory_space<hbm>>
        tpu.enqueue_indirect_dma source(%dma_start3A_374 : memref<10240x128xbf16, #tpu.memory_space<hbm>>) target(%dma_start3A_366 : memref<80x128xbf16, #tpu.memory_space<vmem>>) offsets(%dma_start3A_367 : memref<80xi32, #tpu.memory_space<vmem>>) semaphore(%arg16 : memref<!tpu.dma_semaphore, #tpu.memory_space<semaphore_mem>>)
      } else {
      }
      %add3A_204 = arith.constant 1 : i32
      %add3A_205 = arith.addi %add3A_168, %add3A_204 : i32
      %mul3A_206 = arith.constant 80 : i32
      %mul3A_207 = arith.muli %add3A_205, %mul3A_206 : i32
      %dma_wait3A_208 = arith.constant 1 : i32
      %dma_wait3A_209 = arith.constant 0 : i32
      %dma_wait3A_210 = arith.constant 0 : i32
      %dma_wait3A_211 = tpu.memref_slice %arg10[%dma_wait3A_208, %dma_wait3A_209, %dma_wait3A_210] : memref<5x80x128xbf16, #tpu.memory_space<vmem>> -> memref<1x80x128xbf16, #tpu.memory_space<vmem>>
      %dma_wait3A_212 = tpu.memref_squeeze %dma_wait3A_211 : memref<1x80x128xbf16, #tpu.memory_space<vmem>> -> memref<80x128xbf16, #tpu.memory_space<vmem>>
      %dma_wait3A_213 = tpu.memref_slice %arg8[%mul3A_207] : memref<10000xi32, #tpu.memory_space<vmem>> -> memref<80xi32, #tpu.memory_space<vmem>>
      %dma_wait3A_214 = arith.constant 0 : i32
      %dma_wait3A_215 = arith.constant 0 : i32
      %dma_wait3A_216 = tpu.memref_slice %arg2[%arg0, %dma_wait3A_214, %dma_wait3A_215] : memref<2x10240x128xbf16, #tpu.memory_space<hbm>> -> memref<1x10240x128xbf16, #tpu.memory_space<hbm>>
      %dma_wait3A_217 = tpu.memref_squeeze %dma_wait3A_216 : memref<1x10240x128xbf16, #tpu.memory_space<hbm>> -> memref<10240x128xbf16, #tpu.memory_space<hbm>>
      %dma_wait3A_218 = arith.constant 0 : i32
      %dma_wait3A_219 = arith.constant 0 : i32
      %dma_wait3A_220 = tpu.memref_slice %dma_wait3A_217[%dma_wait3A_218, %dma_wait3A_219] : memref<10240x128xbf16, #tpu.memory_space<hbm>> -> memref<10240x128xbf16, #tpu.memory_space<hbm>>
      tpu.wait_indirect_dma semaphore(%arg13 : memref<!tpu.dma_semaphore, #tpu.memory_space<semaphore_mem>>) src(%dma_wait3A_220 : memref<10240x128xbf16, #tpu.memory_space<hbm>>) dst(%dma_wait3A_212 : memref<80x128xbf16, #tpu.memory_space<vmem>>)
      %mul3A_221 = arith.constant 80 : i32
      %mul3A_222 = arith.muli %add3A_205, %mul3A_221 : i32
      %dma_start3A_223 = arith.constant 1 : i32
      %dma_start3A_224 = arith.constant 0 : i32
      %dma_start3A_225 = arith.constant 0 : i32
      %dma_start3A_226 = tpu.memref_slice %arg10[%dma_start3A_223, %dma_start3A_224, %dma_start3A_225] : memref<5x80x128xbf16, #tpu.memory_space<vmem>> -> memref<1x80x128xbf16, #tpu.memory_space<vmem>>
      %dma_start3A_227 = tpu.memref_squeeze %dma_start3A_226 : memref<1x80x128xbf16, #tpu.memory_space<vmem>> -> memref<80x128xbf16, #tpu.memory_space<vmem>>
      %dma_start3A_228 = tpu.memref_slice %arg9[%mul3A_222] : memref<10000xi32, #tpu.memory_space<vmem>> -> memref<80xi32, #tpu.memory_space<vmem>>
      %dma_start3A_229 = arith.constant 0 : i32
      %dma_start3A_230 = arith.constant 0 : i32
      %dma_start3A_231 = tpu.memref_slice %arg11[%dma_start3A_229, %dma_start3A_230] : memref<10240x128xbf16, #tpu.memory_space<vmem_shared>> -> memref<10240x128xbf16, #tpu.memory_space<vmem_shared>>
      tpu.enqueue_indirect_dma source(%dma_start3A_227 : memref<80x128xbf16, #tpu.memory_space<vmem>>) target(%dma_start3A_231 : memref<10240x128xbf16, #tpu.memory_space<vmem_shared>>) offsets(%dma_start3A_228 : memref<80xi32, #tpu.memory_space<vmem>>) semaphore(%arg18 : memref<!tpu.dma_semaphore, #tpu.memory_space<semaphore_mem>>) {add = true}
      %add3A_232 = arith.constant 5 : i32
      %add3A_233 = arith.addi %add3A_205, %add3A_232 : i32
      %sub3A_234 = arith.constant 1 : i32
      %sub3A_235 = arith.subi %add3A_233, %sub3A_234 : i32
      %lt3A_236 = arith.constant 125 : i32
      %lt3A_237 = arith.cmpi slt, %sub3A_235, %lt3A_236 : i32
      %convert_element_type3A_238 = arith.extui %lt3A_237 : i1 to i32
      %cond3A_239 = arith.constant 0 : i32
      %cond3A_240 = arith.cmpi ne, %convert_element_type3A_238, %cond3A_239 : i32
      scf.if %cond3A_240 {
        %gt3A = arith.constant 0 : i32
        %gt3A_352 = arith.cmpi sgt, %add3A_205, %gt3A : i32
        %convert_element_type3A_353 = arith.extui %gt3A_352 : i1 to i32
        %cond3A_354 = arith.constant 0 : i32
        %cond3A_355 = arith.cmpi ne, %convert_element_type3A_353, %cond3A_354 : i32
        scf.if %cond3A_355 {
          %sub3A_375 = arith.constant 1 : i32
          %sub3A_376 = arith.subi %add3A_205, %sub3A_375 : i32
          %mul3A_377 = arith.constant 80 : i32
          %mul3A_378 = arith.muli %sub3A_376, %mul3A_377 : i32
          %dma_wait3A_379 = arith.constant 0 : i32
          %dma_wait3A_380 = arith.constant 0 : i32
          %dma_wait3A_381 = arith.constant 0 : i32
          %dma_wait3A_382 = tpu.memref_slice %arg10[%dma_wait3A_379, %dma_wait3A_380, %dma_wait3A_381] : memref<5x80x128xbf16, #tpu.memory_space<vmem>> -> memref<1x80x128xbf16, #tpu.memory_space<vmem>>
          %dma_wait3A_383 = tpu.memref_squeeze %dma_wait3A_382 : memref<1x80x128xbf16, #tpu.memory_space<vmem>> -> memref<80x128xbf16, #tpu.memory_space<vmem>>
          %dma_wait3A_384 = tpu.memref_slice %arg9[%mul3A_378] : memref<10000xi32, #tpu.memory_space<vmem>> -> memref<80xi32, #tpu.memory_space<vmem>>
          %dma_wait3A_385 = arith.constant 0 : i32
          %dma_wait3A_386 = arith.constant 0 : i32
          %dma_wait3A_387 = tpu.memref_slice %arg11[%dma_wait3A_385, %dma_wait3A_386] : memref<10240x128xbf16, #tpu.memory_space<vmem_shared>> -> memref<10240x128xbf16, #tpu.memory_space<vmem_shared>>
          tpu.wait_indirect_dma semaphore(%arg17 : memref<!tpu.dma_semaphore, #tpu.memory_space<semaphore_mem>>) src(%dma_wait3A_383 : memref<80x128xbf16, #tpu.memory_space<vmem>>) dst(%dma_wait3A_387 : memref<10240x128xbf16, #tpu.memory_space<vmem_shared>>)
        } else {
        }
        %add3A_356 = arith.constant 5 : i32
        %add3A_357 = arith.addi %add3A_205, %add3A_356 : i32
        %sub3A_358 = arith.constant 1 : i32
        %sub3A_359 = arith.subi %add3A_357, %sub3A_358 : i32
        %mul3A_360 = arith.constant 80 : i32
        %mul3A_361 = arith.muli %sub3A_359, %mul3A_360 : i32
        %dma_start3A_362 = arith.constant 0 : i32
        %dma_start3A_363 = arith.constant 0 : i32
        %dma_start3A_364 = arith.constant 0 : i32
        %dma_start3A_365 = tpu.memref_slice %arg10[%dma_start3A_362, %dma_start3A_363, %dma_start3A_364] : memref<5x80x128xbf16, #tpu.memory_space<vmem>> -> memref<1x80x128xbf16, #tpu.memory_space<vmem>>
        %dma_start3A_366 = tpu.memref_squeeze %dma_start3A_365 : memref<1x80x128xbf16, #tpu.memory_space<vmem>> -> memref<80x128xbf16, #tpu.memory_space<vmem>>
        %dma_start3A_367 = tpu.memref_slice %arg8[%mul3A_361] : memref<10000xi32, #tpu.memory_space<vmem>> -> memref<80xi32, #tpu.memory_space<vmem>>
        %dma_start3A_368 = arith.constant 0 : i32
        %dma_start3A_369 = arith.constant 0 : i32
        %dma_start3A_370 = tpu.memref_slice %arg2[%arg0, %dma_start3A_368, %dma_start3A_369] : memref<2x10240x128xbf16, #tpu.memory_space<hbm>> -> memref<1x10240x128xbf16, #tpu.memory_space<hbm>>
        %dma_start3A_371 = tpu.memref_squeeze %dma_start3A_370 : memref<1x10240x128xbf16, #tpu.memory_space<hbm>> -> memref<10240x128xbf16, #tpu.memory_space<hbm>>
        %dma_start3A_372 = arith.constant 0 : i32
        %dma_start3A_373 = arith.constant 0 : i32
        %dma_start3A_374 = tpu.memref_slice %dma_start3A_371[%dma_start3A_372, %dma_start3A_373] : memref<10240x128xbf16, #tpu.memory_space<hbm>> -> memref<10240x128xbf16, #tpu.memory_space<hbm>>
        tpu.enqueue_indirect_dma source(%dma_start3A_374 : memref<10240x128xbf16, #tpu.memory_space<hbm>>) target(%dma_start3A_366 : memref<80x128xbf16, #tpu.memory_space<vmem>>) offsets(%dma_start3A_367 : memref<80xi32, #tpu.memory_space<vmem>>) semaphore(%arg12 : memref<!tpu.dma_semaphore, #tpu.memory_space<semaphore_mem>>)
      } else {
      }
      %add3A_241 = arith.constant 2 : i32
      %add3A_242 = arith.addi %add3A_168, %add3A_241 : i32
      %mul3A_243 = arith.constant 80 : i32
      %mul3A_244 = arith.muli %add3A_242, %mul3A_243 : i32
      %dma_wait3A_245 = arith.constant 2 : i32
      %dma_wait3A_246 = arith.constant 0 : i32
      %dma_wait3A_247 = arith.constant 0 : i32
      %dma_wait3A_248 = tpu.memref_slice %arg10[%dma_wait3A_245, %dma_wait3A_246, %dma_wait3A_247] : memref<5x80x128xbf16, #tpu.memory_space<vmem>> -> memref<1x80x128xbf16, #tpu.memory_space<vmem>>
      %dma_wait3A_249 = tpu.memref_squeeze %dma_wait3A_248 : memref<1x80x128xbf16, #tpu.memory_space<vmem>> -> memref<80x128xbf16, #tpu.memory_space<vmem>>
      %dma_wait3A_250 = tpu.memref_slice %arg8[%mul3A_244] : memref<10000xi32, #tpu.memory_space<vmem>> -> memref<80xi32, #tpu.memory_space<vmem>>
      %dma_wait3A_251 = arith.constant 0 : i32
      %dma_wait3A_252 = arith.constant 0 : i32
      %dma_wait3A_253 = tpu.memref_slice %arg2[%arg0, %dma_wait3A_251, %dma_wait3A_252] : memref<2x10240x128xbf16, #tpu.memory_space<hbm>> -> memref<1x10240x128xbf16, #tpu.memory_space<hbm>>
      %dma_wait3A_254 = tpu.memref_squeeze %dma_wait3A_253 : memref<1x10240x128xbf16, #tpu.memory_space<hbm>> -> memref<10240x128xbf16, #tpu.memory_space<hbm>>
      %dma_wait3A_255 = arith.constant 0 : i32
      %dma_wait3A_256 = arith.constant 0 : i32
      %dma_wait3A_257 = tpu.memref_slice %dma_wait3A_254[%dma_wait3A_255, %dma_wait3A_256] : memref<10240x128xbf16, #tpu.memory_space<hbm>> -> memref<10240x128xbf16, #tpu.memory_space<hbm>>
      tpu.wait_indirect_dma semaphore(%arg14 : memref<!tpu.dma_semaphore, #tpu.memory_space<semaphore_mem>>) src(%dma_wait3A_257 : memref<10240x128xbf16, #tpu.memory_space<hbm>>) dst(%dma_wait3A_249 : memref<80x128xbf16, #tpu.memory_space<vmem>>)
      %mul3A_258 = arith.constant 80 : i32
      %mul3A_259 = arith.muli %add3A_242, %mul3A_258 : i32
      %dma_start3A_260 = arith.constant 2 : i32
      %dma_start3A_261 = arith.constant 0 : i32
      %dma_start3A_262 = arith.constant 0 : i32
      %dma_start3A_263 = tpu.memref_slice %arg10[%dma_start3A_260, %dma_start3A_261, %dma_start3A_262] : memref<5x80x128xbf16, #tpu.memory_space<vmem>> -> memref<1x80x128xbf16, #tpu.memory_space<vmem>>
      %dma_start3A_264 = tpu.memref_squeeze %dma_start3A_263 : memref<1x80x128xbf16, #tpu.memory_space<vmem>> -> memref<80x128xbf16, #tpu.memory_space<vmem>>
      %dma_start3A_265 = tpu.memref_slice %arg9[%mul3A_259] : memref<10000xi32, #tpu.memory_space<vmem>> -> memref<80xi32, #tpu.memory_space<vmem>>
      %dma_start3A_266 = arith.constant 0 : i32
      %dma_start3A_267 = arith.constant 0 : i32
      %dma_start3A_268 = tpu.memref_slice %arg11[%dma_start3A_266, %dma_start3A_267] : memref<10240x128xbf16, #tpu.memory_space<vmem_shared>> -> memref<10240x128xbf16, #tpu.memory_space<vmem_shared>>
      tpu.enqueue_indirect_dma source(%dma_start3A_264 : memref<80x128xbf16, #tpu.memory_space<vmem>>) target(%dma_start3A_268 : memref<10240x128xbf16, #tpu.memory_space<vmem_shared>>) offsets(%dma_start3A_265 : memref<80xi32, #tpu.memory_space<vmem>>) semaphore(%arg19 : memref<!tpu.dma_semaphore, #tpu.memory_space<semaphore_mem>>) {add = true}
      %add3A_269 = arith.constant 5 : i32
      %add3A_270 = arith.addi %add3A_242, %add3A_269 : i32
      %sub3A_271 = arith.constant 1 : i32
      %sub3A_272 = arith.subi %add3A_270, %sub3A_271 : i32
      %lt3A_273 = arith.constant 125 : i32
      %lt3A_274 = arith.cmpi slt, %sub3A_272, %lt3A_273 : i32
      %convert_element_type3A_275 = arith.extui %lt3A_274 : i1 to i32
      %cond3A_276 = arith.constant 0 : i32
      %cond3A_277 = arith.cmpi ne, %convert_element_type3A_275, %cond3A_276 : i32
      scf.if %cond3A_277 {
        %gt3A = arith.constant 0 : i32
        %gt3A_352 = arith.cmpi sgt, %add3A_242, %gt3A : i32
        %convert_element_type3A_353 = arith.extui %gt3A_352 : i1 to i32
        %cond3A_354 = arith.constant 0 : i32
        %cond3A_355 = arith.cmpi ne, %convert_element_type3A_353, %cond3A_354 : i32
        scf.if %cond3A_355 {
          %sub3A_375 = arith.constant 1 : i32
          %sub3A_376 = arith.subi %add3A_242, %sub3A_375 : i32
          %mul3A_377 = arith.constant 80 : i32
          %mul3A_378 = arith.muli %sub3A_376, %mul3A_377 : i32
          %dma_wait3A_379 = arith.constant 1 : i32
          %dma_wait3A_380 = arith.constant 0 : i32
          %dma_wait3A_381 = arith.constant 0 : i32
          %dma_wait3A_382 = tpu.memref_slice %arg10[%dma_wait3A_379, %dma_wait3A_380, %dma_wait3A_381] : memref<5x80x128xbf16, #tpu.memory_space<vmem>> -> memref<1x80x128xbf16, #tpu.memory_space<vmem>>
          %dma_wait3A_383 = tpu.memref_squeeze %dma_wait3A_382 : memref<1x80x128xbf16, #tpu.memory_space<vmem>> -> memref<80x128xbf16, #tpu.memory_space<vmem>>
          %dma_wait3A_384 = tpu.memref_slice %arg9[%mul3A_378] : memref<10000xi32, #tpu.memory_space<vmem>> -> memref<80xi32, #tpu.memory_space<vmem>>
          %dma_wait3A_385 = arith.constant 0 : i32
          %dma_wait3A_386 = arith.constant 0 : i32
          %dma_wait3A_387 = tpu.memref_slice %arg11[%dma_wait3A_385, %dma_wait3A_386] : memref<10240x128xbf16, #tpu.memory_space<vmem_shared>> -> memref<10240x128xbf16, #tpu.memory_space<vmem_shared>>
          tpu.wait_indirect_dma semaphore(%arg18 : memref<!tpu.dma_semaphore, #tpu.memory_space<semaphore_mem>>) src(%dma_wait3A_383 : memref<80x128xbf16, #tpu.memory_space<vmem>>) dst(%dma_wait3A_387 : memref<10240x128xbf16, #tpu.memory_space<vmem_shared>>)
        } else {
        }
        %add3A_356 = arith.constant 5 : i32
        %add3A_357 = arith.addi %add3A_242, %add3A_356 : i32
        %sub3A_358 = arith.constant 1 : i32
        %sub3A_359 = arith.subi %add3A_357, %sub3A_358 : i32
        %mul3A_360 = arith.constant 80 : i32
        %mul3A_361 = arith.muli %sub3A_359, %mul3A_360 : i32
        %dma_start3A_362 = arith.constant 1 : i32
        %dma_start3A_363 = arith.constant 0 : i32
        %dma_start3A_364 = arith.constant 0 : i32
        %dma_start3A_365 = tpu.memref_slice %arg10[%dma_start3A_362, %dma_start3A_363, %dma_start3A_364] : memref<5x80x128xbf16, #tpu.memory_space<vmem>> -> memref<1x80x128xbf16, #tpu.memory_space<vmem>>
        %dma_start3A_366 = tpu.memref_squeeze %dma_start3A_365 : memref<1x80x128xbf16, #tpu.memory_space<vmem>> -> memref<80x128xbf16, #tpu.memory_space<vmem>>
        %dma_start3A_367 = tpu.memref_slice %arg8[%mul3A_361] : memref<10000xi32, #tpu.memory_space<vmem>> -> memref<80xi32, #tpu.memory_space<vmem>>
        %dma_start3A_368 = arith.constant 0 : i32
        %dma_start3A_369 = arith.constant 0 : i32
        %dma_start3A_370 = tpu.memref_slice %arg2[%arg0, %dma_start3A_368, %dma_start3A_369] : memref<2x10240x128xbf16, #tpu.memory_space<hbm>> -> memref<1x10240x128xbf16, #tpu.memory_space<hbm>>
        %dma_start3A_371 = tpu.memref_squeeze %dma_start3A_370 : memref<1x10240x128xbf16, #tpu.memory_space<hbm>> -> memref<10240x128xbf16, #tpu.memory_space<hbm>>
        %dma_start3A_372 = arith.constant 0 : i32
        %dma_start3A_373 = arith.constant 0 : i32
        %dma_start3A_374 = tpu.memref_slice %dma_start3A_371[%dma_start3A_372, %dma_start3A_373] : memref<10240x128xbf16, #tpu.memory_space<hbm>> -> memref<10240x128xbf16, #tpu.memory_space<hbm>>
        tpu.enqueue_indirect_dma source(%dma_start3A_374 : memref<10240x128xbf16, #tpu.memory_space<hbm>>) target(%dma_start3A_366 : memref<80x128xbf16, #tpu.memory_space<vmem>>) offsets(%dma_start3A_367 : memref<80xi32, #tpu.memory_space<vmem>>) semaphore(%arg13 : memref<!tpu.dma_semaphore, #tpu.memory_space<semaphore_mem>>)
      } else {
      }
      %add3A_278 = arith.constant 3 : i32
      %add3A_279 = arith.addi %add3A_168, %add3A_278 : i32
      %mul3A_280 = arith.constant 80 : i32
      %mul3A_281 = arith.muli %add3A_279, %mul3A_280 : i32
      %dma_wait3A_282 = arith.constant 3 : i32
      %dma_wait3A_283 = arith.constant 0 : i32
      %dma_wait3A_284 = arith.constant 0 : i32
      %dma_wait3A_285 = tpu.memref_slice %arg10[%dma_wait3A_282, %dma_wait3A_283, %dma_wait3A_284] : memref<5x80x128xbf16, #tpu.memory_space<vmem>> -> memref<1x80x128xbf16, #tpu.memory_space<vmem>>
      %dma_wait3A_286 = tpu.memref_squeeze %dma_wait3A_285 : memref<1x80x128xbf16, #tpu.memory_space<vmem>> -> memref<80x128xbf16, #tpu.memory_space<vmem>>
      %dma_wait3A_287 = tpu.memref_slice %arg8[%mul3A_281] : memref<10000xi32, #tpu.memory_space<vmem>> -> memref<80xi32, #tpu.memory_space<vmem>>
      %dma_wait3A_288 = arith.constant 0 : i32
      %dma_wait3A_289 = arith.constant 0 : i32
      %dma_wait3A_290 = tpu.memref_slice %arg2[%arg0, %dma_wait3A_288, %dma_wait3A_289] : memref<2x10240x128xbf16, #tpu.memory_space<hbm>> -> memref<1x10240x128xbf16, #tpu.memory_space<hbm>>
      %dma_wait3A_291 = tpu.memref_squeeze %dma_wait3A_290 : memref<1x10240x128xbf16, #tpu.memory_space<hbm>> -> memref<10240x128xbf16, #tpu.memory_space<hbm>>
      %dma_wait3A_292 = arith.constant 0 : i32
      %dma_wait3A_293 = arith.constant 0 : i32
      %dma_wait3A_294 = tpu.memref_slice %dma_wait3A_291[%dma_wait3A_292, %dma_wait3A_293] : memref<10240x128xbf16, #tpu.memory_space<hbm>> -> memref<10240x128xbf16, #tpu.memory_space<hbm>>
      tpu.wait_indirect_dma semaphore(%arg15 : memref<!tpu.dma_semaphore, #tpu.memory_space<semaphore_mem>>) src(%dma_wait3A_294 : memref<10240x128xbf16, #tpu.memory_space<hbm>>) dst(%dma_wait3A_286 : memref<80x128xbf16, #tpu.memory_space<vmem>>)
      %mul3A_295 = arith.constant 80 : i32
      %mul3A_296 = arith.muli %add3A_279, %mul3A_295 : i32
      %dma_start3A_297 = arith.constant 3 : i32
      %dma_start3A_298 = arith.constant 0 : i32
      %dma_start3A_299 = arith.constant 0 : i32
      %dma_start3A_300 = tpu.memref_slice %arg10[%dma_start3A_297, %dma_start3A_298, %dma_start3A_299] : memref<5x80x128xbf16, #tpu.memory_space<vmem>> -> memref<1x80x128xbf16, #tpu.memory_space<vmem>>
      %dma_start3A_301 = tpu.memref_squeeze %dma_start3A_300 : memref<1x80x128xbf16, #tpu.memory_space<vmem>> -> memref<80x128xbf16, #tpu.memory_space<vmem>>
      %dma_start3A_302 = tpu.memref_slice %arg9[%mul3A_296] : memref<10000xi32, #tpu.memory_space<vmem>> -> memref<80xi32, #tpu.memory_space<vmem>>
      %dma_start3A_303 = arith.constant 0 : i32
      %dma_start3A_304 = arith.constant 0 : i32
      %dma_start3A_305 = tpu.memref_slice %arg11[%dma_start3A_303, %dma_start3A_304] : memref<10240x128xbf16, #tpu.memory_space<vmem_shared>> -> memref<10240x128xbf16, #tpu.memory_space<vmem_shared>>
      tpu.enqueue_indirect_dma source(%dma_start3A_301 : memref<80x128xbf16, #tpu.memory_space<vmem>>) target(%dma_start3A_305 : memref<10240x128xbf16, #tpu.memory_space<vmem_shared>>) offsets(%dma_start3A_302 : memref<80xi32, #tpu.memory_space<vmem>>) semaphore(%arg20 : memref<!tpu.dma_semaphore, #tpu.memory_space<semaphore_mem>>) {add = true}
      %add3A_306 = arith.constant 5 : i32
      %add3A_307 = arith.addi %add3A_279, %add3A_306 : i32
      %sub3A_308 = arith.constant 1 : i32
      %sub3A_309 = arith.subi %add3A_307, %sub3A_308 : i32
      %lt3A_310 = arith.constant 125 : i32
      %lt3A_311 = arith.cmpi slt, %sub3A_309, %lt3A_310 : i32
      %convert_element_type3A_312 = arith.extui %lt3A_311 : i1 to i32
      %cond3A_313 = arith.constant 0 : i32
      %cond3A_314 = arith.cmpi ne, %convert_element_type3A_312, %cond3A_313 : i32
      scf.if %cond3A_314 {
        %gt3A = arith.constant 0 : i32
        %gt3A_352 = arith.cmpi sgt, %add3A_279, %gt3A : i32
        %convert_element_type3A_353 = arith.extui %gt3A_352 : i1 to i32
        %cond3A_354 = arith.constant 0 : i32
        %cond3A_355 = arith.cmpi ne, %convert_element_type3A_353, %cond3A_354 : i32
        scf.if %cond3A_355 {
          %sub3A_375 = arith.constant 1 : i32
          %sub3A_376 = arith.subi %add3A_279, %sub3A_375 : i32
          %mul3A_377 = arith.constant 80 : i32
          %mul3A_378 = arith.muli %sub3A_376, %mul3A_377 : i32
          %dma_wait3A_379 = arith.constant 2 : i32
          %dma_wait3A_380 = arith.constant 0 : i32
          %dma_wait3A_381 = arith.constant 0 : i32
          %dma_wait3A_382 = tpu.memref_slice %arg10[%dma_wait3A_379, %dma_wait3A_380, %dma_wait3A_381] : memref<5x80x128xbf16, #tpu.memory_space<vmem>> -> memref<1x80x128xbf16, #tpu.memory_space<vmem>>
          %dma_wait3A_383 = tpu.memref_squeeze %dma_wait3A_382 : memref<1x80x128xbf16, #tpu.memory_space<vmem>> -> memref<80x128xbf16, #tpu.memory_space<vmem>>
          %dma_wait3A_384 = tpu.memref_slice %arg9[%mul3A_378] : memref<10000xi32, #tpu.memory_space<vmem>> -> memref<80xi32, #tpu.memory_space<vmem>>
          %dma_wait3A_385 = arith.constant 0 : i32
          %dma_wait3A_386 = arith.constant 0 : i32
          %dma_wait3A_387 = tpu.memref_slice %arg11[%dma_wait3A_385, %dma_wait3A_386] : memref<10240x128xbf16, #tpu.memory_space<vmem_shared>> -> memref<10240x128xbf16, #tpu.memory_space<vmem_shared>>
          tpu.wait_indirect_dma semaphore(%arg19 : memref<!tpu.dma_semaphore, #tpu.memory_space<semaphore_mem>>) src(%dma_wait3A_383 : memref<80x128xbf16, #tpu.memory_space<vmem>>) dst(%dma_wait3A_387 : memref<10240x128xbf16, #tpu.memory_space<vmem_shared>>)
        } else {
        }
        %add3A_356 = arith.constant 5 : i32
        %add3A_357 = arith.addi %add3A_279, %add3A_356 : i32
        %sub3A_358 = arith.constant 1 : i32
        %sub3A_359 = arith.subi %add3A_357, %sub3A_358 : i32
        %mul3A_360 = arith.constant 80 : i32
        %mul3A_361 = arith.muli %sub3A_359, %mul3A_360 : i32
        %dma_start3A_362 = arith.constant 2 : i32
        %dma_start3A_363 = arith.constant 0 : i32
        %dma_start3A_364 = arith.constant 0 : i32
        %dma_start3A_365 = tpu.memref_slice %arg10[%dma_start3A_362, %dma_start3A_363, %dma_start3A_364] : memref<5x80x128xbf16, #tpu.memory_space<vmem>> -> memref<1x80x128xbf16, #tpu.memory_space<vmem>>
        %dma_start3A_366 = tpu.memref_squeeze %dma_start3A_365 : memref<1x80x128xbf16, #tpu.memory_space<vmem>> -> memref<80x128xbf16, #tpu.memory_space<vmem>>
        %dma_start3A_367 = tpu.memref_slice %arg8[%mul3A_361] : memref<10000xi32, #tpu.memory_space<vmem>> -> memref<80xi32, #tpu.memory_space<vmem>>
        %dma_start3A_368 = arith.constant 0 : i32
        %dma_start3A_369 = arith.constant 0 : i32
        %dma_start3A_370 = tpu.memref_slice %arg2[%arg0, %dma_start3A_368, %dma_start3A_369] : memref<2x10240x128xbf16, #tpu.memory_space<hbm>> -> memref<1x10240x128xbf16, #tpu.memory_space<hbm>>
        %dma_start3A_371 = tpu.memref_squeeze %dma_start3A_370 : memref<1x10240x128xbf16, #tpu.memory_space<hbm>> -> memref<10240x128xbf16, #tpu.memory_space<hbm>>
        %dma_start3A_372 = arith.constant 0 : i32
        %dma_start3A_373 = arith.constant 0 : i32
        %dma_start3A_374 = tpu.memref_slice %dma_start3A_371[%dma_start3A_372, %dma_start3A_373] : memref<10240x128xbf16, #tpu.memory_space<hbm>> -> memref<10240x128xbf16, #tpu.memory_space<hbm>>
        tpu.enqueue_indirect_dma source(%dma_start3A_374 : memref<10240x128xbf16, #tpu.memory_space<hbm>>) target(%dma_start3A_366 : memref<80x128xbf16, #tpu.memory_space<vmem>>) offsets(%dma_start3A_367 : memref<80xi32, #tpu.memory_space<vmem>>) semaphore(%arg14 : memref<!tpu.dma_semaphore, #tpu.memory_space<semaphore_mem>>)
      } else {
      }
      %add3A_315 = arith.constant 4 : i32
      %add3A_316 = arith.addi %add3A_168, %add3A_315 : i32
      %mul3A_317 = arith.constant 80 : i32
      %mul3A_318 = arith.muli %add3A_316, %mul3A_317 : i32
      %dma_wait3A_319 = arith.constant 4 : i32
      %dma_wait3A_320 = arith.constant 0 : i32
      %dma_wait3A_321 = arith.constant 0 : i32
      %dma_wait3A_322 = tpu.memref_slice %arg10[%dma_wait3A_319, %dma_wait3A_320, %dma_wait3A_321] : memref<5x80x128xbf16, #tpu.memory_space<vmem>> -> memref<1x80x128xbf16, #tpu.memory_space<vmem>>
      %dma_wait3A_323 = tpu.memref_squeeze %dma_wait3A_322 : memref<1x80x128xbf16, #tpu.memory_space<vmem>> -> memref<80x128xbf16, #tpu.memory_space<vmem>>
      %dma_wait3A_324 = tpu.memref_slice %arg8[%mul3A_318] : memref<10000xi32, #tpu.memory_space<vmem>> -> memref<80xi32, #tpu.memory_space<vmem>>
      %dma_wait3A_325 = arith.constant 0 : i32
      %dma_wait3A_326 = arith.constant 0 : i32
      %dma_wait3A_327 = tpu.memref_slice %arg2[%arg0, %dma_wait3A_325, %dma_wait3A_326] : memref<2x10240x128xbf16, #tpu.memory_space<hbm>> -> memref<1x10240x128xbf16, #tpu.memory_space<hbm>>
      %dma_wait3A_328 = tpu.memref_squeeze %dma_wait3A_327 : memref<1x10240x128xbf16, #tpu.memory_space<hbm>> -> memref<10240x128xbf16, #tpu.memory_space<hbm>>
      %dma_wait3A_329 = arith.constant 0 : i32
      %dma_wait3A_330 = arith.constant 0 : i32
      %dma_wait3A_331 = tpu.memref_slice %dma_wait3A_328[%dma_wait3A_329, %dma_wait3A_330] : memref<10240x128xbf16, #tpu.memory_space<hbm>> -> memref<10240x128xbf16, #tpu.memory_space<hbm>>
      tpu.wait_indirect_dma semaphore(%arg16 : memref<!tpu.dma_semaphore, #tpu.memory_space<semaphore_mem>>) src(%dma_wait3A_331 : memref<10240x128xbf16, #tpu.memory_space<hbm>>) dst(%dma_wait3A_323 : memref<80x128xbf16, #tpu.memory_space<vmem>>)
      %mul3A_332 = arith.constant 80 : i32
      %mul3A_333 = arith.muli %add3A_316, %mul3A_332 : i32
      %dma_start3A_334 = arith.constant 4 : i32
      %dma_start3A_335 = arith.constant 0 : i32
      %dma_start3A_336 = arith.constant 0 : i32
      %dma_start3A_337 = tpu.memref_slice %arg10[%dma_start3A_334, %dma_start3A_335, %dma_start3A_336] : memref<5x80x128xbf16, #tpu.memory_space<vmem>> -> memref<1x80x128xbf16, #tpu.memory_space<vmem>>
      %dma_start3A_338 = tpu.memref_squeeze %dma_start3A_337 : memref<1x80x128xbf16, #tpu.memory_space<vmem>> -> memref<80x128xbf16, #tpu.memory_space<vmem>>
      %dma_start3A_339 = tpu.memref_slice %arg9[%mul3A_333] : memref<10000xi32, #tpu.memory_space<vmem>> -> memref<80xi32, #tpu.memory_space<vmem>>
      %dma_start3A_340 = arith.constant 0 : i32
      %dma_start3A_341 = arith.constant 0 : i32
      %dma_start3A_342 = tpu.memref_slice %arg11[%dma_start3A_340, %dma_start3A_341] : memref<10240x128xbf16, #tpu.memory_space<vmem_shared>> -> memref<10240x128xbf16, #tpu.memory_space<vmem_shared>>
      tpu.enqueue_indirect_dma source(%dma_start3A_338 : memref<80x128xbf16, #tpu.memory_space<vmem>>) target(%dma_start3A_342 : memref<10240x128xbf16, #tpu.memory_space<vmem_shared>>) offsets(%dma_start3A_339 : memref<80xi32, #tpu.memory_space<vmem>>) semaphore(%arg21 : memref<!tpu.dma_semaphore, #tpu.memory_space<semaphore_mem>>) {add = true}
      %add3A_343 = arith.constant 5 : i32
      %add3A_344 = arith.addi %add3A_316, %add3A_343 : i32
      %sub3A_345 = arith.constant 1 : i32
      %sub3A_346 = arith.subi %add3A_344, %sub3A_345 : i32
      %lt3A_347 = arith.constant 125 : i32
      %lt3A_348 = arith.cmpi slt, %sub3A_346, %lt3A_347 : i32
      %convert_element_type3A_349 = arith.extui %lt3A_348 : i1 to i32
      %cond3A_350 = arith.constant 0 : i32
      %cond3A_351 = arith.cmpi ne, %convert_element_type3A_349, %cond3A_350 : i32
      scf.if %cond3A_351 {
        %gt3A = arith.constant 0 : i32
        %gt3A_352 = arith.cmpi sgt, %add3A_316, %gt3A : i32
        %convert_element_type3A_353 = arith.extui %gt3A_352 : i1 to i32
        %cond3A_354 = arith.constant 0 : i32
        %cond3A_355 = arith.cmpi ne, %convert_element_type3A_353, %cond3A_354 : i32
        scf.if %cond3A_355 {
          %sub3A_375 = arith.constant 1 : i32
          %sub3A_376 = arith.subi %add3A_316, %sub3A_375 : i32
          %mul3A_377 = arith.constant 80 : i32
          %mul3A_378 = arith.muli %sub3A_376, %mul3A_377 : i32
          %dma_wait3A_379 = arith.constant 3 : i32
          %dma_wait3A_380 = arith.constant 0 : i32
          %dma_wait3A_381 = arith.constant 0 : i32
          %dma_wait3A_382 = tpu.memref_slice %arg10[%dma_wait3A_379, %dma_wait3A_380, %dma_wait3A_381] : memref<5x80x128xbf16, #tpu.memory_space<vmem>> -> memref<1x80x128xbf16, #tpu.memory_space<vmem>>
          %dma_wait3A_383 = tpu.memref_squeeze %dma_wait3A_382 : memref<1x80x128xbf16, #tpu.memory_space<vmem>> -> memref<80x128xbf16, #tpu.memory_space<vmem>>
          %dma_wait3A_384 = tpu.memref_slice %arg9[%mul3A_378] : memref<10000xi32, #tpu.memory_space<vmem>> -> memref<80xi32, #tpu.memory_space<vmem>>
          %dma_wait3A_385 = arith.constant 0 : i32
          %dma_wait3A_386 = arith.constant 0 : i32
          %dma_wait3A_387 = tpu.memref_slice %arg11[%dma_wait3A_385, %dma_wait3A_386] : memref<10240x128xbf16, #tpu.memory_space<vmem_shared>> -> memref<10240x128xbf16, #tpu.memory_space<vmem_shared>>
          tpu.wait_indirect_dma semaphore(%arg20 : memref<!tpu.dma_semaphore, #tpu.memory_space<semaphore_mem>>) src(%dma_wait3A_383 : memref<80x128xbf16, #tpu.memory_space<vmem>>) dst(%dma_wait3A_387 : memref<10240x128xbf16, #tpu.memory_space<vmem_shared>>)
        } else {
        }
        %add3A_356 = arith.constant 5 : i32
        %add3A_357 = arith.addi %add3A_316, %add3A_356 : i32
        %sub3A_358 = arith.constant 1 : i32
        %sub3A_359 = arith.subi %add3A_357, %sub3A_358 : i32
        %mul3A_360 = arith.constant 80 : i32
        %mul3A_361 = arith.muli %sub3A_359, %mul3A_360 : i32
        %dma_start3A_362 = arith.constant 3 : i32
        %dma_start3A_363 = arith.constant 0 : i32
        %dma_start3A_364 = arith.constant 0 : i32
        %dma_start3A_365 = tpu.memref_slice %arg10[%dma_start3A_362, %dma_start3A_363, %dma_start3A_364] : memref<5x80x128xbf16, #tpu.memory_space<vmem>> -> memref<1x80x128xbf16, #tpu.memory_space<vmem>>
        %dma_start3A_366 = tpu.memref_squeeze %dma_start3A_365 : memref<1x80x128xbf16, #tpu.memory_space<vmem>> -> memref<80x128xbf16, #tpu.memory_space<vmem>>
        %dma_start3A_367 = tpu.memref_slice %arg8[%mul3A_361] : memref<10000xi32, #tpu.memory_space<vmem>> -> memref<80xi32, #tpu.memory_space<vmem>>
        %dma_start3A_368 = arith.constant 0 : i32
        %dma_start3A_369 = arith.constant 0 : i32
        %dma_start3A_370 = tpu.memref_slice %arg2[%arg0, %dma_start3A_368, %dma_start3A_369] : memref<2x10240x128xbf16, #tpu.memory_space<hbm>> -> memref<1x10240x128xbf16, #tpu.memory_space<hbm>>
        %dma_start3A_371 = tpu.memref_squeeze %dma_start3A_370 : memref<1x10240x128xbf16, #tpu.memory_space<hbm>> -> memref<10240x128xbf16, #tpu.memory_space<hbm>>
        %dma_start3A_372 = arith.constant 0 : i32
        %dma_start3A_373 = arith.constant 0 : i32
        %dma_start3A_374 = tpu.memref_slice %dma_start3A_371[%dma_start3A_372, %dma_start3A_373] : memref<10240x128xbf16, #tpu.memory_space<hbm>> -> memref<10240x128xbf16, #tpu.memory_space<hbm>>
        tpu.enqueue_indirect_dma source(%dma_start3A_374 : memref<10240x128xbf16, #tpu.memory_space<hbm>>) target(%dma_start3A_366 : memref<80x128xbf16, #tpu.memory_space<vmem>>) offsets(%dma_start3A_367 : memref<80xi32, #tpu.memory_space<vmem>>) semaphore(%arg15 : memref<!tpu.dma_semaphore, #tpu.memory_space<semaphore_mem>>)
      } else {
      }
    }
    %scan3A_109 = arith.constant 25 : i32
    %dma_wait3A = arith.constant 0 : i32
    %dma_wait3A_110 = arith.constant 0 : i32
    %dma_wait3A_111 = arith.constant 0 : i32
    %dma_wait3A_112 = tpu.memref_slice %arg10[%dma_wait3A, %dma_wait3A_110, %dma_wait3A_111] : memref<5x80x128xbf16, #tpu.memory_space<vmem>> -> memref<1x80x128xbf16, #tpu.memory_space<vmem>>
    %dma_wait3A_113 = tpu.memref_squeeze %dma_wait3A_112 : memref<1x80x128xbf16, #tpu.memory_space<vmem>> -> memref<80x128xbf16, #tpu.memory_space<vmem>>
    %dma_wait3A_114 = arith.constant 9600 : i32
    %dma_wait3A_115 = tpu.memref_slice %arg9[%dma_wait3A_114] : memref<10000xi32, #tpu.memory_space<vmem>> -> memref<80xi32, #tpu.memory_space<vmem>>
    %dma_wait3A_116 = arith.constant 0 : i32
    %dma_wait3A_117 = arith.constant 0 : i32
    %dma_wait3A_118 = tpu.memref_slice %arg11[%dma_wait3A_116, %dma_wait3A_117] : memref<10240x128xbf16, #tpu.memory_space<vmem_shared>> -> memref<10240x128xbf16, #tpu.memory_space<vmem_shared>>
    tpu.wait_indirect_dma semaphore(%arg17 : memref<!tpu.dma_semaphore, #tpu.memory_space<semaphore_mem>>) src(%dma_wait3A_113 : memref<80x128xbf16, #tpu.memory_space<vmem>>) dst(%dma_wait3A_118 : memref<10240x128xbf16, #tpu.memory_space<vmem_shared>>)
    %dma_wait3A_119 = arith.constant 1 : i32
    %dma_wait3A_120 = arith.constant 0 : i32
    %dma_wait3A_121 = arith.constant 0 : i32
    %dma_wait3A_122 = tpu.memref_slice %arg10[%dma_wait3A_119, %dma_wait3A_120, %dma_wait3A_121] : memref<5x80x128xbf16, #tpu.memory_space<vmem>> -> memref<1x80x128xbf16, #tpu.memory_space<vmem>>
    %dma_wait3A_123 = tpu.memref_squeeze %dma_wait3A_122 : memref<1x80x128xbf16, #tpu.memory_space<vmem>> -> memref<80x128xbf16, #tpu.memory_space<vmem>>
    %dma_wait3A_124 = arith.constant 9680 : i32
    %dma_wait3A_125 = tpu.memref_slice %arg9[%dma_wait3A_124] : memref<10000xi32, #tpu.memory_space<vmem>> -> memref<80xi32, #tpu.memory_space<vmem>>
    %dma_wait3A_126 = arith.constant 0 : i32
    %dma_wait3A_127 = arith.constant 0 : i32
    %dma_wait3A_128 = tpu.memref_slice %arg11[%dma_wait3A_126, %dma_wait3A_127] : memref<10240x128xbf16, #tpu.memory_space<vmem_shared>> -> memref<10240x128xbf16, #tpu.memory_space<vmem_shared>>
    tpu.wait_indirect_dma semaphore(%arg18 : memref<!tpu.dma_semaphore, #tpu.memory_space<semaphore_mem>>) src(%dma_wait3A_123 : memref<80x128xbf16, #tpu.memory_space<vmem>>) dst(%dma_wait3A_128 : memref<10240x128xbf16, #tpu.memory_space<vmem_shared>>)
    %dma_wait3A_129 = arith.constant 2 : i32
    %dma_wait3A_130 = arith.constant 0 : i32
    %dma_wait3A_131 = arith.constant 0 : i32
    %dma_wait3A_132 = tpu.memref_slice %arg10[%dma_wait3A_129, %dma_wait3A_130, %dma_wait3A_131] : memref<5x80x128xbf16, #tpu.memory_space<vmem>> -> memref<1x80x128xbf16, #tpu.memory_space<vmem>>
    %dma_wait3A_133 = tpu.memref_squeeze %dma_wait3A_132 : memref<1x80x128xbf16, #tpu.memory_space<vmem>> -> memref<80x128xbf16, #tpu.memory_space<vmem>>
    %dma_wait3A_134 = arith.constant 9760 : i32
    %dma_wait3A_135 = tpu.memref_slice %arg9[%dma_wait3A_134] : memref<10000xi32, #tpu.memory_space<vmem>> -> memref<80xi32, #tpu.memory_space<vmem>>
    %dma_wait3A_136 = arith.constant 0 : i32
    %dma_wait3A_137 = arith.constant 0 : i32
    %dma_wait3A_138 = tpu.memref_slice %arg11[%dma_wait3A_136, %dma_wait3A_137] : memref<10240x128xbf16, #tpu.memory_space<vmem_shared>> -> memref<10240x128xbf16, #tpu.memory_space<vmem_shared>>
    tpu.wait_indirect_dma semaphore(%arg19 : memref<!tpu.dma_semaphore, #tpu.memory_space<semaphore_mem>>) src(%dma_wait3A_133 : memref<80x128xbf16, #tpu.memory_space<vmem>>) dst(%dma_wait3A_138 : memref<10240x128xbf16, #tpu.memory_space<vmem_shared>>)
    %dma_wait3A_139 = arith.constant 3 : i32
    %dma_wait3A_140 = arith.constant 0 : i32
    %dma_wait3A_141 = arith.constant 0 : i32
    %dma_wait3A_142 = tpu.memref_slice %arg10[%dma_wait3A_139, %dma_wait3A_140, %dma_wait3A_141] : memref<5x80x128xbf16, #tpu.memory_space<vmem>> -> memref<1x80x128xbf16, #tpu.memory_space<vmem>>
    %dma_wait3A_143 = tpu.memref_squeeze %dma_wait3A_142 : memref<1x80x128xbf16, #tpu.memory_space<vmem>> -> memref<80x128xbf16, #tpu.memory_space<vmem>>
    %dma_wait3A_144 = arith.constant 9840 : i32
    %dma_wait3A_145 = tpu.memref_slice %arg9[%dma_wait3A_144] : memref<10000xi32, #tpu.memory_space<vmem>> -> memref<80xi32, #tpu.memory_space<vmem>>
    %dma_wait3A_146 = arith.constant 0 : i32
    %dma_wait3A_147 = arith.constant 0 : i32
    %dma_wait3A_148 = tpu.memref_slice %arg11[%dma_wait3A_146, %dma_wait3A_147] : memref<10240x128xbf16, #tpu.memory_space<vmem_shared>> -> memref<10240x128xbf16, #tpu.memory_space<vmem_shared>>
    tpu.wait_indirect_dma semaphore(%arg20 : memref<!tpu.dma_semaphore, #tpu.memory_space<semaphore_mem>>) src(%dma_wait3A_143 : memref<80x128xbf16, #tpu.memory_space<vmem>>) dst(%dma_wait3A_148 : memref<10240x128xbf16, #tpu.memory_space<vmem_shared>>)
    %dma_wait3A_149 = arith.constant 4 : i32
    %dma_wait3A_150 = arith.constant 0 : i32
    %dma_wait3A_151 = arith.constant 0 : i32
    %dma_wait3A_152 = tpu.memref_slice %arg10[%dma_wait3A_149, %dma_wait3A_150, %dma_wait3A_151] : memref<5x80x128xbf16, #tpu.memory_space<vmem>> -> memref<1x80x128xbf16, #tpu.memory_space<vmem>>
    %dma_wait3A_153 = tpu.memref_squeeze %dma_wait3A_152 : memref<1x80x128xbf16, #tpu.memory_space<vmem>> -> memref<80x128xbf16, #tpu.memory_space<vmem>>
    %dma_wait3A_154 = arith.constant 9920 : i32
    %dma_wait3A_155 = tpu.memref_slice %arg9[%dma_wait3A_154] : memref<10000xi32, #tpu.memory_space<vmem>> -> memref<80xi32, #tpu.memory_space<vmem>>
    %dma_wait3A_156 = arith.constant 0 : i32
    %dma_wait3A_157 = arith.constant 0 : i32
    %dma_wait3A_158 = tpu.memref_slice %arg11[%dma_wait3A_156, %dma_wait3A_157] : memref<10240x128xbf16, #tpu.memory_space<vmem_shared>> -> memref<10240x128xbf16, #tpu.memory_space<vmem_shared>>
    tpu.wait_indirect_dma semaphore(%arg21 : memref<!tpu.dma_semaphore, #tpu.memory_space<semaphore_mem>>) src(%dma_wait3A_153 : memref<80x128xbf16, #tpu.memory_space<vmem>>) dst(%dma_wait3A_158 : memref<10240x128xbf16, #tpu.memory_space<vmem_shared>>)
    %barrier3A_159 = arith.constant 0 : index
    tpu.barrier barrier_id(%barrier3A_159)
    %mul3A_160 = arith.constant 640 : i32
    %mul3A_161 = arith.muli %arg1, %mul3A_160 : i32
    %mul3A_162 = arith.constant 640 : i32
    %mul3A_163 = arith.muli %arg1, %mul3A_162 : i32
    "tpu.region"() ({
      %run_scoped3A_164 = tpu.sem_alloc : memref<!tpu.dma_semaphore, #tpu.memory_space<semaphore_mem>>
      %dma_start3A_165 = arith.constant 0 : i32
      %dma_start3A_166 = tpu.memref_slice %arg7[%arg0, %mul3A_163, %dma_start3A_165] : memref<2x10240x128xbf16, #tpu.memory_space<hbm>> -> memref<1x640x128xbf16, #tpu.memory_space<hbm>>
      %dma_start3A_167 = tpu.memref_squeeze %dma_start3A_166 : memref<1x640x128xbf16, #tpu.memory_space<hbm>> -> memref<640x128xbf16, #tpu.memory_space<hbm>>
      %dma_start3A_168 = arith.constant 0 : i32
      %dma_start3A_169 = tpu.memref_slice %arg11[%mul3A_161, %dma_start3A_168] : memref<10240x128xbf16, #tpu.memory_space<vmem_shared>> -> memref<640x128xbf16, #tpu.memory_space<vmem_shared>>
      tpu.enqueue_dma source(%dma_start3A_169 : memref<640x128xbf16, #tpu.memory_space<vmem_shared>>) target(%dma_start3A_167 : memref<640x128xbf16, #tpu.memory_space<hbm>>) target_semaphore(%run_scoped3A_164 : memref<!tpu.dma_semaphore, #tpu.memory_space<semaphore_mem>>)
      %dma_wait3A_170 = arith.constant 0 : i32
      %dma_wait3A_171 = tpu.memref_slice %arg7[%arg0, %mul3A_163, %dma_wait3A_170] : memref<2x10240x128xbf16, #tpu.memory_space<hbm>> -> memref<1x640x128xbf16, #tpu.memory_space<hbm>>
      %dma_wait3A_172 = tpu.memref_squeeze %dma_wait3A_171 : memref<1x640x128xbf16, #tpu.memory_space<hbm>> -> memref<640x128xbf16, #tpu.memory_space<hbm>>
      %dma_wait3A_173 = arith.constant 0 : i32
      %dma_wait3A_174 = tpu.memref_slice %arg11[%mul3A_161, %dma_wait3A_173] : memref<10240x128xbf16, #tpu.memory_space<vmem_shared>> -> memref<640x128xbf16, #tpu.memory_space<vmem_shared>>
      tpu.wait_dma2 semaphore(%run_scoped3A_164 : memref<!tpu.dma_semaphore, #tpu.memory_space<semaphore_mem>>) src(%dma_wait3A_174 : memref<640x128xbf16, #tpu.memory_space<vmem_shared>>) dst(%dma_wait3A_172 : memref<640x128xbf16, #tpu.memory_space<hbm>>)
      tpu.yield
    }) : () -> ()
    return
  }
}

#map = affine_map<(d0, d1) -> (0)>
#map1 = affine_map<(d0, d1) -> (0, 0, 0)>
module attributes {stable_mosaic.version = 14 : i64} {
  func.func @k(%arg0: i32, %arg1: i32, %arg2: memref<160000xi32, #tpu.memory_space<hbm>>, %arg3: memref<160000xi32, #tpu.memory_space<hbm>>, %arg4: memref<160000xi32, #tpu.memory_space<hbm>>, %arg5: memref<160000xi32, #tpu.memory_space<hbm>>, %arg6: memref<2x2x10240xf32, #tpu.memory_space<hbm>>, %arg7: memref<10000xi32, #tpu.memory_space<vmem>>, %arg8: memref<10000xi32, #tpu.memory_space<vmem>>, %arg9: memref<80xf32, #tpu.memory_space<vmem>>, %arg10: memref<640xf32, #tpu.memory_space<vmem>>, %arg11: memref<10240xf32, #tpu.memory_space<vmem_shared>>, %arg12: memref<10240xf32, #tpu.memory_space<vmem_shared>>, %arg13: memref<!tpu.dma_semaphore, #tpu.memory_space<semaphore_mem>>, %arg14: memref<!tpu.dma_semaphore, #tpu.memory_space<semaphore_mem>>, %arg15: memref<!tpu.dma_semaphore, #tpu.memory_space<semaphore_mem>>, %arg16: memref<!tpu.dma_semaphore, #tpu.memory_space<semaphore_mem>>, %arg17: memref<!tpu.dma_semaphore, #tpu.memory_space<semaphore_mem>>) attributes {dimension_semantics = [#tpu.dimension_semantics<core_parallel>, #tpu.dimension_semantics<subcore_parallel>], iteration_bounds = array<i64: 2, 16>, scalar_prefetch = 0 : i64, scratch_operands = 11 : i64, tpu.core_type = #tpu.core_type<sc_vector_subcore>, window_params = [{transform_indices = #map}, {transform_indices = #map}, {transform_indices = #map}, {transform_indices = #map}, {transform_indices = #map1}]} {
    %broadcast_in_dim3A = arith.constant 0.000000e+00 : f32
    %broadcast_in_dim3A_0 = vector.broadcast %broadcast_in_dim3A : f32 to vector<16xf32>
    %swap3A = arith.constant 0 : index
    %swap3A_1 = tpu.vector_load %arg10[%swap3A] {strides = array<i32>} : memref<640xf32, #tpu.memory_space<vmem>>, vector<16xf32>,
    %swap3A_2 = vector.shape_cast %swap3A_1 : vector<16xf32> to vector<16xf32>
    %swap3A_3 = vector.shape_cast %broadcast_in_dim3A_0 : vector<16xf32> to vector<16xf32>
    tpu.vector_store %arg10[%swap3A], %swap3A_3 {strides = array<i32>} : memref<640xf32, #tpu.memory_space<vmem>>, vector<16xf32>,
    %broadcast_in_dim3A_4 = arith.constant 0.000000e+00 : f32
    %broadcast_in_dim3A_5 = vector.broadcast %broadcast_in_dim3A_4 : f32 to vector<16xf32>
    %swap3A_6 = arith.constant 16 : index
    %swap3A_7 = tpu.vector_load %arg10[%swap3A_6] {strides = array<i32>} : memref<640xf32, #tpu.memory_space<vmem>>, vector<16xf32>,
    %swap3A_8 = vector.shape_cast %swap3A_7 : vector<16xf32> to vector<16xf32>
    %swap3A_9 = vector.shape_cast %broadcast_in_dim3A_5 : vector<16xf32> to vector<16xf32>
    tpu.vector_store %arg10[%swap3A_6], %swap3A_9 {strides = array<i32>} : memref<640xf32, #tpu.memory_space<vmem>>, vector<16xf32>,
    %broadcast_in_dim3A_10 = arith.constant 0.000000e+00 : f32
    %broadcast_in_dim3A_11 = vector.broadcast %broadcast_in_dim3A_10 : f32 to vector<16xf32>
    %swap3A_12 = arith.constant 32 : index
    %swap3A_13 = tpu.vector_load %arg10[%swap3A_12] {strides = array<i32>} : memref<640xf32, #tpu.memory_space<vmem>>, vector<16xf32>,
    %swap3A_14 = vector.shape_cast %swap3A_13 : vector<16xf32> to vector<16xf32>
    %swap3A_15 = vector.shape_cast %broadcast_in_dim3A_11 : vector<16xf32> to vector<16xf32>
    tpu.vector_store %arg10[%swap3A_12], %swap3A_15 {strides = array<i32>} : memref<640xf32, #tpu.memory_space<vmem>>, vector<16xf32>,
    %broadcast_in_dim3A_16 = arith.constant 0.000000e+00 : f32
    %broadcast_in_dim3A_17 = vector.broadcast %broadcast_in_dim3A_16 : f32 to vector<16xf32>
    %swap3A_18 = arith.constant 48 : index
    %swap3A_19 = tpu.vector_load %arg10[%swap3A_18] {strides = array<i32>} : memref<640xf32, #tpu.memory_space<vmem>>, vector<16xf32>,
    %swap3A_20 = vector.shape_cast %swap3A_19 : vector<16xf32> to vector<16xf32>
    %swap3A_21 = vector.shape_cast %broadcast_in_dim3A_17 : vector<16xf32> to vector<16xf32>
    tpu.vector_store %arg10[%swap3A_18], %swap3A_21 {strides = array<i32>} : memref<640xf32, #tpu.memory_space<vmem>>, vector<16xf32>,
    %broadcast_in_dim3A_22 = arith.constant 0.000000e+00 : f32
    %broadcast_in_dim3A_23 = vector.broadcast %broadcast_in_dim3A_22 : f32 to vector<16xf32>
    %swap3A_24 = arith.constant 64 : index
    %swap3A_25 = tpu.vector_load %arg10[%swap3A_24] {strides = array<i32>} : memref<640xf32, #tpu.memory_space<vmem>>, vector<16xf32>,
    %swap3A_26 = vector.shape_cast %swap3A_25 : vector<16xf32> to vector<16xf32>
    %swap3A_27 = vector.shape_cast %broadcast_in_dim3A_23 : vector<16xf32> to vector<16xf32>
    tpu.vector_store %arg10[%swap3A_24], %swap3A_27 {strides = array<i32>} : memref<640xf32, #tpu.memory_space<vmem>>, vector<16xf32>,
    %broadcast_in_dim3A_28 = arith.constant 0.000000e+00 : f32
    %broadcast_in_dim3A_29 = vector.broadcast %broadcast_in_dim3A_28 : f32 to vector<16xf32>
    %swap3A_30 = arith.constant 80 : index
    %swap3A_31 = tpu.vector_load %arg10[%swap3A_30] {strides = array<i32>} : memref<640xf32, #tpu.memory_space<vmem>>, vector<16xf32>,
    %swap3A_32 = vector.shape_cast %swap3A_31 : vector<16xf32> to vector<16xf32>
    %swap3A_33 = vector.shape_cast %broadcast_in_dim3A_29 : vector<16xf32> to vector<16xf32>
    tpu.vector_store %arg10[%swap3A_30], %swap3A_33 {strides = array<i32>} : memref<640xf32, #tpu.memory_space<vmem>>, vector<16xf32>,
    %broadcast_in_dim3A_34 = arith.constant 0.000000e+00 : f32
    %broadcast_in_dim3A_35 = vector.broadcast %broadcast_in_dim3A_34 : f32 to vector<16xf32>
    %swap3A_36 = arith.constant 96 : index
    %swap3A_37 = tpu.vector_load %arg10[%swap3A_36] {strides = array<i32>} : memref<640xf32, #tpu.memory_space<vmem>>, vector<16xf32>,
    %swap3A_38 = vector.shape_cast %swap3A_37 : vector<16xf32> to vector<16xf32>
    %swap3A_39 = vector.shape_cast %broadcast_in_dim3A_35 : vector<16xf32> to vector<16xf32>
    tpu.vector_store %arg10[%swap3A_36], %swap3A_39 {strides = array<i32>} : memref<640xf32, #tpu.memory_space<vmem>>, vector<16xf32>,
    %broadcast_in_dim3A_40 = arith.constant 0.000000e+00 : f32
    %broadcast_in_dim3A_41 = vector.broadcast %broadcast_in_dim3A_40 : f32 to vector<16xf32>
    %swap3A_42 = arith.constant 112 : index
    %swap3A_43 = tpu.vector_load %arg10[%swap3A_42] {strides = array<i32>} : memref<640xf32, #tpu.memory_space<vmem>>, vector<16xf32>,
    %swap3A_44 = vector.shape_cast %swap3A_43 : vector<16xf32> to vector<16xf32>
    %swap3A_45 = vector.shape_cast %broadcast_in_dim3A_41 : vector<16xf32> to vector<16xf32>
    tpu.vector_store %arg10[%swap3A_42], %swap3A_45 {strides = array<i32>} : memref<640xf32, #tpu.memory_space<vmem>>, vector<16xf32>,
    %broadcast_in_dim3A_46 = arith.constant 0.000000e+00 : f32
    %broadcast_in_dim3A_47 = vector.broadcast %broadcast_in_dim3A_46 : f32 to vector<16xf32>
    %swap3A_48 = arith.constant 128 : index
    %swap3A_49 = tpu.vector_load %arg10[%swap3A_48] {strides = array<i32>} : memref<640xf32, #tpu.memory_space<vmem>>, vector<16xf32>,
    %swap3A_50 = vector.shape_cast %swap3A_49 : vector<16xf32> to vector<16xf32>
    %swap3A_51 = vector.shape_cast %broadcast_in_dim3A_47 : vector<16xf32> to vector<16xf32>
    tpu.vector_store %arg10[%swap3A_48], %swap3A_51 {strides = array<i32>} : memref<640xf32, #tpu.memory_space<vmem>>, vector<16xf32>,
    %broadcast_in_dim3A_52 = arith.constant 0.000000e+00 : f32
    %broadcast_in_dim3A_53 = vector.broadcast %broadcast_in_dim3A_52 : f32 to vector<16xf32>
    %swap3A_54 = arith.constant 144 : index
    %swap3A_55 = tpu.vector_load %arg10[%swap3A_54] {strides = array<i32>} : memref<640xf32, #tpu.memory_space<vmem>>, vector<16xf32>,
    %swap3A_56 = vector.shape_cast %swap3A_55 : vector<16xf32> to vector<16xf32>
    %swap3A_57 = vector.shape_cast %broadcast_in_dim3A_53 : vector<16xf32> to vector<16xf32>
    tpu.vector_store %arg10[%swap3A_54], %swap3A_57 {strides = array<i32>} : memref<640xf32, #tpu.memory_space<vmem>>, vector<16xf32>,
    %broadcast_in_dim3A_58 = arith.constant 0.000000e+00 : f32
    %broadcast_in_dim3A_59 = vector.broadcast %broadcast_in_dim3A_58 : f32 to vector<16xf32>
    %swap3A_60 = arith.constant 160 : index
    %swap3A_61 = tpu.vector_load %arg10[%swap3A_60] {strides = array<i32>} : memref<640xf32, #tpu.memory_space<vmem>>, vector<16xf32>,
    %swap3A_62 = vector.shape_cast %swap3A_61 : vector<16xf32> to vector<16xf32>
    %swap3A_63 = vector.shape_cast %broadcast_in_dim3A_59 : vector<16xf32> to vector<16xf32>
    tpu.vector_store %arg10[%swap3A_60], %swap3A_63 {strides = array<i32>} : memref<640xf32, #tpu.memory_space<vmem>>, vector<16xf32>,
    %broadcast_in_dim3A_64 = arith.constant 0.000000e+00 : f32
    %broadcast_in_dim3A_65 = vector.broadcast %broadcast_in_dim3A_64 : f32 to vector<16xf32>
    %swap3A_66 = arith.constant 176 : index
    %swap3A_67 = tpu.vector_load %arg10[%swap3A_66] {strides = array<i32>} : memref<640xf32, #tpu.memory_space<vmem>>, vector<16xf32>,
    %swap3A_68 = vector.shape_cast %swap3A_67 : vector<16xf32> to vector<16xf32>
    %swap3A_69 = vector.shape_cast %broadcast_in_dim3A_65 : vector<16xf32> to vector<16xf32>
    tpu.vector_store %arg10[%swap3A_66], %swap3A_69 {strides = array<i32>} : memref<640xf32, #tpu.memory_space<vmem>>, vector<16xf32>,
    %broadcast_in_dim3A_70 = arith.constant 0.000000e+00 : f32
    %broadcast_in_dim3A_71 = vector.broadcast %broadcast_in_dim3A_70 : f32 to vector<16xf32>
    %swap3A_72 = arith.constant 192 : index
    %swap3A_73 = tpu.vector_load %arg10[%swap3A_72] {strides = array<i32>} : memref<640xf32, #tpu.memory_space<vmem>>, vector<16xf32>,
    %swap3A_74 = vector.shape_cast %swap3A_73 : vector<16xf32> to vector<16xf32>
    %swap3A_75 = vector.shape_cast %broadcast_in_dim3A_71 : vector<16xf32> to vector<16xf32>
    tpu.vector_store %arg10[%swap3A_72], %swap3A_75 {strides = array<i32>} : memref<640xf32, #tpu.memory_space<vmem>>, vector<16xf32>,
    %broadcast_in_dim3A_76 = arith.constant 0.000000e+00 : f32
    %broadcast_in_dim3A_77 = vector.broadcast %broadcast_in_dim3A_76 : f32 to vector<16xf32>
    %swap3A_78 = arith.constant 208 : index
    %swap3A_79 = tpu.vector_load %arg10[%swap3A_78] {strides = array<i32>} : memref<640xf32, #tpu.memory_space<vmem>>, vector<16xf32>,
    %swap3A_80 = vector.shape_cast %swap3A_79 : vector<16xf32> to vector<16xf32>
    %swap3A_81 = vector.shape_cast %broadcast_in_dim3A_77 : vector<16xf32> to vector<16xf32>
    tpu.vector_store %arg10[%swap3A_78], %swap3A_81 {strides = array<i32>} : memref<640xf32, #tpu.memory_space<vmem>>, vector<16xf32>,
    %broadcast_in_dim3A_82 = arith.constant 0.000000e+00 : f32
    %broadcast_in_dim3A_83 = vector.broadcast %broadcast_in_dim3A_82 : f32 to vector<16xf32>
    %swap3A_84 = arith.constant 224 : index
    %swap3A_85 = tpu.vector_load %arg10[%swap3A_84] {strides = array<i32>} : memref<640xf32, #tpu.memory_space<vmem>>, vector<16xf32>,
    %swap3A_86 = vector.shape_cast %swap3A_85 : vector<16xf32> to vector<16xf32>
    %swap3A_87 = vector.shape_cast %broadcast_in_dim3A_83 : vector<16xf32> to vector<16xf32>
    tpu.vector_store %arg10[%swap3A_84], %swap3A_87 {strides = array<i32>} : memref<640xf32, #tpu.memory_space<vmem>>, vector<16xf32>,
    %broadcast_in_dim3A_88 = arith.constant 0.000000e+00 : f32
    %broadcast_in_dim3A_89 = vector.broadcast %broadcast_in_dim3A_88 : f32 to vector<16xf32>
    %swap3A_90 = arith.constant 240 : index
    %swap3A_91 = tpu.vector_load %arg10[%swap3A_90] {strides = array<i32>} : memref<640xf32, #tpu.memory_space<vmem>>, vector<16xf32>,
    %swap3A_92 = vector.shape_cast %swap3A_91 : vector<16xf32> to vector<16xf32>
    %swap3A_93 = vector.shape_cast %broadcast_in_dim3A_89 : vector<16xf32> to vector<16xf32>
    tpu.vector_store %arg10[%swap3A_90], %swap3A_93 {strides = array<i32>} : memref<640xf32, #tpu.memory_space<vmem>>, vector<16xf32>,
    %broadcast_in_dim3A_94 = arith.constant 0.000000e+00 : f32
    %broadcast_in_dim3A_95 = vector.broadcast %broadcast_in_dim3A_94 : f32 to vector<16xf32>
    %swap3A_96 = arith.constant 256 : index
    %swap3A_97 = tpu.vector_load %arg10[%swap3A_96] {strides = array<i32>} : memref<640xf32, #tpu.memory_space<vmem>>, vector<16xf32>,
    %swap3A_98 = vector.shape_cast %swap3A_97 : vector<16xf32> to vector<16xf32>
    %swap3A_99 = vector.shape_cast %broadcast_in_dim3A_95 : vector<16xf32> to vector<16xf32>
    tpu.vector_store %arg10[%swap3A_96], %swap3A_99 {strides = array<i32>} : memref<640xf32, #tpu.memory_space<vmem>>, vector<16xf32>,
    %broadcast_in_dim3A_100 = arith.constant 0.000000e+00 : f32
    %broadcast_in_dim3A_101 = vector.broadcast %broadcast_in_dim3A_100 : f32 to vector<16xf32>
    %swap3A_102 = arith.constant 272 : index
    %swap3A_103 = tpu.vector_load %arg10[%swap3A_102] {strides = array<i32>} : memref<640xf32, #tpu.memory_space<vmem>>, vector<16xf32>,
    %swap3A_104 = vector.shape_cast %swap3A_103 : vector<16xf32> to vector<16xf32>
    %swap3A_105 = vector.shape_cast %broadcast_in_dim3A_101 : vector<16xf32> to vector<16xf32>
    tpu.vector_store %arg10[%swap3A_102], %swap3A_105 {strides = array<i32>} : memref<640xf32, #tpu.memory_space<vmem>>, vector<16xf32>,
    %broadcast_in_dim3A_106 = arith.constant 0.000000e+00 : f32
    %broadcast_in_dim3A_107 = vector.broadcast %broadcast_in_dim3A_106 : f32 to vector<16xf32>
    %swap3A_108 = arith.constant 288 : index
    %swap3A_109 = tpu.vector_load %arg10[%swap3A_108] {strides = array<i32>} : memref<640xf32, #tpu.memory_space<vmem>>, vector<16xf32>,
    %swap3A_110 = vector.shape_cast %swap3A_109 : vector<16xf32> to vector<16xf32>
    %swap3A_111 = vector.shape_cast %broadcast_in_dim3A_107 : vector<16xf32> to vector<16xf32>
    tpu.vector_store %arg10[%swap3A_108], %swap3A_111 {strides = array<i32>} : memref<640xf32, #tpu.memory_space<vmem>>, vector<16xf32>,
    %broadcast_in_dim3A_112 = arith.constant 0.000000e+00 : f32
    %broadcast_in_dim3A_113 = vector.broadcast %broadcast_in_dim3A_112 : f32 to vector<16xf32>
    %swap3A_114 = arith.constant 304 : index
    %swap3A_115 = tpu.vector_load %arg10[%swap3A_114] {strides = array<i32>} : memref<640xf32, #tpu.memory_space<vmem>>, vector<16xf32>,
    %swap3A_116 = vector.shape_cast %swap3A_115 : vector<16xf32> to vector<16xf32>
    %swap3A_117 = vector.shape_cast %broadcast_in_dim3A_113 : vector<16xf32> to vector<16xf32>
    tpu.vector_store %arg10[%swap3A_114], %swap3A_117 {strides = array<i32>} : memref<640xf32, #tpu.memory_space<vmem>>, vector<16xf32>,
    %broadcast_in_dim3A_118 = arith.constant 0.000000e+00 : f32
    %broadcast_in_dim3A_119 = vector.broadcast %broadcast_in_dim3A_118 : f32 to vector<16xf32>
    %swap3A_120 = arith.constant 320 : index
    %swap3A_121 = tpu.vector_load %arg10[%swap3A_120] {strides = array<i32>} : memref<640xf32, #tpu.memory_space<vmem>>, vector<16xf32>,
    %swap3A_122 = vector.shape_cast %swap3A_121 : vector<16xf32> to vector<16xf32>
    %swap3A_123 = vector.shape_cast %broadcast_in_dim3A_119 : vector<16xf32> to vector<16xf32>
    tpu.vector_store %arg10[%swap3A_120], %swap3A_123 {strides = array<i32>} : memref<640xf32, #tpu.memory_space<vmem>>, vector<16xf32>,
    %broadcast_in_dim3A_124 = arith.constant 0.000000e+00 : f32
    %broadcast_in_dim3A_125 = vector.broadcast %broadcast_in_dim3A_124 : f32 to vector<16xf32>
    %swap3A_126 = arith.constant 336 : index
    %swap3A_127 = tpu.vector_load %arg10[%swap3A_126] {strides = array<i32>} : memref<640xf32, #tpu.memory_space<vmem>>, vector<16xf32>,
    %swap3A_128 = vector.shape_cast %swap3A_127 : vector<16xf32> to vector<16xf32>
    %swap3A_129 = vector.shape_cast %broadcast_in_dim3A_125 : vector<16xf32> to vector<16xf32>
    tpu.vector_store %arg10[%swap3A_126], %swap3A_129 {strides = array<i32>} : memref<640xf32, #tpu.memory_space<vmem>>, vector<16xf32>,
    %broadcast_in_dim3A_130 = arith.constant 0.000000e+00 : f32
    %broadcast_in_dim3A_131 = vector.broadcast %broadcast_in_dim3A_130 : f32 to vector<16xf32>
    %swap3A_132 = arith.constant 352 : index
    %swap3A_133 = tpu.vector_load %arg10[%swap3A_132] {strides = array<i32>} : memref<640xf32, #tpu.memory_space<vmem>>, vector<16xf32>,
    %swap3A_134 = vector.shape_cast %swap3A_133 : vector<16xf32> to vector<16xf32>
    %swap3A_135 = vector.shape_cast %broadcast_in_dim3A_131 : vector<16xf32> to vector<16xf32>
    tpu.vector_store %arg10[%swap3A_132], %swap3A_135 {strides = array<i32>} : memref<640xf32, #tpu.memory_space<vmem>>, vector<16xf32>,
    %broadcast_in_dim3A_136 = arith.constant 0.000000e+00 : f32
    %broadcast_in_dim3A_137 = vector.broadcast %broadcast_in_dim3A_136 : f32 to vector<16xf32>
    %swap3A_138 = arith.constant 368 : index
    %swap3A_139 = tpu.vector_load %arg10[%swap3A_138] {strides = array<i32>} : memref<640xf32, #tpu.memory_space<vmem>>, vector<16xf32>,
    %swap3A_140 = vector.shape_cast %swap3A_139 : vector<16xf32> to vector<16xf32>
    %swap3A_141 = vector.shape_cast %broadcast_in_dim3A_137 : vector<16xf32> to vector<16xf32>
    tpu.vector_store %arg10[%swap3A_138], %swap3A_141 {strides = array<i32>} : memref<640xf32, #tpu.memory_space<vmem>>, vector<16xf32>,
    %broadcast_in_dim3A_142 = arith.constant 0.000000e+00 : f32
    %broadcast_in_dim3A_143 = vector.broadcast %broadcast_in_dim3A_142 : f32 to vector<16xf32>
    %swap3A_144 = arith.constant 384 : index
    %swap3A_145 = tpu.vector_load %arg10[%swap3A_144] {strides = array<i32>} : memref<640xf32, #tpu.memory_space<vmem>>, vector<16xf32>,
    %swap3A_146 = vector.shape_cast %swap3A_145 : vector<16xf32> to vector<16xf32>
    %swap3A_147 = vector.shape_cast %broadcast_in_dim3A_143 : vector<16xf32> to vector<16xf32>
    tpu.vector_store %arg10[%swap3A_144], %swap3A_147 {strides = array<i32>} : memref<640xf32, #tpu.memory_space<vmem>>, vector<16xf32>,
    %broadcast_in_dim3A_148 = arith.constant 0.000000e+00 : f32
    %broadcast_in_dim3A_149 = vector.broadcast %broadcast_in_dim3A_148 : f32 to vector<16xf32>
    %swap3A_150 = arith.constant 400 : index
    %swap3A_151 = tpu.vector_load %arg10[%swap3A_150] {strides = array<i32>} : memref<640xf32, #tpu.memory_space<vmem>>, vector<16xf32>,
    %swap3A_152 = vector.shape_cast %swap3A_151 : vector<16xf32> to vector<16xf32>
    %swap3A_153 = vector.shape_cast %broadcast_in_dim3A_149 : vector<16xf32> to vector<16xf32>
    tpu.vector_store %arg10[%swap3A_150], %swap3A_153 {strides = array<i32>} : memref<640xf32, #tpu.memory_space<vmem>>, vector<16xf32>,
    %broadcast_in_dim3A_154 = arith.constant 0.000000e+00 : f32
    %broadcast_in_dim3A_155 = vector.broadcast %broadcast_in_dim3A_154 : f32 to vector<16xf32>
    %swap3A_156 = arith.constant 416 : index
    %swap3A_157 = tpu.vector_load %arg10[%swap3A_156] {strides = array<i32>} : memref<640xf32, #tpu.memory_space<vmem>>, vector<16xf32>,
    %swap3A_158 = vector.shape_cast %swap3A_157 : vector<16xf32> to vector<16xf32>
    %swap3A_159 = vector.shape_cast %broadcast_in_dim3A_155 : vector<16xf32> to vector<16xf32>
    tpu.vector_store %arg10[%swap3A_156], %swap3A_159 {strides = array<i32>} : memref<640xf32, #tpu.memory_space<vmem>>, vector<16xf32>,
    %broadcast_in_dim3A_160 = arith.constant 0.000000e+00 : f32
    %broadcast_in_dim3A_161 = vector.broadcast %broadcast_in_dim3A_160 : f32 to vector<16xf32>
    %swap3A_162 = arith.constant 432 : index
    %swap3A_163 = tpu.vector_load %arg10[%swap3A_162] {strides = array<i32>} : memref<640xf32, #tpu.memory_space<vmem>>, vector<16xf32>,
    %swap3A_164 = vector.shape_cast %swap3A_163 : vector<16xf32> to vector<16xf32>
    %swap3A_165 = vector.shape_cast %broadcast_in_dim3A_161 : vector<16xf32> to vector<16xf32>
    tpu.vector_store %arg10[%swap3A_162], %swap3A_165 {strides = array<i32>} : memref<640xf32, #tpu.memory_space<vmem>>, vector<16xf32>,
    %broadcast_in_dim3A_166 = arith.constant 0.000000e+00 : f32
    %broadcast_in_dim3A_167 = vector.broadcast %broadcast_in_dim3A_166 : f32 to vector<16xf32>
    %swap3A_168 = arith.constant 448 : index
    %swap3A_169 = tpu.vector_load %arg10[%swap3A_168] {strides = array<i32>} : memref<640xf32, #tpu.memory_space<vmem>>, vector<16xf32>,
    %swap3A_170 = vector.shape_cast %swap3A_169 : vector<16xf32> to vector<16xf32>
    %swap3A_171 = vector.shape_cast %broadcast_in_dim3A_167 : vector<16xf32> to vector<16xf32>
    tpu.vector_store %arg10[%swap3A_168], %swap3A_171 {strides = array<i32>} : memref<640xf32, #tpu.memory_space<vmem>>, vector<16xf32>,
    %broadcast_in_dim3A_172 = arith.constant 0.000000e+00 : f32
    %broadcast_in_dim3A_173 = vector.broadcast %broadcast_in_dim3A_172 : f32 to vector<16xf32>
    %swap3A_174 = arith.constant 464 : index
    %swap3A_175 = tpu.vector_load %arg10[%swap3A_174] {strides = array<i32>} : memref<640xf32, #tpu.memory_space<vmem>>, vector<16xf32>,
    %swap3A_176 = vector.shape_cast %swap3A_175 : vector<16xf32> to vector<16xf32>
    %swap3A_177 = vector.shape_cast %broadcast_in_dim3A_173 : vector<16xf32> to vector<16xf32>
    tpu.vector_store %arg10[%swap3A_174], %swap3A_177 {strides = array<i32>} : memref<640xf32, #tpu.memory_space<vmem>>, vector<16xf32>,
    %broadcast_in_dim3A_178 = arith.constant 0.000000e+00 : f32
    %broadcast_in_dim3A_179 = vector.broadcast %broadcast_in_dim3A_178 : f32 to vector<16xf32>
    %swap3A_180 = arith.constant 480 : index
    %swap3A_181 = tpu.vector_load %arg10[%swap3A_180] {strides = array<i32>} : memref<640xf32, #tpu.memory_space<vmem>>, vector<16xf32>,
    %swap3A_182 = vector.shape_cast %swap3A_181 : vector<16xf32> to vector<16xf32>
    %swap3A_183 = vector.shape_cast %broadcast_in_dim3A_179 : vector<16xf32> to vector<16xf32>
    tpu.vector_store %arg10[%swap3A_180], %swap3A_183 {strides = array<i32>} : memref<640xf32, #tpu.memory_space<vmem>>, vector<16xf32>,
    %broadcast_in_dim3A_184 = arith.constant 0.000000e+00 : f32
    %broadcast_in_dim3A_185 = vector.broadcast %broadcast_in_dim3A_184 : f32 to vector<16xf32>
    %swap3A_186 = arith.constant 496 : index
    %swap3A_187 = tpu.vector_load %arg10[%swap3A_186] {strides = array<i32>} : memref<640xf32, #tpu.memory_space<vmem>>, vector<16xf32>,
    %swap3A_188 = vector.shape_cast %swap3A_187 : vector<16xf32> to vector<16xf32>
    %swap3A_189 = vector.shape_cast %broadcast_in_dim3A_185 : vector<16xf32> to vector<16xf32>
    tpu.vector_store %arg10[%swap3A_186], %swap3A_189 {strides = array<i32>} : memref<640xf32, #tpu.memory_space<vmem>>, vector<16xf32>,
    %broadcast_in_dim3A_190 = arith.constant 0.000000e+00 : f32
    %broadcast_in_dim3A_191 = vector.broadcast %broadcast_in_dim3A_190 : f32 to vector<16xf32>
    %swap3A_192 = arith.constant 512 : index
    %swap3A_193 = tpu.vector_load %arg10[%swap3A_192] {strides = array<i32>} : memref<640xf32, #tpu.memory_space<vmem>>, vector<16xf32>,
    %swap3A_194 = vector.shape_cast %swap3A_193 : vector<16xf32> to vector<16xf32>
    %swap3A_195 = vector.shape_cast %broadcast_in_dim3A_191 : vector<16xf32> to vector<16xf32>
    tpu.vector_store %arg10[%swap3A_192], %swap3A_195 {strides = array<i32>} : memref<640xf32, #tpu.memory_space<vmem>>, vector<16xf32>,
    %broadcast_in_dim3A_196 = arith.constant 0.000000e+00 : f32
    %broadcast_in_dim3A_197 = vector.broadcast %broadcast_in_dim3A_196 : f32 to vector<16xf32>
    %swap3A_198 = arith.constant 528 : index
    %swap3A_199 = tpu.vector_load %arg10[%swap3A_198] {strides = array<i32>} : memref<640xf32, #tpu.memory_space<vmem>>, vector<16xf32>,
    %swap3A_200 = vector.shape_cast %swap3A_199 : vector<16xf32> to vector<16xf32>
    %swap3A_201 = vector.shape_cast %broadcast_in_dim3A_197 : vector<16xf32> to vector<16xf32>
    tpu.vector_store %arg10[%swap3A_198], %swap3A_201 {strides = array<i32>} : memref<640xf32, #tpu.memory_space<vmem>>, vector<16xf32>,
    %broadcast_in_dim3A_202 = arith.constant 0.000000e+00 : f32
    %broadcast_in_dim3A_203 = vector.broadcast %broadcast_in_dim3A_202 : f32 to vector<16xf32>
    %swap3A_204 = arith.constant 544 : index
    %swap3A_205 = tpu.vector_load %arg10[%swap3A_204] {strides = array<i32>} : memref<640xf32, #tpu.memory_space<vmem>>, vector<16xf32>,
    %swap3A_206 = vector.shape_cast %swap3A_205 : vector<16xf32> to vector<16xf32>
    %swap3A_207 = vector.shape_cast %broadcast_in_dim3A_203 : vector<16xf32> to vector<16xf32>
    tpu.vector_store %arg10[%swap3A_204], %swap3A_207 {strides = array<i32>} : memref<640xf32, #tpu.memory_space<vmem>>, vector<16xf32>,
    %broadcast_in_dim3A_208 = arith.constant 0.000000e+00 : f32
    %broadcast_in_dim3A_209 = vector.broadcast %broadcast_in_dim3A_208 : f32 to vector<16xf32>
    %swap3A_210 = arith.constant 560 : index
    %swap3A_211 = tpu.vector_load %arg10[%swap3A_210] {strides = array<i32>} : memref<640xf32, #tpu.memory_space<vmem>>, vector<16xf32>,
    %swap3A_212 = vector.shape_cast %swap3A_211 : vector<16xf32> to vector<16xf32>
    %swap3A_213 = vector.shape_cast %broadcast_in_dim3A_209 : vector<16xf32> to vector<16xf32>
    tpu.vector_store %arg10[%swap3A_210], %swap3A_213 {strides = array<i32>} : memref<640xf32, #tpu.memory_space<vmem>>, vector<16xf32>,
    %broadcast_in_dim3A_214 = arith.constant 0.000000e+00 : f32
    %broadcast_in_dim3A_215 = vector.broadcast %broadcast_in_dim3A_214 : f32 to vector<16xf32>
    %swap3A_216 = arith.constant 576 : index
    %swap3A_217 = tpu.vector_load %arg10[%swap3A_216] {strides = array<i32>} : memref<640xf32, #tpu.memory_space<vmem>>, vector<16xf32>,
    %swap3A_218 = vector.shape_cast %swap3A_217 : vector<16xf32> to vector<16xf32>
    %swap3A_219 = vector.shape_cast %broadcast_in_dim3A_215 : vector<16xf32> to vector<16xf32>
    tpu.vector_store %arg10[%swap3A_216], %swap3A_219 {strides = array<i32>} : memref<640xf32, #tpu.memory_space<vmem>>, vector<16xf32>,
    %broadcast_in_dim3A_220 = arith.constant 0.000000e+00 : f32
    %broadcast_in_dim3A_221 = vector.broadcast %broadcast_in_dim3A_220 : f32 to vector<16xf32>
    %swap3A_222 = arith.constant 592 : index
    %swap3A_223 = tpu.vector_load %arg10[%swap3A_222] {strides = array<i32>} : memref<640xf32, #tpu.memory_space<vmem>>, vector<16xf32>,
    %swap3A_224 = vector.shape_cast %swap3A_223 : vector<16xf32> to vector<16xf32>
    %swap3A_225 = vector.shape_cast %broadcast_in_dim3A_221 : vector<16xf32> to vector<16xf32>
    tpu.vector_store %arg10[%swap3A_222], %swap3A_225 {strides = array<i32>} : memref<640xf32, #tpu.memory_space<vmem>>, vector<16xf32>,
    %broadcast_in_dim3A_226 = arith.constant 0.000000e+00 : f32
    %broadcast_in_dim3A_227 = vector.broadcast %broadcast_in_dim3A_226 : f32 to vector<16xf32>
    %swap3A_228 = arith.constant 608 : index
    %swap3A_229 = tpu.vector_load %arg10[%swap3A_228] {strides = array<i32>} : memref<640xf32, #tpu.memory_space<vmem>>, vector<16xf32>,
    %swap3A_230 = vector.shape_cast %swap3A_229 : vector<16xf32> to vector<16xf32>
    %swap3A_231 = vector.shape_cast %broadcast_in_dim3A_227 : vector<16xf32> to vector<16xf32>
    tpu.vector_store %arg10[%swap3A_228], %swap3A_231 {strides = array<i32>} : memref<640xf32, #tpu.memory_space<vmem>>, vector<16xf32>,
    %broadcast_in_dim3A_232 = arith.constant 0.000000e+00 : f32
    %broadcast_in_dim3A_233 = vector.broadcast %broadcast_in_dim3A_232 : f32 to vector<16xf32>
    %swap3A_234 = arith.constant 624 : index
    %swap3A_235 = tpu.vector_load %arg10[%swap3A_234] {strides = array<i32>} : memref<640xf32, #tpu.memory_space<vmem>>, vector<16xf32>,
    %swap3A_236 = vector.shape_cast %swap3A_235 : vector<16xf32> to vector<16xf32>
    %swap3A_237 = vector.shape_cast %broadcast_in_dim3A_233 : vector<16xf32> to vector<16xf32>
    tpu.vector_store %arg10[%swap3A_234], %swap3A_237 {strides = array<i32>} : memref<640xf32, #tpu.memory_space<vmem>>, vector<16xf32>,
    %broadcast_in_dim3A_238 = arith.constant 1.000000e+00 : f32
    %broadcast_in_dim3A_239 = vector.broadcast %broadcast_in_dim3A_238 : f32 to vector<16xf32>
    %swap3A_240 = arith.constant 0 : index
    %swap3A_241 = tpu.vector_load %arg9[%swap3A_240] {strides = array<i32>} : memref<80xf32, #tpu.memory_space<vmem>>, vector<16xf32>,
    %swap3A_242 = vector.shape_cast %swap3A_241 : vector<16xf32> to vector<16xf32>
    %swap3A_243 = vector.shape_cast %broadcast_in_dim3A_239 : vector<16xf32> to vector<16xf32>
    tpu.vector_store %arg9[%swap3A_240], %swap3A_243 {strides = array<i32>} : memref<80xf32, #tpu.memory_space<vmem>>, vector<16xf32>,
    %broadcast_in_dim3A_244 = arith.constant 1.000000e+00 : f32
    %broadcast_in_dim3A_245 = vector.broadcast %broadcast_in_dim3A_244 : f32 to vector<16xf32>
    %swap3A_246 = arith.constant 16 : index
    %swap3A_247 = tpu.vector_load %arg9[%swap3A_246] {strides = array<i32>} : memref<80xf32, #tpu.memory_space<vmem>>, vector<16xf32>,
    %swap3A_248 = vector.shape_cast %swap3A_247 : vector<16xf32> to vector<16xf32>
    %swap3A_249 = vector.shape_cast %broadcast_in_dim3A_245 : vector<16xf32> to vector<16xf32>
    tpu.vector_store %arg9[%swap3A_246], %swap3A_249 {strides = array<i32>} : memref<80xf32, #tpu.memory_space<vmem>>, vector<16xf32>,
    %broadcast_in_dim3A_250 = arith.constant 1.000000e+00 : f32
    %broadcast_in_dim3A_251 = vector.broadcast %broadcast_in_dim3A_250 : f32 to vector<16xf32>
    %swap3A_252 = arith.constant 32 : index
    %swap3A_253 = tpu.vector_load %arg9[%swap3A_252] {strides = array<i32>} : memref<80xf32, #tpu.memory_space<vmem>>, vector<16xf32>,
    %swap3A_254 = vector.shape_cast %swap3A_253 : vector<16xf32> to vector<16xf32>
    %swap3A_255 = vector.shape_cast %broadcast_in_dim3A_251 : vector<16xf32> to vector<16xf32>
    tpu.vector_store %arg9[%swap3A_252], %swap3A_255 {strides = array<i32>} : memref<80xf32, #tpu.memory_space<vmem>>, vector<16xf32>,
    %broadcast_in_dim3A_256 = arith.constant 1.000000e+00 : f32
    %broadcast_in_dim3A_257 = vector.broadcast %broadcast_in_dim3A_256 : f32 to vector<16xf32>
    %swap3A_258 = arith.constant 48 : index
    %swap3A_259 = tpu.vector_load %arg9[%swap3A_258] {strides = array<i32>} : memref<80xf32, #tpu.memory_space<vmem>>, vector<16xf32>,
    %swap3A_260 = vector.shape_cast %swap3A_259 : vector<16xf32> to vector<16xf32>
    %swap3A_261 = vector.shape_cast %broadcast_in_dim3A_257 : vector<16xf32> to vector<16xf32>
    tpu.vector_store %arg9[%swap3A_258], %swap3A_261 {strides = array<i32>} : memref<80xf32, #tpu.memory_space<vmem>>, vector<16xf32>,
    %broadcast_in_dim3A_262 = arith.constant 1.000000e+00 : f32
    %broadcast_in_dim3A_263 = vector.broadcast %broadcast_in_dim3A_262 : f32 to vector<16xf32>
    %swap3A_264 = arith.constant 64 : index
    %swap3A_265 = tpu.vector_load %arg9[%swap3A_264] {strides = array<i32>} : memref<80xf32, #tpu.memory_space<vmem>>, vector<16xf32>,
    %swap3A_266 = vector.shape_cast %swap3A_265 : vector<16xf32> to vector<16xf32>
    %swap3A_267 = vector.shape_cast %broadcast_in_dim3A_263 : vector<16xf32> to vector<16xf32>
    tpu.vector_store %arg9[%swap3A_264], %swap3A_267 {strides = array<i32>} : memref<80xf32, #tpu.memory_space<vmem>>, vector<16xf32>,
    %mul3A = arith.constant 640 : i32
    %mul3A_268 = arith.muli %arg1, %mul3A : i32
    "tpu.region"() ({
      %run_scoped3A_294 = tpu.sem_alloc : memref<!tpu.dma_semaphore, #tpu.memory_space<semaphore_mem>>
      %dma_start3A = tpu.memref_slice %arg11[%mul3A_268] : memref<10240xf32, #tpu.memory_space<vmem_shared>> -> memref<640xf32, #tpu.memory_space<vmem_shared>>
      %dma_start3A_295 = tpu.memref_slice %arg11[%mul3A_268] : memref<10240xf32, #tpu.memory_space<vmem_shared>> -> memref<640xf32, #tpu.memory_space<vmem_shared>>
      tpu.enqueue_dma source(%arg10 : memref<640xf32, #tpu.memory_space<vmem>>) target(%dma_start3A_295 : memref<640xf32, #tpu.memory_space<vmem_shared>>) target_semaphore(%run_scoped3A_294 : memref<!tpu.dma_semaphore, #tpu.memory_space<semaphore_mem>>)
      %dma_wait3A = tpu.memref_slice %arg11[%mul3A_268] : memref<10240xf32, #tpu.memory_space<vmem_shared>> -> memref<640xf32, #tpu.memory_space<vmem_shared>>
      %dma_wait3A_296 = tpu.memref_slice %arg11[%mul3A_268] : memref<10240xf32, #tpu.memory_space<vmem_shared>> -> memref<640xf32, #tpu.memory_space<vmem_shared>>
      tpu.wait_dma2 semaphore(%run_scoped3A_294 : memref<!tpu.dma_semaphore, #tpu.memory_space<semaphore_mem>>) src(%arg10 : memref<640xf32, #tpu.memory_space<vmem>>) dst(%dma_wait3A_296 : memref<640xf32, #tpu.memory_space<vmem_shared>>)
      tpu.yield
    }) : () -> ()
    %mul3A_269 = arith.constant 640 : i32
    %mul3A_270 = arith.muli %arg1, %mul3A_269 : i32
    "tpu.region"() ({
      %run_scoped3A_294 = tpu.sem_alloc : memref<!tpu.dma_semaphore, #tpu.memory_space<semaphore_mem>>
      %dma_start3A = tpu.memref_slice %arg12[%mul3A_270] : memref<10240xf32, #tpu.memory_space<vmem_shared>> -> memref<640xf32, #tpu.memory_space<vmem_shared>>
      %dma_start3A_295 = tpu.memref_slice %arg12[%mul3A_270] : memref<10240xf32, #tpu.memory_space<vmem_shared>> -> memref<640xf32, #tpu.memory_space<vmem_shared>>
      tpu.enqueue_dma source(%arg10 : memref<640xf32, #tpu.memory_space<vmem>>) target(%dma_start3A_295 : memref<640xf32, #tpu.memory_space<vmem_shared>>) target_semaphore(%run_scoped3A_294 : memref<!tpu.dma_semaphore, #tpu.memory_space<semaphore_mem>>)
      %dma_wait3A = tpu.memref_slice %arg12[%mul3A_270] : memref<10240xf32, #tpu.memory_space<vmem_shared>> -> memref<640xf32, #tpu.memory_space<vmem_shared>>
      %dma_wait3A_296 = tpu.memref_slice %arg12[%mul3A_270] : memref<10240xf32, #tpu.memory_space<vmem_shared>> -> memref<640xf32, #tpu.memory_space<vmem_shared>>
      tpu.wait_dma2 semaphore(%run_scoped3A_294 : memref<!tpu.dma_semaphore, #tpu.memory_space<semaphore_mem>>) src(%arg10 : memref<640xf32, #tpu.memory_space<vmem>>) dst(%dma_wait3A_296 : memref<640xf32, #tpu.memory_space<vmem_shared>>)
      tpu.yield
    }) : () -> ()
    %mul3A_271 = arith.constant 10000 : i32
    %mul3A_272 = arith.muli %arg1, %mul3A_271 : i32
    %eq3A = arith.constant 0 : i32
    %eq3A_273 = arith.cmpi eq, %arg0, %eq3A : i32
    %convert_element_type3A = arith.extui %eq3A_273 : i1 to i32
    %cond3A = arith.constant 0 : i32
    %cond3A_274 = arith.cmpi ne, %convert_element_type3A, %cond3A : i32
    scf.if %cond3A_274 {
      "tpu.region"() ({
        %run_scoped3A_294 = tpu.sem_alloc : memref<!tpu.dma_semaphore, #tpu.memory_space<semaphore_mem>>
        %dma_start3A = tpu.memref_slice %arg2[%mul3A_272] : memref<160000xi32, #tpu.memory_space<hbm>> -> memref<10000xi32, #tpu.memory_space<hbm>>
        %dma_start3A_295 = tpu.memref_slice %arg2[%mul3A_272] : memref<160000xi32, #tpu.memory_space<hbm>> -> memref<10000xi32, #tpu.memory_space<hbm>>
        tpu.enqueue_dma source(%dma_start3A_295 : memref<10000xi32, #tpu.memory_space<hbm>>) target(%arg7 : memref<10000xi32, #tpu.memory_space<vmem>>) target_semaphore(%run_scoped3A_294 : memref<!tpu.dma_semaphore, #tpu.memory_space<semaphore_mem>>)
        %dma_wait3A = tpu.memref_slice %arg2[%mul3A_272] : memref<160000xi32, #tpu.memory_space<hbm>> -> memref<10000xi32, #tpu.memory_space<hbm>>
        %dma_wait3A_296 = tpu.memref_slice %arg2[%mul3A_272] : memref<160000xi32, #tpu.memory_space<hbm>> -> memref<10000xi32, #tpu.memory_space<hbm>>
        tpu.wait_dma2 semaphore(%run_scoped3A_294 : memref<!tpu.dma_semaphore, #tpu.memory_space<semaphore_mem>>) src(%dma_wait3A_296 : memref<10000xi32, #tpu.memory_space<hbm>>) dst(%arg7 : memref<10000xi32, #tpu.memory_space<vmem>>)
        tpu.yield
      }) : () -> ()
      "tpu.region"() ({
        %run_scoped3A_294 = tpu.sem_alloc : memref<!tpu.dma_semaphore, #tpu.memory_space<semaphore_mem>>
        %dma_start3A = tpu.memref_slice %arg3[%mul3A_272] : memref<160000xi32, #tpu.memory_space<hbm>> -> memref<10000xi32, #tpu.memory_space<hbm>>
        %dma_start3A_295 = tpu.memref_slice %arg3[%mul3A_272] : memref<160000xi32, #tpu.memory_space<hbm>> -> memref<10000xi32, #tpu.memory_space<hbm>>
        tpu.enqueue_dma source(%dma_start3A_295 : memref<10000xi32, #tpu.memory_space<hbm>>) target(%arg8 : memref<10000xi32, #tpu.memory_space<vmem>>) target_semaphore(%run_scoped3A_294 : memref<!tpu.dma_semaphore, #tpu.memory_space<semaphore_mem>>)
        %dma_wait3A = tpu.memref_slice %arg3[%mul3A_272] : memref<160000xi32, #tpu.memory_space<hbm>> -> memref<10000xi32, #tpu.memory_space<hbm>>
        %dma_wait3A_296 = tpu.memref_slice %arg3[%mul3A_272] : memref<160000xi32, #tpu.memory_space<hbm>> -> memref<10000xi32, #tpu.memory_space<hbm>>
        tpu.wait_dma2 semaphore(%run_scoped3A_294 : memref<!tpu.dma_semaphore, #tpu.memory_space<semaphore_mem>>) src(%dma_wait3A_296 : memref<10000xi32, #tpu.memory_space<hbm>>) dst(%arg8 : memref<10000xi32, #tpu.memory_space<vmem>>)
        tpu.yield
      }) : () -> ()
    } else {
    }
    %eq3A_275 = arith.constant 1 : i32
    %eq3A_276 = arith.cmpi eq, %arg0, %eq3A_275 : i32
    %convert_element_type3A_277 = arith.extui %eq3A_276 : i1 to i32
    %cond3A_278 = arith.constant 0 : i32
    %cond3A_279 = arith.cmpi ne, %convert_element_type3A_277, %cond3A_278 : i32
    scf.if %cond3A_279 {
      "tpu.region"() ({
        %run_scoped3A_294 = tpu.sem_alloc : memref<!tpu.dma_semaphore, #tpu.memory_space<semaphore_mem>>
        %dma_start3A = tpu.memref_slice %arg4[%mul3A_272] : memref<160000xi32, #tpu.memory_space<hbm>> -> memref<10000xi32, #tpu.memory_space<hbm>>
        %dma_start3A_295 = tpu.memref_slice %arg4[%mul3A_272] : memref<160000xi32, #tpu.memory_space<hbm>> -> memref<10000xi32, #tpu.memory_space<hbm>>
        tpu.enqueue_dma source(%dma_start3A_295 : memref<10000xi32, #tpu.memory_space<hbm>>) target(%arg7 : memref<10000xi32, #tpu.memory_space<vmem>>) target_semaphore(%run_scoped3A_294 : memref<!tpu.dma_semaphore, #tpu.memory_space<semaphore_mem>>)
        %dma_wait3A = tpu.memref_slice %arg4[%mul3A_272] : memref<160000xi32, #tpu.memory_space<hbm>> -> memref<10000xi32, #tpu.memory_space<hbm>>
        %dma_wait3A_296 = tpu.memref_slice %arg4[%mul3A_272] : memref<160000xi32, #tpu.memory_space<hbm>> -> memref<10000xi32, #tpu.memory_space<hbm>>
        tpu.wait_dma2 semaphore(%run_scoped3A_294 : memref<!tpu.dma_semaphore, #tpu.memory_space<semaphore_mem>>) src(%dma_wait3A_296 : memref<10000xi32, #tpu.memory_space<hbm>>) dst(%arg7 : memref<10000xi32, #tpu.memory_space<vmem>>)
        tpu.yield
      }) : () -> ()
      "tpu.region"() ({
        %run_scoped3A_294 = tpu.sem_alloc : memref<!tpu.dma_semaphore, #tpu.memory_space<semaphore_mem>>
        %dma_start3A = tpu.memref_slice %arg5[%mul3A_272] : memref<160000xi32, #tpu.memory_space<hbm>> -> memref<10000xi32, #tpu.memory_space<hbm>>
        %dma_start3A_295 = tpu.memref_slice %arg5[%mul3A_272] : memref<160000xi32, #tpu.memory_space<hbm>> -> memref<10000xi32, #tpu.memory_space<hbm>>
        tpu.enqueue_dma source(%dma_start3A_295 : memref<10000xi32, #tpu.memory_space<hbm>>) target(%arg8 : memref<10000xi32, #tpu.memory_space<vmem>>) target_semaphore(%run_scoped3A_294 : memref<!tpu.dma_semaphore, #tpu.memory_space<semaphore_mem>>)
        %dma_wait3A = tpu.memref_slice %arg5[%mul3A_272] : memref<160000xi32, #tpu.memory_space<hbm>> -> memref<10000xi32, #tpu.memory_space<hbm>>
        %dma_wait3A_296 = tpu.memref_slice %arg5[%mul3A_272] : memref<160000xi32, #tpu.memory_space<hbm>> -> memref<10000xi32, #tpu.memory_space<hbm>>
        tpu.wait_dma2 semaphore(%run_scoped3A_294 : memref<!tpu.dma_semaphore, #tpu.memory_space<semaphore_mem>>) src(%dma_wait3A_296 : memref<10000xi32, #tpu.memory_space<hbm>>) dst(%arg8 : memref<10000xi32, #tpu.memory_space<vmem>>)
        tpu.yield
      }) : () -> ()
    } else {
    }
    %barrier3A = arith.constant 0 : index
    tpu.barrier barrier_id(%barrier3A)
    %scan3A = arith.constant 0 : i32
    %scan3A_280 = arith.constant 25 : i32
    %scan3A_281 = arith.addi %scan3A, %scan3A_280 : i32
    %scan3A_282 = arith.constant 1 : i32
    scf.for %scan3A_294 = %scan3A to %scan3A_281 step %scan3A_282  : i32 {
      %mul3A_295 = arith.constant 5 : i32
      %mul3A_296 = arith.muli %scan3A_294, %mul3A_295 : i32
      %add3A = arith.constant 0 : i32
      %add3A_297 = arith.addi %add3A, %mul3A_296 : i32
      %add3A_298 = arith.constant 0 : i32
      %add3A_299 = arith.addi %add3A_297, %add3A_298 : i32
      %mul3A_300 = arith.constant 80 : i32
      %mul3A_301 = arith.muli %add3A_299, %mul3A_300 : i32
      %dma_start3A = tpu.memref_slice %arg7[%mul3A_301] : memref<10000xi32, #tpu.memory_space<vmem>> -> memref<80xi32, #tpu.memory_space<vmem>>
      %dma_start3A_302 = arith.constant 0 : i32
      %dma_start3A_303 = tpu.memref_slice %arg11[%dma_start3A_302] : memref<10240xf32, #tpu.memory_space<vmem_shared>> -> memref<10240xf32, #tpu.memory_space<vmem_shared>>
      tpu.enqueue_indirect_dma source(%arg9 : memref<80xf32, #tpu.memory_space<vmem>>) target(%dma_start3A_303 : memref<10240xf32, #tpu.memory_space<vmem_shared>>) offsets(%dma_start3A : memref<80xi32, #tpu.memory_space<vmem>>) semaphore(%arg13 : memref<!tpu.dma_semaphore, #tpu.memory_space<semaphore_mem>>) {add = true}
      %add3A_304 = arith.constant 0 : i32
      %add3A_305 = arith.addi %add3A_297, %add3A_304 : i32
      %mul3A_306 = arith.constant 80 : i32
      %mul3A_307 = arith.muli %add3A_305, %mul3A_306 : i32
      %dma_start3A_308 = tpu.memref_slice %arg8[%mul3A_307] : memref<10000xi32, #tpu.memory_space<vmem>> -> memref<80xi32, #tpu.memory_space<vmem>>
      %dma_start3A_309 = arith.constant 0 : i32
      %dma_start3A_310 = tpu.memref_slice %arg12[%dma_start3A_309] : memref<10240xf32, #tpu.memory_space<vmem_shared>> -> memref<10240xf32, #tpu.memory_space<vmem_shared>>
      tpu.enqueue_indirect_dma source(%arg9 : memref<80xf32, #tpu.memory_space<vmem>>) target(%dma_start3A_310 : memref<10240xf32, #tpu.memory_space<vmem_shared>>) offsets(%dma_start3A_308 : memref<80xi32, #tpu.memory_space<vmem>>) semaphore(%arg13 : memref<!tpu.dma_semaphore, #tpu.memory_space<semaphore_mem>>) {add = true}
      %add3A_311 = arith.constant 1 : i32
      %add3A_312 = arith.addi %add3A_297, %add3A_311 : i32
      %mul3A_313 = arith.constant 80 : i32
      %mul3A_314 = arith.muli %add3A_312, %mul3A_313 : i32
      %dma_start3A_315 = tpu.memref_slice %arg7[%mul3A_314] : memref<10000xi32, #tpu.memory_space<vmem>> -> memref<80xi32, #tpu.memory_space<vmem>>
      %dma_start3A_316 = arith.constant 0 : i32
      %dma_start3A_317 = tpu.memref_slice %arg11[%dma_start3A_316] : memref<10240xf32, #tpu.memory_space<vmem_shared>> -> memref<10240xf32, #tpu.memory_space<vmem_shared>>
      tpu.enqueue_indirect_dma source(%arg9 : memref<80xf32, #tpu.memory_space<vmem>>) target(%dma_start3A_317 : memref<10240xf32, #tpu.memory_space<vmem_shared>>) offsets(%dma_start3A_315 : memref<80xi32, #tpu.memory_space<vmem>>) semaphore(%arg14 : memref<!tpu.dma_semaphore, #tpu.memory_space<semaphore_mem>>) {add = true}
      %add3A_318 = arith.constant 1 : i32
      %add3A_319 = arith.addi %add3A_297, %add3A_318 : i32
      %mul3A_320 = arith.constant 80 : i32
      %mul3A_321 = arith.muli %add3A_319, %mul3A_320 : i32
      %dma_start3A_322 = tpu.memref_slice %arg8[%mul3A_321] : memref<10000xi32, #tpu.memory_space<vmem>> -> memref<80xi32, #tpu.memory_space<vmem>>
      %dma_start3A_323 = arith.constant 0 : i32
      %dma_start3A_324 = tpu.memref_slice %arg12[%dma_start3A_323] : memref<10240xf32, #tpu.memory_space<vmem_shared>> -> memref<10240xf32, #tpu.memory_space<vmem_shared>>
      tpu.enqueue_indirect_dma source(%arg9 : memref<80xf32, #tpu.memory_space<vmem>>) target(%dma_start3A_324 : memref<10240xf32, #tpu.memory_space<vmem_shared>>) offsets(%dma_start3A_322 : memref<80xi32, #tpu.memory_space<vmem>>) semaphore(%arg14 : memref<!tpu.dma_semaphore, #tpu.memory_space<semaphore_mem>>) {add = true}
      %add3A_325 = arith.constant 2 : i32
      %add3A_326 = arith.addi %add3A_297, %add3A_325 : i32
      %mul3A_327 = arith.constant 80 : i32
      %mul3A_328 = arith.muli %add3A_326, %mul3A_327 : i32
      %dma_start3A_329 = tpu.memref_slice %arg7[%mul3A_328] : memref<10000xi32, #tpu.memory_space<vmem>> -> memref<80xi32, #tpu.memory_space<vmem>>
      %dma_start3A_330 = arith.constant 0 : i32
      %dma_start3A_331 = tpu.memref_slice %arg11[%dma_start3A_330] : memref<10240xf32, #tpu.memory_space<vmem_shared>> -> memref<10240xf32, #tpu.memory_space<vmem_shared>>
      tpu.enqueue_indirect_dma source(%arg9 : memref<80xf32, #tpu.memory_space<vmem>>) target(%dma_start3A_331 : memref<10240xf32, #tpu.memory_space<vmem_shared>>) offsets(%dma_start3A_329 : memref<80xi32, #tpu.memory_space<vmem>>) semaphore(%arg15 : memref<!tpu.dma_semaphore, #tpu.memory_space<semaphore_mem>>) {add = true}
      %add3A_332 = arith.constant 2 : i32
      %add3A_333 = arith.addi %add3A_297, %add3A_332 : i32
      %mul3A_334 = arith.constant 80 : i32
      %mul3A_335 = arith.muli %add3A_333, %mul3A_334 : i32
      %dma_start3A_336 = tpu.memref_slice %arg8[%mul3A_335] : memref<10000xi32, #tpu.memory_space<vmem>> -> memref<80xi32, #tpu.memory_space<vmem>>
      %dma_start3A_337 = arith.constant 0 : i32
      %dma_start3A_338 = tpu.memref_slice %arg12[%dma_start3A_337] : memref<10240xf32, #tpu.memory_space<vmem_shared>> -> memref<10240xf32, #tpu.memory_space<vmem_shared>>
      tpu.enqueue_indirect_dma source(%arg9 : memref<80xf32, #tpu.memory_space<vmem>>) target(%dma_start3A_338 : memref<10240xf32, #tpu.memory_space<vmem_shared>>) offsets(%dma_start3A_336 : memref<80xi32, #tpu.memory_space<vmem>>) semaphore(%arg15 : memref<!tpu.dma_semaphore, #tpu.memory_space<semaphore_mem>>) {add = true}
      %add3A_339 = arith.constant 3 : i32
      %add3A_340 = arith.addi %add3A_297, %add3A_339 : i32
      %mul3A_341 = arith.constant 80 : i32
      %mul3A_342 = arith.muli %add3A_340, %mul3A_341 : i32
      %dma_start3A_343 = tpu.memref_slice %arg7[%mul3A_342] : memref<10000xi32, #tpu.memory_space<vmem>> -> memref<80xi32, #tpu.memory_space<vmem>>
      %dma_start3A_344 = arith.constant 0 : i32
      %dma_start3A_345 = tpu.memref_slice %arg11[%dma_start3A_344] : memref<10240xf32, #tpu.memory_space<vmem_shared>> -> memref<10240xf32, #tpu.memory_space<vmem_shared>>
      tpu.enqueue_indirect_dma source(%arg9 : memref<80xf32, #tpu.memory_space<vmem>>) target(%dma_start3A_345 : memref<10240xf32, #tpu.memory_space<vmem_shared>>) offsets(%dma_start3A_343 : memref<80xi32, #tpu.memory_space<vmem>>) semaphore(%arg16 : memref<!tpu.dma_semaphore, #tpu.memory_space<semaphore_mem>>) {add = true}
      %add3A_346 = arith.constant 3 : i32
      %add3A_347 = arith.addi %add3A_297, %add3A_346 : i32
      %mul3A_348 = arith.constant 80 : i32
      %mul3A_349 = arith.muli %add3A_347, %mul3A_348 : i32
      %dma_start3A_350 = tpu.memref_slice %arg8[%mul3A_349] : memref<10000xi32, #tpu.memory_space<vmem>> -> memref<80xi32, #tpu.memory_space<vmem>>
      %dma_start3A_351 = arith.constant 0 : i32
      %dma_start3A_352 = tpu.memref_slice %arg12[%dma_start3A_351] : memref<10240xf32, #tpu.memory_space<vmem_shared>> -> memref<10240xf32, #tpu.memory_space<vmem_shared>>
      tpu.enqueue_indirect_dma source(%arg9 : memref<80xf32, #tpu.memory_space<vmem>>) target(%dma_start3A_352 : memref<10240xf32, #tpu.memory_space<vmem_shared>>) offsets(%dma_start3A_350 : memref<80xi32, #tpu.memory_space<vmem>>) semaphore(%arg16 : memref<!tpu.dma_semaphore, #tpu.memory_space<semaphore_mem>>) {add = true}
      %add3A_353 = arith.constant 4 : i32
      %add3A_354 = arith.addi %add3A_297, %add3A_353 : i32
      %mul3A_355 = arith.constant 80 : i32
      %mul3A_356 = arith.muli %add3A_354, %mul3A_355 : i32
      %dma_start3A_357 = tpu.memref_slice %arg7[%mul3A_356] : memref<10000xi32, #tpu.memory_space<vmem>> -> memref<80xi32, #tpu.memory_space<vmem>>
      %dma_start3A_358 = arith.constant 0 : i32
      %dma_start3A_359 = tpu.memref_slice %arg11[%dma_start3A_358] : memref<10240xf32, #tpu.memory_space<vmem_shared>> -> memref<10240xf32, #tpu.memory_space<vmem_shared>>
      tpu.enqueue_indirect_dma source(%arg9 : memref<80xf32, #tpu.memory_space<vmem>>) target(%dma_start3A_359 : memref<10240xf32, #tpu.memory_space<vmem_shared>>) offsets(%dma_start3A_357 : memref<80xi32, #tpu.memory_space<vmem>>) semaphore(%arg17 : memref<!tpu.dma_semaphore, #tpu.memory_space<semaphore_mem>>) {add = true}
      %add3A_360 = arith.constant 4 : i32
      %add3A_361 = arith.addi %add3A_297, %add3A_360 : i32
      %mul3A_362 = arith.constant 80 : i32
      %mul3A_363 = arith.muli %add3A_361, %mul3A_362 : i32
      %dma_start3A_364 = tpu.memref_slice %arg8[%mul3A_363] : memref<10000xi32, #tpu.memory_space<vmem>> -> memref<80xi32, #tpu.memory_space<vmem>>
      %dma_start3A_365 = arith.constant 0 : i32
      %dma_start3A_366 = tpu.memref_slice %arg12[%dma_start3A_365] : memref<10240xf32, #tpu.memory_space<vmem_shared>> -> memref<10240xf32, #tpu.memory_space<vmem_shared>>
      tpu.enqueue_indirect_dma source(%arg9 : memref<80xf32, #tpu.memory_space<vmem>>) target(%dma_start3A_366 : memref<10240xf32, #tpu.memory_space<vmem_shared>>) offsets(%dma_start3A_364 : memref<80xi32, #tpu.memory_space<vmem>>) semaphore(%arg17 : memref<!tpu.dma_semaphore, #tpu.memory_space<semaphore_mem>>) {add = true}
      %dma_wait3A = tpu.memref_slice %arg7[%mul3A_301] : memref<10000xi32, #tpu.memory_space<vmem>> -> memref<80xi32, #tpu.memory_space<vmem>>
      %dma_wait3A_367 = arith.constant 0 : i32
      %dma_wait3A_368 = tpu.memref_slice %arg11[%dma_wait3A_367] : memref<10240xf32, #tpu.memory_space<vmem_shared>> -> memref<10240xf32, #tpu.memory_space<vmem_shared>>
      tpu.wait_indirect_dma semaphore(%arg13 : memref<!tpu.dma_semaphore, #tpu.memory_space<semaphore_mem>>) src(%arg9 : memref<80xf32, #tpu.memory_space<vmem>>) dst(%dma_wait3A_368 : memref<10240xf32, #tpu.memory_space<vmem_shared>>)
      %dma_wait3A_369 = tpu.memref_slice %arg8[%mul3A_307] : memref<10000xi32, #tpu.memory_space<vmem>> -> memref<80xi32, #tpu.memory_space<vmem>>
      %dma_wait3A_370 = arith.constant 0 : i32
      %dma_wait3A_371 = tpu.memref_slice %arg12[%dma_wait3A_370] : memref<10240xf32, #tpu.memory_space<vmem_shared>> -> memref<10240xf32, #tpu.memory_space<vmem_shared>>
      tpu.wait_indirect_dma semaphore(%arg13 : memref<!tpu.dma_semaphore, #tpu.memory_space<semaphore_mem>>) src(%arg9 : memref<80xf32, #tpu.memory_space<vmem>>) dst(%dma_wait3A_371 : memref<10240xf32, #tpu.memory_space<vmem_shared>>)
      %dma_wait3A_372 = tpu.memref_slice %arg7[%mul3A_314] : memref<10000xi32, #tpu.memory_space<vmem>> -> memref<80xi32, #tpu.memory_space<vmem>>
      %dma_wait3A_373 = arith.constant 0 : i32
      %dma_wait3A_374 = tpu.memref_slice %arg11[%dma_wait3A_373] : memref<10240xf32, #tpu.memory_space<vmem_shared>> -> memref<10240xf32, #tpu.memory_space<vmem_shared>>
      tpu.wait_indirect_dma semaphore(%arg14 : memref<!tpu.dma_semaphore, #tpu.memory_space<semaphore_mem>>) src(%arg9 : memref<80xf32, #tpu.memory_space<vmem>>) dst(%dma_wait3A_374 : memref<10240xf32, #tpu.memory_space<vmem_shared>>)
      %dma_wait3A_375 = tpu.memref_slice %arg8[%mul3A_321] : memref<10000xi32, #tpu.memory_space<vmem>> -> memref<80xi32, #tpu.memory_space<vmem>>
      %dma_wait3A_376 = arith.constant 0 : i32
      %dma_wait3A_377 = tpu.memref_slice %arg12[%dma_wait3A_376] : memref<10240xf32, #tpu.memory_space<vmem_shared>> -> memref<10240xf32, #tpu.memory_space<vmem_shared>>
      tpu.wait_indirect_dma semaphore(%arg14 : memref<!tpu.dma_semaphore, #tpu.memory_space<semaphore_mem>>) src(%arg9 : memref<80xf32, #tpu.memory_space<vmem>>) dst(%dma_wait3A_377 : memref<10240xf32, #tpu.memory_space<vmem_shared>>)
      %dma_wait3A_378 = tpu.memref_slice %arg7[%mul3A_328] : memref<10000xi32, #tpu.memory_space<vmem>> -> memref<80xi32, #tpu.memory_space<vmem>>
      %dma_wait3A_379 = arith.constant 0 : i32
      %dma_wait3A_380 = tpu.memref_slice %arg11[%dma_wait3A_379] : memref<10240xf32, #tpu.memory_space<vmem_shared>> -> memref<10240xf32, #tpu.memory_space<vmem_shared>>
      tpu.wait_indirect_dma semaphore(%arg15 : memref<!tpu.dma_semaphore, #tpu.memory_space<semaphore_mem>>) src(%arg9 : memref<80xf32, #tpu.memory_space<vmem>>) dst(%dma_wait3A_380 : memref<10240xf32, #tpu.memory_space<vmem_shared>>)
      %dma_wait3A_381 = tpu.memref_slice %arg8[%mul3A_335] : memref<10000xi32, #tpu.memory_space<vmem>> -> memref<80xi32, #tpu.memory_space<vmem>>
      %dma_wait3A_382 = arith.constant 0 : i32
      %dma_wait3A_383 = tpu.memref_slice %arg12[%dma_wait3A_382] : memref<10240xf32, #tpu.memory_space<vmem_shared>> -> memref<10240xf32, #tpu.memory_space<vmem_shared>>
      tpu.wait_indirect_dma semaphore(%arg15 : memref<!tpu.dma_semaphore, #tpu.memory_space<semaphore_mem>>) src(%arg9 : memref<80xf32, #tpu.memory_space<vmem>>) dst(%dma_wait3A_383 : memref<10240xf32, #tpu.memory_space<vmem_shared>>)
      %dma_wait3A_384 = tpu.memref_slice %arg7[%mul3A_342] : memref<10000xi32, #tpu.memory_space<vmem>> -> memref<80xi32, #tpu.memory_space<vmem>>
      %dma_wait3A_385 = arith.constant 0 : i32
      %dma_wait3A_386 = tpu.memref_slice %arg11[%dma_wait3A_385] : memref<10240xf32, #tpu.memory_space<vmem_shared>> -> memref<10240xf32, #tpu.memory_space<vmem_shared>>
      tpu.wait_indirect_dma semaphore(%arg16 : memref<!tpu.dma_semaphore, #tpu.memory_space<semaphore_mem>>) src(%arg9 : memref<80xf32, #tpu.memory_space<vmem>>) dst(%dma_wait3A_386 : memref<10240xf32, #tpu.memory_space<vmem_shared>>)
      %dma_wait3A_387 = tpu.memref_slice %arg8[%mul3A_349] : memref<10000xi32, #tpu.memory_space<vmem>> -> memref<80xi32, #tpu.memory_space<vmem>>
      %dma_wait3A_388 = arith.constant 0 : i32
      %dma_wait3A_389 = tpu.memref_slice %arg12[%dma_wait3A_388] : memref<10240xf32, #tpu.memory_space<vmem_shared>> -> memref<10240xf32, #tpu.memory_space<vmem_shared>>
      tpu.wait_indirect_dma semaphore(%arg16 : memref<!tpu.dma_semaphore, #tpu.memory_space<semaphore_mem>>) src(%arg9 : memref<80xf32, #tpu.memory_space<vmem>>) dst(%dma_wait3A_389 : memref<10240xf32, #tpu.memory_space<vmem_shared>>)
      %dma_wait3A_390 = tpu.memref_slice %arg7[%mul3A_356] : memref<10000xi32, #tpu.memory_space<vmem>> -> memref<80xi32, #tpu.memory_space<vmem>>
      %dma_wait3A_391 = arith.constant 0 : i32
      %dma_wait3A_392 = tpu.memref_slice %arg11[%dma_wait3A_391] : memref<10240xf32, #tpu.memory_space<vmem_shared>> -> memref<10240xf32, #tpu.memory_space<vmem_shared>>
      tpu.wait_indirect_dma semaphore(%arg17 : memref<!tpu.dma_semaphore, #tpu.memory_space<semaphore_mem>>) src(%arg9 : memref<80xf32, #tpu.memory_space<vmem>>) dst(%dma_wait3A_392 : memref<10240xf32, #tpu.memory_space<vmem_shared>>)
      %dma_wait3A_393 = tpu.memref_slice %arg8[%mul3A_363] : memref<10000xi32, #tpu.memory_space<vmem>> -> memref<80xi32, #tpu.memory_space<vmem>>
      %dma_wait3A_394 = arith.constant 0 : i32
      %dma_wait3A_395 = tpu.memref_slice %arg12[%dma_wait3A_394] : memref<10240xf32, #tpu.memory_space<vmem_shared>> -> memref<10240xf32, #tpu.memory_space<vmem_shared>>
      tpu.wait_indirect_dma semaphore(%arg17 : memref<!tpu.dma_semaphore, #tpu.memory_space<semaphore_mem>>) src(%arg9 : memref<80xf32, #tpu.memory_space<vmem>>) dst(%dma_wait3A_395 : memref<10240xf32, #tpu.memory_space<vmem_shared>>)
    }
    %scan3A_283 = arith.constant 25 : i32
    %barrier3A_284 = arith.constant 0 : index
    tpu.barrier barrier_id(%barrier3A_284)
    %mul3A_285 = arith.constant 640 : i32
    %mul3A_286 = arith.muli %arg1, %mul3A_285 : i32
    %mul3A_287 = arith.constant 640 : i32
    %mul3A_288 = arith.muli %arg1, %mul3A_287 : i32
    %run_scoped3A = arith.constant 0 : i32
    "tpu.region"() ({
      %run_scoped3A_294 = tpu.sem_alloc : memref<!tpu.dma_semaphore, #tpu.memory_space<semaphore_mem>>
      %dma_start3A = tpu.memref_slice %arg6[%arg0, %run_scoped3A, %mul3A_288] : memref<2x2x10240xf32, #tpu.memory_space<hbm>> -> memref<1x1x640xf32, #tpu.memory_space<hbm>>
      %dma_start3A_295 = tpu.memref_squeeze %dma_start3A : memref<1x1x640xf32, #tpu.memory_space<hbm>> -> memref<640xf32, #tpu.memory_space<hbm>>
      %dma_start3A_296 = tpu.memref_slice %arg11[%mul3A_286] : memref<10240xf32, #tpu.memory_space<vmem_shared>> -> memref<640xf32, #tpu.memory_space<vmem_shared>>
      tpu.enqueue_dma source(%dma_start3A_296 : memref<640xf32, #tpu.memory_space<vmem_shared>>) target(%dma_start3A_295 : memref<640xf32, #tpu.memory_space<hbm>>) target_semaphore(%run_scoped3A_294 : memref<!tpu.dma_semaphore, #tpu.memory_space<semaphore_mem>>)
      %dma_wait3A = tpu.memref_slice %arg6[%arg0, %run_scoped3A, %mul3A_288] : memref<2x2x10240xf32, #tpu.memory_space<hbm>> -> memref<1x1x640xf32, #tpu.memory_space<hbm>>
      %dma_wait3A_297 = tpu.memref_squeeze %dma_wait3A : memref<1x1x640xf32, #tpu.memory_space<hbm>> -> memref<640xf32, #tpu.memory_space<hbm>>
      %dma_wait3A_298 = tpu.memref_slice %arg11[%mul3A_286] : memref<10240xf32, #tpu.memory_space<vmem_shared>> -> memref<640xf32, #tpu.memory_space<vmem_shared>>
      tpu.wait_dma2 semaphore(%run_scoped3A_294 : memref<!tpu.dma_semaphore, #tpu.memory_space<semaphore_mem>>) src(%dma_wait3A_298 : memref<640xf32, #tpu.memory_space<vmem_shared>>) dst(%dma_wait3A_297 : memref<640xf32, #tpu.memory_space<hbm>>)
      tpu.yield
    }) : () -> ()
    %mul3A_289 = arith.constant 640 : i32
    %mul3A_290 = arith.muli %arg1, %mul3A_289 : i32
    %mul3A_291 = arith.constant 640 : i32
    %mul3A_292 = arith.muli %arg1, %mul3A_291 : i32
    %run_scoped3A_293 = arith.constant 1 : i32
    "tpu.region"() ({
      %run_scoped3A_294 = tpu.sem_alloc : memref<!tpu.dma_semaphore, #tpu.memory_space<semaphore_mem>>
      %dma_start3A = tpu.memref_slice %arg6[%arg0, %run_scoped3A_293, %mul3A_292] : memref<2x2x10240xf32, #tpu.memory_space<hbm>> -> memref<1x1x640xf32, #tpu.memory_space<hbm>>
      %dma_start3A_295 = tpu.memref_squeeze %dma_start3A : memref<1x1x640xf32, #tpu.memory_space<hbm>> -> memref<640xf32, #tpu.memory_space<hbm>>
      %dma_start3A_296 = tpu.memref_slice %arg12[%mul3A_290] : memref<10240xf32, #tpu.memory_space<vmem_shared>> -> memref<640xf32, #tpu.memory_space<vmem_shared>>
      tpu.enqueue_dma source(%dma_start3A_296 : memref<640xf32, #tpu.memory_space<vmem_shared>>) target(%dma_start3A_295 : memref<640xf32, #tpu.memory_space<hbm>>) target_semaphore(%run_scoped3A_294 : memref<!tpu.dma_semaphore, #tpu.memory_space<semaphore_mem>>)
      %dma_wait3A = tpu.memref_slice %arg6[%arg0, %run_scoped3A_293, %mul3A_292] : memref<2x2x10240xf32, #tpu.memory_space<hbm>> -> memref<1x1x640xf32, #tpu.memory_space<hbm>>
      %dma_wait3A_297 = tpu.memref_squeeze %dma_wait3A : memref<1x1x640xf32, #tpu.memory_space<hbm>> -> memref<640xf32, #tpu.memory_space<hbm>>
      %dma_wait3A_298 = tpu.memref_slice %arg12[%mul3A_290] : memref<10240xf32, #tpu.memory_space<vmem_shared>> -> memref<640xf32, #tpu.memory_space<vmem_shared>>
      tpu.wait_dma2 semaphore(%run_scoped3A_294 : memref<!tpu.dma_semaphore, #tpu.memory_space<semaphore_mem>>) src(%dma_wait3A_298 : memref<640xf32, #tpu.memory_space<vmem_shared>>) dst(%dma_wait3A_297 : memref<640xf32, #tpu.memory_space<hbm>>)
      tpu.yield
    }) : () -> ()
    return
  }
}

#map = affine_map<(d0, d1) -> (0, 0, 0)>
#map1 = affine_map<(d0, d1) -> (0)>
module attributes {stable_mosaic.version = 14 : i64} {
  func.func @k(%arg0: i32, %arg1: i32, %arg2: memref<2x10240x128xbf16, #tpu.memory_space<hbm>>, %arg3: memref<160000xi32, #tpu.memory_space<hbm>>, %arg4: memref<160000xi32, #tpu.memory_space<hbm>>, %arg5: memref<160000xi32, #tpu.memory_space<hbm>>, %arg6: memref<160000xi32, #tpu.memory_space<hbm>>, %arg7: memref<2x10240x128xbf16, #tpu.memory_space<hbm>>, %arg8: memref<10000xi32, #tpu.memory_space<vmem>>, %arg9: memref<10000xi32, #tpu.memory_space<vmem>>, %arg10: memref<5x80x128xbf16, #tpu.memory_space<vmem>>, %arg11: memref<10240x128xbf16, #tpu.memory_space<vmem_shared>>, %arg12: memref<!tpu.dma_semaphore, #tpu.memory_space<semaphore_mem>>, %arg13: memref<!tpu.dma_semaphore, #tpu.memory_space<semaphore_mem>>, %arg14: memref<!tpu.dma_semaphore, #tpu.memory_space<semaphore_mem>>, %arg15: memref<!tpu.dma_semaphore, #tpu.memory_space<semaphore_mem>>, %arg16: memref<!tpu.dma_semaphore, #tpu.memory_space<semaphore_mem>>, %arg17: memref<!tpu.dma_semaphore, #tpu.memory_space<semaphore_mem>>, %arg18: memref<!tpu.dma_semaphore, #tpu.memory_space<semaphore_mem>>, %arg19: memref<!tpu.dma_semaphore, #tpu.memory_space<semaphore_mem>>, %arg20: memref<!tpu.dma_semaphore, #tpu.memory_space<semaphore_mem>>, %arg21: memref<!tpu.dma_semaphore, #tpu.memory_space<semaphore_mem>>) attributes {dimension_semantics = [#tpu.dimension_semantics<core_parallel>, #tpu.dimension_semantics<subcore_parallel>], iteration_bounds = array<i64: 2, 16>, scalar_prefetch = 0 : i64, scratch_operands = 14 : i64, tpu.core_type = #tpu.core_type<sc_vector_subcore>, window_params = [{transform_indices = #map}, {transform_indices = #map1}, {transform_indices = #map1}, {transform_indices = #map1}, {transform_indices = #map1}, {transform_indices = #map}]} {
    %scan3A = arith.constant 0 : i32
    %scan3A_0 = arith.constant 80 : i32
    %scan3A_1 = arith.addi %scan3A, %scan3A_0 : i32
    %scan3A_2 = arith.constant 1 : i32
    scf.for %scan3A_164 = %scan3A to %scan3A_1 step %scan3A_2  : i32 {
      %mul3A_165 = arith.constant 1 : i32
      %mul3A_166 = arith.muli %scan3A_164, %mul3A_165 : i32
      %add3A_167 = arith.constant 0 : i32
      %add3A_168 = arith.addi %add3A_167, %mul3A_166 : i32
      %broadcast_in_dim3A = arith.constant 0.000000e+00 : bf16
      %broadcast_in_dim3A_169 = vector.broadcast %broadcast_in_dim3A : bf16 to vector<32xbf16>
      %swap3A = arith.constant 0 : i32
      %swap3A_170 = arith.index_cast %swap3A : i32 to index
      %swap3A_171 = arith.index_cast %add3A_168 : i32 to index
      %swap3A_172 = arith.constant 0 : index
      %swap3A_173 = tpu.vector_load %arg10[%swap3A_170, %swap3A_171, %swap3A_172] {strides = array<i32>} : memref<5x80x128xbf16, #tpu.memory_space<vmem>>, vector<1x1x32xbf16>,
      %swap3A_174 = vector.shape_cast %swap3A_173 : vector<1x1x32xbf16> to vector<32xbf16>
      %swap3A_175 = vector.shape_cast %broadcast_in_dim3A_169 : vector<32xbf16> to vector<1x1x32xbf16>
      tpu.vector_store %arg10[%swap3A_170, %swap3A_171, %swap3A_172], %swap3A_175 {strides = array<i32>} : memref<5x80x128xbf16, #tpu.memory_space<vmem>>, vector<1x1x32xbf16>,
      %broadcast_in_dim3A_176 = arith.constant 0.000000e+00 : bf16
      %broadcast_in_dim3A_177 = vector.broadcast %broadcast_in_dim3A_176 : bf16 to vector<32xbf16>
      %swap3A_178 = arith.constant 0 : i32
      %swap3A_179 = arith.index_cast %swap3A_178 : i32 to index
      %swap3A_180 = arith.index_cast %add3A_168 : i32 to index
      %swap3A_181 = arith.constant 32 : index
      %swap3A_182 = tpu.vector_load %arg10[%swap3A_179, %swap3A_180, %swap3A_181] {strides = array<i32>} : memref<5x80x128xbf16, #tpu.memory_space<vmem>>, vector<1x1x32xbf16>,
      %swap3A_183 = vector.shape_cast %swap3A_182 : vector<1x1x32xbf16> to vector<32xbf16>
      %swap3A_184 = vector.shape_cast %broadcast_in_dim3A_177 : vector<32xbf16> to vector<1x1x32xbf16>
      tpu.vector_store %arg10[%swap3A_179, %swap3A_180, %swap3A_181], %swap3A_184 {strides = array<i32>} : memref<5x80x128xbf16, #tpu.memory_space<vmem>>, vector<1x1x32xbf16>,
      %broadcast_in_dim3A_185 = arith.constant 0.000000e+00 : bf16
      %broadcast_in_dim3A_186 = vector.broadcast %broadcast_in_dim3A_185 : bf16 to vector<32xbf16>
      %swap3A_187 = arith.constant 0 : i32
      %swap3A_188 = arith.index_cast %swap3A_187 : i32 to index
      %swap3A_189 = arith.index_cast %add3A_168 : i32 to index
      %swap3A_190 = arith.constant 64 : index
      %swap3A_191 = tpu.vector_load %arg10[%swap3A_188, %swap3A_189, %swap3A_190] {strides = array<i32>} : memref<5x80x128xbf16, #tpu.memory_space<vmem>>, vector<1x1x32xbf16>,
      %swap3A_192 = vector.shape_cast %swap3A_191 : vector<1x1x32xbf16> to vector<32xbf16>
      %swap3A_193 = vector.shape_cast %broadcast_in_dim3A_186 : vector<32xbf16> to vector<1x1x32xbf16>
      tpu.vector_store %arg10[%swap3A_188, %swap3A_189, %swap3A_190], %swap3A_193 {strides = array<i32>} : memref<5x80x128xbf16, #tpu.memory_space<vmem>>, vector<1x1x32xbf16>,
      %broadcast_in_dim3A_194 = arith.constant 0.000000e+00 : bf16
      %broadcast_in_dim3A_195 = vector.broadcast %broadcast_in_dim3A_194 : bf16 to vector<32xbf16>
      %swap3A_196 = arith.constant 0 : i32
      %swap3A_197 = arith.index_cast %swap3A_196 : i32 to index
      %swap3A_198 = arith.index_cast %add3A_168 : i32 to index
      %swap3A_199 = arith.constant 96 : index
      %swap3A_200 = tpu.vector_load %arg10[%swap3A_197, %swap3A_198, %swap3A_199] {strides = array<i32>} : memref<5x80x128xbf16, #tpu.memory_space<vmem>>, vector<1x1x32xbf16>,
      %swap3A_201 = vector.shape_cast %swap3A_200 : vector<1x1x32xbf16> to vector<32xbf16>
      %swap3A_202 = vector.shape_cast %broadcast_in_dim3A_195 : vector<32xbf16> to vector<1x1x32xbf16>
      tpu.vector_store %arg10[%swap3A_197, %swap3A_198, %swap3A_199], %swap3A_202 {strides = array<i32>} : memref<5x80x128xbf16, #tpu.memory_space<vmem>>, vector<1x1x32xbf16>,
    }
    %scan3A_3 = arith.constant 80 : i32
    %mul3A = arith.constant 640 : i32
    %mul3A_4 = arith.muli %arg1, %mul3A : i32
    %add3A = arith.constant 0 : i32
    %add3A_5 = arith.addi %mul3A_4, %add3A : i32
    %run_scoped3A = arith.constant 0 : i32
    "tpu.region"() ({
      %run_scoped3A_164 = tpu.sem_alloc : memref<!tpu.dma_semaphore, #tpu.memory_space<semaphore_mem>>
      %dma_start3A_165 = arith.constant 0 : i32
      %dma_start3A_166 = arith.constant 0 : i32
      %dma_start3A_167 = tpu.memref_slice %arg10[%run_scoped3A, %dma_start3A_165, %dma_start3A_166] : memref<5x80x128xbf16, #tpu.memory_space<vmem>> -> memref<1x80x128xbf16, #tpu.memory_space<vmem>>
      %dma_start3A_168 = tpu.memref_squeeze %dma_start3A_167 : memref<1x80x128xbf16, #tpu.memory_space<vmem>> -> memref<80x128xbf16, #tpu.memory_space<vmem>>
      %dma_start3A_169 = arith.constant 0 : i32
      %dma_start3A_170 = tpu.memref_slice %arg11[%add3A_5, %dma_start3A_169] : memref<10240x128xbf16, #tpu.memory_space<vmem_shared>> -> memref<80x128xbf16, #tpu.memory_space<vmem_shared>>
      %dma_start3A_171 = arith.constant 0 : i32
      %dma_start3A_172 = tpu.memref_slice %arg11[%add3A_5, %dma_start3A_171] : memref<10240x128xbf16, #tpu.memory_space<vmem_shared>> -> memref<80x128xbf16, #tpu.memory_space<vmem_shared>>
      %dma_start3A_173 = arith.constant 0 : i32
      %dma_start3A_174 = arith.constant 0 : i32
      %dma_start3A_175 = tpu.memref_slice %arg10[%run_scoped3A, %dma_start3A_173, %dma_start3A_174] : memref<5x80x128xbf16, #tpu.memory_space<vmem>> -> memref<1x80x128xbf16, #tpu.memory_space<vmem>>
      %dma_start3A_176 = tpu.memref_squeeze %dma_start3A_175 : memref<1x80x128xbf16, #tpu.memory_space<vmem>> -> memref<80x128xbf16, #tpu.memory_space<vmem>>
      tpu.enqueue_dma source(%dma_start3A_176 : memref<80x128xbf16, #tpu.memory_space<vmem>>) target(%dma_start3A_172 : memref<80x128xbf16, #tpu.memory_space<vmem_shared>>) target_semaphore(%run_scoped3A_164 : memref<!tpu.dma_semaphore, #tpu.memory_space<semaphore_mem>>)
      %dma_wait3A_177 = arith.constant 0 : i32
      %dma_wait3A_178 = arith.constant 0 : i32
      %dma_wait3A_179 = tpu.memref_slice %arg10[%run_scoped3A, %dma_wait3A_177, %dma_wait3A_178] : memref<5x80x128xbf16, #tpu.memory_space<vmem>> -> memref<1x80x128xbf16, #tpu.memory_space<vmem>>
      %dma_wait3A_180 = tpu.memref_squeeze %dma_wait3A_179 : memref<1x80x128xbf16, #tpu.memory_space<vmem>> -> memref<80x128xbf16, #tpu.memory_space<vmem>>
      %dma_wait3A_181 = arith.constant 0 : i32
      %dma_wait3A_182 = tpu.memref_slice %arg11[%add3A_5, %dma_wait3A_181] : memref<10240x128xbf16, #tpu.memory_space<vmem_shared>> -> memref<80x128xbf16, #tpu.memory_space<vmem_shared>>
      %dma_wait3A_183 = arith.constant 0 : i32
      %dma_wait3A_184 = tpu.memref_slice %arg11[%add3A_5, %dma_wait3A_183] : memref<10240x128xbf16, #tpu.memory_space<vmem_shared>> -> memref<80x128xbf16, #tpu.memory_space<vmem_shared>>
      %dma_wait3A_185 = arith.constant 0 : i32
      %dma_wait3A_186 = arith.constant 0 : i32
      %dma_wait3A_187 = tpu.memref_slice %arg10[%run_scoped3A, %dma_wait3A_185, %dma_wait3A_186] : memref<5x80x128xbf16, #tpu.memory_space<vmem>> -> memref<1x80x128xbf16, #tpu.memory_space<vmem>>
      %dma_wait3A_188 = tpu.memref_squeeze %dma_wait3A_187 : memref<1x80x128xbf16, #tpu.memory_space<vmem>> -> memref<80x128xbf16, #tpu.memory_space<vmem>>
      tpu.wait_dma2 semaphore(%run_scoped3A_164 : memref<!tpu.dma_semaphore, #tpu.memory_space<semaphore_mem>>) src(%dma_wait3A_188 : memref<80x128xbf16, #tpu.memory_space<vmem>>) dst(%dma_wait3A_184 : memref<80x128xbf16, #tpu.memory_space<vmem_shared>>)
      tpu.yield
    }) : () -> ()
    %mul3A_6 = arith.constant 640 : i32
    %mul3A_7 = arith.muli %arg1, %mul3A_6 : i32
    %add3A_8 = arith.constant 80 : i32
    %add3A_9 = arith.addi %mul3A_7, %add3A_8 : i32
    %run_scoped3A_10 = arith.constant 0 : i32
    "tpu.region"() ({
      %run_scoped3A_164 = tpu.sem_alloc : memref<!tpu.dma_semaphore, #tpu.memory_space<semaphore_mem>>
      %dma_start3A_165 = arith.constant 0 : i32
      %dma_start3A_166 = arith.constant 0 : i32
      %dma_start3A_167 = tpu.memref_slice %arg10[%run_scoped3A_10, %dma_start3A_165, %dma_start3A_166] : memref<5x80x128xbf16, #tpu.memory_space<vmem>> -> memref<1x80x128xbf16, #tpu.memory_space<vmem>>
      %dma_start3A_168 = tpu.memref_squeeze %dma_start3A_167 : memref<1x80x128xbf16, #tpu.memory_space<vmem>> -> memref<80x128xbf16, #tpu.memory_space<vmem>>
      %dma_start3A_169 = arith.constant 0 : i32
      %dma_start3A_170 = tpu.memref_slice %arg11[%add3A_9, %dma_start3A_169] : memref<10240x128xbf16, #tpu.memory_space<vmem_shared>> -> memref<80x128xbf16, #tpu.memory_space<vmem_shared>>
      %dma_start3A_171 = arith.constant 0 : i32
      %dma_start3A_172 = tpu.memref_slice %arg11[%add3A_9, %dma_start3A_171] : memref<10240x128xbf16, #tpu.memory_space<vmem_shared>> -> memref<80x128xbf16, #tpu.memory_space<vmem_shared>>
      %dma_start3A_173 = arith.constant 0 : i32
      %dma_start3A_174 = arith.constant 0 : i32
      %dma_start3A_175 = tpu.memref_slice %arg10[%run_scoped3A_10, %dma_start3A_173, %dma_start3A_174] : memref<5x80x128xbf16, #tpu.memory_space<vmem>> -> memref<1x80x128xbf16, #tpu.memory_space<vmem>>
      %dma_start3A_176 = tpu.memref_squeeze %dma_start3A_175 : memref<1x80x128xbf16, #tpu.memory_space<vmem>> -> memref<80x128xbf16, #tpu.memory_space<vmem>>
      tpu.enqueue_dma source(%dma_start3A_176 : memref<80x128xbf16, #tpu.memory_space<vmem>>) target(%dma_start3A_172 : memref<80x128xbf16, #tpu.memory_space<vmem_shared>>) target_semaphore(%run_scoped3A_164 : memref<!tpu.dma_semaphore, #tpu.memory_space<semaphore_mem>>)
      %dma_wait3A_177 = arith.constant 0 : i32
      %dma_wait3A_178 = arith.constant 0 : i32
      %dma_wait3A_179 = tpu.memref_slice %arg10[%run_scoped3A_10, %dma_wait3A_177, %dma_wait3A_178] : memref<5x80x128xbf16, #tpu.memory_space<vmem>> -> memref<1x80x128xbf16, #tpu.memory_space<vmem>>
      %dma_wait3A_180 = tpu.memref_squeeze %dma_wait3A_179 : memref<1x80x128xbf16, #tpu.memory_space<vmem>> -> memref<80x128xbf16, #tpu.memory_space<vmem>>
      %dma_wait3A_181 = arith.constant 0 : i32
      %dma_wait3A_182 = tpu.memref_slice %arg11[%add3A_9, %dma_wait3A_181] : memref<10240x128xbf16, #tpu.memory_space<vmem_shared>> -> memref<80x128xbf16, #tpu.memory_space<vmem_shared>>
      %dma_wait3A_183 = arith.constant 0 : i32
      %dma_wait3A_184 = tpu.memref_slice %arg11[%add3A_9, %dma_wait3A_183] : memref<10240x128xbf16, #tpu.memory_space<vmem_shared>> -> memref<80x128xbf16, #tpu.memory_space<vmem_shared>>
      %dma_wait3A_185 = arith.constant 0 : i32
      %dma_wait3A_186 = arith.constant 0 : i32
      %dma_wait3A_187 = tpu.memref_slice %arg10[%run_scoped3A_10, %dma_wait3A_185, %dma_wait3A_186] : memref<5x80x128xbf16, #tpu.memory_space<vmem>> -> memref<1x80x128xbf16, #tpu.memory_space<vmem>>
      %dma_wait3A_188 = tpu.memref_squeeze %dma_wait3A_187 : memref<1x80x128xbf16, #tpu.memory_space<vmem>> -> memref<80x128xbf16, #tpu.memory_space<vmem>>
      tpu.wait_dma2 semaphore(%run_scoped3A_164 : memref<!tpu.dma_semaphore, #tpu.memory_space<semaphore_mem>>) src(%dma_wait3A_188 : memref<80x128xbf16, #tpu.memory_space<vmem>>) dst(%dma_wait3A_184 : memref<80x128xbf16, #tpu.memory_space<vmem_shared>>)
      tpu.yield
    }) : () -> ()
    %mul3A_11 = arith.constant 640 : i32
    %mul3A_12 = arith.muli %arg1, %mul3A_11 : i32
    %add3A_13 = arith.constant 160 : i32
    %add3A_14 = arith.addi %mul3A_12, %add3A_13 : i32
    %run_scoped3A_15 = arith.constant 0 : i32
    "tpu.region"() ({
      %run_scoped3A_164 = tpu.sem_alloc : memref<!tpu.dma_semaphore, #tpu.memory_space<semaphore_mem>>
      %dma_start3A_165 = arith.constant 0 : i32
      %dma_start3A_166 = arith.constant 0 : i32
      %dma_start3A_167 = tpu.memref_slice %arg10[%run_scoped3A_15, %dma_start3A_165, %dma_start3A_166] : memref<5x80x128xbf16, #tpu.memory_space<vmem>> -> memref<1x80x128xbf16, #tpu.memory_space<vmem>>
      %dma_start3A_168 = tpu.memref_squeeze %dma_start3A_167 : memref<1x80x128xbf16, #tpu.memory_space<vmem>> -> memref<80x128xbf16, #tpu.memory_space<vmem>>
      %dma_start3A_169 = arith.constant 0 : i32
      %dma_start3A_170 = tpu.memref_slice %arg11[%add3A_14, %dma_start3A_169] : memref<10240x128xbf16, #tpu.memory_space<vmem_shared>> -> memref<80x128xbf16, #tpu.memory_space<vmem_shared>>
      %dma_start3A_171 = arith.constant 0 : i32
      %dma_start3A_172 = tpu.memref_slice %arg11[%add3A_14, %dma_start3A_171] : memref<10240x128xbf16, #tpu.memory_space<vmem_shared>> -> memref<80x128xbf16, #tpu.memory_space<vmem_shared>>
      %dma_start3A_173 = arith.constant 0 : i32
      %dma_start3A_174 = arith.constant 0 : i32
      %dma_start3A_175 = tpu.memref_slice %arg10[%run_scoped3A_15, %dma_start3A_173, %dma_start3A_174] : memref<5x80x128xbf16, #tpu.memory_space<vmem>> -> memref<1x80x128xbf16, #tpu.memory_space<vmem>>
      %dma_start3A_176 = tpu.memref_squeeze %dma_start3A_175 : memref<1x80x128xbf16, #tpu.memory_space<vmem>> -> memref<80x128xbf16, #tpu.memory_space<vmem>>
      tpu.enqueue_dma source(%dma_start3A_176 : memref<80x128xbf16, #tpu.memory_space<vmem>>) target(%dma_start3A_172 : memref<80x128xbf16, #tpu.memory_space<vmem_shared>>) target_semaphore(%run_scoped3A_164 : memref<!tpu.dma_semaphore, #tpu.memory_space<semaphore_mem>>)
      %dma_wait3A_177 = arith.constant 0 : i32
      %dma_wait3A_178 = arith.constant 0 : i32
      %dma_wait3A_179 = tpu.memref_slice %arg10[%run_scoped3A_15, %dma_wait3A_177, %dma_wait3A_178] : memref<5x80x128xbf16, #tpu.memory_space<vmem>> -> memref<1x80x128xbf16, #tpu.memory_space<vmem>>
      %dma_wait3A_180 = tpu.memref_squeeze %dma_wait3A_179 : memref<1x80x128xbf16, #tpu.memory_space<vmem>> -> memref<80x128xbf16, #tpu.memory_space<vmem>>
      %dma_wait3A_181 = arith.constant 0 : i32
      %dma_wait3A_182 = tpu.memref_slice %arg11[%add3A_14, %dma_wait3A_181] : memref<10240x128xbf16, #tpu.memory_space<vmem_shared>> -> memref<80x128xbf16, #tpu.memory_space<vmem_shared>>
      %dma_wait3A_183 = arith.constant 0 : i32
      %dma_wait3A_184 = tpu.memref_slice %arg11[%add3A_14, %dma_wait3A_183] : memref<10240x128xbf16, #tpu.memory_space<vmem_shared>> -> memref<80x128xbf16, #tpu.memory_space<vmem_shared>>
      %dma_wait3A_185 = arith.constant 0 : i32
      %dma_wait3A_186 = arith.constant 0 : i32
      %dma_wait3A_187 = tpu.memref_slice %arg10[%run_scoped3A_15, %dma_wait3A_185, %dma_wait3A_186] : memref<5x80x128xbf16, #tpu.memory_space<vmem>> -> memref<1x80x128xbf16, #tpu.memory_space<vmem>>
      %dma_wait3A_188 = tpu.memref_squeeze %dma_wait3A_187 : memref<1x80x128xbf16, #tpu.memory_space<vmem>> -> memref<80x128xbf16, #tpu.memory_space<vmem>>
      tpu.wait_dma2 semaphore(%run_scoped3A_164 : memref<!tpu.dma_semaphore, #tpu.memory_space<semaphore_mem>>) src(%dma_wait3A_188 : memref<80x128xbf16, #tpu.memory_space<vmem>>) dst(%dma_wait3A_184 : memref<80x128xbf16, #tpu.memory_space<vmem_shared>>)
      tpu.yield
    }) : () -> ()
    %mul3A_16 = arith.constant 640 : i32
    %mul3A_17 = arith.muli %arg1, %mul3A_16 : i32
    %add3A_18 = arith.constant 240 : i32
    %add3A_19 = arith.addi %mul3A_17, %add3A_18 : i32
    %run_scoped3A_20 = arith.constant 0 : i32
    "tpu.region"() ({
      %run_scoped3A_164 = tpu.sem_alloc : memref<!tpu.dma_semaphore, #tpu.memory_space<semaphore_mem>>
      %dma_start3A_165 = arith.constant 0 : i32
      %dma_start3A_166 = arith.constant 0 : i32
      %dma_start3A_167 = tpu.memref_slice %arg10[%run_scoped3A_20, %dma_start3A_165, %dma_start3A_166] : memref<5x80x128xbf16, #tpu.memory_space<vmem>> -> memref<1x80x128xbf16, #tpu.memory_space<vmem>>
      %dma_start3A_168 = tpu.memref_squeeze %dma_start3A_167 : memref<1x80x128xbf16, #tpu.memory_space<vmem>> -> memref<80x128xbf16, #tpu.memory_space<vmem>>
      %dma_start3A_169 = arith.constant 0 : i32
      %dma_start3A_170 = tpu.memref_slice %arg11[%add3A_19, %dma_start3A_169] : memref<10240x128xbf16, #tpu.memory_space<vmem_shared>> -> memref<80x128xbf16, #tpu.memory_space<vmem_shared>>
      %dma_start3A_171 = arith.constant 0 : i32
      %dma_start3A_172 = tpu.memref_slice %arg11[%add3A_19, %dma_start3A_171] : memref<10240x128xbf16, #tpu.memory_space<vmem_shared>> -> memref<80x128xbf16, #tpu.memory_space<vmem_shared>>
      %dma_start3A_173 = arith.constant 0 : i32
      %dma_start3A_174 = arith.constant 0 : i32
      %dma_start3A_175 = tpu.memref_slice %arg10[%run_scoped3A_20, %dma_start3A_173, %dma_start3A_174] : memref<5x80x128xbf16, #tpu.memory_space<vmem>> -> memref<1x80x128xbf16, #tpu.memory_space<vmem>>
      %dma_start3A_176 = tpu.memref_squeeze %dma_start3A_175 : memref<1x80x128xbf16, #tpu.memory_space<vmem>> -> memref<80x128xbf16, #tpu.memory_space<vmem>>
      tpu.enqueue_dma source(%dma_start3A_176 : memref<80x128xbf16, #tpu.memory_space<vmem>>) target(%dma_start3A_172 : memref<80x128xbf16, #tpu.memory_space<vmem_shared>>) target_semaphore(%run_scoped3A_164 : memref<!tpu.dma_semaphore, #tpu.memory_space<semaphore_mem>>)
      %dma_wait3A_177 = arith.constant 0 : i32
      %dma_wait3A_178 = arith.constant 0 : i32
      %dma_wait3A_179 = tpu.memref_slice %arg10[%run_scoped3A_20, %dma_wait3A_177, %dma_wait3A_178] : memref<5x80x128xbf16, #tpu.memory_space<vmem>> -> memref<1x80x128xbf16, #tpu.memory_space<vmem>>
      %dma_wait3A_180 = tpu.memref_squeeze %dma_wait3A_179 : memref<1x80x128xbf16, #tpu.memory_space<vmem>> -> memref<80x128xbf16, #tpu.memory_space<vmem>>
      %dma_wait3A_181 = arith.constant 0 : i32
      %dma_wait3A_182 = tpu.memref_slice %arg11[%add3A_19, %dma_wait3A_181] : memref<10240x128xbf16, #tpu.memory_space<vmem_shared>> -> memref<80x128xbf16, #tpu.memory_space<vmem_shared>>
      %dma_wait3A_183 = arith.constant 0 : i32
      %dma_wait3A_184 = tpu.memref_slice %arg11[%add3A_19, %dma_wait3A_183] : memref<10240x128xbf16, #tpu.memory_space<vmem_shared>> -> memref<80x128xbf16, #tpu.memory_space<vmem_shared>>
      %dma_wait3A_185 = arith.constant 0 : i32
      %dma_wait3A_186 = arith.constant 0 : i32
      %dma_wait3A_187 = tpu.memref_slice %arg10[%run_scoped3A_20, %dma_wait3A_185, %dma_wait3A_186] : memref<5x80x128xbf16, #tpu.memory_space<vmem>> -> memref<1x80x128xbf16, #tpu.memory_space<vmem>>
      %dma_wait3A_188 = tpu.memref_squeeze %dma_wait3A_187 : memref<1x80x128xbf16, #tpu.memory_space<vmem>> -> memref<80x128xbf16, #tpu.memory_space<vmem>>
      tpu.wait_dma2 semaphore(%run_scoped3A_164 : memref<!tpu.dma_semaphore, #tpu.memory_space<semaphore_mem>>) src(%dma_wait3A_188 : memref<80x128xbf16, #tpu.memory_space<vmem>>) dst(%dma_wait3A_184 : memref<80x128xbf16, #tpu.memory_space<vmem_shared>>)
      tpu.yield
    }) : () -> ()
    %mul3A_21 = arith.constant 640 : i32
    %mul3A_22 = arith.muli %arg1, %mul3A_21 : i32
    %add3A_23 = arith.constant 320 : i32
    %add3A_24 = arith.addi %mul3A_22, %add3A_23 : i32
    %run_scoped3A_25 = arith.constant 0 : i32
    "tpu.region"() ({
      %run_scoped3A_164 = tpu.sem_alloc : memref<!tpu.dma_semaphore, #tpu.memory_space<semaphore_mem>>
      %dma_start3A_165 = arith.constant 0 : i32
      %dma_start3A_166 = arith.constant 0 : i32
      %dma_start3A_167 = tpu.memref_slice %arg10[%run_scoped3A_25, %dma_start3A_165, %dma_start3A_166] : memref<5x80x128xbf16, #tpu.memory_space<vmem>> -> memref<1x80x128xbf16, #tpu.memory_space<vmem>>
      %dma_start3A_168 = tpu.memref_squeeze %dma_start3A_167 : memref<1x80x128xbf16, #tpu.memory_space<vmem>> -> memref<80x128xbf16, #tpu.memory_space<vmem>>
      %dma_start3A_169 = arith.constant 0 : i32
      %dma_start3A_170 = tpu.memref_slice %arg11[%add3A_24, %dma_start3A_169] : memref<10240x128xbf16, #tpu.memory_space<vmem_shared>> -> memref<80x128xbf16, #tpu.memory_space<vmem_shared>>
      %dma_start3A_171 = arith.constant 0 : i32
      %dma_start3A_172 = tpu.memref_slice %arg11[%add3A_24, %dma_start3A_171] : memref<10240x128xbf16, #tpu.memory_space<vmem_shared>> -> memref<80x128xbf16, #tpu.memory_space<vmem_shared>>
      %dma_start3A_173 = arith.constant 0 : i32
      %dma_start3A_174 = arith.constant 0 : i32
      %dma_start3A_175 = tpu.memref_slice %arg10[%run_scoped3A_25, %dma_start3A_173, %dma_start3A_174] : memref<5x80x128xbf16, #tpu.memory_space<vmem>> -> memref<1x80x128xbf16, #tpu.memory_space<vmem>>
      %dma_start3A_176 = tpu.memref_squeeze %dma_start3A_175 : memref<1x80x128xbf16, #tpu.memory_space<vmem>> -> memref<80x128xbf16, #tpu.memory_space<vmem>>
      tpu.enqueue_dma source(%dma_start3A_176 : memref<80x128xbf16, #tpu.memory_space<vmem>>) target(%dma_start3A_172 : memref<80x128xbf16, #tpu.memory_space<vmem_shared>>) target_semaphore(%run_scoped3A_164 : memref<!tpu.dma_semaphore, #tpu.memory_space<semaphore_mem>>)
      %dma_wait3A_177 = arith.constant 0 : i32
      %dma_wait3A_178 = arith.constant 0 : i32
      %dma_wait3A_179 = tpu.memref_slice %arg10[%run_scoped3A_25, %dma_wait3A_177, %dma_wait3A_178] : memref<5x80x128xbf16, #tpu.memory_space<vmem>> -> memref<1x80x128xbf16, #tpu.memory_space<vmem>>
      %dma_wait3A_180 = tpu.memref_squeeze %dma_wait3A_179 : memref<1x80x128xbf16, #tpu.memory_space<vmem>> -> memref<80x128xbf16, #tpu.memory_space<vmem>>
      %dma_wait3A_181 = arith.constant 0 : i32
      %dma_wait3A_182 = tpu.memref_slice %arg11[%add3A_24, %dma_wait3A_181] : memref<10240x128xbf16, #tpu.memory_space<vmem_shared>> -> memref<80x128xbf16, #tpu.memory_space<vmem_shared>>
      %dma_wait3A_183 = arith.constant 0 : i32
      %dma_wait3A_184 = tpu.memref_slice %arg11[%add3A_24, %dma_wait3A_183] : memref<10240x128xbf16, #tpu.memory_space<vmem_shared>> -> memref<80x128xbf16, #tpu.memory_space<vmem_shared>>
      %dma_wait3A_185 = arith.constant 0 : i32
      %dma_wait3A_186 = arith.constant 0 : i32
      %dma_wait3A_187 = tpu.memref_slice %arg10[%run_scoped3A_25, %dma_wait3A_185, %dma_wait3A_186] : memref<5x80x128xbf16, #tpu.memory_space<vmem>> -> memref<1x80x128xbf16, #tpu.memory_space<vmem>>
      %dma_wait3A_188 = tpu.memref_squeeze %dma_wait3A_187 : memref<1x80x128xbf16, #tpu.memory_space<vmem>> -> memref<80x128xbf16, #tpu.memory_space<vmem>>
      tpu.wait_dma2 semaphore(%run_scoped3A_164 : memref<!tpu.dma_semaphore, #tpu.memory_space<semaphore_mem>>) src(%dma_wait3A_188 : memref<80x128xbf16, #tpu.memory_space<vmem>>) dst(%dma_wait3A_184 : memref<80x128xbf16, #tpu.memory_space<vmem_shared>>)
      tpu.yield
    }) : () -> ()
    %mul3A_26 = arith.constant 640 : i32
    %mul3A_27 = arith.muli %arg1, %mul3A_26 : i32
    %add3A_28 = arith.constant 400 : i32
    %add3A_29 = arith.addi %mul3A_27, %add3A_28 : i32
    %run_scoped3A_30 = arith.constant 0 : i32
    "tpu.region"() ({
      %run_scoped3A_164 = tpu.sem_alloc : memref<!tpu.dma_semaphore, #tpu.memory_space<semaphore_mem>>
      %dma_start3A_165 = arith.constant 0 : i32
      %dma_start3A_166 = arith.constant 0 : i32
      %dma_start3A_167 = tpu.memref_slice %arg10[%run_scoped3A_30, %dma_start3A_165, %dma_start3A_166] : memref<5x80x128xbf16, #tpu.memory_space<vmem>> -> memref<1x80x128xbf16, #tpu.memory_space<vmem>>
      %dma_start3A_168 = tpu.memref_squeeze %dma_start3A_167 : memref<1x80x128xbf16, #tpu.memory_space<vmem>> -> memref<80x128xbf16, #tpu.memory_space<vmem>>
      %dma_start3A_169 = arith.constant 0 : i32
      %dma_start3A_170 = tpu.memref_slice %arg11[%add3A_29, %dma_start3A_169] : memref<10240x128xbf16, #tpu.memory_space<vmem_shared>> -> memref<80x128xbf16, #tpu.memory_space<vmem_shared>>
      %dma_start3A_171 = arith.constant 0 : i32
      %dma_start3A_172 = tpu.memref_slice %arg11[%add3A_29, %dma_start3A_171] : memref<10240x128xbf16, #tpu.memory_space<vmem_shared>> -> memref<80x128xbf16, #tpu.memory_space<vmem_shared>>
      %dma_start3A_173 = arith.constant 0 : i32
      %dma_start3A_174 = arith.constant 0 : i32
      %dma_start3A_175 = tpu.memref_slice %arg10[%run_scoped3A_30, %dma_start3A_173, %dma_start3A_174] : memref<5x80x128xbf16, #tpu.memory_space<vmem>> -> memref<1x80x128xbf16, #tpu.memory_space<vmem>>
      %dma_start3A_176 = tpu.memref_squeeze %dma_start3A_175 : memref<1x80x128xbf16, #tpu.memory_space<vmem>> -> memref<80x128xbf16, #tpu.memory_space<vmem>>
      tpu.enqueue_dma source(%dma_start3A_176 : memref<80x128xbf16, #tpu.memory_space<vmem>>) target(%dma_start3A_172 : memref<80x128xbf16, #tpu.memory_space<vmem_shared>>) target_semaphore(%run_scoped3A_164 : memref<!tpu.dma_semaphore, #tpu.memory_space<semaphore_mem>>)
      %dma_wait3A_177 = arith.constant 0 : i32
      %dma_wait3A_178 = arith.constant 0 : i32
      %dma_wait3A_179 = tpu.memref_slice %arg10[%run_scoped3A_30, %dma_wait3A_177, %dma_wait3A_178] : memref<5x80x128xbf16, #tpu.memory_space<vmem>> -> memref<1x80x128xbf16, #tpu.memory_space<vmem>>
      %dma_wait3A_180 = tpu.memref_squeeze %dma_wait3A_179 : memref<1x80x128xbf16, #tpu.memory_space<vmem>> -> memref<80x128xbf16, #tpu.memory_space<vmem>>
      %dma_wait3A_181 = arith.constant 0 : i32
      %dma_wait3A_182 = tpu.memref_slice %arg11[%add3A_29, %dma_wait3A_181] : memref<10240x128xbf16, #tpu.memory_space<vmem_shared>> -> memref<80x128xbf16, #tpu.memory_space<vmem_shared>>
      %dma_wait3A_183 = arith.constant 0 : i32
      %dma_wait3A_184 = tpu.memref_slice %arg11[%add3A_29, %dma_wait3A_183] : memref<10240x128xbf16, #tpu.memory_space<vmem_shared>> -> memref<80x128xbf16, #tpu.memory_space<vmem_shared>>
      %dma_wait3A_185 = arith.constant 0 : i32
      %dma_wait3A_186 = arith.constant 0 : i32
      %dma_wait3A_187 = tpu.memref_slice %arg10[%run_scoped3A_30, %dma_wait3A_185, %dma_wait3A_186] : memref<5x80x128xbf16, #tpu.memory_space<vmem>> -> memref<1x80x128xbf16, #tpu.memory_space<vmem>>
      %dma_wait3A_188 = tpu.memref_squeeze %dma_wait3A_187 : memref<1x80x128xbf16, #tpu.memory_space<vmem>> -> memref<80x128xbf16, #tpu.memory_space<vmem>>
      tpu.wait_dma2 semaphore(%run_scoped3A_164 : memref<!tpu.dma_semaphore, #tpu.memory_space<semaphore_mem>>) src(%dma_wait3A_188 : memref<80x128xbf16, #tpu.memory_space<vmem>>) dst(%dma_wait3A_184 : memref<80x128xbf16, #tpu.memory_space<vmem_shared>>)
      tpu.yield
    }) : () -> ()
    %mul3A_31 = arith.constant 640 : i32
    %mul3A_32 = arith.muli %arg1, %mul3A_31 : i32
    %add3A_33 = arith.constant 480 : i32
    %add3A_34 = arith.addi %mul3A_32, %add3A_33 : i32
    %run_scoped3A_35 = arith.constant 0 : i32
    "tpu.region"() ({
      %run_scoped3A_164 = tpu.sem_alloc : memref<!tpu.dma_semaphore, #tpu.memory_space<semaphore_mem>>
      %dma_start3A_165 = arith.constant 0 : i32
      %dma_start3A_166 = arith.constant 0 : i32
      %dma_start3A_167 = tpu.memref_slice %arg10[%run_scoped3A_35, %dma_start3A_165, %dma_start3A_166] : memref<5x80x128xbf16, #tpu.memory_space<vmem>> -> memref<1x80x128xbf16, #tpu.memory_space<vmem>>
      %dma_start3A_168 = tpu.memref_squeeze %dma_start3A_167 : memref<1x80x128xbf16, #tpu.memory_space<vmem>> -> memref<80x128xbf16, #tpu.memory_space<vmem>>
      %dma_start3A_169 = arith.constant 0 : i32
      %dma_start3A_170 = tpu.memref_slice %arg11[%add3A_34, %dma_start3A_169] : memref<10240x128xbf16, #tpu.memory_space<vmem_shared>> -> memref<80x128xbf16, #tpu.memory_space<vmem_shared>>
      %dma_start3A_171 = arith.constant 0 : i32
      %dma_start3A_172 = tpu.memref_slice %arg11[%add3A_34, %dma_start3A_171] : memref<10240x128xbf16, #tpu.memory_space<vmem_shared>> -> memref<80x128xbf16, #tpu.memory_space<vmem_shared>>
      %dma_start3A_173 = arith.constant 0 : i32
      %dma_start3A_174 = arith.constant 0 : i32
      %dma_start3A_175 = tpu.memref_slice %arg10[%run_scoped3A_35, %dma_start3A_173, %dma_start3A_174] : memref<5x80x128xbf16, #tpu.memory_space<vmem>> -> memref<1x80x128xbf16, #tpu.memory_space<vmem>>
      %dma_start3A_176 = tpu.memref_squeeze %dma_start3A_175 : memref<1x80x128xbf16, #tpu.memory_space<vmem>> -> memref<80x128xbf16, #tpu.memory_space<vmem>>
      tpu.enqueue_dma source(%dma_start3A_176 : memref<80x128xbf16, #tpu.memory_space<vmem>>) target(%dma_start3A_172 : memref<80x128xbf16, #tpu.memory_space<vmem_shared>>) target_semaphore(%run_scoped3A_164 : memref<!tpu.dma_semaphore, #tpu.memory_space<semaphore_mem>>)
      %dma_wait3A_177 = arith.constant 0 : i32
      %dma_wait3A_178 = arith.constant 0 : i32
      %dma_wait3A_179 = tpu.memref_slice %arg10[%run_scoped3A_35, %dma_wait3A_177, %dma_wait3A_178] : memref<5x80x128xbf16, #tpu.memory_space<vmem>> -> memref<1x80x128xbf16, #tpu.memory_space<vmem>>
      %dma_wait3A_180 = tpu.memref_squeeze %dma_wait3A_179 : memref<1x80x128xbf16, #tpu.memory_space<vmem>> -> memref<80x128xbf16, #tpu.memory_space<vmem>>
      %dma_wait3A_181 = arith.constant 0 : i32
      %dma_wait3A_182 = tpu.memref_slice %arg11[%add3A_34, %dma_wait3A_181] : memref<10240x128xbf16, #tpu.memory_space<vmem_shared>> -> memref<80x128xbf16, #tpu.memory_space<vmem_shared>>
      %dma_wait3A_183 = arith.constant 0 : i32
      %dma_wait3A_184 = tpu.memref_slice %arg11[%add3A_34, %dma_wait3A_183] : memref<10240x128xbf16, #tpu.memory_space<vmem_shared>> -> memref<80x128xbf16, #tpu.memory_space<vmem_shared>>
      %dma_wait3A_185 = arith.constant 0 : i32
      %dma_wait3A_186 = arith.constant 0 : i32
      %dma_wait3A_187 = tpu.memref_slice %arg10[%run_scoped3A_35, %dma_wait3A_185, %dma_wait3A_186] : memref<5x80x128xbf16, #tpu.memory_space<vmem>> -> memref<1x80x128xbf16, #tpu.memory_space<vmem>>
      %dma_wait3A_188 = tpu.memref_squeeze %dma_wait3A_187 : memref<1x80x128xbf16, #tpu.memory_space<vmem>> -> memref<80x128xbf16, #tpu.memory_space<vmem>>
      tpu.wait_dma2 semaphore(%run_scoped3A_164 : memref<!tpu.dma_semaphore, #tpu.memory_space<semaphore_mem>>) src(%dma_wait3A_188 : memref<80x128xbf16, #tpu.memory_space<vmem>>) dst(%dma_wait3A_184 : memref<80x128xbf16, #tpu.memory_space<vmem_shared>>)
      tpu.yield
    }) : () -> ()
    %mul3A_36 = arith.constant 640 : i32
    %mul3A_37 = arith.muli %arg1, %mul3A_36 : i32
    %add3A_38 = arith.constant 560 : i32
    %add3A_39 = arith.addi %mul3A_37, %add3A_38 : i32
    %run_scoped3A_40 = arith.constant 0 : i32
    "tpu.region"() ({
      %run_scoped3A_164 = tpu.sem_alloc : memref<!tpu.dma_semaphore, #tpu.memory_space<semaphore_mem>>
      %dma_start3A_165 = arith.constant 0 : i32
      %dma_start3A_166 = arith.constant 0 : i32
      %dma_start3A_167 = tpu.memref_slice %arg10[%run_scoped3A_40, %dma_start3A_165, %dma_start3A_166] : memref<5x80x128xbf16, #tpu.memory_space<vmem>> -> memref<1x80x128xbf16, #tpu.memory_space<vmem>>
      %dma_start3A_168 = tpu.memref_squeeze %dma_start3A_167 : memref<1x80x128xbf16, #tpu.memory_space<vmem>> -> memref<80x128xbf16, #tpu.memory_space<vmem>>
      %dma_start3A_169 = arith.constant 0 : i32
      %dma_start3A_170 = tpu.memref_slice %arg11[%add3A_39, %dma_start3A_169] : memref<10240x128xbf16, #tpu.memory_space<vmem_shared>> -> memref<80x128xbf16, #tpu.memory_space<vmem_shared>>
      %dma_start3A_171 = arith.constant 0 : i32
      %dma_start3A_172 = tpu.memref_slice %arg11[%add3A_39, %dma_start3A_171] : memref<10240x128xbf16, #tpu.memory_space<vmem_shared>> -> memref<80x128xbf16, #tpu.memory_space<vmem_shared>>
      %dma_start3A_173 = arith.constant 0 : i32
      %dma_start3A_174 = arith.constant 0 : i32
      %dma_start3A_175 = tpu.memref_slice %arg10[%run_scoped3A_40, %dma_start3A_173, %dma_start3A_174] : memref<5x80x128xbf16, #tpu.memory_space<vmem>> -> memref<1x80x128xbf16, #tpu.memory_space<vmem>>
      %dma_start3A_176 = tpu.memref_squeeze %dma_start3A_175 : memref<1x80x128xbf16, #tpu.memory_space<vmem>> -> memref<80x128xbf16, #tpu.memory_space<vmem>>
      tpu.enqueue_dma source(%dma_start3A_176 : memref<80x128xbf16, #tpu.memory_space<vmem>>) target(%dma_start3A_172 : memref<80x128xbf16, #tpu.memory_space<vmem_shared>>) target_semaphore(%run_scoped3A_164 : memref<!tpu.dma_semaphore, #tpu.memory_space<semaphore_mem>>)
      %dma_wait3A_177 = arith.constant 0 : i32
      %dma_wait3A_178 = arith.constant 0 : i32
      %dma_wait3A_179 = tpu.memref_slice %arg10[%run_scoped3A_40, %dma_wait3A_177, %dma_wait3A_178] : memref<5x80x128xbf16, #tpu.memory_space<vmem>> -> memref<1x80x128xbf16, #tpu.memory_space<vmem>>
      %dma_wait3A_180 = tpu.memref_squeeze %dma_wait3A_179 : memref<1x80x128xbf16, #tpu.memory_space<vmem>> -> memref<80x128xbf16, #tpu.memory_space<vmem>>
      %dma_wait3A_181 = arith.constant 0 : i32
      %dma_wait3A_182 = tpu.memref_slice %arg11[%add3A_39, %dma_wait3A_181] : memref<10240x128xbf16, #tpu.memory_space<vmem_shared>> -> memref<80x128xbf16, #tpu.memory_space<vmem_shared>>
      %dma_wait3A_183 = arith.constant 0 : i32
      %dma_wait3A_184 = tpu.memref_slice %arg11[%add3A_39, %dma_wait3A_183] : memref<10240x128xbf16, #tpu.memory_space<vmem_shared>> -> memref<80x128xbf16, #tpu.memory_space<vmem_shared>>
      %dma_wait3A_185 = arith.constant 0 : i32
      %dma_wait3A_186 = arith.constant 0 : i32
      %dma_wait3A_187 = tpu.memref_slice %arg10[%run_scoped3A_40, %dma_wait3A_185, %dma_wait3A_186] : memref<5x80x128xbf16, #tpu.memory_space<vmem>> -> memref<1x80x128xbf16, #tpu.memory_space<vmem>>
      %dma_wait3A_188 = tpu.memref_squeeze %dma_wait3A_187 : memref<1x80x128xbf16, #tpu.memory_space<vmem>> -> memref<80x128xbf16, #tpu.memory_space<vmem>>
      tpu.wait_dma2 semaphore(%run_scoped3A_164 : memref<!tpu.dma_semaphore, #tpu.memory_space<semaphore_mem>>) src(%dma_wait3A_188 : memref<80x128xbf16, #tpu.memory_space<vmem>>) dst(%dma_wait3A_184 : memref<80x128xbf16, #tpu.memory_space<vmem_shared>>)
      tpu.yield
    }) : () -> ()
    %mul3A_41 = arith.constant 10000 : i32
    %mul3A_42 = arith.muli %arg1, %mul3A_41 : i32
    %eq3A = arith.constant 0 : i32
    %eq3A_43 = arith.cmpi eq, %arg0, %eq3A : i32
    %convert_element_type3A = arith.extui %eq3A_43 : i1 to i32
    %cond3A = arith.constant 0 : i32
    %cond3A_44 = arith.cmpi ne, %convert_element_type3A, %cond3A : i32
    scf.if %cond3A_44 {
      "tpu.region"() ({
        %run_scoped3A_164 = tpu.sem_alloc : memref<!tpu.dma_semaphore, #tpu.memory_space<semaphore_mem>>
        %dma_start3A_165 = tpu.memref_slice %arg3[%mul3A_42] : memref<160000xi32, #tpu.memory_space<hbm>> -> memref<10000xi32, #tpu.memory_space<hbm>>
        %dma_start3A_166 = tpu.memref_slice %arg3[%mul3A_42] : memref<160000xi32, #tpu.memory_space<hbm>> -> memref<10000xi32, #tpu.memory_space<hbm>>
        tpu.enqueue_dma source(%dma_start3A_166 : memref<10000xi32, #tpu.memory_space<hbm>>) target(%arg8 : memref<10000xi32, #tpu.memory_space<vmem>>) target_semaphore(%run_scoped3A_164 : memref<!tpu.dma_semaphore, #tpu.memory_space<semaphore_mem>>)
        %dma_wait3A_167 = tpu.memref_slice %arg3[%mul3A_42] : memref<160000xi32, #tpu.memory_space<hbm>> -> memref<10000xi32, #tpu.memory_space<hbm>>
        %dma_wait3A_168 = tpu.memref_slice %arg3[%mul3A_42] : memref<160000xi32, #tpu.memory_space<hbm>> -> memref<10000xi32, #tpu.memory_space<hbm>>
        tpu.wait_dma2 semaphore(%run_scoped3A_164 : memref<!tpu.dma_semaphore, #tpu.memory_space<semaphore_mem>>) src(%dma_wait3A_168 : memref<10000xi32, #tpu.memory_space<hbm>>) dst(%arg8 : memref<10000xi32, #tpu.memory_space<vmem>>)
        tpu.yield
      }) : () -> ()
      "tpu.region"() ({
        %run_scoped3A_164 = tpu.sem_alloc : memref<!tpu.dma_semaphore, #tpu.memory_space<semaphore_mem>>
        %dma_start3A_165 = tpu.memref_slice %arg4[%mul3A_42] : memref<160000xi32, #tpu.memory_space<hbm>> -> memref<10000xi32, #tpu.memory_space<hbm>>
        %dma_start3A_166 = tpu.memref_slice %arg4[%mul3A_42] : memref<160000xi32, #tpu.memory_space<hbm>> -> memref<10000xi32, #tpu.memory_space<hbm>>
        tpu.enqueue_dma source(%dma_start3A_166 : memref<10000xi32, #tpu.memory_space<hbm>>) target(%arg9 : memref<10000xi32, #tpu.memory_space<vmem>>) target_semaphore(%run_scoped3A_164 : memref<!tpu.dma_semaphore, #tpu.memory_space<semaphore_mem>>)
        %dma_wait3A_167 = tpu.memref_slice %arg4[%mul3A_42] : memref<160000xi32, #tpu.memory_space<hbm>> -> memref<10000xi32, #tpu.memory_space<hbm>>
        %dma_wait3A_168 = tpu.memref_slice %arg4[%mul3A_42] : memref<160000xi32, #tpu.memory_space<hbm>> -> memref<10000xi32, #tpu.memory_space<hbm>>
        tpu.wait_dma2 semaphore(%run_scoped3A_164 : memref<!tpu.dma_semaphore, #tpu.memory_space<semaphore_mem>>) src(%dma_wait3A_168 : memref<10000xi32, #tpu.memory_space<hbm>>) dst(%arg9 : memref<10000xi32, #tpu.memory_space<vmem>>)
        tpu.yield
      }) : () -> ()
    } else {
    }
    %eq3A_45 = arith.constant 1 : i32
    %eq3A_46 = arith.cmpi eq, %arg0, %eq3A_45 : i32
    %convert_element_type3A_47 = arith.extui %eq3A_46 : i1 to i32
    %cond3A_48 = arith.constant 0 : i32
    %cond3A_49 = arith.cmpi ne, %convert_element_type3A_47, %cond3A_48 : i32
    scf.if %cond3A_49 {
      "tpu.region"() ({
        %run_scoped3A_164 = tpu.sem_alloc : memref<!tpu.dma_semaphore, #tpu.memory_space<semaphore_mem>>
        %dma_start3A_165 = tpu.memref_slice %arg5[%mul3A_42] : memref<160000xi32, #tpu.memory_space<hbm>> -> memref<10000xi32, #tpu.memory_space<hbm>>
        %dma_start3A_166 = tpu.memref_slice %arg5[%mul3A_42] : memref<160000xi32, #tpu.memory_space<hbm>> -> memref<10000xi32, #tpu.memory_space<hbm>>
        tpu.enqueue_dma source(%dma_start3A_166 : memref<10000xi32, #tpu.memory_space<hbm>>) target(%arg8 : memref<10000xi32, #tpu.memory_space<vmem>>) target_semaphore(%run_scoped3A_164 : memref<!tpu.dma_semaphore, #tpu.memory_space<semaphore_mem>>)
        %dma_wait3A_167 = tpu.memref_slice %arg5[%mul3A_42] : memref<160000xi32, #tpu.memory_space<hbm>> -> memref<10000xi32, #tpu.memory_space<hbm>>
        %dma_wait3A_168 = tpu.memref_slice %arg5[%mul3A_42] : memref<160000xi32, #tpu.memory_space<hbm>> -> memref<10000xi32, #tpu.memory_space<hbm>>
        tpu.wait_dma2 semaphore(%run_scoped3A_164 : memref<!tpu.dma_semaphore, #tpu.memory_space<semaphore_mem>>) src(%dma_wait3A_168 : memref<10000xi32, #tpu.memory_space<hbm>>) dst(%arg8 : memref<10000xi32, #tpu.memory_space<vmem>>)
        tpu.yield
      }) : () -> ()
      "tpu.region"() ({
        %run_scoped3A_164 = tpu.sem_alloc : memref<!tpu.dma_semaphore, #tpu.memory_space<semaphore_mem>>
        %dma_start3A_165 = tpu.memref_slice %arg6[%mul3A_42] : memref<160000xi32, #tpu.memory_space<hbm>> -> memref<10000xi32, #tpu.memory_space<hbm>>
        %dma_start3A_166 = tpu.memref_slice %arg6[%mul3A_42] : memref<160000xi32, #tpu.memory_space<hbm>> -> memref<10000xi32, #tpu.memory_space<hbm>>
        tpu.enqueue_dma source(%dma_start3A_166 : memref<10000xi32, #tpu.memory_space<hbm>>) target(%arg9 : memref<10000xi32, #tpu.memory_space<vmem>>) target_semaphore(%run_scoped3A_164 : memref<!tpu.dma_semaphore, #tpu.memory_space<semaphore_mem>>)
        %dma_wait3A_167 = tpu.memref_slice %arg6[%mul3A_42] : memref<160000xi32, #tpu.memory_space<hbm>> -> memref<10000xi32, #tpu.memory_space<hbm>>
        %dma_wait3A_168 = tpu.memref_slice %arg6[%mul3A_42] : memref<160000xi32, #tpu.memory_space<hbm>> -> memref<10000xi32, #tpu.memory_space<hbm>>
        tpu.wait_dma2 semaphore(%run_scoped3A_164 : memref<!tpu.dma_semaphore, #tpu.memory_space<semaphore_mem>>) src(%dma_wait3A_168 : memref<10000xi32, #tpu.memory_space<hbm>>) dst(%arg9 : memref<10000xi32, #tpu.memory_space<vmem>>)
        tpu.yield
      }) : () -> ()
    } else {
    }
    %dma_start3A = arith.constant 0 : i32
    %dma_start3A_50 = arith.constant 0 : i32
    %dma_start3A_51 = arith.constant 0 : i32
    %dma_start3A_52 = tpu.memref_slice %arg10[%dma_start3A, %dma_start3A_50, %dma_start3A_51] : memref<5x80x128xbf16, #tpu.memory_space<vmem>> -> memref<1x80x128xbf16, #tpu.memory_space<vmem>>
    %dma_start3A_53 = tpu.memref_squeeze %dma_start3A_52 : memref<1x80x128xbf16, #tpu.memory_space<vmem>> -> memref<80x128xbf16, #tpu.memory_space<vmem>>
    %dma_start3A_54 = arith.constant 0 : i32
    %dma_start3A_55 = tpu.memref_slice %arg8[%dma_start3A_54] : memref<10000xi32, #tpu.memory_space<vmem>> -> memref<80xi32, #tpu.memory_space<vmem>>
    %dma_start3A_56 = arith.constant 0 : i32
    %dma_start3A_57 = arith.constant 0 : i32
    %dma_start3A_58 = tpu.memref_slice %arg2[%arg0, %dma_start3A_56, %dma_start3A_57] : memref<2x10240x128xbf16, #tpu.memory_space<hbm>> -> memref<1x10240x128xbf16, #tpu.memory_space<hbm>>
    %dma_start3A_59 = tpu.memref_squeeze %dma_start3A_58 : memref<1x10240x128xbf16, #tpu.memory_space<hbm>> -> memref<10240x128xbf16, #tpu.memory_space<hbm>>
    %dma_start3A_60 = arith.constant 0 : i32
    %dma_start3A_61 = arith.constant 0 : i32
    %dma_start3A_62 = tpu.memref_slice %dma_start3A_59[%dma_start3A_60, %dma_start3A_61] : memref<10240x128xbf16, #tpu.memory_space<hbm>> -> memref<10240x128xbf16, #tpu.memory_space<hbm>>
    tpu.enqueue_indirect_dma source(%dma_start3A_62 : memref<10240x128xbf16, #tpu.memory_space<hbm>>) target(%dma_start3A_53 : memref<80x128xbf16, #tpu.memory_space<vmem>>) offsets(%dma_start3A_55 : memref<80xi32, #tpu.memory_space<vmem>>) semaphore(%arg12 : memref<!tpu.dma_semaphore, #tpu.memory_space<semaphore_mem>>)
    %dma_start3A_63 = arith.constant 1 : i32
    %dma_start3A_64 = arith.constant 0 : i32
    %dma_start3A_65 = arith.constant 0 : i32
    %dma_start3A_66 = tpu.memref_slice %arg10[%dma_start3A_63, %dma_start3A_64, %dma_start3A_65] : memref<5x80x128xbf16, #tpu.memory_space<vmem>> -> memref<1x80x128xbf16, #tpu.memory_space<vmem>>
    %dma_start3A_67 = tpu.memref_squeeze %dma_start3A_66 : memref<1x80x128xbf16, #tpu.memory_space<vmem>> -> memref<80x128xbf16, #tpu.memory_space<vmem>>
    %dma_start3A_68 = arith.constant 80 : i32
    %dma_start3A_69 = tpu.memref_slice %arg8[%dma_start3A_68] : memref<10000xi32, #tpu.memory_space<vmem>> -> memref<80xi32, #tpu.memory_space<vmem>>
    %dma_start3A_70 = arith.constant 0 : i32
    %dma_start3A_71 = arith.constant 0 : i32
    %dma_start3A_72 = tpu.memref_slice %arg2[%arg0, %dma_start3A_70, %dma_start3A_71] : memref<2x10240x128xbf16, #tpu.memory_space<hbm>> -> memref<1x10240x128xbf16, #tpu.memory_space<hbm>>
    %dma_start3A_73 = tpu.memref_squeeze %dma_start3A_72 : memref<1x10240x128xbf16, #tpu.memory_space<hbm>> -> memref<10240x128xbf16, #tpu.memory_space<hbm>>
    %dma_start3A_74 = arith.constant 0 : i32
    %dma_start3A_75 = arith.constant 0 : i32
    %dma_start3A_76 = tpu.memref_slice %dma_start3A_73[%dma_start3A_74, %dma_start3A_75] : memref<10240x128xbf16, #tpu.memory_space<hbm>> -> memref<10240x128xbf16, #tpu.memory_space<hbm>>
    tpu.enqueue_indirect_dma source(%dma_start3A_76 : memref<10240x128xbf16, #tpu.memory_space<hbm>>) target(%dma_start3A_67 : memref<80x128xbf16, #tpu.memory_space<vmem>>) offsets(%dma_start3A_69 : memref<80xi32, #tpu.memory_space<vmem>>) semaphore(%arg13 : memref<!tpu.dma_semaphore, #tpu.memory_space<semaphore_mem>>)
    %dma_start3A_77 = arith.constant 2 : i32
    %dma_start3A_78 = arith.constant 0 : i32
    %dma_start3A_79 = arith.constant 0 : i32
    %dma_start3A_80 = tpu.memref_slice %arg10[%dma_start3A_77, %dma_start3A_78, %dma_start3A_79] : memref<5x80x128xbf16, #tpu.memory_space<vmem>> -> memref<1x80x128xbf16, #tpu.memory_space<vmem>>
    %dma_start3A_81 = tpu.memref_squeeze %dma_start3A_80 : memref<1x80x128xbf16, #tpu.memory_space<vmem>> -> memref<80x128xbf16, #tpu.memory_space<vmem>>
    %dma_start3A_82 = arith.constant 160 : i32
    %dma_start3A_83 = tpu.memref_slice %arg8[%dma_start3A_82] : memref<10000xi32, #tpu.memory_space<vmem>> -> memref<80xi32, #tpu.memory_space<vmem>>
    %dma_start3A_84 = arith.constant 0 : i32
    %dma_start3A_85 = arith.constant 0 : i32
    %dma_start3A_86 = tpu.memref_slice %arg2[%arg0, %dma_start3A_84, %dma_start3A_85] : memref<2x10240x128xbf16, #tpu.memory_space<hbm>> -> memref<1x10240x128xbf16, #tpu.memory_space<hbm>>
    %dma_start3A_87 = tpu.memref_squeeze %dma_start3A_86 : memref<1x10240x128xbf16, #tpu.memory_space<hbm>> -> memref<10240x128xbf16, #tpu.memory_space<hbm>>
    %dma_start3A_88 = arith.constant 0 : i32
    %dma_start3A_89 = arith.constant 0 : i32
    %dma_start3A_90 = tpu.memref_slice %dma_start3A_87[%dma_start3A_88, %dma_start3A_89] : memref<10240x128xbf16, #tpu.memory_space<hbm>> -> memref<10240x128xbf16, #tpu.memory_space<hbm>>
    tpu.enqueue_indirect_dma source(%dma_start3A_90 : memref<10240x128xbf16, #tpu.memory_space<hbm>>) target(%dma_start3A_81 : memref<80x128xbf16, #tpu.memory_space<vmem>>) offsets(%dma_start3A_83 : memref<80xi32, #tpu.memory_space<vmem>>) semaphore(%arg14 : memref<!tpu.dma_semaphore, #tpu.memory_space<semaphore_mem>>)
    %dma_start3A_91 = arith.constant 3 : i32
    %dma_start3A_92 = arith.constant 0 : i32
    %dma_start3A_93 = arith.constant 0 : i32
    %dma_start3A_94 = tpu.memref_slice %arg10[%dma_start3A_91, %dma_start3A_92, %dma_start3A_93] : memref<5x80x128xbf16, #tpu.memory_space<vmem>> -> memref<1x80x128xbf16, #tpu.memory_space<vmem>>
    %dma_start3A_95 = tpu.memref_squeeze %dma_start3A_94 : memref<1x80x128xbf16, #tpu.memory_space<vmem>> -> memref<80x128xbf16, #tpu.memory_space<vmem>>
    %dma_start3A_96 = arith.constant 240 : i32
    %dma_start3A_97 = tpu.memref_slice %arg8[%dma_start3A_96] : memref<10000xi32, #tpu.memory_space<vmem>> -> memref<80xi32, #tpu.memory_space<vmem>>
    %dma_start3A_98 = arith.constant 0 : i32
    %dma_start3A_99 = arith.constant 0 : i32
    %dma_start3A_100 = tpu.memref_slice %arg2[%arg0, %dma_start3A_98, %dma_start3A_99] : memref<2x10240x128xbf16, #tpu.memory_space<hbm>> -> memref<1x10240x128xbf16, #tpu.memory_space<hbm>>
    %dma_start3A_101 = tpu.memref_squeeze %dma_start3A_100 : memref<1x10240x128xbf16, #tpu.memory_space<hbm>> -> memref<10240x128xbf16, #tpu.memory_space<hbm>>
    %dma_start3A_102 = arith.constant 0 : i32
    %dma_start3A_103 = arith.constant 0 : i32
    %dma_start3A_104 = tpu.memref_slice %dma_start3A_101[%dma_start3A_102, %dma_start3A_103] : memref<10240x128xbf16, #tpu.memory_space<hbm>> -> memref<10240x128xbf16, #tpu.memory_space<hbm>>
    tpu.enqueue_indirect_dma source(%dma_start3A_104 : memref<10240x128xbf16, #tpu.memory_space<hbm>>) target(%dma_start3A_95 : memref<80x128xbf16, #tpu.memory_space<vmem>>) offsets(%dma_start3A_97 : memref<80xi32, #tpu.memory_space<vmem>>) semaphore(%arg15 : memref<!tpu.dma_semaphore, #tpu.memory_space<semaphore_mem>>)
    %barrier3A = arith.constant 0 : index
    tpu.barrier barrier_id(%barrier3A)
    %scan3A_105 = arith.constant 0 : i32
    %scan3A_106 = arith.constant 25 : i32
    %scan3A_107 = arith.addi %scan3A_105, %scan3A_106 : i32
    %scan3A_108 = arith.constant 1 : i32
    scf.for %scan3A_164 = %scan3A_105 to %scan3A_107 step %scan3A_108  : i32 {
      %mul3A_165 = arith.constant 5 : i32
      %mul3A_166 = arith.muli %scan3A_164, %mul3A_165 : i32
      %add3A_167 = arith.constant 0 : i32
      %add3A_168 = arith.addi %add3A_167, %mul3A_166 : i32
      %add3A_169 = arith.constant 0 : i32
      %add3A_170 = arith.addi %add3A_168, %add3A_169 : i32
      %mul3A_171 = arith.constant 80 : i32
      %mul3A_172 = arith.muli %add3A_170, %mul3A_171 : i32
      %dma_wait3A_173 = arith.constant 0 : i32
      %dma_wait3A_174 = arith.constant 0 : i32
      %dma_wait3A_175 = arith.constant 0 : i32
      %dma_wait3A_176 = tpu.memref_slice %arg10[%dma_wait3A_173, %dma_wait3A_174, %dma_wait3A_175] : memref<5x80x128xbf16, #tpu.memory_space<vmem>> -> memref<1x80x128xbf16, #tpu.memory_space<vmem>>
      %dma_wait3A_177 = tpu.memref_squeeze %dma_wait3A_176 : memref<1x80x128xbf16, #tpu.memory_space<vmem>> -> memref<80x128xbf16, #tpu.memory_space<vmem>>
      %dma_wait3A_178 = tpu.memref_slice %arg8[%mul3A_172] : memref<10000xi32, #tpu.memory_space<vmem>> -> memref<80xi32, #tpu.memory_space<vmem>>
      %dma_wait3A_179 = arith.constant 0 : i32
      %dma_wait3A_180 = arith.constant 0 : i32
      %dma_wait3A_181 = tpu.memref_slice %arg2[%arg0, %dma_wait3A_179, %dma_wait3A_180] : memref<2x10240x128xbf16, #tpu.memory_space<hbm>> -> memref<1x10240x128xbf16, #tpu.memory_space<hbm>>
      %dma_wait3A_182 = tpu.memref_squeeze %dma_wait3A_181 : memref<1x10240x128xbf16, #tpu.memory_space<hbm>> -> memref<10240x128xbf16, #tpu.memory_space<hbm>>
      %dma_wait3A_183 = arith.constant 0 : i32
      %dma_wait3A_184 = arith.constant 0 : i32
      %dma_wait3A_185 = tpu.memref_slice %dma_wait3A_182[%dma_wait3A_183, %dma_wait3A_184] : memref<10240x128xbf16, #tpu.memory_space<hbm>> -> memref<10240x128xbf16, #tpu.memory_space<hbm>>
      tpu.wait_indirect_dma semaphore(%arg12 : memref<!tpu.dma_semaphore, #tpu.memory_space<semaphore_mem>>) src(%dma_wait3A_185 : memref<10240x128xbf16, #tpu.memory_space<hbm>>) dst(%dma_wait3A_177 : memref<80x128xbf16, #tpu.memory_space<vmem>>)
      %mul3A_186 = arith.constant 80 : i32
      %mul3A_187 = arith.muli %add3A_170, %mul3A_186 : i32
      %dma_start3A_188 = arith.constant 0 : i32
      %dma_start3A_189 = arith.constant 0 : i32
      %dma_start3A_190 = arith.constant 0 : i32
      %dma_start3A_191 = tpu.memref_slice %arg10[%dma_start3A_188, %dma_start3A_189, %dma_start3A_190] : memref<5x80x128xbf16, #tpu.memory_space<vmem>> -> memref<1x80x128xbf16, #tpu.memory_space<vmem>>
      %dma_start3A_192 = tpu.memref_squeeze %dma_start3A_191 : memref<1x80x128xbf16, #tpu.memory_space<vmem>> -> memref<80x128xbf16, #tpu.memory_space<vmem>>
      %dma_start3A_193 = tpu.memref_slice %arg9[%mul3A_187] : memref<10000xi32, #tpu.memory_space<vmem>> -> memref<80xi32, #tpu.memory_space<vmem>>
      %dma_start3A_194 = arith.constant 0 : i32
      %dma_start3A_195 = arith.constant 0 : i32
      %dma_start3A_196 = tpu.memref_slice %arg11[%dma_start3A_194, %dma_start3A_195] : memref<10240x128xbf16, #tpu.memory_space<vmem_shared>> -> memref<10240x128xbf16, #tpu.memory_space<vmem_shared>>
      tpu.enqueue_indirect_dma source(%dma_start3A_192 : memref<80x128xbf16, #tpu.memory_space<vmem>>) target(%dma_start3A_196 : memref<10240x128xbf16, #tpu.memory_space<vmem_shared>>) offsets(%dma_start3A_193 : memref<80xi32, #tpu.memory_space<vmem>>) semaphore(%arg17 : memref<!tpu.dma_semaphore, #tpu.memory_space<semaphore_mem>>) {add = true}
      %add3A_197 = arith.constant 5 : i32
      %add3A_198 = arith.addi %add3A_170, %add3A_197 : i32
      %sub3A = arith.constant 1 : i32
      %sub3A_199 = arith.subi %add3A_198, %sub3A : i32
      %lt3A = arith.constant 125 : i32
      %lt3A_200 = arith.cmpi slt, %sub3A_199, %lt3A : i32
      %convert_element_type3A_201 = arith.extui %lt3A_200 : i1 to i32
      %cond3A_202 = arith.constant 0 : i32
      %cond3A_203 = arith.cmpi ne, %convert_element_type3A_201, %cond3A_202 : i32
      scf.if %cond3A_203 {
        %gt3A = arith.constant 0 : i32
        %gt3A_352 = arith.cmpi sgt, %add3A_170, %gt3A : i32
        %convert_element_type3A_353 = arith.extui %gt3A_352 : i1 to i32
        %cond3A_354 = arith.constant 0 : i32
        %cond3A_355 = arith.cmpi ne, %convert_element_type3A_353, %cond3A_354 : i32
        scf.if %cond3A_355 {
          %sub3A_375 = arith.constant 1 : i32
          %sub3A_376 = arith.subi %add3A_170, %sub3A_375 : i32
          %mul3A_377 = arith.constant 80 : i32
          %mul3A_378 = arith.muli %sub3A_376, %mul3A_377 : i32
          %dma_wait3A_379 = arith.constant 4 : i32
          %dma_wait3A_380 = arith.constant 0 : i32
          %dma_wait3A_381 = arith.constant 0 : i32
          %dma_wait3A_382 = tpu.memref_slice %arg10[%dma_wait3A_379, %dma_wait3A_380, %dma_wait3A_381] : memref<5x80x128xbf16, #tpu.memory_space<vmem>> -> memref<1x80x128xbf16, #tpu.memory_space<vmem>>
          %dma_wait3A_383 = tpu.memref_squeeze %dma_wait3A_382 : memref<1x80x128xbf16, #tpu.memory_space<vmem>> -> memref<80x128xbf16, #tpu.memory_space<vmem>>
          %dma_wait3A_384 = tpu.memref_slice %arg9[%mul3A_378] : memref<10000xi32, #tpu.memory_space<vmem>> -> memref<80xi32, #tpu.memory_space<vmem>>
          %dma_wait3A_385 = arith.constant 0 : i32
          %dma_wait3A_386 = arith.constant 0 : i32
          %dma_wait3A_387 = tpu.memref_slice %arg11[%dma_wait3A_385, %dma_wait3A_386] : memref<10240x128xbf16, #tpu.memory_space<vmem_shared>> -> memref<10240x128xbf16, #tpu.memory_space<vmem_shared>>
          tpu.wait_indirect_dma semaphore(%arg21 : memref<!tpu.dma_semaphore, #tpu.memory_space<semaphore_mem>>) src(%dma_wait3A_383 : memref<80x128xbf16, #tpu.memory_space<vmem>>) dst(%dma_wait3A_387 : memref<10240x128xbf16, #tpu.memory_space<vmem_shared>>)
        } else {
        }
        %add3A_356 = arith.constant 5 : i32
        %add3A_357 = arith.addi %add3A_170, %add3A_356 : i32
        %sub3A_358 = arith.constant 1 : i32
        %sub3A_359 = arith.subi %add3A_357, %sub3A_358 : i32
        %mul3A_360 = arith.constant 80 : i32
        %mul3A_361 = arith.muli %sub3A_359, %mul3A_360 : i32
        %dma_start3A_362 = arith.constant 4 : i32
        %dma_start3A_363 = arith.constant 0 : i32
        %dma_start3A_364 = arith.constant 0 : i32
        %dma_start3A_365 = tpu.memref_slice %arg10[%dma_start3A_362, %dma_start3A_363, %dma_start3A_364] : memref<5x80x128xbf16, #tpu.memory_space<vmem>> -> memref<1x80x128xbf16, #tpu.memory_space<vmem>>
        %dma_start3A_366 = tpu.memref_squeeze %dma_start3A_365 : memref<1x80x128xbf16, #tpu.memory_space<vmem>> -> memref<80x128xbf16, #tpu.memory_space<vmem>>
        %dma_start3A_367 = tpu.memref_slice %arg8[%mul3A_361] : memref<10000xi32, #tpu.memory_space<vmem>> -> memref<80xi32, #tpu.memory_space<vmem>>
        %dma_start3A_368 = arith.constant 0 : i32
        %dma_start3A_369 = arith.constant 0 : i32
        %dma_start3A_370 = tpu.memref_slice %arg2[%arg0, %dma_start3A_368, %dma_start3A_369] : memref<2x10240x128xbf16, #tpu.memory_space<hbm>> -> memref<1x10240x128xbf16, #tpu.memory_space<hbm>>
        %dma_start3A_371 = tpu.memref_squeeze %dma_start3A_370 : memref<1x10240x128xbf16, #tpu.memory_space<hbm>> -> memref<10240x128xbf16, #tpu.memory_space<hbm>>
        %dma_start3A_372 = arith.constant 0 : i32
        %dma_start3A_373 = arith.constant 0 : i32
        %dma_start3A_374 = tpu.memref_slice %dma_start3A_371[%dma_start3A_372, %dma_start3A_373] : memref<10240x128xbf16, #tpu.memory_space<hbm>> -> memref<10240x128xbf16, #tpu.memory_space<hbm>>
        tpu.enqueue_indirect_dma source(%dma_start3A_374 : memref<10240x128xbf16, #tpu.memory_space<hbm>>) target(%dma_start3A_366 : memref<80x128xbf16, #tpu.memory_space<vmem>>) offsets(%dma_start3A_367 : memref<80xi32, #tpu.memory_space<vmem>>) semaphore(%arg16 : memref<!tpu.dma_semaphore, #tpu.memory_space<semaphore_mem>>)
      } else {
      }
      %add3A_204 = arith.constant 1 : i32
      %add3A_205 = arith.addi %add3A_168, %add3A_204 : i32
      %mul3A_206 = arith.constant 80 : i32
      %mul3A_207 = arith.muli %add3A_205, %mul3A_206 : i32
      %dma_wait3A_208 = arith.constant 1 : i32
      %dma_wait3A_209 = arith.constant 0 : i32
      %dma_wait3A_210 = arith.constant 0 : i32
      %dma_wait3A_211 = tpu.memref_slice %arg10[%dma_wait3A_208, %dma_wait3A_209, %dma_wait3A_210] : memref<5x80x128xbf16, #tpu.memory_space<vmem>> -> memref<1x80x128xbf16, #tpu.memory_space<vmem>>
      %dma_wait3A_212 = tpu.memref_squeeze %dma_wait3A_211 : memref<1x80x128xbf16, #tpu.memory_space<vmem>> -> memref<80x128xbf16, #tpu.memory_space<vmem>>
      %dma_wait3A_213 = tpu.memref_slice %arg8[%mul3A_207] : memref<10000xi32, #tpu.memory_space<vmem>> -> memref<80xi32, #tpu.memory_space<vmem>>
      %dma_wait3A_214 = arith.constant 0 : i32
      %dma_wait3A_215 = arith.constant 0 : i32
      %dma_wait3A_216 = tpu.memref_slice %arg2[%arg0, %dma_wait3A_214, %dma_wait3A_215] : memref<2x10240x128xbf16, #tpu.memory_space<hbm>> -> memref<1x10240x128xbf16, #tpu.memory_space<hbm>>
      %dma_wait3A_217 = tpu.memref_squeeze %dma_wait3A_216 : memref<1x10240x128xbf16, #tpu.memory_space<hbm>> -> memref<10240x128xbf16, #tpu.memory_space<hbm>>
      %dma_wait3A_218 = arith.constant 0 : i32
      %dma_wait3A_219 = arith.constant 0 : i32
      %dma_wait3A_220 = tpu.memref_slice %dma_wait3A_217[%dma_wait3A_218, %dma_wait3A_219] : memref<10240x128xbf16, #tpu.memory_space<hbm>> -> memref<10240x128xbf16, #tpu.memory_space<hbm>>
      tpu.wait_indirect_dma semaphore(%arg13 : memref<!tpu.dma_semaphore, #tpu.memory_space<semaphore_mem>>) src(%dma_wait3A_220 : memref<10240x128xbf16, #tpu.memory_space<hbm>>) dst(%dma_wait3A_212 : memref<80x128xbf16, #tpu.memory_space<vmem>>)
      %mul3A_221 = arith.constant 80 : i32
      %mul3A_222 = arith.muli %add3A_205, %mul3A_221 : i32
      %dma_start3A_223 = arith.constant 1 : i32
      %dma_start3A_224 = arith.constant 0 : i32
      %dma_start3A_225 = arith.constant 0 : i32
      %dma_start3A_226 = tpu.memref_slice %arg10[%dma_start3A_223, %dma_start3A_224, %dma_start3A_225] : memref<5x80x128xbf16, #tpu.memory_space<vmem>> -> memref<1x80x128xbf16, #tpu.memory_space<vmem>>
      %dma_start3A_227 = tpu.memref_squeeze %dma_start3A_226 : memref<1x80x128xbf16, #tpu.memory_space<vmem>> -> memref<80x128xbf16, #tpu.memory_space<vmem>>
      %dma_start3A_228 = tpu.memref_slice %arg9[%mul3A_222] : memref<10000xi32, #tpu.memory_space<vmem>> -> memref<80xi32, #tpu.memory_space<vmem>>
      %dma_start3A_229 = arith.constant 0 : i32
      %dma_start3A_230 = arith.constant 0 : i32
      %dma_start3A_231 = tpu.memref_slice %arg11[%dma_start3A_229, %dma_start3A_230] : memref<10240x128xbf16, #tpu.memory_space<vmem_shared>> -> memref<10240x128xbf16, #tpu.memory_space<vmem_shared>>
      tpu.enqueue_indirect_dma source(%dma_start3A_227 : memref<80x128xbf16, #tpu.memory_space<vmem>>) target(%dma_start3A_231 : memref<10240x128xbf16, #tpu.memory_space<vmem_shared>>) offsets(%dma_start3A_228 : memref<80xi32, #tpu.memory_space<vmem>>) semaphore(%arg18 : memref<!tpu.dma_semaphore, #tpu.memory_space<semaphore_mem>>) {add = true}
      %add3A_232 = arith.constant 5 : i32
      %add3A_233 = arith.addi %add3A_205, %add3A_232 : i32
      %sub3A_234 = arith.constant 1 : i32
      %sub3A_235 = arith.subi %add3A_233, %sub3A_234 : i32
      %lt3A_236 = arith.constant 125 : i32
      %lt3A_237 = arith.cmpi slt, %sub3A_235, %lt3A_236 : i32
      %convert_element_type3A_238 = arith.extui %lt3A_237 : i1 to i32
      %cond3A_239 = arith.constant 0 : i32
      %cond3A_240 = arith.cmpi ne, %convert_element_type3A_238, %cond3A_239 : i32
      scf.if %cond3A_240 {
        %gt3A = arith.constant 0 : i32
        %gt3A_352 = arith.cmpi sgt, %add3A_205, %gt3A : i32
        %convert_element_type3A_353 = arith.extui %gt3A_352 : i1 to i32
        %cond3A_354 = arith.constant 0 : i32
        %cond3A_355 = arith.cmpi ne, %convert_element_type3A_353, %cond3A_354 : i32
        scf.if %cond3A_355 {
          %sub3A_375 = arith.constant 1 : i32
          %sub3A_376 = arith.subi %add3A_205, %sub3A_375 : i32
          %mul3A_377 = arith.constant 80 : i32
          %mul3A_378 = arith.muli %sub3A_376, %mul3A_377 : i32
          %dma_wait3A_379 = arith.constant 0 : i32
          %dma_wait3A_380 = arith.constant 0 : i32
          %dma_wait3A_381 = arith.constant 0 : i32
          %dma_wait3A_382 = tpu.memref_slice %arg10[%dma_wait3A_379, %dma_wait3A_380, %dma_wait3A_381] : memref<5x80x128xbf16, #tpu.memory_space<vmem>> -> memref<1x80x128xbf16, #tpu.memory_space<vmem>>
          %dma_wait3A_383 = tpu.memref_squeeze %dma_wait3A_382 : memref<1x80x128xbf16, #tpu.memory_space<vmem>> -> memref<80x128xbf16, #tpu.memory_space<vmem>>
          %dma_wait3A_384 = tpu.memref_slice %arg9[%mul3A_378] : memref<10000xi32, #tpu.memory_space<vmem>> -> memref<80xi32, #tpu.memory_space<vmem>>
          %dma_wait3A_385 = arith.constant 0 : i32
          %dma_wait3A_386 = arith.constant 0 : i32
          %dma_wait3A_387 = tpu.memref_slice %arg11[%dma_wait3A_385, %dma_wait3A_386] : memref<10240x128xbf16, #tpu.memory_space<vmem_shared>> -> memref<10240x128xbf16, #tpu.memory_space<vmem_shared>>
          tpu.wait_indirect_dma semaphore(%arg17 : memref<!tpu.dma_semaphore, #tpu.memory_space<semaphore_mem>>) src(%dma_wait3A_383 : memref<80x128xbf16, #tpu.memory_space<vmem>>) dst(%dma_wait3A_387 : memref<10240x128xbf16, #tpu.memory_space<vmem_shared>>)
        } else {
        }
        %add3A_356 = arith.constant 5 : i32
        %add3A_357 = arith.addi %add3A_205, %add3A_356 : i32
        %sub3A_358 = arith.constant 1 : i32
        %sub3A_359 = arith.subi %add3A_357, %sub3A_358 : i32
        %mul3A_360 = arith.constant 80 : i32
        %mul3A_361 = arith.muli %sub3A_359, %mul3A_360 : i32
        %dma_start3A_362 = arith.constant 0 : i32
        %dma_start3A_363 = arith.constant 0 : i32
        %dma_start3A_364 = arith.constant 0 : i32
        %dma_start3A_365 = tpu.memref_slice %arg10[%dma_start3A_362, %dma_start3A_363, %dma_start3A_364] : memref<5x80x128xbf16, #tpu.memory_space<vmem>> -> memref<1x80x128xbf16, #tpu.memory_space<vmem>>
        %dma_start3A_366 = tpu.memref_squeeze %dma_start3A_365 : memref<1x80x128xbf16, #tpu.memory_space<vmem>> -> memref<80x128xbf16, #tpu.memory_space<vmem>>
        %dma_start3A_367 = tpu.memref_slice %arg8[%mul3A_361] : memref<10000xi32, #tpu.memory_space<vmem>> -> memref<80xi32, #tpu.memory_space<vmem>>
        %dma_start3A_368 = arith.constant 0 : i32
        %dma_start3A_369 = arith.constant 0 : i32
        %dma_start3A_370 = tpu.memref_slice %arg2[%arg0, %dma_start3A_368, %dma_start3A_369] : memref<2x10240x128xbf16, #tpu.memory_space<hbm>> -> memref<1x10240x128xbf16, #tpu.memory_space<hbm>>
        %dma_start3A_371 = tpu.memref_squeeze %dma_start3A_370 : memref<1x10240x128xbf16, #tpu.memory_space<hbm>> -> memref<10240x128xbf16, #tpu.memory_space<hbm>>
        %dma_start3A_372 = arith.constant 0 : i32
        %dma_start3A_373 = arith.constant 0 : i32
        %dma_start3A_374 = tpu.memref_slice %dma_start3A_371[%dma_start3A_372, %dma_start3A_373] : memref<10240x128xbf16, #tpu.memory_space<hbm>> -> memref<10240x128xbf16, #tpu.memory_space<hbm>>
        tpu.enqueue_indirect_dma source(%dma_start3A_374 : memref<10240x128xbf16, #tpu.memory_space<hbm>>) target(%dma_start3A_366 : memref<80x128xbf16, #tpu.memory_space<vmem>>) offsets(%dma_start3A_367 : memref<80xi32, #tpu.memory_space<vmem>>) semaphore(%arg12 : memref<!tpu.dma_semaphore, #tpu.memory_space<semaphore_mem>>)
      } else {
      }
      %add3A_241 = arith.constant 2 : i32
      %add3A_242 = arith.addi %add3A_168, %add3A_241 : i32
      %mul3A_243 = arith.constant 80 : i32
      %mul3A_244 = arith.muli %add3A_242, %mul3A_243 : i32
      %dma_wait3A_245 = arith.constant 2 : i32
      %dma_wait3A_246 = arith.constant 0 : i32
      %dma_wait3A_247 = arith.constant 0 : i32
      %dma_wait3A_248 = tpu.memref_slice %arg10[%dma_wait3A_245, %dma_wait3A_246, %dma_wait3A_247] : memref<5x80x128xbf16, #tpu.memory_space<vmem>> -> memref<1x80x128xbf16, #tpu.memory_space<vmem>>
      %dma_wait3A_249 = tpu.memref_squeeze %dma_wait3A_248 : memref<1x80x128xbf16, #tpu.memory_space<vmem>> -> memref<80x128xbf16, #tpu.memory_space<vmem>>
      %dma_wait3A_250 = tpu.memref_slice %arg8[%mul3A_244] : memref<10000xi32, #tpu.memory_space<vmem>> -> memref<80xi32, #tpu.memory_space<vmem>>
      %dma_wait3A_251 = arith.constant 0 : i32
      %dma_wait3A_252 = arith.constant 0 : i32
      %dma_wait3A_253 = tpu.memref_slice %arg2[%arg0, %dma_wait3A_251, %dma_wait3A_252] : memref<2x10240x128xbf16, #tpu.memory_space<hbm>> -> memref<1x10240x128xbf16, #tpu.memory_space<hbm>>
      %dma_wait3A_254 = tpu.memref_squeeze %dma_wait3A_253 : memref<1x10240x128xbf16, #tpu.memory_space<hbm>> -> memref<10240x128xbf16, #tpu.memory_space<hbm>>
      %dma_wait3A_255 = arith.constant 0 : i32
      %dma_wait3A_256 = arith.constant 0 : i32
      %dma_wait3A_257 = tpu.memref_slice %dma_wait3A_254[%dma_wait3A_255, %dma_wait3A_256] : memref<10240x128xbf16, #tpu.memory_space<hbm>> -> memref<10240x128xbf16, #tpu.memory_space<hbm>>
      tpu.wait_indirect_dma semaphore(%arg14 : memref<!tpu.dma_semaphore, #tpu.memory_space<semaphore_mem>>) src(%dma_wait3A_257 : memref<10240x128xbf16, #tpu.memory_space<hbm>>) dst(%dma_wait3A_249 : memref<80x128xbf16, #tpu.memory_space<vmem>>)
      %mul3A_258 = arith.constant 80 : i32
      %mul3A_259 = arith.muli %add3A_242, %mul3A_258 : i32
      %dma_start3A_260 = arith.constant 2 : i32
      %dma_start3A_261 = arith.constant 0 : i32
      %dma_start3A_262 = arith.constant 0 : i32
      %dma_start3A_263 = tpu.memref_slice %arg10[%dma_start3A_260, %dma_start3A_261, %dma_start3A_262] : memref<5x80x128xbf16, #tpu.memory_space<vmem>> -> memref<1x80x128xbf16, #tpu.memory_space<vmem>>
      %dma_start3A_264 = tpu.memref_squeeze %dma_start3A_263 : memref<1x80x128xbf16, #tpu.memory_space<vmem>> -> memref<80x128xbf16, #tpu.memory_space<vmem>>
      %dma_start3A_265 = tpu.memref_slice %arg9[%mul3A_259] : memref<10000xi32, #tpu.memory_space<vmem>> -> memref<80xi32, #tpu.memory_space<vmem>>
      %dma_start3A_266 = arith.constant 0 : i32
      %dma_start3A_267 = arith.constant 0 : i32
      %dma_start3A_268 = tpu.memref_slice %arg11[%dma_start3A_266, %dma_start3A_267] : memref<10240x128xbf16, #tpu.memory_space<vmem_shared>> -> memref<10240x128xbf16, #tpu.memory_space<vmem_shared>>
      tpu.enqueue_indirect_dma source(%dma_start3A_264 : memref<80x128xbf16, #tpu.memory_space<vmem>>) target(%dma_start3A_268 : memref<10240x128xbf16, #tpu.memory_space<vmem_shared>>) offsets(%dma_start3A_265 : memref<80xi32, #tpu.memory_space<vmem>>) semaphore(%arg19 : memref<!tpu.dma_semaphore, #tpu.memory_space<semaphore_mem>>) {add = true}
      %add3A_269 = arith.constant 5 : i32
      %add3A_270 = arith.addi %add3A_242, %add3A_269 : i32
      %sub3A_271 = arith.constant 1 : i32
      %sub3A_272 = arith.subi %add3A_270, %sub3A_271 : i32
      %lt3A_273 = arith.constant 125 : i32
      %lt3A_274 = arith.cmpi slt, %sub3A_272, %lt3A_273 : i32
      %convert_element_type3A_275 = arith.extui %lt3A_274 : i1 to i32
      %cond3A_276 = arith.constant 0 : i32
      %cond3A_277 = arith.cmpi ne, %convert_element_type3A_275, %cond3A_276 : i32
      scf.if %cond3A_277 {
        %gt3A = arith.constant 0 : i32
        %gt3A_352 = arith.cmpi sgt, %add3A_242, %gt3A : i32
        %convert_element_type3A_353 = arith.extui %gt3A_352 : i1 to i32
        %cond3A_354 = arith.constant 0 : i32
        %cond3A_355 = arith.cmpi ne, %convert_element_type3A_353, %cond3A_354 : i32
        scf.if %cond3A_355 {
          %sub3A_375 = arith.constant 1 : i32
          %sub3A_376 = arith.subi %add3A_242, %sub3A_375 : i32
          %mul3A_377 = arith.constant 80 : i32
          %mul3A_378 = arith.muli %sub3A_376, %mul3A_377 : i32
          %dma_wait3A_379 = arith.constant 1 : i32
          %dma_wait3A_380 = arith.constant 0 : i32
          %dma_wait3A_381 = arith.constant 0 : i32
          %dma_wait3A_382 = tpu.memref_slice %arg10[%dma_wait3A_379, %dma_wait3A_380, %dma_wait3A_381] : memref<5x80x128xbf16, #tpu.memory_space<vmem>> -> memref<1x80x128xbf16, #tpu.memory_space<vmem>>
          %dma_wait3A_383 = tpu.memref_squeeze %dma_wait3A_382 : memref<1x80x128xbf16, #tpu.memory_space<vmem>> -> memref<80x128xbf16, #tpu.memory_space<vmem>>
          %dma_wait3A_384 = tpu.memref_slice %arg9[%mul3A_378] : memref<10000xi32, #tpu.memory_space<vmem>> -> memref<80xi32, #tpu.memory_space<vmem>>
          %dma_wait3A_385 = arith.constant 0 : i32
          %dma_wait3A_386 = arith.constant 0 : i32
          %dma_wait3A_387 = tpu.memref_slice %arg11[%dma_wait3A_385, %dma_wait3A_386] : memref<10240x128xbf16, #tpu.memory_space<vmem_shared>> -> memref<10240x128xbf16, #tpu.memory_space<vmem_shared>>
          tpu.wait_indirect_dma semaphore(%arg18 : memref<!tpu.dma_semaphore, #tpu.memory_space<semaphore_mem>>) src(%dma_wait3A_383 : memref<80x128xbf16, #tpu.memory_space<vmem>>) dst(%dma_wait3A_387 : memref<10240x128xbf16, #tpu.memory_space<vmem_shared>>)
        } else {
        }
        %add3A_356 = arith.constant 5 : i32
        %add3A_357 = arith.addi %add3A_242, %add3A_356 : i32
        %sub3A_358 = arith.constant 1 : i32
        %sub3A_359 = arith.subi %add3A_357, %sub3A_358 : i32
        %mul3A_360 = arith.constant 80 : i32
        %mul3A_361 = arith.muli %sub3A_359, %mul3A_360 : i32
        %dma_start3A_362 = arith.constant 1 : i32
        %dma_start3A_363 = arith.constant 0 : i32
        %dma_start3A_364 = arith.constant 0 : i32
        %dma_start3A_365 = tpu.memref_slice %arg10[%dma_start3A_362, %dma_start3A_363, %dma_start3A_364] : memref<5x80x128xbf16, #tpu.memory_space<vmem>> -> memref<1x80x128xbf16, #tpu.memory_space<vmem>>
        %dma_start3A_366 = tpu.memref_squeeze %dma_start3A_365 : memref<1x80x128xbf16, #tpu.memory_space<vmem>> -> memref<80x128xbf16, #tpu.memory_space<vmem>>
        %dma_start3A_367 = tpu.memref_slice %arg8[%mul3A_361] : memref<10000xi32, #tpu.memory_space<vmem>> -> memref<80xi32, #tpu.memory_space<vmem>>
        %dma_start3A_368 = arith.constant 0 : i32
        %dma_start3A_369 = arith.constant 0 : i32
        %dma_start3A_370 = tpu.memref_slice %arg2[%arg0, %dma_start3A_368, %dma_start3A_369] : memref<2x10240x128xbf16, #tpu.memory_space<hbm>> -> memref<1x10240x128xbf16, #tpu.memory_space<hbm>>
        %dma_start3A_371 = tpu.memref_squeeze %dma_start3A_370 : memref<1x10240x128xbf16, #tpu.memory_space<hbm>> -> memref<10240x128xbf16, #tpu.memory_space<hbm>>
        %dma_start3A_372 = arith.constant 0 : i32
        %dma_start3A_373 = arith.constant 0 : i32
        %dma_start3A_374 = tpu.memref_slice %dma_start3A_371[%dma_start3A_372, %dma_start3A_373] : memref<10240x128xbf16, #tpu.memory_space<hbm>> -> memref<10240x128xbf16, #tpu.memory_space<hbm>>
        tpu.enqueue_indirect_dma source(%dma_start3A_374 : memref<10240x128xbf16, #tpu.memory_space<hbm>>) target(%dma_start3A_366 : memref<80x128xbf16, #tpu.memory_space<vmem>>) offsets(%dma_start3A_367 : memref<80xi32, #tpu.memory_space<vmem>>) semaphore(%arg13 : memref<!tpu.dma_semaphore, #tpu.memory_space<semaphore_mem>>)
      } else {
      }
      %add3A_278 = arith.constant 3 : i32
      %add3A_279 = arith.addi %add3A_168, %add3A_278 : i32
      %mul3A_280 = arith.constant 80 : i32
      %mul3A_281 = arith.muli %add3A_279, %mul3A_280 : i32
      %dma_wait3A_282 = arith.constant 3 : i32
      %dma_wait3A_283 = arith.constant 0 : i32
      %dma_wait3A_284 = arith.constant 0 : i32
      %dma_wait3A_285 = tpu.memref_slice %arg10[%dma_wait3A_282, %dma_wait3A_283, %dma_wait3A_284] : memref<5x80x128xbf16, #tpu.memory_space<vmem>> -> memref<1x80x128xbf16, #tpu.memory_space<vmem>>
      %dma_wait3A_286 = tpu.memref_squeeze %dma_wait3A_285 : memref<1x80x128xbf16, #tpu.memory_space<vmem>> -> memref<80x128xbf16, #tpu.memory_space<vmem>>
      %dma_wait3A_287 = tpu.memref_slice %arg8[%mul3A_281] : memref<10000xi32, #tpu.memory_space<vmem>> -> memref<80xi32, #tpu.memory_space<vmem>>
      %dma_wait3A_288 = arith.constant 0 : i32
      %dma_wait3A_289 = arith.constant 0 : i32
      %dma_wait3A_290 = tpu.memref_slice %arg2[%arg0, %dma_wait3A_288, %dma_wait3A_289] : memref<2x10240x128xbf16, #tpu.memory_space<hbm>> -> memref<1x10240x128xbf16, #tpu.memory_space<hbm>>
      %dma_wait3A_291 = tpu.memref_squeeze %dma_wait3A_290 : memref<1x10240x128xbf16, #tpu.memory_space<hbm>> -> memref<10240x128xbf16, #tpu.memory_space<hbm>>
      %dma_wait3A_292 = arith.constant 0 : i32
      %dma_wait3A_293 = arith.constant 0 : i32
      %dma_wait3A_294 = tpu.memref_slice %dma_wait3A_291[%dma_wait3A_292, %dma_wait3A_293] : memref<10240x128xbf16, #tpu.memory_space<hbm>> -> memref<10240x128xbf16, #tpu.memory_space<hbm>>
      tpu.wait_indirect_dma semaphore(%arg15 : memref<!tpu.dma_semaphore, #tpu.memory_space<semaphore_mem>>) src(%dma_wait3A_294 : memref<10240x128xbf16, #tpu.memory_space<hbm>>) dst(%dma_wait3A_286 : memref<80x128xbf16, #tpu.memory_space<vmem>>)
      %mul3A_295 = arith.constant 80 : i32
      %mul3A_296 = arith.muli %add3A_279, %mul3A_295 : i32
      %dma_start3A_297 = arith.constant 3 : i32
      %dma_start3A_298 = arith.constant 0 : i32
      %dma_start3A_299 = arith.constant 0 : i32
      %dma_start3A_300 = tpu.memref_slice %arg10[%dma_start3A_297, %dma_start3A_298, %dma_start3A_299] : memref<5x80x128xbf16, #tpu.memory_space<vmem>> -> memref<1x80x128xbf16, #tpu.memory_space<vmem>>
      %dma_start3A_301 = tpu.memref_squeeze %dma_start3A_300 : memref<1x80x128xbf16, #tpu.memory_space<vmem>> -> memref<80x128xbf16, #tpu.memory_space<vmem>>
      %dma_start3A_302 = tpu.memref_slice %arg9[%mul3A_296] : memref<10000xi32, #tpu.memory_space<vmem>> -> memref<80xi32, #tpu.memory_space<vmem>>
      %dma_start3A_303 = arith.constant 0 : i32
      %dma_start3A_304 = arith.constant 0 : i32
      %dma_start3A_305 = tpu.memref_slice %arg11[%dma_start3A_303, %dma_start3A_304] : memref<10240x128xbf16, #tpu.memory_space<vmem_shared>> -> memref<10240x128xbf16, #tpu.memory_space<vmem_shared>>
      tpu.enqueue_indirect_dma source(%dma_start3A_301 : memref<80x128xbf16, #tpu.memory_space<vmem>>) target(%dma_start3A_305 : memref<10240x128xbf16, #tpu.memory_space<vmem_shared>>) offsets(%dma_start3A_302 : memref<80xi32, #tpu.memory_space<vmem>>) semaphore(%arg20 : memref<!tpu.dma_semaphore, #tpu.memory_space<semaphore_mem>>) {add = true}
      %add3A_306 = arith.constant 5 : i32
      %add3A_307 = arith.addi %add3A_279, %add3A_306 : i32
      %sub3A_308 = arith.constant 1 : i32
      %sub3A_309 = arith.subi %add3A_307, %sub3A_308 : i32
      %lt3A_310 = arith.constant 125 : i32
      %lt3A_311 = arith.cmpi slt, %sub3A_309, %lt3A_310 : i32
      %convert_element_type3A_312 = arith.extui %lt3A_311 : i1 to i32
      %cond3A_313 = arith.constant 0 : i32
      %cond3A_314 = arith.cmpi ne, %convert_element_type3A_312, %cond3A_313 : i32
      scf.if %cond3A_314 {
        %gt3A = arith.constant 0 : i32
        %gt3A_352 = arith.cmpi sgt, %add3A_279, %gt3A : i32
        %convert_element_type3A_353 = arith.extui %gt3A_352 : i1 to i32
        %cond3A_354 = arith.constant 0 : i32
        %cond3A_355 = arith.cmpi ne, %convert_element_type3A_353, %cond3A_354 : i32
        scf.if %cond3A_355 {
          %sub3A_375 = arith.constant 1 : i32
          %sub3A_376 = arith.subi %add3A_279, %sub3A_375 : i32
          %mul3A_377 = arith.constant 80 : i32
          %mul3A_378 = arith.muli %sub3A_376, %mul3A_377 : i32
          %dma_wait3A_379 = arith.constant 2 : i32
          %dma_wait3A_380 = arith.constant 0 : i32
          %dma_wait3A_381 = arith.constant 0 : i32
          %dma_wait3A_382 = tpu.memref_slice %arg10[%dma_wait3A_379, %dma_wait3A_380, %dma_wait3A_381] : memref<5x80x128xbf16, #tpu.memory_space<vmem>> -> memref<1x80x128xbf16, #tpu.memory_space<vmem>>
          %dma_wait3A_383 = tpu.memref_squeeze %dma_wait3A_382 : memref<1x80x128xbf16, #tpu.memory_space<vmem>> -> memref<80x128xbf16, #tpu.memory_space<vmem>>
          %dma_wait3A_384 = tpu.memref_slice %arg9[%mul3A_378] : memref<10000xi32, #tpu.memory_space<vmem>> -> memref<80xi32, #tpu.memory_space<vmem>>
          %dma_wait3A_385 = arith.constant 0 : i32
          %dma_wait3A_386 = arith.constant 0 : i32
          %dma_wait3A_387 = tpu.memref_slice %arg11[%dma_wait3A_385, %dma_wait3A_386] : memref<10240x128xbf16, #tpu.memory_space<vmem_shared>> -> memref<10240x128xbf16, #tpu.memory_space<vmem_shared>>
          tpu.wait_indirect_dma semaphore(%arg19 : memref<!tpu.dma_semaphore, #tpu.memory_space<semaphore_mem>>) src(%dma_wait3A_383 : memref<80x128xbf16, #tpu.memory_space<vmem>>) dst(%dma_wait3A_387 : memref<10240x128xbf16, #tpu.memory_space<vmem_shared>>)
        } else {
        }
        %add3A_356 = arith.constant 5 : i32
        %add3A_357 = arith.addi %add3A_279, %add3A_356 : i32
        %sub3A_358 = arith.constant 1 : i32
        %sub3A_359 = arith.subi %add3A_357, %sub3A_358 : i32
        %mul3A_360 = arith.constant 80 : i32
        %mul3A_361 = arith.muli %sub3A_359, %mul3A_360 : i32
        %dma_start3A_362 = arith.constant 2 : i32
        %dma_start3A_363 = arith.constant 0 : i32
        %dma_start3A_364 = arith.constant 0 : i32
        %dma_start3A_365 = tpu.memref_slice %arg10[%dma_start3A_362, %dma_start3A_363, %dma_start3A_364] : memref<5x80x128xbf16, #tpu.memory_space<vmem>> -> memref<1x80x128xbf16, #tpu.memory_space<vmem>>
        %dma_start3A_366 = tpu.memref_squeeze %dma_start3A_365 : memref<1x80x128xbf16, #tpu.memory_space<vmem>> -> memref<80x128xbf16, #tpu.memory_space<vmem>>
        %dma_start3A_367 = tpu.memref_slice %arg8[%mul3A_361] : memref<10000xi32, #tpu.memory_space<vmem>> -> memref<80xi32, #tpu.memory_space<vmem>>
        %dma_start3A_368 = arith.constant 0 : i32
        %dma_start3A_369 = arith.constant 0 : i32
        %dma_start3A_370 = tpu.memref_slice %arg2[%arg0, %dma_start3A_368, %dma_start3A_369] : memref<2x10240x128xbf16, #tpu.memory_space<hbm>> -> memref<1x10240x128xbf16, #tpu.memory_space<hbm>>
        %dma_start3A_371 = tpu.memref_squeeze %dma_start3A_370 : memref<1x10240x128xbf16, #tpu.memory_space<hbm>> -> memref<10240x128xbf16, #tpu.memory_space<hbm>>
        %dma_start3A_372 = arith.constant 0 : i32
        %dma_start3A_373 = arith.constant 0 : i32
        %dma_start3A_374 = tpu.memref_slice %dma_start3A_371[%dma_start3A_372, %dma_start3A_373] : memref<10240x128xbf16, #tpu.memory_space<hbm>> -> memref<10240x128xbf16, #tpu.memory_space<hbm>>
        tpu.enqueue_indirect_dma source(%dma_start3A_374 : memref<10240x128xbf16, #tpu.memory_space<hbm>>) target(%dma_start3A_366 : memref<80x128xbf16, #tpu.memory_space<vmem>>) offsets(%dma_start3A_367 : memref<80xi32, #tpu.memory_space<vmem>>) semaphore(%arg14 : memref<!tpu.dma_semaphore, #tpu.memory_space<semaphore_mem>>)
      } else {
      }
      %add3A_315 = arith.constant 4 : i32
      %add3A_316 = arith.addi %add3A_168, %add3A_315 : i32
      %mul3A_317 = arith.constant 80 : i32
      %mul3A_318 = arith.muli %add3A_316, %mul3A_317 : i32
      %dma_wait3A_319 = arith.constant 4 : i32
      %dma_wait3A_320 = arith.constant 0 : i32
      %dma_wait3A_321 = arith.constant 0 : i32
      %dma_wait3A_322 = tpu.memref_slice %arg10[%dma_wait3A_319, %dma_wait3A_320, %dma_wait3A_321] : memref<5x80x128xbf16, #tpu.memory_space<vmem>> -> memref<1x80x128xbf16, #tpu.memory_space<vmem>>
      %dma_wait3A_323 = tpu.memref_squeeze %dma_wait3A_322 : memref<1x80x128xbf16, #tpu.memory_space<vmem>> -> memref<80x128xbf16, #tpu.memory_space<vmem>>
      %dma_wait3A_324 = tpu.memref_slice %arg8[%mul3A_318] : memref<10000xi32, #tpu.memory_space<vmem>> -> memref<80xi32, #tpu.memory_space<vmem>>
      %dma_wait3A_325 = arith.constant 0 : i32
      %dma_wait3A_326 = arith.constant 0 : i32
      %dma_wait3A_327 = tpu.memref_slice %arg2[%arg0, %dma_wait3A_325, %dma_wait3A_326] : memref<2x10240x128xbf16, #tpu.memory_space<hbm>> -> memref<1x10240x128xbf16, #tpu.memory_space<hbm>>
      %dma_wait3A_328 = tpu.memref_squeeze %dma_wait3A_327 : memref<1x10240x128xbf16, #tpu.memory_space<hbm>> -> memref<10240x128xbf16, #tpu.memory_space<hbm>>
      %dma_wait3A_329 = arith.constant 0 : i32
      %dma_wait3A_330 = arith.constant 0 : i32
      %dma_wait3A_331 = tpu.memref_slice %dma_wait3A_328[%dma_wait3A_329, %dma_wait3A_330] : memref<10240x128xbf16, #tpu.memory_space<hbm>> -> memref<10240x128xbf16, #tpu.memory_space<hbm>>
      tpu.wait_indirect_dma semaphore(%arg16 : memref<!tpu.dma_semaphore, #tpu.memory_space<semaphore_mem>>) src(%dma_wait3A_331 : memref<10240x128xbf16, #tpu.memory_space<hbm>>) dst(%dma_wait3A_323 : memref<80x128xbf16, #tpu.memory_space<vmem>>)
      %mul3A_332 = arith.constant 80 : i32
      %mul3A_333 = arith.muli %add3A_316, %mul3A_332 : i32
      %dma_start3A_334 = arith.constant 4 : i32
      %dma_start3A_335 = arith.constant 0 : i32
      %dma_start3A_336 = arith.constant 0 : i32
      %dma_start3A_337 = tpu.memref_slice %arg10[%dma_start3A_334, %dma_start3A_335, %dma_start3A_336] : memref<5x80x128xbf16, #tpu.memory_space<vmem>> -> memref<1x80x128xbf16, #tpu.memory_space<vmem>>
      %dma_start3A_338 = tpu.memref_squeeze %dma_start3A_337 : memref<1x80x128xbf16, #tpu.memory_space<vmem>> -> memref<80x128xbf16, #tpu.memory_space<vmem>>
      %dma_start3A_339 = tpu.memref_slice %arg9[%mul3A_333] : memref<10000xi32, #tpu.memory_space<vmem>> -> memref<80xi32, #tpu.memory_space<vmem>>
      %dma_start3A_340 = arith.constant 0 : i32
      %dma_start3A_341 = arith.constant 0 : i32
      %dma_start3A_342 = tpu.memref_slice %arg11[%dma_start3A_340, %dma_start3A_341] : memref<10240x128xbf16, #tpu.memory_space<vmem_shared>> -> memref<10240x128xbf16, #tpu.memory_space<vmem_shared>>
      tpu.enqueue_indirect_dma source(%dma_start3A_338 : memref<80x128xbf16, #tpu.memory_space<vmem>>) target(%dma_start3A_342 : memref<10240x128xbf16, #tpu.memory_space<vmem_shared>>) offsets(%dma_start3A_339 : memref<80xi32, #tpu.memory_space<vmem>>) semaphore(%arg21 : memref<!tpu.dma_semaphore, #tpu.memory_space<semaphore_mem>>) {add = true}
      %add3A_343 = arith.constant 5 : i32
      %add3A_344 = arith.addi %add3A_316, %add3A_343 : i32
      %sub3A_345 = arith.constant 1 : i32
      %sub3A_346 = arith.subi %add3A_344, %sub3A_345 : i32
      %lt3A_347 = arith.constant 125 : i32
      %lt3A_348 = arith.cmpi slt, %sub3A_346, %lt3A_347 : i32
      %convert_element_type3A_349 = arith.extui %lt3A_348 : i1 to i32
      %cond3A_350 = arith.constant 0 : i32
      %cond3A_351 = arith.cmpi ne, %convert_element_type3A_349, %cond3A_350 : i32
      scf.if %cond3A_351 {
        %gt3A = arith.constant 0 : i32
        %gt3A_352 = arith.cmpi sgt, %add3A_316, %gt3A : i32
        %convert_element_type3A_353 = arith.extui %gt3A_352 : i1 to i32
        %cond3A_354 = arith.constant 0 : i32
        %cond3A_355 = arith.cmpi ne, %convert_element_type3A_353, %cond3A_354 : i32
        scf.if %cond3A_355 {
          %sub3A_375 = arith.constant 1 : i32
          %sub3A_376 = arith.subi %add3A_316, %sub3A_375 : i32
          %mul3A_377 = arith.constant 80 : i32
          %mul3A_378 = arith.muli %sub3A_376, %mul3A_377 : i32
          %dma_wait3A_379 = arith.constant 3 : i32
          %dma_wait3A_380 = arith.constant 0 : i32
          %dma_wait3A_381 = arith.constant 0 : i32
          %dma_wait3A_382 = tpu.memref_slice %arg10[%dma_wait3A_379, %dma_wait3A_380, %dma_wait3A_381] : memref<5x80x128xbf16, #tpu.memory_space<vmem>> -> memref<1x80x128xbf16, #tpu.memory_space<vmem>>
          %dma_wait3A_383 = tpu.memref_squeeze %dma_wait3A_382 : memref<1x80x128xbf16, #tpu.memory_space<vmem>> -> memref<80x128xbf16, #tpu.memory_space<vmem>>
          %dma_wait3A_384 = tpu.memref_slice %arg9[%mul3A_378] : memref<10000xi32, #tpu.memory_space<vmem>> -> memref<80xi32, #tpu.memory_space<vmem>>
          %dma_wait3A_385 = arith.constant 0 : i32
          %dma_wait3A_386 = arith.constant 0 : i32
          %dma_wait3A_387 = tpu.memref_slice %arg11[%dma_wait3A_385, %dma_wait3A_386] : memref<10240x128xbf16, #tpu.memory_space<vmem_shared>> -> memref<10240x128xbf16, #tpu.memory_space<vmem_shared>>
          tpu.wait_indirect_dma semaphore(%arg20 : memref<!tpu.dma_semaphore, #tpu.memory_space<semaphore_mem>>) src(%dma_wait3A_383 : memref<80x128xbf16, #tpu.memory_space<vmem>>) dst(%dma_wait3A_387 : memref<10240x128xbf16, #tpu.memory_space<vmem_shared>>)
        } else {
        }
        %add3A_356 = arith.constant 5 : i32
        %add3A_357 = arith.addi %add3A_316, %add3A_356 : i32
        %sub3A_358 = arith.constant 1 : i32
        %sub3A_359 = arith.subi %add3A_357, %sub3A_358 : i32
        %mul3A_360 = arith.constant 80 : i32
        %mul3A_361 = arith.muli %sub3A_359, %mul3A_360 : i32
        %dma_start3A_362 = arith.constant 3 : i32
        %dma_start3A_363 = arith.constant 0 : i32
        %dma_start3A_364 = arith.constant 0 : i32
        %dma_start3A_365 = tpu.memref_slice %arg10[%dma_start3A_362, %dma_start3A_363, %dma_start3A_364] : memref<5x80x128xbf16, #tpu.memory_space<vmem>> -> memref<1x80x128xbf16, #tpu.memory_space<vmem>>
        %dma_start3A_366 = tpu.memref_squeeze %dma_start3A_365 : memref<1x80x128xbf16, #tpu.memory_space<vmem>> -> memref<80x128xbf16, #tpu.memory_space<vmem>>
        %dma_start3A_367 = tpu.memref_slice %arg8[%mul3A_361] : memref<10000xi32, #tpu.memory_space<vmem>> -> memref<80xi32, #tpu.memory_space<vmem>>
        %dma_start3A_368 = arith.constant 0 : i32
        %dma_start3A_369 = arith.constant 0 : i32
        %dma_start3A_370 = tpu.memref_slice %arg2[%arg0, %dma_start3A_368, %dma_start3A_369] : memref<2x10240x128xbf16, #tpu.memory_space<hbm>> -> memref<1x10240x128xbf16, #tpu.memory_space<hbm>>
        %dma_start3A_371 = tpu.memref_squeeze %dma_start3A_370 : memref<1x10240x128xbf16, #tpu.memory_space<hbm>> -> memref<10240x128xbf16, #tpu.memory_space<hbm>>
        %dma_start3A_372 = arith.constant 0 : i32
        %dma_start3A_373 = arith.constant 0 : i32
        %dma_start3A_374 = tpu.memref_slice %dma_start3A_371[%dma_start3A_372, %dma_start3A_373] : memref<10240x128xbf16, #tpu.memory_space<hbm>> -> memref<10240x128xbf16, #tpu.memory_space<hbm>>
        tpu.enqueue_indirect_dma source(%dma_start3A_374 : memref<10240x128xbf16, #tpu.memory_space<hbm>>) target(%dma_start3A_366 : memref<80x128xbf16, #tpu.memory_space<vmem>>) offsets(%dma_start3A_367 : memref<80xi32, #tpu.memory_space<vmem>>) semaphore(%arg15 : memref<!tpu.dma_semaphore, #tpu.memory_space<semaphore_mem>>)
      } else {
      }
    }
    %scan3A_109 = arith.constant 25 : i32
    %dma_wait3A = arith.constant 0 : i32
    %dma_wait3A_110 = arith.constant 0 : i32
    %dma_wait3A_111 = arith.constant 0 : i32
    %dma_wait3A_112 = tpu.memref_slice %arg10[%dma_wait3A, %dma_wait3A_110, %dma_wait3A_111] : memref<5x80x128xbf16, #tpu.memory_space<vmem>> -> memref<1x80x128xbf16, #tpu.memory_space<vmem>>
    %dma_wait3A_113 = tpu.memref_squeeze %dma_wait3A_112 : memref<1x80x128xbf16, #tpu.memory_space<vmem>> -> memref<80x128xbf16, #tpu.memory_space<vmem>>
    %dma_wait3A_114 = arith.constant 9600 : i32
    %dma_wait3A_115 = tpu.memref_slice %arg9[%dma_wait3A_114] : memref<10000xi32, #tpu.memory_space<vmem>> -> memref<80xi32, #tpu.memory_space<vmem>>
    %dma_wait3A_116 = arith.constant 0 : i32
    %dma_wait3A_117 = arith.constant 0 : i32
    %dma_wait3A_118 = tpu.memref_slice %arg11[%dma_wait3A_116, %dma_wait3A_117] : memref<10240x128xbf16, #tpu.memory_space<vmem_shared>> -> memref<10240x128xbf16, #tpu.memory_space<vmem_shared>>
    tpu.wait_indirect_dma semaphore(%arg17 : memref<!tpu.dma_semaphore, #tpu.memory_space<semaphore_mem>>) src(%dma_wait3A_113 : memref<80x128xbf16, #tpu.memory_space<vmem>>) dst(%dma_wait3A_118 : memref<10240x128xbf16, #tpu.memory_space<vmem_shared>>)
    %dma_wait3A_119 = arith.constant 1 : i32
    %dma_wait3A_120 = arith.constant 0 : i32
    %dma_wait3A_121 = arith.constant 0 : i32
    %dma_wait3A_122 = tpu.memref_slice %arg10[%dma_wait3A_119, %dma_wait3A_120, %dma_wait3A_121] : memref<5x80x128xbf16, #tpu.memory_space<vmem>> -> memref<1x80x128xbf16, #tpu.memory_space<vmem>>
    %dma_wait3A_123 = tpu.memref_squeeze %dma_wait3A_122 : memref<1x80x128xbf16, #tpu.memory_space<vmem>> -> memref<80x128xbf16, #tpu.memory_space<vmem>>
    %dma_wait3A_124 = arith.constant 9680 : i32
    %dma_wait3A_125 = tpu.memref_slice %arg9[%dma_wait3A_124] : memref<10000xi32, #tpu.memory_space<vmem>> -> memref<80xi32, #tpu.memory_space<vmem>>
    %dma_wait3A_126 = arith.constant 0 : i32
    %dma_wait3A_127 = arith.constant 0 : i32
    %dma_wait3A_128 = tpu.memref_slice %arg11[%dma_wait3A_126, %dma_wait3A_127] : memref<10240x128xbf16, #tpu.memory_space<vmem_shared>> -> memref<10240x128xbf16, #tpu.memory_space<vmem_shared>>
    tpu.wait_indirect_dma semaphore(%arg18 : memref<!tpu.dma_semaphore, #tpu.memory_space<semaphore_mem>>) src(%dma_wait3A_123 : memref<80x128xbf16, #tpu.memory_space<vmem>>) dst(%dma_wait3A_128 : memref<10240x128xbf16, #tpu.memory_space<vmem_shared>>)
    %dma_wait3A_129 = arith.constant 2 : i32
    %dma_wait3A_130 = arith.constant 0 : i32
    %dma_wait3A_131 = arith.constant 0 : i32
    %dma_wait3A_132 = tpu.memref_slice %arg10[%dma_wait3A_129, %dma_wait3A_130, %dma_wait3A_131] : memref<5x80x128xbf16, #tpu.memory_space<vmem>> -> memref<1x80x128xbf16, #tpu.memory_space<vmem>>
    %dma_wait3A_133 = tpu.memref_squeeze %dma_wait3A_132 : memref<1x80x128xbf16, #tpu.memory_space<vmem>> -> memref<80x128xbf16, #tpu.memory_space<vmem>>
    %dma_wait3A_134 = arith.constant 9760 : i32
    %dma_wait3A_135 = tpu.memref_slice %arg9[%dma_wait3A_134] : memref<10000xi32, #tpu.memory_space<vmem>> -> memref<80xi32, #tpu.memory_space<vmem>>
    %dma_wait3A_136 = arith.constant 0 : i32
    %dma_wait3A_137 = arith.constant 0 : i32
    %dma_wait3A_138 = tpu.memref_slice %arg11[%dma_wait3A_136, %dma_wait3A_137] : memref<10240x128xbf16, #tpu.memory_space<vmem_shared>> -> memref<10240x128xbf16, #tpu.memory_space<vmem_shared>>
    tpu.wait_indirect_dma semaphore(%arg19 : memref<!tpu.dma_semaphore, #tpu.memory_space<semaphore_mem>>) src(%dma_wait3A_133 : memref<80x128xbf16, #tpu.memory_space<vmem>>) dst(%dma_wait3A_138 : memref<10240x128xbf16, #tpu.memory_space<vmem_shared>>)
    %dma_wait3A_139 = arith.constant 3 : i32
    %dma_wait3A_140 = arith.constant 0 : i32
    %dma_wait3A_141 = arith.constant 0 : i32
    %dma_wait3A_142 = tpu.memref_slice %arg10[%dma_wait3A_139, %dma_wait3A_140, %dma_wait3A_141] : memref<5x80x128xbf16, #tpu.memory_space<vmem>> -> memref<1x80x128xbf16, #tpu.memory_space<vmem>>
    %dma_wait3A_143 = tpu.memref_squeeze %dma_wait3A_142 : memref<1x80x128xbf16, #tpu.memory_space<vmem>> -> memref<80x128xbf16, #tpu.memory_space<vmem>>
    %dma_wait3A_144 = arith.constant 9840 : i32
    %dma_wait3A_145 = tpu.memref_slice %arg9[%dma_wait3A_144] : memref<10000xi32, #tpu.memory_space<vmem>> -> memref<80xi32, #tpu.memory_space<vmem>>
    %dma_wait3A_146 = arith.constant 0 : i32
    %dma_wait3A_147 = arith.constant 0 : i32
    %dma_wait3A_148 = tpu.memref_slice %arg11[%dma_wait3A_146, %dma_wait3A_147] : memref<10240x128xbf16, #tpu.memory_space<vmem_shared>> -> memref<10240x128xbf16, #tpu.memory_space<vmem_shared>>
    tpu.wait_indirect_dma semaphore(%arg20 : memref<!tpu.dma_semaphore, #tpu.memory_space<semaphore_mem>>) src(%dma_wait3A_143 : memref<80x128xbf16, #tpu.memory_space<vmem>>) dst(%dma_wait3A_148 : memref<10240x128xbf16, #tpu.memory_space<vmem_shared>>)
    %dma_wait3A_149 = arith.constant 4 : i32
    %dma_wait3A_150 = arith.constant 0 : i32
    %dma_wait3A_151 = arith.constant 0 : i32
    %dma_wait3A_152 = tpu.memref_slice %arg10[%dma_wait3A_149, %dma_wait3A_150, %dma_wait3A_151] : memref<5x80x128xbf16, #tpu.memory_space<vmem>> -> memref<1x80x128xbf16, #tpu.memory_space<vmem>>
    %dma_wait3A_153 = tpu.memref_squeeze %dma_wait3A_152 : memref<1x80x128xbf16, #tpu.memory_space<vmem>> -> memref<80x128xbf16, #tpu.memory_space<vmem>>
    %dma_wait3A_154 = arith.constant 9920 : i32
    %dma_wait3A_155 = tpu.memref_slice %arg9[%dma_wait3A_154] : memref<10000xi32, #tpu.memory_space<vmem>> -> memref<80xi32, #tpu.memory_space<vmem>>
    %dma_wait3A_156 = arith.constant 0 : i32
    %dma_wait3A_157 = arith.constant 0 : i32
    %dma_wait3A_158 = tpu.memref_slice %arg11[%dma_wait3A_156, %dma_wait3A_157] : memref<10240x128xbf16, #tpu.memory_space<vmem_shared>> -> memref<10240x128xbf16, #tpu.memory_space<vmem_shared>>
    tpu.wait_indirect_dma semaphore(%arg21 : memref<!tpu.dma_semaphore, #tpu.memory_space<semaphore_mem>>) src(%dma_wait3A_153 : memref<80x128xbf16, #tpu.memory_space<vmem>>) dst(%dma_wait3A_158 : memref<10240x128xbf16, #tpu.memory_space<vmem_shared>>)
    %barrier3A_159 = arith.constant 0 : index
    tpu.barrier barrier_id(%barrier3A_159)
    %mul3A_160 = arith.constant 640 : i32
    %mul3A_161 = arith.muli %arg1, %mul3A_160 : i32
    %mul3A_162 = arith.constant 640 : i32
    %mul3A_163 = arith.muli %arg1, %mul3A_162 : i32
    "tpu.region"() ({
      %run_scoped3A_164 = tpu.sem_alloc : memref<!tpu.dma_semaphore, #tpu.memory_space<semaphore_mem>>
      %dma_start3A_165 = arith.constant 0 : i32
      %dma_start3A_166 = tpu.memref_slice %arg7[%arg0, %mul3A_163, %dma_start3A_165] : memref<2x10240x128xbf16, #tpu.memory_space<hbm>> -> memref<1x640x128xbf16, #tpu.memory_space<hbm>>
      %dma_start3A_167 = tpu.memref_squeeze %dma_start3A_166 : memref<1x640x128xbf16, #tpu.memory_space<hbm>> -> memref<640x128xbf16, #tpu.memory_space<hbm>>
      %dma_start3A_168 = arith.constant 0 : i32
      %dma_start3A_169 = tpu.memref_slice %arg11[%mul3A_161, %dma_start3A_168] : memref<10240x128xbf16, #tpu.memory_space<vmem_shared>> -> memref<640x128xbf16, #tpu.memory_space<vmem_shared>>
      tpu.enqueue_dma source(%dma_start3A_169 : memref<640x128xbf16, #tpu.memory_space<vmem_shared>>) target(%dma_start3A_167 : memref<640x128xbf16, #tpu.memory_space<hbm>>) target_semaphore(%run_scoped3A_164 : memref<!tpu.dma_semaphore, #tpu.memory_space<semaphore_mem>>)
      %dma_wait3A_170 = arith.constant 0 : i32
      %dma_wait3A_171 = tpu.memref_slice %arg7[%arg0, %mul3A_163, %dma_wait3A_170] : memref<2x10240x128xbf16, #tpu.memory_space<hbm>> -> memref<1x640x128xbf16, #tpu.memory_space<hbm>>
      %dma_wait3A_172 = tpu.memref_squeeze %dma_wait3A_171 : memref<1x640x128xbf16, #tpu.memory_space<hbm>> -> memref<640x128xbf16, #tpu.memory_space<hbm>>
      %dma_wait3A_173 = arith.constant 0 : i32
      %dma_wait3A_174 = tpu.memref_slice %arg11[%mul3A_161, %dma_wait3A_173] : memref<10240x128xbf16, #tpu.memory_space<vmem_shared>> -> memref<640x128xbf16, #tpu.memory_space<vmem_shared>>
      tpu.wait_dma2 semaphore(%run_scoped3A_164 : memref<!tpu.dma_semaphore, #tpu.memory_space<semaphore_mem>>) src(%dma_wait3A_174 : memref<640x128xbf16, #tpu.memory_space<vmem_shared>>) dst(%dma_wait3A_172 : memref<640x128xbf16, #tpu.memory_space<hbm>>)
      tpu.yield
    }) : () -> ()
    return
  }
}

module attributes {stable_mosaic.version = 14 : i64} {
  func.func @body(%arg0: i32, %arg1: memref<2048x128xf32, #tpu.memory_space<vmem>>, %arg2: memref<2048x1xf32, #tpu.memory_space<vmem>>, %arg3: memref<2048x1xf32, #tpu.memory_space<vmem>>, %arg4: memref<2x2048x128xbf16, #tpu.memory_space<vmem>>) attributes {dimension_semantics = [#tpu.dimension_semantics<arbitrary>], iteration_bounds = array<i64: 5>, scalar_prefetch = 0 : i64, scratch_operands = 0 : i64, tpu.core_type = #tpu.core_type<tc>, window_params = [{transform_indices = @transform_0, window_bounds = array<i64: 2048, 128>}, {transform_indices = @transform_1, window_bounds = array<i64: 2048, 1>}, {transform_indices = @transform_2, window_bounds = array<i64: 2048, 1>}, {transform_indices = @transform_3, window_bounds = array<i64: 2, 2048, 128>}]} {
    %get3A = arith.constant 0 : index
    %get3A_0 = arith.constant 0 : index
    %get3A_1 = vector.load %arg1[%get3A, %get3A_0] : memref<2048x128xf32, #tpu.memory_space<vmem>>, vector<2048x128xf32>
    %get3A_2 = arith.constant 0 : index
    %get3A_3 = arith.constant 0 : index
    %get3A_4 = vector.load %arg2[%get3A_2, %get3A_3] : memref<2048x1xf32, #tpu.memory_space<vmem>>, vector<2048x1xf32>
    %max3A = arith.constant 1.000000e+00 : f32
    %max3A_5 = vector.broadcast %max3A : f32 to vector<2048x1xf32>
    %max3A_6 = arith.maximumf %get3A_4, %max3A_5 : vector<2048x1xf32>
    %rsqrt3A = math.rsqrt %max3A_6 : vector<2048x1xf32>
    %mul3A = vector.broadcast %rsqrt3A : vector<2048x1xf32> to vector<2048x128xf32>
    %mul3A_7 = arith.mulf %get3A_1, %mul3A : vector<2048x128xf32>
    %convert_element_type3A = arith.truncf %mul3A_7 : vector<2048x128xf32> to vector<2048x128xbf16>
    %swap3A = arith.constant 0 : index
    %swap3A_8 = arith.constant 0 : index
    %swap3A_9 = arith.constant 0 : index
    %swap3A_10 = vector.load %arg4[%swap3A, %swap3A_8, %swap3A_9] : memref<2x2048x128xbf16, #tpu.memory_space<vmem>>, vector<1x2048x128xbf16>
    %swap3A_11 = vector.shape_cast %swap3A_10 : vector<1x2048x128xbf16> to vector<2048x128xbf16>
    %swap3A_12 = vector.shape_cast %convert_element_type3A : vector<2048x128xbf16> to vector<1x2048x128xbf16>
    tpu.vector_store %arg4[%swap3A, %swap3A_8, %swap3A_9], %swap3A_12 {strides = array<i32>} : memref<2x2048x128xbf16, #tpu.memory_space<vmem>>, vector<1x2048x128xbf16>,
    %get3A_13 = arith.constant 0 : index
    %get3A_14 = arith.constant 0 : index
    %get3A_15 = vector.load %arg3[%get3A_13, %get3A_14] : memref<2048x1xf32, #tpu.memory_space<vmem>>, vector<2048x1xf32>
    %max3A_16 = arith.constant 1.000000e+00 : f32
    %max3A_17 = vector.broadcast %max3A_16 : f32 to vector<2048x1xf32>
    %max3A_18 = arith.maximumf %get3A_15, %max3A_17 : vector<2048x1xf32>
    %rsqrt3A_19 = math.rsqrt %max3A_18 : vector<2048x1xf32>
    %mul3A_20 = vector.broadcast %rsqrt3A_19 : vector<2048x1xf32> to vector<2048x128xf32>
    %mul3A_21 = arith.mulf %get3A_1, %mul3A_20 : vector<2048x128xf32>
    %convert_element_type3A_22 = arith.truncf %mul3A_21 : vector<2048x128xf32> to vector<2048x128xbf16>
    %swap3A_23 = arith.constant 1 : index
    %swap3A_24 = arith.constant 0 : index
    %swap3A_25 = arith.constant 0 : index
    %swap3A_26 = vector.load %arg4[%swap3A_23, %swap3A_24, %swap3A_25] : memref<2x2048x128xbf16, #tpu.memory_space<vmem>>, vector<1x2048x128xbf16>
    %swap3A_27 = vector.shape_cast %swap3A_26 : vector<1x2048x128xbf16> to vector<2048x128xbf16>
    %swap3A_28 = vector.shape_cast %convert_element_type3A_22 : vector<2048x128xbf16> to vector<1x2048x128xbf16>
    tpu.vector_store %arg4[%swap3A_23, %swap3A_24, %swap3A_25], %swap3A_28 {strides = array<i32>} : memref<2x2048x128xbf16, #tpu.memory_space<vmem>>, vector<1x2048x128xbf16>,
    return
  }
  func.func @transform_0(%arg0: i32) -> (i32, i32) {
    %c0_i32 = arith.constant 0 : i32
    %c0_i32_0 = arith.constant 0 : i32
    return %arg0, %c0_i32 : i32, i32
  }
  func.func @transform_1(%arg0: i32) -> (i32, i32) {
    %c0_i32 = arith.constant 0 : i32
    %c0_i32_0 = arith.constant 0 : i32
    return %arg0, %c0_i32 : i32, i32
  }
  func.func @transform_2(%arg0: i32) -> (i32, i32) {
    %c0_i32 = arith.constant 0 : i32
    %c0_i32_0 = arith.constant 0 : i32
    return %arg0, %c0_i32 : i32, i32
  }
  func.func @transform_3(%arg0: i32) -> (i32, i32, i32) {
    %c0_i32 = arith.constant 0 : i32
    %c0_i32_0 = arith.constant 0 : i32
    %c0_i32_1 = arith.constant 0 : i32
    return %c0_i32, %arg0, %c0_i32_0 : i32, i32, i32
  }
}

module attributes {stable_mosaic.version = 14 : i64} {
  func.func @body(%arg0: i32, %arg1: memref<1x2048x128xbf16, #tpu.memory_space<vmem>>, %arg2: memref<1x2048x128xbf16, #tpu.memory_space<vmem>>, %arg3: memref<2048x1xf32, #tpu.memory_space<vmem>>, %arg4: memref<2048x1xf32, #tpu.memory_space<vmem>>, %arg5: memref<2048x1xf32, #tpu.memory_space<vmem>>, %arg6: memref<2048x1xf32, #tpu.memory_space<vmem>>, %arg7: memref<128x128xf32, #tpu.memory_space<vmem>>, %arg8: memref<1x128xf32, #tpu.memory_space<vmem>>, %arg9: memref<128x128xf32, #tpu.memory_space<vmem>>, %arg10: memref<1x128xf32, #tpu.memory_space<vmem>>, %arg11: memref<2x2048x128xbf16, #tpu.memory_space<vmem>>) attributes {dimension_semantics = [#tpu.dimension_semantics<arbitrary>], iteration_bounds = array<i64: 5>, scalar_prefetch = 0 : i64, scratch_operands = 0 : i64, tpu.core_type = #tpu.core_type<tc>, window_params = [{transform_indices = @transform_0, window_bounds = array<i64: 1, 2048, 128>}, {transform_indices = @transform_1, window_bounds = array<i64: 1, 2048, 128>}, {transform_indices = @transform_2, window_bounds = array<i64: 2048, 1>}, {transform_indices = @transform_3, window_bounds = array<i64: 2048, 1>}, {transform_indices = @transform_4, window_bounds = array<i64: 2048, 1>}, {transform_indices = @transform_5, window_bounds = array<i64: 2048, 1>}, {pipeline_mode = #tpu.pipeline_mode<synchronous>, transform_indices = @transform_6, window_bounds = array<i64: 128, 128>}, {pipeline_mode = #tpu.pipeline_mode<synchronous>, transform_indices = @transform_7, window_bounds = array<i64: 1, 128>}, {pipeline_mode = #tpu.pipeline_mode<synchronous>, transform_indices = @transform_8, window_bounds = array<i64: 128, 128>}, {pipeline_mode = #tpu.pipeline_mode<synchronous>, transform_indices = @transform_9, window_bounds = array<i64: 1, 128>}, {transform_indices = @transform_10, window_bounds = array<i64: 2, 2048, 128>}]} {
    %get3A = arith.constant 0 : index
    %get3A_0 = arith.constant 0 : index
    %get3A_1 = arith.constant 0 : index
    %get3A_2 = vector.load %arg1[%get3A, %get3A_0, %get3A_1] : memref<1x2048x128xbf16, #tpu.memory_space<vmem>>, vector<1x2048x128xbf16>
    %get3A_3 = vector.shape_cast %get3A_2 : vector<1x2048x128xbf16> to vector<2048x128xbf16>
    %convert_element_type3A = arith.extf %get3A_3 : vector<2048x128xbf16> to vector<2048x128xf32>
    %get3A_4 = arith.constant 0 : index
    %get3A_5 = arith.constant 0 : index
    %get3A_6 = vector.load %arg3[%get3A_4, %get3A_5] : memref<2048x1xf32, #tpu.memory_space<vmem>>, vector<2048x1xf32>
    %max3A = arith.constant 1.000000e+00 : f32
    %max3A_7 = vector.broadcast %max3A : f32 to vector<2048x1xf32>
    %max3A_8 = arith.maximumf %get3A_6, %max3A_7 : vector<2048x1xf32>
    %rsqrt3A = math.rsqrt %max3A_8 : vector<2048x1xf32>
    %mul3A = vector.broadcast %rsqrt3A : vector<2048x1xf32> to vector<2048x128xf32>
    %mul3A_9 = arith.mulf %convert_element_type3A, %mul3A : vector<2048x128xf32>
    %get3A_10 = arith.constant 0 : index
    %get3A_11 = arith.constant 0 : index
    %get3A_12 = arith.constant 0 : index
    %get3A_13 = vector.load %arg2[%get3A_10, %get3A_11, %get3A_12] : memref<1x2048x128xbf16, #tpu.memory_space<vmem>>, vector<1x2048x128xbf16>
    %get3A_14 = vector.shape_cast %get3A_13 : vector<1x2048x128xbf16> to vector<2048x128xbf16>
    %convert_element_type3A_15 = arith.extf %get3A_14 : vector<2048x128xbf16> to vector<2048x128xf32>
    %get3A_16 = arith.constant 0 : index
    %get3A_17 = arith.constant 0 : index
    %get3A_18 = vector.load %arg4[%get3A_16, %get3A_17] : memref<2048x1xf32, #tpu.memory_space<vmem>>, vector<2048x1xf32>
    %max3A_19 = arith.constant 1.000000e+00 : f32
    %max3A_20 = vector.broadcast %max3A_19 : f32 to vector<2048x1xf32>
    %max3A_21 = arith.maximumf %get3A_18, %max3A_20 : vector<2048x1xf32>
    %rsqrt3A_22 = math.rsqrt %max3A_21 : vector<2048x1xf32>
    %mul3A_23 = vector.broadcast %rsqrt3A_22 : vector<2048x1xf32> to vector<2048x128xf32>
    %mul3A_24 = arith.mulf %convert_element_type3A_15, %mul3A_23 : vector<2048x128xf32>
    %get3A_25 = arith.constant 0 : index
    %get3A_26 = arith.constant 0 : index
    %get3A_27 = vector.load %arg7[%get3A_25, %get3A_26] : memref<128x128xf32, #tpu.memory_space<vmem>>, vector<128x128xf32>
    %dot_general3A = arith.constant dense<0.000000e+00> : vector<2048x128xf32>
    %dot_general3A_28 = tpu.matmul %mul3A_9, %get3A_27, %dot_general3A {dimension_numbers = #tpu.dot_dimension_numbers<[1], [0], [0], [1], [0, 0, 1, 1], [], []>, transpose_lhs_hint = false} : vector<2048x128xf32>, vector<128x128xf32>, vector<2048x128xf32> -> vector<2048x128xf32>
    %get3A_29 = arith.constant 0 : index
    %get3A_30 = arith.constant 0 : index
    %get3A_31 = vector.load %arg9[%get3A_29, %get3A_30] : memref<128x128xf32, #tpu.memory_space<vmem>>, vector<128x128xf32>
    %dot_general3A_32 = arith.constant dense<0.000000e+00> : vector<2048x128xf32>
    %dot_general3A_33 = tpu.matmul %mul3A_24, %get3A_31, %dot_general3A_32 {dimension_numbers = #tpu.dot_dimension_numbers<[1], [0], [0], [1], [0, 0, 1, 1], [], []>, transpose_lhs_hint = false} : vector<2048x128xf32>, vector<128x128xf32>, vector<2048x128xf32> -> vector<2048x128xf32>
    %add3A = arith.addf %dot_general3A_28, %dot_general3A_33 : vector<2048x128xf32>
    %get3A_34 = arith.constant 0 : index
    %get3A_35 = arith.constant 0 : index
    %get3A_36 = vector.load %arg8[%get3A_34, %get3A_35] : memref<1x128xf32, #tpu.memory_space<vmem>>, vector<1x128xf32>
    %add3A_37 = vector.broadcast %get3A_36 : vector<1x128xf32> to vector<2048x128xf32>
    %add3A_38 = arith.addf %add3A, %add3A_37 : vector<2048x128xf32>
    %get3A_39 = arith.constant 0 : index
    %get3A_40 = arith.constant 0 : index
    %get3A_41 = vector.load %arg10[%get3A_39, %get3A_40] : memref<1x128xf32, #tpu.memory_space<vmem>>, vector<1x128xf32>
    %add3A_42 = vector.broadcast %get3A_41 : vector<1x128xf32> to vector<2048x128xf32>
    %add3A_43 = arith.addf %add3A_38, %add3A_42 : vector<2048x128xf32>
    %max3A_44 = arith.constant 0.000000e+00 : f32
    %max3A_45 = vector.broadcast %max3A_44 : f32 to vector<2048x128xf32>
    %max3A_46 = arith.maximumf %add3A_43, %max3A_45 : vector<2048x128xf32>
    %mul3A_47 = arith.mulf %max3A_46, %max3A_46 : vector<2048x128xf32>
    %reduce_sum3A = arith.constant dense<0.000000e+00> : vector<2048xf32>
    %reduce_sum3A_48 = vector.multi_reduction <add>, %mul3A_47, %reduce_sum3A [1] : vector<2048x128xf32> to vector<2048xf32>
    %broadcast_in_dim3A = vector.shape_cast %reduce_sum3A_48 : vector<2048xf32> to vector<2048x1xf32>
    %sqrt3A = math.sqrt %broadcast_in_dim3A : vector<2048x1xf32>
    %jit3A = arith.constant 9.99999996E-13 : f32
    %max3A_49 = vector.broadcast %jit3A : f32 to vector<2048x1xf32>
    %max3A_50 = arith.maximumf %max3A_49, %sqrt3A : vector<2048x1xf32>
    %div3A = vector.broadcast %max3A_50 : vector<2048x1xf32> to vector<2048x128xf32>
    %div3A_51 = arith.divf %max3A_46, %div3A : vector<2048x128xf32>
    %get3A_52 = arith.constant 0 : index
    %get3A_53 = arith.constant 0 : index
    %get3A_54 = vector.load %arg5[%get3A_52, %get3A_53] : memref<2048x1xf32, #tpu.memory_space<vmem>>, vector<2048x1xf32>
    %max3A_55 = arith.constant 1.000000e+00 : f32
    %max3A_56 = vector.broadcast %max3A_55 : f32 to vector<2048x1xf32>
    %max3A_57 = arith.maximumf %get3A_54, %max3A_56 : vector<2048x1xf32>
    %rsqrt3A_58 = math.rsqrt %max3A_57 : vector<2048x1xf32>
    %mul3A_59 = vector.broadcast %rsqrt3A_58 : vector<2048x1xf32> to vector<2048x128xf32>
    %mul3A_60 = arith.mulf %div3A_51, %mul3A_59 : vector<2048x128xf32>
    %convert_element_type3A_61 = arith.truncf %mul3A_60 : vector<2048x128xf32> to vector<2048x128xbf16>
    %swap3A = arith.constant 0 : index
    %swap3A_62 = arith.constant 0 : index
    %swap3A_63 = arith.constant 0 : index
    %swap3A_64 = vector.load %arg11[%swap3A, %swap3A_62, %swap3A_63] : memref<2x2048x128xbf16, #tpu.memory_space<vmem>>, vector<1x2048x128xbf16>
    %swap3A_65 = vector.shape_cast %swap3A_64 : vector<1x2048x128xbf16> to vector<2048x128xbf16>
    %swap3A_66 = vector.shape_cast %convert_element_type3A_61 : vector<2048x128xbf16> to vector<1x2048x128xbf16>
    tpu.vector_store %arg11[%swap3A, %swap3A_62, %swap3A_63], %swap3A_66 {strides = array<i32>} : memref<2x2048x128xbf16, #tpu.memory_space<vmem>>, vector<1x2048x128xbf16>,
    %get3A_67 = arith.constant 0 : index
    %get3A_68 = arith.constant 0 : index
    %get3A_69 = vector.load %arg6[%get3A_67, %get3A_68] : memref<2048x1xf32, #tpu.memory_space<vmem>>, vector<2048x1xf32>
    %max3A_70 = arith.constant 1.000000e+00 : f32
    %max3A_71 = vector.broadcast %max3A_70 : f32 to vector<2048x1xf32>
    %max3A_72 = arith.maximumf %get3A_69, %max3A_71 : vector<2048x1xf32>
    %rsqrt3A_73 = math.rsqrt %max3A_72 : vector<2048x1xf32>
    %mul3A_74 = vector.broadcast %rsqrt3A_73 : vector<2048x1xf32> to vector<2048x128xf32>
    %mul3A_75 = arith.mulf %div3A_51, %mul3A_74 : vector<2048x128xf32>
    %convert_element_type3A_76 = arith.truncf %mul3A_75 : vector<2048x128xf32> to vector<2048x128xbf16>
    %swap3A_77 = arith.constant 1 : index
    %swap3A_78 = arith.constant 0 : index
    %swap3A_79 = arith.constant 0 : index
    %swap3A_80 = vector.load %arg11[%swap3A_77, %swap3A_78, %swap3A_79] : memref<2x2048x128xbf16, #tpu.memory_space<vmem>>, vector<1x2048x128xbf16>
    %swap3A_81 = vector.shape_cast %swap3A_80 : vector<1x2048x128xbf16> to vector<2048x128xbf16>
    %swap3A_82 = vector.shape_cast %convert_element_type3A_76 : vector<2048x128xbf16> to vector<1x2048x128xbf16>
    tpu.vector_store %arg11[%swap3A_77, %swap3A_78, %swap3A_79], %swap3A_82 {strides = array<i32>} : memref<2x2048x128xbf16, #tpu.memory_space<vmem>>, vector<1x2048x128xbf16>,
    return
  }
  func.func @transform_0(%arg0: i32) -> (i32, i32, i32) {
    %c0_i32 = arith.constant 0 : i32
    %c0_i32_0 = arith.constant 0 : i32
    %c0_i32_1 = arith.constant 0 : i32
    return %c0_i32, %arg0, %c0_i32_0 : i32, i32, i32
  }
  func.func @transform_1(%arg0: i32) -> (i32, i32, i32) {
    %c1_i32 = arith.constant 1 : i32
    %c0_i32 = arith.constant 0 : i32
    %c0_i32_0 = arith.constant 0 : i32
    return %c1_i32, %arg0, %c0_i32 : i32, i32, i32
  }
  func.func @transform_2(%arg0: i32) -> (i32, i32) {
    %c0_i32 = arith.constant 0 : i32
    %c0_i32_0 = arith.constant 0 : i32
    return %arg0, %c0_i32 : i32, i32
  }
  func.func @transform_3(%arg0: i32) -> (i32, i32) {
    %c0_i32 = arith.constant 0 : i32
    %c0_i32_0 = arith.constant 0 : i32
    return %arg0, %c0_i32 : i32, i32
  }
  func.func @transform_4(%arg0: i32) -> (i32, i32) {
    %c0_i32 = arith.constant 0 : i32
    %c0_i32_0 = arith.constant 0 : i32
    return %arg0, %c0_i32 : i32, i32
  }
  func.func @transform_5(%arg0: i32) -> (i32, i32) {
    %c0_i32 = arith.constant 0 : i32
    %c0_i32_0 = arith.constant 0 : i32
    return %arg0, %c0_i32 : i32, i32
  }
  func.func @transform_6(%arg0: i32) -> (i32, i32) {
    %c0_i32 = arith.constant 0 : i32
    %c0_i32_0 = arith.constant 0 : i32
    %c0_i32_1 = arith.constant 0 : i32
    return %c0_i32, %c0_i32_0 : i32, i32
  }
  func.func @transform_7(%arg0: i32) -> (i32, i32) {
    %c0_i32 = arith.constant 0 : i32
    %c0_i32_0 = arith.constant 0 : i32
    %c0_i32_1 = arith.constant 0 : i32
    return %c0_i32, %c0_i32_0 : i32, i32
  }
  func.func @transform_8(%arg0: i32) -> (i32, i32) {
    %c0_i32 = arith.constant 0 : i32
    %c0_i32_0 = arith.constant 0 : i32
    %c0_i32_1 = arith.constant 0 : i32
    return %c0_i32, %c0_i32_0 : i32, i32
  }
  func.func @transform_9(%arg0: i32) -> (i32, i32) {
    %c0_i32 = arith.constant 0 : i32
    %c0_i32_0 = arith.constant 0 : i32
    %c0_i32_1 = arith.constant 0 : i32
    return %c0_i32, %c0_i32_0 : i32, i32
  }
  func.func @transform_10(%arg0: i32) -> (i32, i32, i32) {
    %c0_i32 = arith.constant 0 : i32
    %c0_i32_0 = arith.constant 0 : i32
    %c0_i32_1 = arith.constant 0 : i32
    return %c0_i32, %arg0, %c0_i32_0 : i32, i32, i32
  }
}

module attributes {stable_mosaic.version = 14 : i64} {
  func.func @body(%arg0: i32, %arg1: memref<1x2048x128xbf16, #tpu.memory_space<vmem>>, %arg2: memref<1x2048x128xbf16, #tpu.memory_space<vmem>>, %arg3: memref<2048x1xf32, #tpu.memory_space<vmem>>, %arg4: memref<2048x1xf32, #tpu.memory_space<vmem>>, %arg5: memref<2048x128xf32, #tpu.memory_space<vmem>>, %arg6: memref<128x128xf32, #tpu.memory_space<vmem>>, %arg7: memref<1x128xf32, #tpu.memory_space<vmem>>, %arg8: memref<128x128xf32, #tpu.memory_space<vmem>>, %arg9: memref<1x128xf32, #tpu.memory_space<vmem>>, %arg10: memref<2048x128xf32, #tpu.memory_space<vmem>>) attributes {dimension_semantics = [#tpu.dimension_semantics<arbitrary>], iteration_bounds = array<i64: 5>, scalar_prefetch = 0 : i64, scratch_operands = 0 : i64, tpu.core_type = #tpu.core_type<tc>, window_params = [{transform_indices = @transform_0, window_bounds = array<i64: 1, 2048, 128>}, {transform_indices = @transform_1, window_bounds = array<i64: 1, 2048, 128>}, {transform_indices = @transform_2, window_bounds = array<i64: 2048, 1>}, {transform_indices = @transform_3, window_bounds = array<i64: 2048, 1>}, {transform_indices = @transform_4, window_bounds = array<i64: 2048, 128>}, {pipeline_mode = #tpu.pipeline_mode<synchronous>, transform_indices = @transform_5, window_bounds = array<i64: 128, 128>}, {pipeline_mode = #tpu.pipeline_mode<synchronous>, transform_indices = @transform_6, window_bounds = array<i64: 1, 128>}, {pipeline_mode = #tpu.pipeline_mode<synchronous>, transform_indices = @transform_7, window_bounds = array<i64: 128, 128>}, {pipeline_mode = #tpu.pipeline_mode<synchronous>, transform_indices = @transform_8, window_bounds = array<i64: 1, 128>}, {transform_indices = @transform_9, window_bounds = array<i64: 2048, 128>}]} {
    %get3A = arith.constant 0 : index
    %get3A_0 = arith.constant 0 : index
    %get3A_1 = arith.constant 0 : index
    %get3A_2 = vector.load %arg1[%get3A, %get3A_0, %get3A_1] : memref<1x2048x128xbf16, #tpu.memory_space<vmem>>, vector<1x2048x128xbf16>
    %get3A_3 = vector.shape_cast %get3A_2 : vector<1x2048x128xbf16> to vector<2048x128xbf16>
    %convert_element_type3A = arith.extf %get3A_3 : vector<2048x128xbf16> to vector<2048x128xf32>
    %get3A_4 = arith.constant 0 : index
    %get3A_5 = arith.constant 0 : index
    %get3A_6 = vector.load %arg3[%get3A_4, %get3A_5] : memref<2048x1xf32, #tpu.memory_space<vmem>>, vector<2048x1xf32>
    %max3A = arith.constant 1.000000e+00 : f32
    %max3A_7 = vector.broadcast %max3A : f32 to vector<2048x1xf32>
    %max3A_8 = arith.maximumf %get3A_6, %max3A_7 : vector<2048x1xf32>
    %rsqrt3A = math.rsqrt %max3A_8 : vector<2048x1xf32>
    %mul3A = vector.broadcast %rsqrt3A : vector<2048x1xf32> to vector<2048x128xf32>
    %mul3A_9 = arith.mulf %convert_element_type3A, %mul3A : vector<2048x128xf32>
    %get3A_10 = arith.constant 0 : index
    %get3A_11 = arith.constant 0 : index
    %get3A_12 = arith.constant 0 : index
    %get3A_13 = vector.load %arg2[%get3A_10, %get3A_11, %get3A_12] : memref<1x2048x128xbf16, #tpu.memory_space<vmem>>, vector<1x2048x128xbf16>
    %get3A_14 = vector.shape_cast %get3A_13 : vector<1x2048x128xbf16> to vector<2048x128xbf16>
    %convert_element_type3A_15 = arith.extf %get3A_14 : vector<2048x128xbf16> to vector<2048x128xf32>
    %get3A_16 = arith.constant 0 : index
    %get3A_17 = arith.constant 0 : index
    %get3A_18 = vector.load %arg4[%get3A_16, %get3A_17] : memref<2048x1xf32, #tpu.memory_space<vmem>>, vector<2048x1xf32>
    %max3A_19 = arith.constant 1.000000e+00 : f32
    %max3A_20 = vector.broadcast %max3A_19 : f32 to vector<2048x1xf32>
    %max3A_21 = arith.maximumf %get3A_18, %max3A_20 : vector<2048x1xf32>
    %rsqrt3A_22 = math.rsqrt %max3A_21 : vector<2048x1xf32>
    %mul3A_23 = vector.broadcast %rsqrt3A_22 : vector<2048x1xf32> to vector<2048x128xf32>
    %mul3A_24 = arith.mulf %convert_element_type3A_15, %mul3A_23 : vector<2048x128xf32>
    %get3A_25 = arith.constant 0 : index
    %get3A_26 = arith.constant 0 : index
    %get3A_27 = vector.load %arg6[%get3A_25, %get3A_26] : memref<128x128xf32, #tpu.memory_space<vmem>>, vector<128x128xf32>
    %dot_general3A = arith.constant dense<0.000000e+00> : vector<2048x128xf32>
    %dot_general3A_28 = tpu.matmul %mul3A_9, %get3A_27, %dot_general3A {dimension_numbers = #tpu.dot_dimension_numbers<[1], [0], [0], [1], [0, 0, 1, 1], [], []>, transpose_lhs_hint = false} : vector<2048x128xf32>, vector<128x128xf32>, vector<2048x128xf32> -> vector<2048x128xf32>
    %get3A_29 = arith.constant 0 : index
    %get3A_30 = arith.constant 0 : index
    %get3A_31 = vector.load %arg8[%get3A_29, %get3A_30] : memref<128x128xf32, #tpu.memory_space<vmem>>, vector<128x128xf32>
    %dot_general3A_32 = arith.constant dense<0.000000e+00> : vector<2048x128xf32>
    %dot_general3A_33 = tpu.matmul %mul3A_24, %get3A_31, %dot_general3A_32 {dimension_numbers = #tpu.dot_dimension_numbers<[1], [0], [0], [1], [0, 0, 1, 1], [], []>, transpose_lhs_hint = false} : vector<2048x128xf32>, vector<128x128xf32>, vector<2048x128xf32> -> vector<2048x128xf32>
    %add3A = arith.addf %dot_general3A_28, %dot_general3A_33 : vector<2048x128xf32>
    %get3A_34 = arith.constant 0 : index
    %get3A_35 = arith.constant 0 : index
    %get3A_36 = vector.load %arg7[%get3A_34, %get3A_35] : memref<1x128xf32, #tpu.memory_space<vmem>>, vector<1x128xf32>
    %add3A_37 = vector.broadcast %get3A_36 : vector<1x128xf32> to vector<2048x128xf32>
    %add3A_38 = arith.addf %add3A, %add3A_37 : vector<2048x128xf32>
    %get3A_39 = arith.constant 0 : index
    %get3A_40 = arith.constant 0 : index
    %get3A_41 = vector.load %arg9[%get3A_39, %get3A_40] : memref<1x128xf32, #tpu.memory_space<vmem>>, vector<1x128xf32>
    %add3A_42 = vector.broadcast %get3A_41 : vector<1x128xf32> to vector<2048x128xf32>
    %add3A_43 = arith.addf %add3A_38, %add3A_42 : vector<2048x128xf32>
    %max3A_44 = arith.constant 0.000000e+00 : f32
    %max3A_45 = vector.broadcast %max3A_44 : f32 to vector<2048x128xf32>
    %max3A_46 = arith.maximumf %add3A_43, %max3A_45 : vector<2048x128xf32>
    %mul3A_47 = arith.mulf %max3A_46, %max3A_46 : vector<2048x128xf32>
    %reduce_sum3A = arith.constant dense<0.000000e+00> : vector<2048xf32>
    %reduce_sum3A_48 = vector.multi_reduction <add>, %mul3A_47, %reduce_sum3A [1] : vector<2048x128xf32> to vector<2048xf32>
    %broadcast_in_dim3A = vector.shape_cast %reduce_sum3A_48 : vector<2048xf32> to vector<2048x1xf32>
    %sqrt3A = math.sqrt %broadcast_in_dim3A : vector<2048x1xf32>
    %jit3A = arith.constant 9.99999996E-13 : f32
    %max3A_49 = vector.broadcast %jit3A : f32 to vector<2048x1xf32>
    %max3A_50 = arith.maximumf %max3A_49, %sqrt3A : vector<2048x1xf32>
    %div3A = vector.broadcast %max3A_50 : vector<2048x1xf32> to vector<2048x128xf32>
    %div3A_51 = arith.divf %max3A_46, %div3A : vector<2048x128xf32>
    %get3A_52 = arith.constant 0 : index
    %get3A_53 = arith.constant 0 : index
    %get3A_54 = vector.load %arg5[%get3A_52, %get3A_53] : memref<2048x128xf32, #tpu.memory_space<vmem>>, vector<2048x128xf32>
    %add3A_55 = arith.addf %div3A_51, %get3A_54 : vector<2048x128xf32>
    %max3A_56 = arith.constant 0.000000e+00 : f32
    %max3A_57 = vector.broadcast %max3A_56 : f32 to vector<2048x128xf32>
    %max3A_58 = arith.maximumf %add3A_55, %max3A_57 : vector<2048x128xf32>
    %mul3A_59 = arith.mulf %max3A_58, %max3A_58 : vector<2048x128xf32>
    %reduce_sum3A_60 = arith.constant dense<0.000000e+00> : vector<2048xf32>
    %reduce_sum3A_61 = vector.multi_reduction <add>, %mul3A_59, %reduce_sum3A_60 [1] : vector<2048x128xf32> to vector<2048xf32>
    %broadcast_in_dim3A_62 = vector.shape_cast %reduce_sum3A_61 : vector<2048xf32> to vector<2048x1xf32>
    %sqrt3A_63 = math.sqrt %broadcast_in_dim3A_62 : vector<2048x1xf32>
    %jit3A_64 = arith.constant 9.99999996E-13 : f32
    %max3A_65 = vector.broadcast %jit3A_64 : f32 to vector<2048x1xf32>
    %max3A_66 = arith.maximumf %max3A_65, %sqrt3A_63 : vector<2048x1xf32>
    %div3A_67 = vector.broadcast %max3A_66 : vector<2048x1xf32> to vector<2048x128xf32>
    %div3A_68 = arith.divf %max3A_58, %div3A_67 : vector<2048x128xf32>
    %swap3A = arith.constant 0 : index
    %swap3A_69 = arith.constant 0 : index
    %swap3A_70 = vector.load %arg10[%swap3A, %swap3A_69] : memref<2048x128xf32, #tpu.memory_space<vmem>>, vector<2048x128xf32>
    tpu.vector_store %arg10[%swap3A, %swap3A_69], %div3A_68 {strides = array<i32>} : memref<2048x128xf32, #tpu.memory_space<vmem>>, vector<2048x128xf32>,
    return
  }
  func.func @transform_0(%arg0: i32) -> (i32, i32, i32) {
    %c0_i32 = arith.constant 0 : i32
    %c0_i32_0 = arith.constant 0 : i32
    %c0_i32_1 = arith.constant 0 : i32
    return %c0_i32, %arg0, %c0_i32_0 : i32, i32, i32
  }
  func.func @transform_1(%arg0: i32) -> (i32, i32, i32) {
    %c1_i32 = arith.constant 1 : i32
    %c0_i32 = arith.constant 0 : i32
    %c0_i32_0 = arith.constant 0 : i32
    return %c1_i32, %arg0, %c0_i32 : i32, i32, i32
  }
  func.func @transform_2(%arg0: i32) -> (i32, i32) {
    %c0_i32 = arith.constant 0 : i32
    %c0_i32_0 = arith.constant 0 : i32
    return %arg0, %c0_i32 : i32, i32
  }
  func.func @transform_3(%arg0: i32) -> (i32, i32) {
    %c0_i32 = arith.constant 0 : i32
    %c0_i32_0 = arith.constant 0 : i32
    return %arg0, %c0_i32 : i32, i32
  }
  func.func @transform_4(%arg0: i32) -> (i32, i32) {
    %c0_i32 = arith.constant 0 : i32
    %c0_i32_0 = arith.constant 0 : i32
    return %arg0, %c0_i32 : i32, i32
  }
  func.func @transform_5(%arg0: i32) -> (i32, i32) {
    %c0_i32 = arith.constant 0 : i32
    %c0_i32_0 = arith.constant 0 : i32
    %c0_i32_1 = arith.constant 0 : i32
    return %c0_i32, %c0_i32_0 : i32, i32
  }
  func.func @transform_6(%arg0: i32) -> (i32, i32) {
    %c0_i32 = arith.constant 0 : i32
    %c0_i32_0 = arith.constant 0 : i32
    %c0_i32_1 = arith.constant 0 : i32
    return %c0_i32, %c0_i32_0 : i32, i32
  }
  func.func @transform_7(%arg0: i32) -> (i32, i32) {
    %c0_i32 = arith.constant 0 : i32
    %c0_i32_0 = arith.constant 0 : i32
    %c0_i32_1 = arith.constant 0 : i32
    return %c0_i32, %c0_i32_0 : i32, i32
  }
  func.func @transform_8(%arg0: i32) -> (i32, i32) {
    %c0_i32 = arith.constant 0 : i32
    %c0_i32_0 = arith.constant 0 : i32
    %c0_i32_1 = arith.constant 0 : i32
    return %c0_i32, %c0_i32_0 : i32, i32
  }
  func.func @transform_9(%arg0: i32) -> (i32, i32) {
    %c0_i32 = arith.constant 0 : i32
    %c0_i32_0 = arith.constant 0 : i32
    return %arg0, %c0_i32 : i32, i32
  }
}

</mosaic_0001>

<sc_bundles>
// kernel: kernel.11.cloned.1.call-start
scs
__scs_entry_jumppad:
0x0: {  	(pc) =	sbr.rel $0x88, $3  }
0x1: {  	(tag) =	ssettag $0x0;
	lr =	simm.s32 $0x1  }
0x2: {  	[smem:$0x3F96] =	sst lr;
	_ =	strace $0xD0000000  }
0x3: {  	_ = 	snop  }
0x4: {  	_ = 	snop  }
0x5: {  	_ = 	snop  }
0x6: {  	_ = 	snop  }
0x7: {  	_ = 	snop  }
__scs_overlays_trampoline_lowered:
0x8: {  	[smem:$0x3FA5] =	sst s0  }
0x9: {  	[smem:$0x3FA6] =	sst s1  }
0xa: {  	[smem:$0x3FA7] =	sst s2  }
0xb: {  	[smem:$0x3FA8] =	sst s3  }
0xc: {  	[smem:$0x3FA9] =	sst s4  }
0xd: {  	[smem:$0x3FAA] =	sst s5  }
0xe: {  	[smem:$0x3FAB] =	sst s6  }
0xf: {  	[smem:$0x3FAC] =	sst s7  }
0x10: {  	[smem:$0x3FAD] =	sst s8  }
0x11: {  	[smem:$0x3FAE] =	sst s9;
	s0 =	simm.s32 @!p0 $0x0  }
0x12: {  	s1 =	sld [smem:$0x3F94];
	s0 =	simm.s32 @p0 $0x1  }
0x13: {  	[smem:$0x3FAF] =	sst s0;
	s0 =	simm.s32 @!p1 $0x0  }
0x14: {  	s2 =	sld [smem:$0x3F93];
	s0 =	simm.s32 @p1 $0x1  }
0x15: {  	[smem:$0x3FB0] =	sst s0;
	s0 =	simm.s32 @!p2 $0x0  }
0x16: {  	s3 =	sld [smem:$0x3FDB];
	s0 =	simm.s32 @p2 $0x1  }
0x17: {  	s4 =	simm.s32 $0x1BF5;
	[smem:$0x3FB2] =	sst s0  }
0x18: {  	s0 =	sld [smem:$0x3F95];
	_ =	swait.ge [sflag:s4], $0x0  }
0x19: {  	s7 =	sld [smem:$0x3F96]  }
0x1a: {  	s8 =	sadd.s32 $0xFFFFE003, lr  }
0x1b: {  	s9 =	sadd.s32 $0xFFFFFEF7, lr;
	s5 =	simm.s32 $0xFFFFFFFF;
	p2 =	slt.u32 s8, $0xFFFFF086  }
0x1c: {  	p1 =	slt.u32 s9, $0xF7A;
	s5 =	simm.s32 @!p2 $0x0  }
0x1d: {  	s5 =	simm.s32 @p1 $0x1;
	p0 =	seq.s32 s7, s2  }
0x1e: {  	s7 =	smul.u32 @!p0 $0xF7A, s2;
	p2 =	seq.s32 @!p0 s5, $0x0  }
0x1f: {  	s9 =	smul.u32 $0xF7A, s1;
	s8 =	simm.s32 @!p0 $0x1BF5;
	p2 =	por !p2, p0  }
0x20: {  	[sflag:s8] =	ssyncset.s32 @!p0 $0xFFFFF086;
	s6 =	sadd.s32 @!p0 s3, s7;
	s7 =	simm.s32 @!p0 $0x108  }
0x21: {  	s3 =	sadd.s32 s3, s9;
	s6 =	sadd.s32 @!p0 $0x88, s6;
	s7 =	simm.s32 @p2 $0x1082  }
0x22: {  	[simem:s7], [sflag:s8] =	dma.local @!p0 [hbm:s6], $0xF7A  }
0x23: {  	s9 =	sor.u32 $0xD0000000, s2;
	s6 =	simm.s32 $0x108;
	_ =	swait.ge @!p0 [sflag:s8], $0x0  }
0x24: {  	s3 =	sadd.s32 $0x88, s3;
	s6 =	simm.s32 @!p1 $0x1082;
	[sflag:s4] =	ssyncset.s32 $0xFFFFF086  }
0x25: {  	[simem:s6], [sflag:s4] =	dma.local [hbm:s3], $0xF7A  }
0x26: {  	[smem:$0x3F96] =	sst s1;
	(tag) =	ssettag s2;
	_ =	strace s9  }
0x27: {  	s1 =	sld [smem:$0x3FA6]  }
0x28: {  	s2 =	sld [smem:$0x3FA7]  }
0x29: {  	s4 =	sld [smem:$0x3FA9]  }
0x2a: {  	p0 =	seq.s32 s5, $0x0;
	s5 =	sld [smem:$0x3FAA]  }
0x2b: {  	s6 =	sld [smem:$0x3FAB]  }
0x2c: {  	s7 =	sld [smem:$0x3FAC]  }
0x2d: {  	s3 =	simm.s32 $0x108;
	s8 =	sld [smem:$0x3FAD]  }
0x2e: {  	s3 =	simm.s32 @!p0 $0x1082;
	s9 =	sld [smem:$0x3FAE]  }
0x2f: {  	lr =	sadd.s32 s0, s3;
	s0 =	sld [smem:$0x3FA5]  }
0x30: {  	s3 =	sld [smem:$0x3FA8]  }
0x31: {  	[smem:$0x3FB1] =	sst s10  }
0x32: {  	s10 =	sld [smem:$0x3FAF];
	_ =	sdelay $0x3  }
0x33: {  	p0 =	seq.s32 s10, $0x1;
	s10 =	sld [smem:$0x3FB1];
	_ =	sdelay $0x3  }
0x34: {  	[smem:$0x3FB1] =	sst s10  }
0x35: {  	s10 =	sld [smem:$0x3FB0];
	_ =	sdelay $0x3  }
0x36: {  	p1 =	seq.s32 s10, $0x1;
	s10 =	sld [smem:$0x3FB1];
	_ =	sdelay $0x3  }
0x37: {  	[smem:$0x3FB1] =	sst s10  }
0x38: {  	s10 =	sld [smem:$0x3FB2]  }
0x39: {  	_ = 	snop;
	(pc) =	sbr.ind lr, $3  }
0x3a: {  	_ = 	snop  }
0x3b: {  	_ = 	snop  }
0x3c: {  	p2 =	seq.s32 s10, $0x1;
	s10 =	sld [smem:$0x3FB1]  }
0x3d: {  	_ =	shalt  }
0x3e: {  	_ =	shalt  }
0x3f: {  	_ =	shalt  }
0x40: {  	_ =	shalt  }
0x41: {  	_ =	shalt  }
0x42: {  	_ =	shalt  }
0x43: {  	_ =	shalt  }
0x44: {  	_ =	shalt  }
0x45: {  	_ =	shalt  }
0x46: {  	_ =	shalt  }
0x47: {  	_ =	shalt  }
0x48: {  	_ =	shalt  }
0x49: {  	_ =	shalt  }
0x4a: {  	_ =	shalt  }
0x4b: {  	_ =	shalt  }
0x4c: {  	_ =	shalt  }
0x4d: {  	_ =	shalt  }
0x4e: {  	_ =	shalt  }
0x4f: {  	_ =	shalt  }
0x50: {  	_ =	shalt  }
0x51: {  	_ =	shalt  }
0x52: {  	_ =	shalt  }
0x53: {  	_ =	shalt  }
0x54: {  	_ =	shalt  }
0x55: {  	_ =	shalt  }
0x56: {  	_ =	shalt  }
0x57: {  	_ =	shalt  }
0x58: {  	_ =	shalt  }
0x59: {  	_ =	shalt  }
0x5a: {  	_ =	shalt  }
0x5b: {  	_ =	shalt  }
0x5c: {  	_ =	shalt  }
0x5d: {  	_ =	shalt  }
0x5e: {  	_ =	shalt  }
0x5f: {  	_ =	shalt  }
0x60: {  	_ =	shalt  }
0x61: {  	_ =	shalt  }
0x62: {  	_ =	shalt  }
0x63: {  	_ =	shalt  }
0x64: {  	_ =	shalt  }
0x65: {  	_ =	shalt  }
0x66: {  	_ =	shalt  }
0x67: {  	_ =	shalt  }
0x68: {  	_ =	shalt  }
0x69: {  	_ =	shalt  }
0x6a: {  	_ =	shalt  }
0x6b: {  	_ =	shalt  }
0x6c: {  	_ =	shalt  }
0x6d: {  	_ =	shalt  }
0x6e: {  	_ =	shalt  }
0x6f: {  	_ =	shalt  }
0x70: {  	_ =	shalt  }
0x71: {  	_ =	shalt  }
0x72: {  	_ =	shalt  }
0x73: {  	_ =	shalt  }
0x74: {  	_ =	shalt  }
0x75: {  	_ =	shalt  }
0x76: {  	_ =	shalt  }
0x77: {  	_ =	shalt  }
0x78: {  	_ =	shalt  }
0x79: {  	_ =	shalt  }
0x7a: {  	_ =	shalt  }
0x7b: {  	_ =	shalt  }
0x7c: {  	_ =	shalt  }
0x7d: {  	_ =	shalt  }
0x7e: {  	_ =	shalt  }
0x7f: {  	_ =	shalt  }
0x80: {  	_ =	shalt  }
0x81: {  	_ =	shalt  }
0x82: {  	_ =	shalt  }
0x83: {  	_ =	shalt  }
0x84: {  	_ =	shalt  }
0x85: {  	_ =	shalt  }
0x86: {  	_ =	shalt  }
0x87: {  	_ =	shalt  }
.Lfunc_end0:
.L_simem_size_0:
called_computation.1_lowered:
.L_overlay_start_0:
0x88: {  	s2 =	sld [smem:$0x3FD9]  }
0x89: {  	s3 =	sld [smem:$0x3FFE];
	_ =	sdelay $0x1  }
0x8a: {  	s1 =	srdreg.scid  }
0x8b: {  	s0 =	sand.u32 $0x1, s1  }
0x8c: {  	s17 =	sshll.u32 s0, $0xA;
	s2 =	sadd.s32 s3, s2  }
0x8d: {  	s2 =	sadd.s32 s2, s17  }
0x8e: {  	[smem:$0x3FBD] =	sst s2  }
0x8f: {  	_ = 	snop  }
0x90: {  	s2 =	sld [smem:$0x3FD0];
	(tm) =	ssettm $0x1  }
0x91: {  	s18 =	sld [smem:$0x3FFB];
	_ =	sdelay $0x3  }
0x92: {  	_ =	strace s18  }
0x93: {  	s3 =	sld [smem:$0x3FFC];
	_ =	sdelay $0x3  }
0x94: {  	_ =	strace s3  }
0x95: {  	s3 =	sld [smem:$0x3FFD];
	_ =	sdelay $0x3  }
0x96: {  	_ =	strace s3  }
0x97: {  	_ =	strace $0x8FFFFFFF  }
0x98: {  	s19 =	sld [smem:$0x3FDB];
	_ =	sdelay $0x1  }
0x99: {  	s4 =	simm.s32 $_scs_section_size  }
0x9a: {  	s5 =	simm.s32 $_size__tile_overlayer_lowered;
	s6 =	simm.s32 $_tile_overlayer_lowered  }
0x9b: {  	s22 =	simm.s32 $0x1BFF;
	s21 =	sshll.u32 s6, $0x1;
	s3 =	sadd.s32 s4, s19  }
0x9c: {  	s7 =	simm.s32 $0x0;
	s20 =	sshll.u32 s5, $0x1;
	s5 =	sadd.s32 s21, s3  }
0x9d: {  	[timem:s7], [sflag:s22] =	dma.local [hbm:s5], s20  }
0x9e: {  	_ =	swait.ge [sflag:s22], s20  }
0x9f: {  	s4 =	ssub.s32 $0x0, s20;
	[sflag:s22] =	ssyncset.done $0x0  }
0xa0: {  	[sflag:s22] =	ssyncadd.s32 s4;
	_ =	sdelay $0x1  }
0xa1: {  	s23 =	simm.s32 $0x1B8B  }
0xa2: {  	_ =	swait.ge [sflag:s23], $0x1  }
0xa3: {  	[sflag:s23] =	ssyncset.done $0x0  }
0xa4: {  	s25 =	simm.s32 $0x1B8E;
	s24 =	sld [smem:$0x3FFE];
	[sflag:s23] =	ssyncadd.s32 $0xFFFFFFFF  }
0xa5: {  	s26 =	simm.s32 $execute0_lowered;
	[smem:$0x3FD2] =	sst s25  }
0xa6: {  	s5 =	sshll.u32 s26, $0x1;
	_ =	strace $0x80000049;
	[dreg:$0x1] =	wrdreg $0xFFFFFFFF  }
0xa7: {  	s28 =	simm.s32 $_size_execute0_lowered;
	s3 =	sadd.s32 s3, s5;
	[dreg:$0x0] =	wrdreg $0x0  }
0xa8: {  	s5 =	sshll.u32 s28, $0x1;
	[dreg:$0x2] =	wrdreg s3  }
0xa9: {  	[dreg:$0x3] =	wrdreg s5  }
0xaa: {  	[dreg:$0x4] =	wrdreg $0xC0  }
0xab: {  	_ =	task [dreg:s7], $0x5FFFF  }
0xac: {  	[dreg:$0x1] =	wrdreg $0xFFFFFFFF  }
0xad: {  	[dreg:$0x0] =	wrdreg $0x60  }
0xae: {  	[dreg:$0x2] =	wrdreg s24  }
0xaf: {  	[dreg:$0x3] =	wrdreg s2  }
0xb0: {  	[dreg:$0x4] =	wrdreg $0xB2200  }
0xb1: {  	[dreg:$0x5] =	wrdreg $0x9  }
0xb2: {  	_ =	task.clear_ibuf [dreg:s7], $0x6FFFF;
	_ =	strace $0x90000049  }
0xb3: {  	s29 =	simm.s32 $0x9;
	_ =	strace $0x8000004B  }
0xb4: {  	_ =	swait.ge [sflag:s29], $0x1  }
0xb5: {  	[sflag:s29] =	ssyncadd.s32 $0xFFFFFFFF  }
0xb6: {  	_ =	strace $0x9000004B  }
0xb7: {  	_ =	sfence  }
0xb8: {  	s30 =	sld [smem:$0x0];
	_ =	sdelay $0x2  }
0xb9: {  	s31 =	sshll.u32 s1, $0xD;
	s1 =	sshrl.u32 s1, $0x2  }
0xba: {  	s3 =	sand.u32 $0x4000, s31;
	s1 =	sadd.s32 s1, s30  }
0xbb: {  	s0 =	sor.u32 s3, s0;
	s1 =	sshll.u32 s1, $0x11  }
0xbc: {  	s0 =	sor.u32 s1, s0  }
0xbd: {  	s0 =	sadd.s32 $0x8F2B, s0  }
0xbe: {  	[sflag:s0] =	ssyncadd.remote.s32 $0x1  }
0xbf: {  	_ =	sfence.sel $0xFFFF  }
0xc0: {  	[dreg:$0x0] =	wrdreg $0xFFFFFFFF;
	(pc) =	sbr.abs _section_cstart, $3  }
0xc1: {  	[dreg:$0x1] =	wrdreg $0xFFFFFFFF  }
0xc2: {  	_ =	task.clear_ibuf [dreg:s7], $0x2FFFF;
	_ =	strace $0x9FFFFFFF  }
0xc3: {  	(tm) =	ssettm $0x7FFFFFFF  }
tec
execute0_lowered:
.L_overlay_start_1:
0x0: {  	(tag) =	ssettag $0x1  }
0x1: {  	s0 =	rddreg [dreg:$0x0]  }
0x2: {  	s2 =	rddreg [dreg:$0x1]  }
0x3: {  	s1 =	rddreg [dreg:$0x2];
	s3 =	srdreg.scid  }
0x4: {  	s12 =	stileid.u32;
	s17 =	simm.s32 $0x4E20;
	s18 =	simm.s32 $0xB  }
0x5: {  	s29 =	simm.s32 $0x9E20;
	s30 =	simm.s32 $0x2;
	s28 =	simm.s32 $0x7  }
0x6: {  	s31 =	simm.s32 $0x8;
	s5 =	sand.u32 $0x1, s3;
	s6 =	smul.u32 $0x14000, s12  }
0x7: {  	s3 =	simm.s32 $0x0;
	s8 =	sadd.s32 $0xC000, s0;
	s10 =	smul.u32 $0x28000, s12  }
0x8: {  	s9 =	sadd.s32 $0x7000, s0;
	s16 =	sadd.s32 $0x2000, s0;
	s26 =	smul.u32 $0x4E2, s12  }
0x9: {  	s4 =	smul.u32 $0x140000, s5;
	[smem:$0x7FF] =	sst s3;
	s19 =	ssub.s32 $0x2, s5  }
0xa: {  	p0 =	seq.s32 s5, $0x1;
	s5 =	simm.s32 $0x9;
	_ =	strace $0x8000004A  }
0xb: {  	s11 =	sshrl.u32 s19, $0x1;
	s10 =	sshrl.u32 s10, $0x2;
	s8 =	smov.u32 @p0 s9  }
0xc: {  	s2 =	smov.u32 @p0 s16;
	s7 =	sshrl.u32 s4, $0x4;
	s4 =	sadd.s32 s6, s4  }
0xd: {  	s6 =	sshrl.u32 s6, $0x1;
	s14 =	ssub.s32 s19, s11;
	s20 =	sadd.s32 s10, s1  }
0xe: {  	s15 =	sadd.s32 s8, s26;
	s16 =	sadd.s32 s2, s26;
	s19 =	simm.s32 $0x2710  }
0xf: {  	s26 =	simm.s32 $0x1;
	s2 =	simm.s32 $0x4;
	s10 =	sadd.s32 $0x1400, s20  }
0x10: {  	s7 =	sadd.s32 s7, s0;
	s21 =	sadd.s32 $0x2800, s20;
	[dreg:$0x4] =	wrdreg s10  }
0x11: {  	s4 =	sshrl.u32 s4, $0x4;
	s22 =	sadd.s32 $0x3C00, s20;
	[dreg:$0x5] =	wrdreg s21  }
0x12: {  	s23 =	sadd.s32 $0x5000, s20;
	s24 =	sadd.s32 $0x6400, s20;
	[dreg:$0x6] =	wrdreg s22  }
0x13: {  	s25 =	sadd.s32 $0x7800, s20;
	s14 =	smax.u32 s14, $0x1;
	[dreg:$0x7] =	wrdreg s23  }
0x14: {  	s0 =	sadd.s32 s4, s0;
	s4 =	sadd.s32 s6, s1;
	[dreg:$0x8] =	wrdreg s24  }
.Ltmp0:
0x15: {  	[dreg:$0x9] =	wrdreg s25;
	s6 =	sadd.s32 $0x8C00, s20;
	(pc) =	sbr.rel .LBB2_1-.Ltmp0, $4  }
0x16: {  	s12 =	sadd.s32 $0x61000, s7;
	s20 =	simm.s32 $0x50;
	s21 =	simm.s32 $0x6220  }
0x17: {  	s23 =	simm.s32 $0x7620;
	s25 =	simm.s32 $0x8A20;
	s22 =	simm.s32 $0x3  }
0x18: {  	s24 =	simm.s32 $0x5;
	[dreg:$0xa] =	wrdreg s6;
	s0 =	sadd.s32 $0x89000, s0  }
0x19: {  	v0 =	vimm.bf16 $0.0e+00;
	s6 =	simm.s32 $0xA;
	[dreg:$0xb] =	wrdreg s0;
	s0 =	simm.s32 $0x6  }
.LBB2_6:
0x1a: {  	_ =	swait.ge [sflag:s24], $0x1400  }
0x1b: {  	[sflag:s24] =	ssyncset.done $0x0  }
0x1c: {  	[sflag:s24] =	ssyncadd.s32 $0xFFFFEC00  }
0x1d: {  	[spmem:s1] =	stream.indirect.scatter.add.bf16 [tilespmem:s29], [sflag:$0xA], $0x40, s9, s20, $0xb8;
	[tilespmem:$0x15220] =	vst v63  }
0x1e: {  	_ =	swait.ge [sflag:s0], $0x1400  }
0x1f: {  	[sflag:s0] =	ssyncset.done $0x0  }
0x20: {  	[sflag:s0] =	ssyncadd.s32 $0xFFFFEC00  }
0x21: {  	_ =	swait.ge [sflag:s28], $0x1400  }
0x22: {  	[sflag:s28] =	ssyncset.done $0x0  }
0x23: {  	[sflag:s28] =	ssyncadd.s32 $0xFFFFEC00  }
0x24: {  	_ =	swait.ge [sflag:s31], $0x1400  }
0x25: {  	[sflag:s31] =	ssyncset.done $0x0  }
0x26: {  	[sflag:s31] =	ssyncadd.s32 $0xFFFFEC00  }
0x27: {  	_ =	swait.ge [sflag:s5], $0x1400  }
0x28: {  	[sflag:s5] =	ssyncset.done $0x0  }
0x29: {  	[sflag:s5] =	ssyncadd.s32 $0xFFFFEC00  }
0x2a: {  	_ =	swait.ge [sflag:s6], $0x1400  }
0x2b: {  	s7 =	stileid.u32;
	[sflag:s6] =	ssyncset.done $0x0  }
0x2c: {  	s8 =	sshrl.u32 s4, $0x3;
	s3 =	sadd.s32 $0x1, s3;
	[sflag:s6] =	ssyncadd.s32 $0xFFFFEC00  }
0x2d: {  	s7 =	sshll.u32 s7, $0x6;
	p0 =	sne.s32 s3, s14;
	[bflag:$0x0] =	sbarrier.arrive $0xFFFF  }
.Ltmp1:
0x2e: {  	s7 =	sor.u32 $0x1C0B, s7;
	s13 =	rddreg [dreg:$0xb];
	(pc) =	sbr.rel @!p0 .LBB2_7-.Ltmp1, $4  }
0x2f: {  	[hbm:s13], [sflag:s7] =	dma.local [spmem:s8], $0x1400  }
0x30: {  	_ =	swait.ge [sflag:s18], $0x1400  }
0x31: {  	[sflag:s18] =	ssyncset.done $0x0  }
0x32: {  	[sflag:s18] =	ssyncadd.s32 $0xFFFFEC00  }
.LBB2_1:
0x33: {  	s8 =	simm.s32 $0x100;
	s7 =	simm.s32 $0x0  }
.LBB2_2:
0x34: {  	p0 =	sne.s32 s8, $0x4F00;
	[tilespmem:s7+$0x4E50] =	vst v0;
	s9 =	smov.u32 s8;
	s8 =	sadd.s32 $0x100, s8  }
.Ltmp2:
0x35: {  	[tilespmem:s7+$0x4E40] =	vst v0;
	(pc) =	sbr.rel @p0 .LBB2_2-.Ltmp2, $3  }
0x36: {  	[tilespmem:s7+$0x4E20] =	vst v0  }
0x37: {  	[tilespmem:s7+$0x4E30] =	vst v0;
	_ =	sdelay $0x1  }
0x38: {  	s7 =	sshra.s32 s9, $0x2  }
0x39: {  	[tilespmem:s7+$0x4E50] =	vst v0  }
0x3a: {  	[tilespmem:s7+$0x4E40] =	vst v0  }
0x3b: {  	[tilespmem:s7+$0x4E20] =	vst v0  }
0x3c: {  	[tilespmem:s7+$0x4E30] =	vst v0  }
0x3d: {  	[spmem:s4] =	stream.linear.scatter [tilespmem:s17], [sflag:$0xB], $0x1400, $0x38;
	[tilespmem:$0x15220] =	vst v63  }
0x3e: {  	_ =	swait.ge [sflag:s18], $0x1400  }
0x3f: {  	[sflag:s18] =	ssyncset.done $0x0  }
0x40: {  	s9 =	rddreg [dreg:$0x4];
	[sflag:s18] =	ssyncadd.s32 $0xFFFFEC00  }
0x41: {  	[spmem:s9] =	stream.linear.scatter [tilespmem:s17], [sflag:$0xB], $0x1400, $0x38;
	[tilespmem:$0x15220] =	vst v63  }
0x42: {  	_ =	swait.ge [sflag:s18], $0x1400  }
0x43: {  	[sflag:s18] =	ssyncset.done $0x0  }
0x44: {  	s10 =	rddreg [dreg:$0x5];
	[sflag:s18] =	ssyncadd.s32 $0xFFFFEC00  }
0x45: {  	[spmem:s10] =	stream.linear.scatter [tilespmem:s17], [sflag:$0xB], $0x1400, $0x38;
	[tilespmem:$0x15220] =	vst v63  }
0x46: {  	_ =	swait.ge [sflag:s18], $0x1400  }
0x47: {  	[sflag:s18] =	ssyncset.done $0x0  }
0x48: {  	s11 =	rddreg [dreg:$0x6];
	[sflag:s18] =	ssyncadd.s32 $0xFFFFEC00  }
0x49: {  	[spmem:s11] =	stream.linear.scatter [tilespmem:s17], [sflag:$0xB], $0x1400, $0x38;
	[tilespmem:$0x15220] =	vst v63  }
0x4a: {  	_ =	swait.ge [sflag:s18], $0x1400  }
0x4b: {  	[sflag:s18] =	ssyncset.done $0x0  }
0x4c: {  	s13 =	rddreg [dreg:$0x7];
	[sflag:s18] =	ssyncadd.s32 $0xFFFFEC00  }
0x4d: {  	[spmem:s13] =	stream.linear.scatter [tilespmem:s17], [sflag:$0xB], $0x1400, $0x38;
	[tilespmem:$0x15220] =	vst v63  }
0x4e: {  	_ =	swait.ge [sflag:s18], $0x1400  }
0x4f: {  	[sflag:s18] =	ssyncset.done $0x0  }
0x50: {  	s8 =	rddreg [dreg:$0x8];
	[sflag:s18] =	ssyncadd.s32 $0xFFFFEC00  }
0x51: {  	[spmem:s8] =	stream.linear.scatter [tilespmem:s17], [sflag:$0xB], $0x1400, $0x38;
	[tilespmem:$0x15220] =	vst v63  }
0x52: {  	_ =	swait.ge [sflag:s18], $0x1400  }
0x53: {  	[sflag:s18] =	ssyncset.done $0x0  }
0x54: {  	s9 =	rddreg [dreg:$0x9];
	[sflag:s18] =	ssyncadd.s32 $0xFFFFEC00  }
0x55: {  	[spmem:s9] =	stream.linear.scatter [tilespmem:s17], [sflag:$0xB], $0x1400, $0x38;
	[tilespmem:$0x15220] =	vst v63  }
0x56: {  	_ =	swait.ge [sflag:s18], $0x1400  }
0x57: {  	[sflag:s18] =	ssyncset.done $0x0  }
0x58: {  	s10 =	rddreg [dreg:$0xa];
	[sflag:s18] =	ssyncadd.s32 $0xFFFFEC00  }
0x59: {  	[spmem:s10] =	stream.linear.scatter [tilespmem:s17], [sflag:$0xB], $0x1400, $0x38;
	[tilespmem:$0x15220] =	vst v63  }
0x5a: {  	_ =	swait.ge [sflag:s18], $0x1400  }
0x5b: {  	[sflag:s18] =	ssyncset.done $0x0  }
0x5c: {  	s7 =	simm.s32 $0x0;
	[sflag:s18] =	ssyncadd.s32 $0xFFFFEC00  }
0x5d: {  	[tilespmem:s7], [sflag:$0xB] =	stream.linear.gather [hbm4b:s15+s7], $0x2710, $0x38;
	[tilespmem:$0x15220] =	vst v63  }
0x5e: {  	_ =	swait.ge [sflag:s18], $0x2710  }
0x5f: {  	[sflag:s18] =	ssyncset.done $0x0  }
0x60: {  	[sflag:s18] =	ssyncadd.s32 $0xFFFFD8F0  }
0x61: {  	[tilespmem:s19], [sflag:$0xB] =	stream.linear.gather [hbm4b:s16+s7], $0x2710, $0x38;
	[tilespmem:$0x15220] =	vst v63  }
0x62: {  	_ =	swait.ge [sflag:s18], $0x2710  }
0x63: {  	[sflag:s18] =	ssyncset.done $0x0  }
0x64: {  	[sflag:s18] =	ssyncadd.s32 $0xFFFFD8F0  }
0x65: {  	[tilespmem:s17], [sflag:$0x1] =	stream.indirect.gather [hbm4b:s12+s20], $0x40, s7, s20, $0xb8;
	[tilespmem:$0x15220] =	vst v63  }
0x66: {  	_ = 	snop  }
0x67: {  	[tilespmem:s21], [sflag:$0x2] =	stream.indirect.gather [hbm4b:s12+s20], $0x40, s20, s20, $0xb8;
	[tilespmem:$0x15220] =	vst v63  }
0x68: {  	s8 =	simm.s32 $0xA0  }
0x69: {  	[tilespmem:s23], [sflag:$0x3] =	stream.indirect.gather [hbm4b:s12+s20], $0x40, s8, s20, $0xb8;
	[tilespmem:$0x15220] =	vst v63  }
0x6a: {  	s11 =	simm.s32 $0xF0  }
0x6b: {  	[tilespmem:s25], [sflag:$0x4] =	stream.indirect.gather [hbm4b:s12+s20], $0x40, s11, s20, $0xb8;
	[tilespmem:$0x15220] =	vst v63  }
0x6c: {  	[bflag:$0x0] =	sbarrier.arrive $0xFFFF  }
0x6d: {  	_ =	swait.ge [sflag:s26], $0x1400  }
0x6e: {  	[sflag:s26] =	ssyncset.done $0x0  }
0x6f: {  	[sflag:s26] =	ssyncadd.s32 $0xFFFFEC00  }
0x70: {  	[spmem:s1] =	stream.indirect.scatter.add.bf16 [tilespmem:s17], [sflag:$0x6], $0x40, s19, s20, $0xb8;
	[tilespmem:$0x15220] =	vst v63  }
0x71: {  	s13 =	simm.s32 $0x140  }
0x72: {  	[tilespmem:s29], [sflag:$0x5] =	stream.indirect.gather [hbm4b:s12+s20], $0x40, s13, s20, $0xb8;
	[tilespmem:$0x15220] =	vst v63  }
0x73: {  	_ =	swait.ge [sflag:s30], $0x1400  }
0x74: {  	[sflag:s30] =	ssyncset.done $0x0  }
0x75: {  	s9 =	simm.s32 $0x2760;
	[sflag:s30] =	ssyncadd.s32 $0xFFFFEC00  }
0x76: {  	[spmem:s1] =	stream.indirect.scatter.add.bf16 [tilespmem:s21], [sflag:$0x7], $0x40, s9, s20, $0xb8;
	[tilespmem:$0x15220] =	vst v63  }
0x77: {  	_ =	swait.ge [sflag:s0], $0x1400  }
0x78: {  	[sflag:s0] =	ssyncset.done $0x0  }
0x79: {  	s10 =	simm.s32 $0x190;
	[sflag:s0] =	ssyncadd.s32 $0xFFFFEC00  }
0x7a: {  	[tilespmem:s17], [sflag:$0x1] =	stream.indirect.gather [hbm4b:s12+s20], $0x40, s10, s20, $0xb8;
	[tilespmem:$0x15220] =	vst v63  }
0x7b: {  	_ =	swait.ge [sflag:s22], $0x1400  }
0x7c: {  	[sflag:s22] =	ssyncset.done $0x0  }
0x7d: {  	s11 =	simm.s32 $0x27B0;
	[sflag:s22] =	ssyncadd.s32 $0xFFFFEC00  }
0x7e: {  	[spmem:s1] =	stream.indirect.scatter.add.bf16 [tilespmem:s23], [sflag:$0x8], $0x40, s11, s20, $0xb8;
	[tilespmem:$0x15220] =	vst v63  }
0x7f: {  	_ =	swait.ge [sflag:s28], $0x1400  }
0x80: {  	[sflag:s28] =	ssyncset.done $0x0  }
0x81: {  	s13 =	simm.s32 $0x1E0;
	[sflag:s28] =	ssyncadd.s32 $0xFFFFEC00  }
0x82: {  	[tilespmem:s21], [sflag:$0x2] =	stream.indirect.gather [hbm4b:s12+s20], $0x40, s13, s20, $0xb8;
	[tilespmem:$0x15220] =	vst v63  }
0x83: {  	_ =	swait.ge [sflag:s2], $0x1400  }
0x84: {  	[sflag:s2] =	ssyncset.done $0x0  }
0x85: {  	s9 =	simm.s32 $0x2800;
	[sflag:s2] =	ssyncadd.s32 $0xFFFFEC00  }
0x86: {  	[spmem:s1] =	stream.indirect.scatter.add.bf16 [tilespmem:s25], [sflag:$0x9], $0x40, s9, s20, $0xb8;
	[tilespmem:$0x15220] =	vst v63  }
0x87: {  	_ =	swait.ge [sflag:s31], $0x1400  }
0x88: {  	[sflag:s31] =	ssyncset.done $0x0  }
0x89: {  	s10 =	simm.s32 $0x230;
	[sflag:s31] =	ssyncadd.s32 $0xFFFFEC00  }
0x8a: {  	[tilespmem:s23], [sflag:$0x3] =	stream.indirect.gather [hbm4b:s12+s20], $0x40, s10, s20, $0xb8;
	[tilespmem:$0x15220] =	vst v63  }
0x8b: {  	_ =	swait.ge [sflag:s24], $0x1400  }
0x8c: {  	[sflag:s24] =	ssyncset.done $0x0  }
0x8d: {  	s11 =	simm.s32 $0x2850;
	[sflag:s24] =	ssyncadd.s32 $0xFFFFEC00  }
0x8e: {  	[spmem:s1] =	stream.indirect.scatter.add.bf16 [tilespmem:s29], [sflag:$0xA], $0x40, s11, s20, $0xb8;
	[tilespmem:$0x15220] =	vst v63  }
0x8f: {  	_ =	swait.ge [sflag:s5], $0x1400  }
0x90: {  	[sflag:s5] =	ssyncset.done $0x0  }
0x91: {  	s13 =	simm.s32 $0x280;
	[sflag:s5] =	ssyncadd.s32 $0xFFFFEC00  }
0x92: {  	[tilespmem:s25], [sflag:$0x4] =	stream.indirect.gather [hbm4b:s12+s20], $0x40, s13, s20, $0xb8;
	[tilespmem:$0x15220] =	vst v63  }
.LBB2_4:
0x93: {  	_ =	swait.ge [sflag:s26], $0x1400  }
0x94: {  	s8 =	sshra.s32 s7, $0x2;
	[sflag:s26] =	ssyncset.done $0x0  }
0x95: {  	s9 =	sadd.s32 $0x28A0, s8;
	[sflag:s26] =	ssyncadd.s32 $0xFFFFEC00  }
0x96: {  	[spmem:s1] =	stream.indirect.scatter.add.bf16 [tilespmem:s17], [sflag:$0x6], $0x40, s9, s20, $0xb8;
	[tilespmem:$0x15220] =	vst v63  }
0x97: {  	_ =	swait.ge [sflag:s6], $0x1400  }
0x98: {  	[sflag:s6] =	ssyncset.done $0x0  }
0x99: {  	s10 =	sadd.s32 $0x2D0, s8;
	[sflag:s6] =	ssyncadd.s32 $0xFFFFEC00  }
0x9a: {  	[tilespmem:s29], [sflag:$0x5] =	stream.indirect.gather [hbm4b:s12+s20], $0x40, s10, s20, $0xb8;
	[tilespmem:$0x15220] =	vst v63  }
0x9b: {  	_ =	swait.ge [sflag:s30], $0x1400  }
0x9c: {  	p0 =	seq.s32 s7, $0x8FC0;
	[sflag:s30] =	ssyncset.done $0x0  }
0x9d: {  	s11 =	sadd.s32 $0x28F0, s8;
	s9 =	simm.s32 @p0 $0x3;
	[sflag:s30] =	ssyncadd.s32 $0xFFFFEC00  }
0x9e: {  	[spmem:s1] =	stream.indirect.scatter.add.bf16 [tilespmem:s21], [sflag:$0x7], $0x40, s11, s20, $0xb8;
	[tilespmem:$0x15220] =	vst v63  }
0x9f: {  	_ =	swait.ge @p0 [sflag:s9], $0x1400  }
0xa0: {  	[sflag:s9] =	ssyncset.done @p0 $0x0  }
0xa1: {  	[sflag:s9] =	ssyncadd.s32 @p0 $0xFFFFEC00;
	s9 =	sshra.s32 @p0 s7, $0x2  }
0xa2: {  	s10 =	simm.s32 @p0 $0x50;
	s11 =	simm.s32 @p0 $0x7620;
	s9 =	sadd.s32 @p0 $0x2940, s9  }
0xa3: {  	[spmem:s1] =	stream.indirect.scatter.add.bf16 @p0 [tilespmem:s11], [sflag:$0x8], $0x40, s9, s10, $0xb8;
	[tilespmem:$0x15220] =	vst v63  }
0xa4: {  	s9 =	simm.s32 @!p0 $0x6  }
0xa5: {  	_ =	swait.ge @!p0 [sflag:s9], $0x1400  }
0xa6: {  	[sflag:s9] =	ssyncset.done @!p0 $0x0  }
0xa7: {  	[sflag:s9] =	ssyncadd.s32 @!p0 $0xFFFFEC00;
	s9 =	sshra.s32 @!p0 s7, $0x2  }
0xa8: {  	s13 =	simm.s32 @!p0 $0x4E20;
	s11 =	simm.s32 @!p0 $0x50;
	s10 =	sadd.s32 @!p0 $0x320, s9  }
0xa9: {  	[tilespmem:s13], [sflag:$0x1] =	stream.indirect.gather @!p0 [hbm4b:s12+s11], $0x40, s10, s11, $0xb8;
	[tilespmem:$0x15220] =	vst v63  }
0xaa: {  	s10 =	simm.s32 @!p0 $0x3  }
0xab: {  	_ =	swait.ge @!p0 [sflag:s10], $0x1400  }
0xac: {  	[sflag:s10] =	ssyncset.done @!p0 $0x0  }
0xad: {  	s13 =	simm.s32 @!p0 $0x7620;
	[sflag:s10] =	ssyncadd.s32 @!p0 $0xFFFFEC00;
	s10 =	sadd.s32 @!p0 $0x2940, s9  }
0xae: {  	[spmem:s1] =	stream.indirect.scatter.add.bf16 @!p0 [tilespmem:s13], [sflag:$0x8], $0x40, s10, s11, $0xb8;
	[tilespmem:$0x15220] =	vst v63  }
0xaf: {  	s10 =	simm.s32 @!p0 $0x7  }
0xb0: {  	_ =	swait.ge @!p0 [sflag:s10], $0x1400  }
0xb1: {  	[sflag:s10] =	ssyncset.done @!p0 $0x0  }
0xb2: {  	s9 =	sadd.s32 @!p0 $0x370, s9;
	[sflag:s10] =	ssyncadd.s32 @!p0 $0xFFFFEC00;
	s10 =	simm.s32 @!p0 $0x6220  }
0xb3: {  	[tilespmem:s10], [sflag:$0x2] =	stream.indirect.gather @!p0 [hbm4b:s12+s11], $0x40, s9, s11, $0xb8;
	[tilespmem:$0x15220] =	vst v63  }
.Ltmp3:
0xb4: {  	_ = 	snop;
	(pc) =	sbr.rel @p0 .LBB2_6-.Ltmp3, $4  }
0xb5: {  	_ =	swait.ge [sflag:s2], $0x1400  }
0xb6: {  	[sflag:s2] =	ssyncset.done $0x0  }
0xb7: {  	s13 =	sadd.s32 $0x2990, s8;
	s9 =	sadd.s32 $0x29E0, s8;
	[sflag:s2] =	ssyncadd.s32 $0xFFFFEC00  }
0xb8: {  	[spmem:s1] =	stream.indirect.scatter.add.bf16 [tilespmem:s25], [sflag:$0x9], $0x40, s13, s20, $0xb8;
	[tilespmem:$0x15220] =	vst v63  }
0xb9: {  	_ =	swait.ge [sflag:s31], $0x1400  }
0xba: {  	[sflag:s31] =	ssyncset.done $0x0  }
0xbb: {  	s10 =	sadd.s32 $0x3C0, s8;
	[sflag:s31] =	ssyncadd.s32 $0xFFFFEC00  }
0xbc: {  	[tilespmem:s23], [sflag:$0x3] =	stream.indirect.gather [hbm4b:s12+s20], $0x40, s10, s20, $0xb8;
	[tilespmem:$0x15220] =	vst v63  }
0xbd: {  	_ =	swait.ge [sflag:s24], $0x1400  }
0xbe: {  	[sflag:s24] =	ssyncset.done $0x0  }
0xbf: {  	[sflag:s24] =	ssyncadd.s32 $0xFFFFEC00  }
0xc0: {  	[spmem:s1] =	stream.indirect.scatter.add.bf16 [tilespmem:s29], [sflag:$0xA], $0x40, s9, s20, $0xb8;
	[tilespmem:$0x15220] =	vst v63  }
.Ltmp4:
0xc1: {  	_ = 	snop;
	(pc) =	sbr.rel .LBB2_4-.Ltmp4, $4  }
0xc2: {  	_ =	swait.ge [sflag:s5], $0x1400  }
0xc3: {  	[sflag:s5] =	ssyncset.done $0x0  }
0xc4: {  	s13 =	sadd.s32 $0x410, s8;
	s7 =	sadd.s32 $0x640, s7;
	[sflag:s5] =	ssyncadd.s32 $0xFFFFEC00  }
0xc5: {  	[tilespmem:s25], [sflag:$0x4] =	stream.indirect.gather [hbm4b:s12+s20], $0x40, s13, s20, $0xb8;
	[tilespmem:$0x15220] =	vst v63  }
.LBB2_7:
0xc6: {  	_ =	sfence.sel $0x180000  }
0xc7: {  	[bflag:$0x0] =	sbarrier.arrive $0xFFFF  }
0xc8: {  	_ =	strace $0x9000004A  }
0xc9: {  	s0 =	stileid.u32;
	[bflag:$0x2] =	sbarrier.arrive $0xFFFF  }
0xca: {  	p0 =	sne.s32 s0, $0x0;
	s0 =	rddreg [dreg:$0x3]  }
0xcb: {  	s0 =	sadd.s32 @!p0 $0x100000, s0  }
0xcc: {  	[sflag:s0] =	ssyncadd.tile.s32 @!p0 $0x1;
	_ =	shalt  }
.Lfunc_end2:
_tile_overlayer_lowered:
.L_overlay_start_2:
0xcd: {  	(tag) =	ssettag $0x2  }
0xce: {  	s0 =	rddreg [dreg:$0x0];
	s2 =	stileid.u32  }
0xcf: {  	s1 =	rddreg [dreg:$0x1];
	p0 =	sne.s32 s2, $0x0  }
0xd0: {  	s3 =	rddreg [dreg:$0x2];
	[bflag:$0x3] =	sbarrier.arrive $0xFFFF;
	s2 =	simm.s32 @!p0 $0x1C0B  }
0xd1: {  	[timem:s3], [sflag:s2] =	dma.local @!p0 [hbm:s0], s1  }
0xd2: {  	s0 =	simm.s32 @!p0 $0xB  }
0xd3: {  	_ =	swait.ge @!p0 [sflag:s0], s1  }
0xd4: {  	s1 =	ssub.s32 @!p0 $0x0, s1;
	[sflag:s0] =	ssyncset.done @!p0 $0x0  }
0xd5: {  	[sflag:s0] =	ssyncadd.s32 @!p0 s1  }
0xd6: {  	[bflag:$0x3] =	sbarrier.arrive $0xFFFF  }
0xd7: {  	_ =	shalt  }

// kernel: kernel.14.cloned.1.call-start
scs
__scs_entry_jumppad:
0x0: {  	(pc) =	sbr.rel $0x88, $3  }
0x1: {  	(tag) =	ssettag $0x0;
	lr =	simm.s32 $0x1  }
0x2: {  	[smem:$0x3F96] =	sst lr;
	_ =	strace $0xD0000000  }
0x3: {  	_ = 	snop  }
0x4: {  	_ = 	snop  }
0x5: {  	_ = 	snop  }
0x6: {  	_ = 	snop  }
0x7: {  	_ = 	snop  }
__scs_overlays_trampoline_lowered:
0x8: {  	[smem:$0x3FA5] =	sst s0  }
0x9: {  	[smem:$0x3FA6] =	sst s1  }
0xa: {  	[smem:$0x3FA7] =	sst s2  }
0xb: {  	[smem:$0x3FA8] =	sst s3  }
0xc: {  	[smem:$0x3FA9] =	sst s4  }
0xd: {  	[smem:$0x3FAA] =	sst s5  }
0xe: {  	[smem:$0x3FAB] =	sst s6  }
0xf: {  	[smem:$0x3FAC] =	sst s7  }
0x10: {  	[smem:$0x3FAD] =	sst s8  }
0x11: {  	[smem:$0x3FAE] =	sst s9;
	s0 =	simm.s32 @!p0 $0x0  }
0x12: {  	s1 =	sld [smem:$0x3F94];
	s0 =	simm.s32 @p0 $0x1  }
0x13: {  	[smem:$0x3FAF] =	sst s0;
	s0 =	simm.s32 @!p1 $0x0  }
0x14: {  	s2 =	sld [smem:$0x3F93];
	s0 =	simm.s32 @p1 $0x1  }
0x15: {  	[smem:$0x3FB0] =	sst s0;
	s0 =	simm.s32 @!p2 $0x0  }
0x16: {  	s3 =	sld [smem:$0x3FDB];
	s0 =	simm.s32 @p2 $0x1  }
0x17: {  	s4 =	simm.s32 $0x1BF5;
	[smem:$0x3FB2] =	sst s0  }
0x18: {  	s0 =	sld [smem:$0x3F95];
	_ =	swait.ge [sflag:s4], $0x0  }
0x19: {  	s7 =	sld [smem:$0x3F96]  }
0x1a: {  	s8 =	sadd.s32 $0xFFFFE003, lr  }
0x1b: {  	s9 =	sadd.s32 $0xFFFFFEF7, lr;
	s5 =	simm.s32 $0xFFFFFFFF;
	p2 =	slt.u32 s8, $0xFFFFF086  }
0x1c: {  	p1 =	slt.u32 s9, $0xF7A;
	s5 =	simm.s32 @!p2 $0x0  }
0x1d: {  	s5 =	simm.s32 @p1 $0x1;
	p0 =	seq.s32 s7, s2  }
0x1e: {  	s7 =	smul.u32 @!p0 $0xF7A, s2;
	p2 =	seq.s32 @!p0 s5, $0x0  }
0x1f: {  	s9 =	smul.u32 $0xF7A, s1;
	s8 =	simm.s32 @!p0 $0x1BF5;
	p2 =	por !p2, p0  }
0x20: {  	[sflag:s8] =	ssyncset.s32 @!p0 $0xFFFFF086;
	s6 =	sadd.s32 @!p0 s3, s7;
	s7 =	simm.s32 @!p0 $0x108  }
0x21: {  	s3 =	sadd.s32 s3, s9;
	s6 =	sadd.s32 @!p0 $0x88, s6;
	s7 =	simm.s32 @p2 $0x1082  }
0x22: {  	[simem:s7], [sflag:s8] =	dma.local @!p0 [hbm:s6], $0xF7A  }
0x23: {  	s9 =	sor.u32 $0xD0000000, s2;
	s6 =	simm.s32 $0x108;
	_ =	swait.ge @!p0 [sflag:s8], $0x0  }
0x24: {  	s3 =	sadd.s32 $0x88, s3;
	s6 =	simm.s32 @!p1 $0x1082;
	[sflag:s4] =	ssyncset.s32 $0xFFFFF086  }
0x25: {  	[simem:s6], [sflag:s4] =	dma.local [hbm:s3], $0xF7A  }
0x26: {  	[smem:$0x3F96] =	sst s1;
	(tag) =	ssettag s2;
	_ =	strace s9  }
0x27: {  	s1 =	sld [smem:$0x3FA6]  }
0x28: {  	s2 =	sld [smem:$0x3FA7]  }
0x29: {  	s4 =	sld [smem:$0x3FA9]  }
0x2a: {  	p0 =	seq.s32 s5, $0x0;
	s5 =	sld [smem:$0x3FAA]  }
0x2b: {  	s6 =	sld [smem:$0x3FAB]  }
0x2c: {  	s7 =	sld [smem:$0x3FAC]  }
0x2d: {  	s3 =	simm.s32 $0x108;
	s8 =	sld [smem:$0x3FAD]  }
0x2e: {  	s3 =	simm.s32 @!p0 $0x1082;
	s9 =	sld [smem:$0x3FAE]  }
0x2f: {  	lr =	sadd.s32 s0, s3;
	s0 =	sld [smem:$0x3FA5]  }
0x30: {  	s3 =	sld [smem:$0x3FA8]  }
0x31: {  	[smem:$0x3FB1] =	sst s10  }
0x32: {  	s10 =	sld [smem:$0x3FAF];
	_ =	sdelay $0x3  }
0x33: {  	p0 =	seq.s32 s10, $0x1;
	s10 =	sld [smem:$0x3FB1];
	_ =	sdelay $0x3  }
0x34: {  	[smem:$0x3FB1] =	sst s10  }
0x35: {  	s10 =	sld [smem:$0x3FB0];
	_ =	sdelay $0x3  }
0x36: {  	p1 =	seq.s32 s10, $0x1;
	s10 =	sld [smem:$0x3FB1];
	_ =	sdelay $0x3  }
0x37: {  	[smem:$0x3FB1] =	sst s10  }
0x38: {  	s10 =	sld [smem:$0x3FB2]  }
0x39: {  	_ = 	snop;
	(pc) =	sbr.ind lr, $3  }
0x3a: {  	_ = 	snop  }
0x3b: {  	_ = 	snop  }
0x3c: {  	p2 =	seq.s32 s10, $0x1;
	s10 =	sld [smem:$0x3FB1]  }
0x3d: {  	_ =	shalt  }
0x3e: {  	_ =	shalt  }
0x3f: {  	_ =	shalt  }
0x40: {  	_ =	shalt  }
0x41: {  	_ =	shalt  }
0x42: {  	_ =	shalt  }
0x43: {  	_ =	shalt  }
0x44: {  	_ =	shalt  }
0x45: {  	_ =	shalt  }
0x46: {  	_ =	shalt  }
0x47: {  	_ =	shalt  }
0x48: {  	_ =	shalt  }
0x49: {  	_ =	shalt  }
0x4a: {  	_ =	shalt  }
0x4b: {  	_ =	shalt  }
0x4c: {  	_ =	shalt  }
0x4d: {  	_ =	shalt  }
0x4e: {  	_ =	shalt  }
0x4f: {  	_ =	shalt  }
0x50: {  	_ =	shalt  }
0x51: {  	_ =	shalt  }
0x52: {  	_ =	shalt  }
0x53: {  	_ =	shalt  }
0x54: {  	_ =	shalt  }
0x55: {  	_ =	shalt  }
0x56: {  	_ =	shalt  }
0x57: {  	_ =	shalt  }
0x58: {  	_ =	shalt  }
0x59: {  	_ =	shalt  }
0x5a: {  	_ =	shalt  }
0x5b: {  	_ =	shalt  }
0x5c: {  	_ =	shalt  }
0x5d: {  	_ =	shalt  }
0x5e: {  	_ =	shalt  }
0x5f: {  	_ =	shalt  }
0x60: {  	_ =	shalt  }
0x61: {  	_ =	shalt  }
0x62: {  	_ =	shalt  }
0x63: {  	_ =	shalt  }
0x64: {  	_ =	shalt  }
0x65: {  	_ =	shalt  }
0x66: {  	_ =	shalt  }
0x67: {  	_ =	shalt  }
0x68: {  	_ =	shalt  }
0x69: {  	_ =	shalt  }
0x6a: {  	_ =	shalt  }
0x6b: {  	_ =	shalt  }
0x6c: {  	_ =	shalt  }
0x6d: {  	_ =	shalt  }
0x6e: {  	_ =	shalt  }
0x6f: {  	_ =	shalt  }
0x70: {  	_ =	shalt  }
0x71: {  	_ =	shalt  }
0x72: {  	_ =	shalt  }
0x73: {  	_ =	shalt  }
0x74: {  	_ =	shalt  }
0x75: {  	_ =	shalt  }
0x76: {  	_ =	shalt  }
0x77: {  	_ =	shalt  }
0x78: {  	_ =	shalt  }
0x79: {  	_ =	shalt  }
0x7a: {  	_ =	shalt  }
0x7b: {  	_ =	shalt  }
0x7c: {  	_ =	shalt  }
0x7d: {  	_ =	shalt  }
0x7e: {  	_ =	shalt  }
0x7f: {  	_ =	shalt  }
0x80: {  	_ =	shalt  }
0x81: {  	_ =	shalt  }
0x82: {  	_ =	shalt  }
0x83: {  	_ =	shalt  }
0x84: {  	_ =	shalt  }
0x85: {  	_ =	shalt  }
0x86: {  	_ =	shalt  }
0x87: {  	_ =	shalt  }
.Lfunc_end0:
.L_simem_size_0:
called_computation.2_lowered:
.L_overlay_start_0:
0x88: {  	s2 =	sld [smem:$0x3FD9]  }
0x89: {  	s3 =	sld [smem:$0x3FFE];
	_ =	sdelay $0x1  }
0x8a: {  	s1 =	srdreg.scid  }
0x8b: {  	s0 =	sand.u32 $0x1, s1  }
0x8c: {  	s17 =	sshll.u32 s0, $0xA;
	s2 =	sadd.s32 s3, s2  }
0x8d: {  	s2 =	sadd.s32 s2, s17  }
0x8e: {  	[smem:$0x3FBD] =	sst s2  }
0x8f: {  	_ = 	snop  }
0x90: {  	s2 =	sld [smem:$0x3FD0];
	(tm) =	ssettm $0x1  }
0x91: {  	s18 =	sld [smem:$0x3FFB];
	_ =	sdelay $0x3  }
0x92: {  	_ =	strace s18  }
0x93: {  	s3 =	sld [smem:$0x3FFC];
	_ =	sdelay $0x3  }
0x94: {  	_ =	strace s3  }
0x95: {  	s3 =	sld [smem:$0x3FFD];
	_ =	sdelay $0x3  }
0x96: {  	_ =	strace s3  }
0x97: {  	_ =	strace $0x8FFFFFFF  }
0x98: {  	s19 =	sld [smem:$0x3FDB];
	_ =	sdelay $0x1  }
0x99: {  	s4 =	simm.s32 $_scs_section_size  }
0x9a: {  	s5 =	simm.s32 $_size__tile_overlayer_lowered;
	s6 =	simm.s32 $_tile_overlayer_lowered  }
0x9b: {  	s22 =	simm.s32 $0x1BFF;
	s21 =	sshll.u32 s6, $0x1;
	s3 =	sadd.s32 s4, s19  }
0x9c: {  	s7 =	simm.s32 $0x0;
	s20 =	sshll.u32 s5, $0x1;
	s5 =	sadd.s32 s21, s3  }
0x9d: {  	[timem:s7], [sflag:s22] =	dma.local [hbm:s5], s20  }
0x9e: {  	_ =	swait.ge [sflag:s22], s20  }
0x9f: {  	s4 =	ssub.s32 $0x0, s20;
	[sflag:s22] =	ssyncset.done $0x0  }
0xa0: {  	[sflag:s22] =	ssyncadd.s32 s4;
	_ =	sdelay $0x1  }
0xa1: {  	s23 =	simm.s32 $0x1B8B  }
0xa2: {  	_ =	swait.ge [sflag:s23], $0x1  }
0xa3: {  	[sflag:s23] =	ssyncset.done $0x0  }
0xa4: {  	s25 =	simm.s32 $0x1B8E;
	s24 =	sld [smem:$0x3FFE];
	[sflag:s23] =	ssyncadd.s32 $0xFFFFFFFF  }
0xa5: {  	s26 =	simm.s32 $execute0_lowered;
	[smem:$0x3FD2] =	sst s25  }
0xa6: {  	s5 =	sshll.u32 s26, $0x1;
	_ =	strace $0x8000004C;
	[dreg:$0x1] =	wrdreg $0xFFFFFFFF  }
0xa7: {  	s28 =	simm.s32 $_size_execute0_lowered;
	s3 =	sadd.s32 s3, s5;
	[dreg:$0x0] =	wrdreg $0x0  }
0xa8: {  	s5 =	sshll.u32 s28, $0x1;
	[dreg:$0x2] =	wrdreg s3  }
0xa9: {  	[dreg:$0x3] =	wrdreg s5  }
0xaa: {  	[dreg:$0x4] =	wrdreg $0xC0  }
0xab: {  	_ =	task [dreg:s7], $0x5FFFF  }
0xac: {  	[dreg:$0x1] =	wrdreg $0xFFFFFFFF  }
0xad: {  	[dreg:$0x0] =	wrdreg $0x60  }
0xae: {  	[dreg:$0x2] =	wrdreg s24  }
0xaf: {  	[dreg:$0x3] =	wrdreg s2  }
0xb0: {  	[dreg:$0x4] =	wrdreg $0xB2200  }
0xb1: {  	[dreg:$0x5] =	wrdreg $0x9  }
0xb2: {  	_ =	task.clear_ibuf [dreg:s7], $0x6FFFF;
	_ =	strace $0x9000004C  }
0xb3: {  	s29 =	simm.s32 $0x9;
	_ =	strace $0x8000004E  }
0xb4: {  	_ =	swait.ge [sflag:s29], $0x1  }
0xb5: {  	[sflag:s29] =	ssyncadd.s32 $0xFFFFFFFF  }
0xb6: {  	_ =	strace $0x9000004E  }
0xb7: {  	_ =	sfence  }
0xb8: {  	s30 =	sld [smem:$0x0];
	_ =	sdelay $0x2  }
0xb9: {  	s31 =	sshll.u32 s1, $0xD;
	s1 =	sshrl.u32 s1, $0x2  }
0xba: {  	s3 =	sand.u32 $0x4000, s31;
	s1 =	sadd.s32 s1, s30  }
0xbb: {  	s0 =	sor.u32 s3, s0;
	s1 =	sshll.u32 s1, $0x11  }
0xbc: {  	s0 =	sor.u32 s1, s0  }
0xbd: {  	s0 =	sadd.s32 $0x8F2B, s0  }
0xbe: {  	[sflag:s0] =	ssyncadd.remote.s32 $0x1  }
0xbf: {  	_ =	sfence.sel $0xFFFF  }
0xc0: {  	[dreg:$0x0] =	wrdreg $0xFFFFFFFF;
	(pc) =	sbr.abs _section_cstart, $3  }
0xc1: {  	[dreg:$0x1] =	wrdreg $0xFFFFFFFF  }
0xc2: {  	_ =	task.clear_ibuf [dreg:s7], $0x2FFFF;
	_ =	strace $0x9FFFFFFF  }
0xc3: {  	(tm) =	ssettm $0x7FFFFFFF  }
tec
execute0_lowered:
.L_overlay_start_1:
0x0: {  	(tag) =	ssettag $0x1  }
0x1: {  	s0 =	rddreg [dreg:$0x0]  }
0x2: {  	s2 =	rddreg [dreg:$0x1]  }
0x3: {  	s1 =	rddreg [dreg:$0x2];
	s3 =	srdreg.scid  }
0x4: {  	s12 =	stileid.u32;
	s17 =	simm.s32 $0x4E20;
	s18 =	simm.s32 $0xB  }
0x5: {  	s29 =	simm.s32 $0x9E20;
	s30 =	simm.s32 $0x2;
	s28 =	simm.s32 $0x7  }
0x6: {  	s31 =	simm.s32 $0x8;
	s5 =	sand.u32 $0x1, s3;
	s6 =	smul.u32 $0x14000, s12  }
0x7: {  	s3 =	simm.s32 $0x0;
	s8 =	sadd.s32 $0xC000, s0;
	s10 =	smul.u32 $0x28000, s12  }
0x8: {  	s9 =	sadd.s32 $0x7000, s0;
	s16 =	sadd.s32 $0x2000, s0;
	s26 =	smul.u32 $0x4E2, s12  }
0x9: {  	s4 =	smul.u32 $0x140000, s5;
	[smem:$0x7FF] =	sst s3;
	s19 =	ssub.s32 $0x2, s5  }
0xa: {  	p0 =	seq.s32 s5, $0x1;
	s5 =	simm.s32 $0x9;
	_ =	strace $0x8000004D  }
0xb: {  	s11 =	sshrl.u32 s19, $0x1;
	s10 =	sshrl.u32 s10, $0x2;
	s8 =	smov.u32 @p0 s9  }
0xc: {  	s2 =	smov.u32 @p0 s16;
	s7 =	sshrl.u32 s4, $0x4;
	s4 =	sadd.s32 s6, s4  }
0xd: {  	s6 =	sshrl.u32 s6, $0x1;
	s14 =	ssub.s32 s19, s11;
	s20 =	sadd.s32 s10, s1  }
0xe: {  	s15 =	sadd.s32 s8, s26;
	s16 =	sadd.s32 s2, s26;
	s19 =	simm.s32 $0x2710  }
0xf: {  	s26 =	simm.s32 $0x1;
	s2 =	simm.s32 $0x4;
	s10 =	sadd.s32 $0x1400, s20  }
0x10: {  	s7 =	sadd.s32 s7, s0;
	s21 =	sadd.s32 $0x2800, s20;
	[dreg:$0x4] =	wrdreg s10  }
0x11: {  	s4 =	sshrl.u32 s4, $0x4;
	s22 =	sadd.s32 $0x3C00, s20;
	[dreg:$0x5] =	wrdreg s21  }
0x12: {  	s23 =	sadd.s32 $0x5000, s20;
	s24 =	sadd.s32 $0x6400, s20;
	[dreg:$0x6] =	wrdreg s22  }
0x13: {  	s25 =	sadd.s32 $0x7800, s20;
	s14 =	smax.u32 s14, $0x1;
	[dreg:$0x7] =	wrdreg s23  }
0x14: {  	s0 =	sadd.s32 s4, s0;
	s4 =	sadd.s32 s6, s1;
	[dreg:$0x8] =	wrdreg s24  }
.Ltmp0:
0x15: {  	[dreg:$0x9] =	wrdreg s25;
	s6 =	sadd.s32 $0x8C00, s20;
	(pc) =	sbr.rel .LBB2_1-.Ltmp0, $4  }
0x16: {  	s12 =	sadd.s32 $0x11000, s7;
	s20 =	simm.s32 $0x50;
	s21 =	simm.s32 $0x6220  }
0x17: {  	s23 =	simm.s32 $0x7620;
	s25 =	simm.s32 $0x8A20;
	s22 =	simm.s32 $0x3  }
0x18: {  	s24 =	simm.s32 $0x5;
	[dreg:$0xa] =	wrdreg s6;
	s0 =	sadd.s32 $0x39000, s0  }
0x19: {  	v0 =	vimm.bf16 $0.0e+00;
	s6 =	simm.s32 $0xA;
	[dreg:$0xb] =	wrdreg s0;
	s0 =	simm.s32 $0x6  }
.LBB2_6:
0x1a: {  	_ =	swait.ge [sflag:s24], $0x1400  }
0x1b: {  	[sflag:s24] =	ssyncset.done $0x0  }
0x1c: {  	[sflag:s24] =	ssyncadd.s32 $0xFFFFEC00  }
0x1d: {  	[spmem:s1] =	stream.indirect.scatter.add.bf16 [tilespmem:s29], [sflag:$0xA], $0x40, s9, s20, $0xb8;
	[tilespmem:$0x15220] =	vst v63  }
0x1e: {  	_ =	swait.ge [sflag:s0], $0x1400  }
0x1f: {  	[sflag:s0] =	ssyncset.done $0x0  }
0x20: {  	[sflag:s0] =	ssyncadd.s32 $0xFFFFEC00  }
0x21: {  	_ =	swait.ge [sflag:s28], $0x1400  }
0x22: {  	[sflag:s28] =	ssyncset.done $0x0  }
0x23: {  	[sflag:s28] =	ssyncadd.s32 $0xFFFFEC00  }
0x24: {  	_ =	swait.ge [sflag:s31], $0x1400  }
0x25: {  	[sflag:s31] =	ssyncset.done $0x0  }
0x26: {  	[sflag:s31] =	ssyncadd.s32 $0xFFFFEC00  }
0x27: {  	_ =	swait.ge [sflag:s5], $0x1400  }
0x28: {  	[sflag:s5] =	ssyncset.done $0x0  }
0x29: {  	[sflag:s5] =	ssyncadd.s32 $0xFFFFEC00  }
0x2a: {  	_ =	swait.ge [sflag:s6], $0x1400  }
0x2b: {  	s7 =	stileid.u32;
	[sflag:s6] =	ssyncset.done $0x0  }
0x2c: {  	s8 =	sshrl.u32 s4, $0x3;
	s3 =	sadd.s32 $0x1, s3;
	[sflag:s6] =	ssyncadd.s32 $0xFFFFEC00  }
0x2d: {  	s7 =	sshll.u32 s7, $0x6;
	p0 =	sne.s32 s3, s14;
	[bflag:$0x0] =	sbarrier.arrive $0xFFFF  }
.Ltmp1:
0x2e: {  	s7 =	sor.u32 $0x1C0B, s7;
	s13 =	rddreg [dreg:$0xb];
	(pc) =	sbr.rel @!p0 .LBB2_7-.Ltmp1, $4  }
0x2f: {  	[hbm:s13], [sflag:s7] =	dma.local [spmem:s8], $0x1400  }
0x30: {  	_ =	swait.ge [sflag:s18], $0x1400  }
0x31: {  	[sflag:s18] =	ssyncset.done $0x0  }
0x32: {  	[sflag:s18] =	ssyncadd.s32 $0xFFFFEC00  }
.LBB2_1:
0x33: {  	s8 =	simm.s32 $0x100;
	s7 =	simm.s32 $0x0  }
.LBB2_2:
0x34: {  	p0 =	sne.s32 s8, $0x4F00;
	[tilespmem:s7+$0x4E50] =	vst v0;
	s9 =	smov.u32 s8;
	s8 =	sadd.s32 $0x100, s8  }
.Ltmp2:
0x35: {  	[tilespmem:s7+$0x4E40] =	vst v0;
	(pc) =	sbr.rel @p0 .LBB2_2-.Ltmp2, $3  }
0x36: {  	[tilespmem:s7+$0x4E20] =	vst v0  }
0x37: {  	[tilespmem:s7+$0x4E30] =	vst v0;
	_ =	sdelay $0x1  }
0x38: {  	s7 =	sshra.s32 s9, $0x2  }
0x39: {  	[tilespmem:s7+$0x4E50] =	vst v0  }
0x3a: {  	[tilespmem:s7+$0x4E40] =	vst v0  }
0x3b: {  	[tilespmem:s7+$0x4E20] =	vst v0  }
0x3c: {  	[tilespmem:s7+$0x4E30] =	vst v0  }
0x3d: {  	[spmem:s4] =	stream.linear.scatter [tilespmem:s17], [sflag:$0xB], $0x1400, $0x38;
	[tilespmem:$0x15220] =	vst v63  }
0x3e: {  	_ =	swait.ge [sflag:s18], $0x1400  }
0x3f: {  	[sflag:s18] =	ssyncset.done $0x0  }
0x40: {  	s9 =	rddreg [dreg:$0x4];
	[sflag:s18] =	ssyncadd.s32 $0xFFFFEC00  }
0x41: {  	[spmem:s9] =	stream.linear.scatter [tilespmem:s17], [sflag:$0xB], $0x1400, $0x38;
	[tilespmem:$0x15220] =	vst v63  }
0x42: {  	_ =	swait.ge [sflag:s18], $0x1400  }
0x43: {  	[sflag:s18] =	ssyncset.done $0x0  }
0x44: {  	s10 =	rddreg [dreg:$0x5];
	[sflag:s18] =	ssyncadd.s32 $0xFFFFEC00  }
0x45: {  	[spmem:s10] =	stream.linear.scatter [tilespmem:s17], [sflag:$0xB], $0x1400, $0x38;
	[tilespmem:$0x15220] =	vst v63  }
0x46: {  	_ =	swait.ge [sflag:s18], $0x1400  }
0x47: {  	[sflag:s18] =	ssyncset.done $0x0  }
0x48: {  	s11 =	rddreg [dreg:$0x6];
	[sflag:s18] =	ssyncadd.s32 $0xFFFFEC00  }
0x49: {  	[spmem:s11] =	stream.linear.scatter [tilespmem:s17], [sflag:$0xB], $0x1400, $0x38;
	[tilespmem:$0x15220] =	vst v63  }
0x4a: {  	_ =	swait.ge [sflag:s18], $0x1400  }
0x4b: {  	[sflag:s18] =	ssyncset.done $0x0  }
0x4c: {  	s13 =	rddreg [dreg:$0x7];
	[sflag:s18] =	ssyncadd.s32 $0xFFFFEC00  }
0x4d: {  	[spmem:s13] =	stream.linear.scatter [tilespmem:s17], [sflag:$0xB], $0x1400, $0x38;
	[tilespmem:$0x15220] =	vst v63  }
0x4e: {  	_ =	swait.ge [sflag:s18], $0x1400  }
0x4f: {  	[sflag:s18] =	ssyncset.done $0x0  }
0x50: {  	s8 =	rddreg [dreg:$0x8];
	[sflag:s18] =	ssyncadd.s32 $0xFFFFEC00  }
0x51: {  	[spmem:s8] =	stream.linear.scatter [tilespmem:s17], [sflag:$0xB], $0x1400, $0x38;
	[tilespmem:$0x15220] =	vst v63  }
0x52: {  	_ =	swait.ge [sflag:s18], $0x1400  }
0x53: {  	[sflag:s18] =	ssyncset.done $0x0  }
0x54: {  	s9 =	rddreg [dreg:$0x9];
	[sflag:s18] =	ssyncadd.s32 $0xFFFFEC00  }
0x55: {  	[spmem:s9] =	stream.linear.scatter [tilespmem:s17], [sflag:$0xB], $0x1400, $0x38;
	[tilespmem:$0x15220] =	vst v63  }
0x56: {  	_ =	swait.ge [sflag:s18], $0x1400  }
0x57: {  	[sflag:s18] =	ssyncset.done $0x0  }
0x58: {  	s10 =	rddreg [dreg:$0xa];
	[sflag:s18] =	ssyncadd.s32 $0xFFFFEC00  }
0x59: {  	[spmem:s10] =	stream.linear.scatter [tilespmem:s17], [sflag:$0xB], $0x1400, $0x38;
	[tilespmem:$0x15220] =	vst v63  }
0x5a: {  	_ =	swait.ge [sflag:s18], $0x1400  }
0x5b: {  	[sflag:s18] =	ssyncset.done $0x0  }
0x5c: {  	s7 =	simm.s32 $0x0;
	[sflag:s18] =	ssyncadd.s32 $0xFFFFEC00  }
0x5d: {  	[tilespmem:s7], [sflag:$0xB] =	stream.linear.gather [hbm4b:s15+s7], $0x2710, $0x38;
	[tilespmem:$0x15220] =	vst v63  }
0x5e: {  	_ =	swait.ge [sflag:s18], $0x2710  }
0x5f: {  	[sflag:s18] =	ssyncset.done $0x0  }
0x60: {  	[sflag:s18] =	ssyncadd.s32 $0xFFFFD8F0  }
0x61: {  	[tilespmem:s19], [sflag:$0xB] =	stream.linear.gather [hbm4b:s16+s7], $0x2710, $0x38;
	[tilespmem:$0x15220] =	vst v63  }
0x62: {  	_ =	swait.ge [sflag:s18], $0x2710  }
0x63: {  	[sflag:s18] =	ssyncset.done $0x0  }
0x64: {  	[sflag:s18] =	ssyncadd.s32 $0xFFFFD8F0  }
0x65: {  	[tilespmem:s17], [sflag:$0x1] =	stream.indirect.gather [hbm4b:s12+s20], $0x40, s7, s20, $0xb8;
	[tilespmem:$0x15220] =	vst v63  }
0x66: {  	_ = 	snop  }
0x67: {  	[tilespmem:s21], [sflag:$0x2] =	stream.indirect.gather [hbm4b:s12+s20], $0x40, s20, s20, $0xb8;
	[tilespmem:$0x15220] =	vst v63  }
0x68: {  	s8 =	simm.s32 $0xA0  }
0x69: {  	[tilespmem:s23], [sflag:$0x3] =	stream.indirect.gather [hbm4b:s12+s20], $0x40, s8, s20, $0xb8;
	[tilespmem:$0x15220] =	vst v63  }
0x6a: {  	s11 =	simm.s32 $0xF0  }
0x6b: {  	[tilespmem:s25], [sflag:$0x4] =	stream.indirect.gather [hbm4b:s12+s20], $0x40, s11, s20, $0xb8;
	[tilespmem:$0x15220] =	vst v63  }
0x6c: {  	[bflag:$0x0] =	sbarrier.arrive $0xFFFF  }
0x6d: {  	_ =	swait.ge [sflag:s26], $0x1400  }
0x6e: {  	[sflag:s26] =	ssyncset.done $0x0  }
0x6f: {  	[sflag:s26] =	ssyncadd.s32 $0xFFFFEC00  }
0x70: {  	[spmem:s1] =	stream.indirect.scatter.add.bf16 [tilespmem:s17], [sflag:$0x6], $0x40, s19, s20, $0xb8;
	[tilespmem:$0x15220] =	vst v63  }
0x71: {  	s13 =	simm.s32 $0x140  }
0x72: {  	[tilespmem:s29], [sflag:$0x5] =	stream.indirect.gather [hbm4b:s12+s20], $0x40, s13, s20, $0xb8;
	[tilespmem:$0x15220] =	vst v63  }
0x73: {  	_ =	swait.ge [sflag:s30], $0x1400  }
0x74: {  	[sflag:s30] =	ssyncset.done $0x0  }
0x75: {  	s9 =	simm.s32 $0x2760;
	[sflag:s30] =	ssyncadd.s32 $0xFFFFEC00  }
0x76: {  	[spmem:s1] =	stream.indirect.scatter.add.bf16 [tilespmem:s21], [sflag:$0x7], $0x40, s9, s20, $0xb8;
	[tilespmem:$0x15220] =	vst v63  }
0x77: {  	_ =	swait.ge [sflag:s0], $0x1400  }
0x78: {  	[sflag:s0] =	ssyncset.done $0x0  }
0x79: {  	s10 =	simm.s32 $0x190;
	[sflag:s0] =	ssyncadd.s32 $0xFFFFEC00  }
0x7a: {  	[tilespmem:s17], [sflag:$0x1] =	stream.indirect.gather [hbm4b:s12+s20], $0x40, s10, s20, $0xb8;
	[tilespmem:$0x15220] =	vst v63  }
0x7b: {  	_ =	swait.ge [sflag:s22], $0x1400  }
0x7c: {  	[sflag:s22] =	ssyncset.done $0x0  }
0x7d: {  	s11 =	simm.s32 $0x27B0;
	[sflag:s22] =	ssyncadd.s32 $0xFFFFEC00  }
0x7e: {  	[spmem:s1] =	stream.indirect.scatter.add.bf16 [tilespmem:s23], [sflag:$0x8], $0x40, s11, s20, $0xb8;
	[tilespmem:$0x15220] =	vst v63  }
0x7f: {  	_ =	swait.ge [sflag:s28], $0x1400  }
0x80: {  	[sflag:s28] =	ssyncset.done $0x0  }
0x81: {  	s13 =	simm.s32 $0x1E0;
	[sflag:s28] =	ssyncadd.s32 $0xFFFFEC00  }
0x82: {  	[tilespmem:s21], [sflag:$0x2] =	stream.indirect.gather [hbm4b:s12+s20], $0x40, s13, s20, $0xb8;
	[tilespmem:$0x15220] =	vst v63  }
0x83: {  	_ =	swait.ge [sflag:s2], $0x1400  }
0x84: {  	[sflag:s2] =	ssyncset.done $0x0  }
0x85: {  	s9 =	simm.s32 $0x2800;
	[sflag:s2] =	ssyncadd.s32 $0xFFFFEC00  }
0x86: {  	[spmem:s1] =	stream.indirect.scatter.add.bf16 [tilespmem:s25], [sflag:$0x9], $0x40, s9, s20, $0xb8;
	[tilespmem:$0x15220] =	vst v63  }
0x87: {  	_ =	swait.ge [sflag:s31], $0x1400  }
0x88: {  	[sflag:s31] =	ssyncset.done $0x0  }
0x89: {  	s10 =	simm.s32 $0x230;
	[sflag:s31] =	ssyncadd.s32 $0xFFFFEC00  }
0x8a: {  	[tilespmem:s23], [sflag:$0x3] =	stream.indirect.gather [hbm4b:s12+s20], $0x40, s10, s20, $0xb8;
	[tilespmem:$0x15220] =	vst v63  }
0x8b: {  	_ =	swait.ge [sflag:s24], $0x1400  }
0x8c: {  	[sflag:s24] =	ssyncset.done $0x0  }
0x8d: {  	s11 =	simm.s32 $0x2850;
	[sflag:s24] =	ssyncadd.s32 $0xFFFFEC00  }
0x8e: {  	[spmem:s1] =	stream.indirect.scatter.add.bf16 [tilespmem:s29], [sflag:$0xA], $0x40, s11, s20, $0xb8;
	[tilespmem:$0x15220] =	vst v63  }
0x8f: {  	_ =	swait.ge [sflag:s5], $0x1400  }
0x90: {  	[sflag:s5] =	ssyncset.done $0x0  }
0x91: {  	s13 =	simm.s32 $0x280;
	[sflag:s5] =	ssyncadd.s32 $0xFFFFEC00  }
0x92: {  	[tilespmem:s25], [sflag:$0x4] =	stream.indirect.gather [hbm4b:s12+s20], $0x40, s13, s20, $0xb8;
	[tilespmem:$0x15220] =	vst v63  }
.LBB2_4:
0x93: {  	_ =	swait.ge [sflag:s26], $0x1400  }
0x94: {  	s8 =	sshra.s32 s7, $0x2;
	[sflag:s26] =	ssyncset.done $0x0  }
0x95: {  	s9 =	sadd.s32 $0x28A0, s8;
	[sflag:s26] =	ssyncadd.s32 $0xFFFFEC00  }
0x96: {  	[spmem:s1] =	stream.indirect.scatter.add.bf16 [tilespmem:s17], [sflag:$0x6], $0x40, s9, s20, $0xb8;
	[tilespmem:$0x15220] =	vst v63  }
0x97: {  	_ =	swait.ge [sflag:s6], $0x1400  }
0x98: {  	[sflag:s6] =	ssyncset.done $0x0  }
0x99: {  	s10 =	sadd.s32 $0x2D0, s8;
	[sflag:s6] =	ssyncadd.s32 $0xFFFFEC00  }
0x9a: {  	[tilespmem:s29], [sflag:$0x5] =	stream.indirect.gather [hbm4b:s12+s20], $0x40, s10, s20, $0xb8;
	[tilespmem:$0x15220] =	vst v63  }
0x9b: {  	_ =	swait.ge [sflag:s30], $0x1400  }
0x9c: {  	p0 =	seq.s32 s7, $0x8FC0;
	[sflag:s30] =	ssyncset.done $0x0  }
0x9d: {  	s11 =	sadd.s32 $0x28F0, s8;
	s9 =	simm.s32 @p0 $0x3;
	[sflag:s30] =	ssyncadd.s32 $0xFFFFEC00  }
0x9e: {  	[spmem:s1] =	stream.indirect.scatter.add.bf16 [tilespmem:s21], [sflag:$0x7], $0x40, s11, s20, $0xb8;
	[tilespmem:$0x15220] =	vst v63  }
0x9f: {  	_ =	swait.ge @p0 [sflag:s9], $0x1400  }
0xa0: {  	[sflag:s9] =	ssyncset.done @p0 $0x0  }
0xa1: {  	[sflag:s9] =	ssyncadd.s32 @p0 $0xFFFFEC00;
	s9 =	sshra.s32 @p0 s7, $0x2  }
0xa2: {  	s10 =	simm.s32 @p0 $0x50;
	s11 =	simm.s32 @p0 $0x7620;
	s9 =	sadd.s32 @p0 $0x2940, s9  }
0xa3: {  	[spmem:s1] =	stream.indirect.scatter.add.bf16 @p0 [tilespmem:s11], [sflag:$0x8], $0x40, s9, s10, $0xb8;
	[tilespmem:$0x15220] =	vst v63  }
0xa4: {  	s9 =	simm.s32 @!p0 $0x6  }
0xa5: {  	_ =	swait.ge @!p0 [sflag:s9], $0x1400  }
0xa6: {  	[sflag:s9] =	ssyncset.done @!p0 $0x0  }
0xa7: {  	[sflag:s9] =	ssyncadd.s32 @!p0 $0xFFFFEC00;
	s9 =	sshra.s32 @!p0 s7, $0x2  }
0xa8: {  	s13 =	simm.s32 @!p0 $0x4E20;
	s11 =	simm.s32 @!p0 $0x50;
	s10 =	sadd.s32 @!p0 $0x320, s9  }
0xa9: {  	[tilespmem:s13], [sflag:$0x1] =	stream.indirect.gather @!p0 [hbm4b:s12+s11], $0x40, s10, s11, $0xb8;
	[tilespmem:$0x15220] =	vst v63  }
0xaa: {  	s10 =	simm.s32 @!p0 $0x3  }
0xab: {  	_ =	swait.ge @!p0 [sflag:s10], $0x1400  }
0xac: {  	[sflag:s10] =	ssyncset.done @!p0 $0x0  }
0xad: {  	s13 =	simm.s32 @!p0 $0x7620;
	[sflag:s10] =	ssyncadd.s32 @!p0 $0xFFFFEC00;
	s10 =	sadd.s32 @!p0 $0x2940, s9  }
0xae: {  	[spmem:s1] =	stream.indirect.scatter.add.bf16 @!p0 [tilespmem:s13], [sflag:$0x8], $0x40, s10, s11, $0xb8;
	[tilespmem:$0x15220] =	vst v63  }
0xaf: {  	s10 =	simm.s32 @!p0 $0x7  }
0xb0: {  	_ =	swait.ge @!p0 [sflag:s10], $0x1400  }
0xb1: {  	[sflag:s10] =	ssyncset.done @!p0 $0x0  }
0xb2: {  	s9 =	sadd.s32 @!p0 $0x370, s9;
	[sflag:s10] =	ssyncadd.s32 @!p0 $0xFFFFEC00;
	s10 =	simm.s32 @!p0 $0x6220  }
0xb3: {  	[tilespmem:s10], [sflag:$0x2] =	stream.indirect.gather @!p0 [hbm4b:s12+s11], $0x40, s9, s11, $0xb8;
	[tilespmem:$0x15220] =	vst v63  }
.Ltmp3:
0xb4: {  	_ = 	snop;
	(pc) =	sbr.rel @p0 .LBB2_6-.Ltmp3, $4  }
0xb5: {  	_ =	swait.ge [sflag:s2], $0x1400  }
0xb6: {  	[sflag:s2] =	ssyncset.done $0x0  }
0xb7: {  	s13 =	sadd.s32 $0x2990, s8;
	s9 =	sadd.s32 $0x29E0, s8;
	[sflag:s2] =	ssyncadd.s32 $0xFFFFEC00  }
0xb8: {  	[spmem:s1] =	stream.indirect.scatter.add.bf16 [tilespmem:s25], [sflag:$0x9], $0x40, s13, s20, $0xb8;
	[tilespmem:$0x15220] =	vst v63  }
0xb9: {  	_ =	swait.ge [sflag:s31], $0x1400  }
0xba: {  	[sflag:s31] =	ssyncset.done $0x0  }
0xbb: {  	s10 =	sadd.s32 $0x3C0, s8;
	[sflag:s31] =	ssyncadd.s32 $0xFFFFEC00  }
0xbc: {  	[tilespmem:s23], [sflag:$0x3] =	stream.indirect.gather [hbm4b:s12+s20], $0x40, s10, s20, $0xb8;
	[tilespmem:$0x15220] =	vst v63  }
0xbd: {  	_ =	swait.ge [sflag:s24], $0x1400  }
0xbe: {  	[sflag:s24] =	ssyncset.done $0x0  }
0xbf: {  	[sflag:s24] =	ssyncadd.s32 $0xFFFFEC00  }
0xc0: {  	[spmem:s1] =	stream.indirect.scatter.add.bf16 [tilespmem:s29], [sflag:$0xA], $0x40, s9, s20, $0xb8;
	[tilespmem:$0x15220] =	vst v63  }
.Ltmp4:
0xc1: {  	_ = 	snop;
	(pc) =	sbr.rel .LBB2_4-.Ltmp4, $4  }
0xc2: {  	_ =	swait.ge [sflag:s5], $0x1400  }
0xc3: {  	[sflag:s5] =	ssyncset.done $0x0  }
0xc4: {  	s13 =	sadd.s32 $0x410, s8;
	s7 =	sadd.s32 $0x640, s7;
	[sflag:s5] =	ssyncadd.s32 $0xFFFFEC00  }
0xc5: {  	[tilespmem:s25], [sflag:$0x4] =	stream.indirect.gather [hbm4b:s12+s20], $0x40, s13, s20, $0xb8;
	[tilespmem:$0x15220] =	vst v63  }
.LBB2_7:
0xc6: {  	_ =	sfence.sel $0x180000  }
0xc7: {  	[bflag:$0x0] =	sbarrier.arrive $0xFFFF  }
0xc8: {  	_ =	strace $0x9000004D  }
0xc9: {  	s0 =	stileid.u32;
	[bflag:$0x2] =	sbarrier.arrive $0xFFFF  }
0xca: {  	p0 =	sne.s32 s0, $0x0;
	s0 =	rddreg [dreg:$0x3]  }
0xcb: {  	s0 =	sadd.s32 @!p0 $0x100000, s0  }
0xcc: {  	[sflag:s0] =	ssyncadd.tile.s32 @!p0 $0x1;
	_ =	shalt  }
.Lfunc_end2:
_tile_overlayer_lowered:
.L_overlay_start_2:
0xcd: {  	(tag) =	ssettag $0x2  }
0xce: {  	s0 =	rddreg [dreg:$0x0];
	s2 =	stileid.u32  }
0xcf: {  	s1 =	rddreg [dreg:$0x1];
	p0 =	sne.s32 s2, $0x0  }
0xd0: {  	s3 =	rddreg [dreg:$0x2];
	[bflag:$0x3] =	sbarrier.arrive $0xFFFF;
	s2 =	simm.s32 @!p0 $0x1C0B  }
0xd1: {  	[timem:s3], [sflag:s2] =	dma.local @!p0 [hbm:s0], s1  }
0xd2: {  	s0 =	simm.s32 @!p0 $0xB  }
0xd3: {  	_ =	swait.ge @!p0 [sflag:s0], s1  }
0xd4: {  	s1 =	ssub.s32 @!p0 $0x0, s1;
	[sflag:s0] =	ssyncset.done @!p0 $0x0  }
0xd5: {  	[sflag:s0] =	ssyncadd.s32 @!p0 s1  }
0xd6: {  	[bflag:$0x3] =	sbarrier.arrive $0xFFFF  }
0xd7: {  	_ =	shalt  }

// kernel: kernel.8.cloned.1.call-start
scs
__scs_entry_jumppad:
0x0: {  	(pc) =	sbr.rel $0x88, $3  }
0x1: {  	(tag) =	ssettag $0x0;
	lr =	simm.s32 $0x1  }
0x2: {  	[smem:$0x3F96] =	sst lr;
	_ =	strace $0xD0000000  }
0x3: {  	_ = 	snop  }
0x4: {  	_ = 	snop  }
0x5: {  	_ = 	snop  }
0x6: {  	_ = 	snop  }
0x7: {  	_ = 	snop  }
__scs_overlays_trampoline_lowered:
0x8: {  	[smem:$0x3FA5] =	sst s0  }
0x9: {  	[smem:$0x3FA6] =	sst s1  }
0xa: {  	[smem:$0x3FA7] =	sst s2  }
0xb: {  	[smem:$0x3FA8] =	sst s3  }
0xc: {  	[smem:$0x3FA9] =	sst s4  }
0xd: {  	[smem:$0x3FAA] =	sst s5  }
0xe: {  	[smem:$0x3FAB] =	sst s6  }
0xf: {  	[smem:$0x3FAC] =	sst s7  }
0x10: {  	[smem:$0x3FAD] =	sst s8  }
0x11: {  	[smem:$0x3FAE] =	sst s9;
	s0 =	simm.s32 @!p0 $0x0  }
0x12: {  	s1 =	sld [smem:$0x3F94];
	s0 =	simm.s32 @p0 $0x1  }
0x13: {  	[smem:$0x3FAF] =	sst s0;
	s0 =	simm.s32 @!p1 $0x0  }
0x14: {  	s2 =	sld [smem:$0x3F93];
	s0 =	simm.s32 @p1 $0x1  }
0x15: {  	[smem:$0x3FB0] =	sst s0;
	s0 =	simm.s32 @!p2 $0x0  }
0x16: {  	s3 =	sld [smem:$0x3FDB];
	s0 =	simm.s32 @p2 $0x1  }
0x17: {  	s4 =	simm.s32 $0x1BF5;
	[smem:$0x3FB2] =	sst s0  }
0x18: {  	s0 =	sld [smem:$0x3F95];
	_ =	swait.ge [sflag:s4], $0x0  }
0x19: {  	s7 =	sld [smem:$0x3F96]  }
0x1a: {  	s8 =	sadd.s32 $0xFFFFE003, lr  }
0x1b: {  	s9 =	sadd.s32 $0xFFFFFEF7, lr;
	s5 =	simm.s32 $0xFFFFFFFF;
	p2 =	slt.u32 s8, $0xFFFFF086  }
0x1c: {  	p1 =	slt.u32 s9, $0xF7A;
	s5 =	simm.s32 @!p2 $0x0  }
0x1d: {  	s5 =	simm.s32 @p1 $0x1;
	p0 =	seq.s32 s7, s2  }
0x1e: {  	s7 =	smul.u32 @!p0 $0xF7A, s2;
	p2 =	seq.s32 @!p0 s5, $0x0  }
0x1f: {  	s9 =	smul.u32 $0xF7A, s1;
	s8 =	simm.s32 @!p0 $0x1BF5;
	p2 =	por !p2, p0  }
0x20: {  	[sflag:s8] =	ssyncset.s32 @!p0 $0xFFFFF086;
	s6 =	sadd.s32 @!p0 s3, s7;
	s7 =	simm.s32 @!p0 $0x108  }
0x21: {  	s3 =	sadd.s32 s3, s9;
	s6 =	sadd.s32 @!p0 $0x88, s6;
	s7 =	simm.s32 @p2 $0x1082  }
0x22: {  	[simem:s7], [sflag:s8] =	dma.local @!p0 [hbm:s6], $0xF7A  }
0x23: {  	s9 =	sor.u32 $0xD0000000, s2;
	s6 =	simm.s32 $0x108;
	_ =	swait.ge @!p0 [sflag:s8], $0x0  }
0x24: {  	s3 =	sadd.s32 $0x88, s3;
	s6 =	simm.s32 @!p1 $0x1082;
	[sflag:s4] =	ssyncset.s32 $0xFFFFF086  }
0x25: {  	[simem:s6], [sflag:s4] =	dma.local [hbm:s3], $0xF7A  }
0x26: {  	[smem:$0x3F96] =	sst s1;
	(tag) =	ssettag s2;
	_ =	strace s9  }
0x27: {  	s1 =	sld [smem:$0x3FA6]  }
0x28: {  	s2 =	sld [smem:$0x3FA7]  }
0x29: {  	s4 =	sld [smem:$0x3FA9]  }
0x2a: {  	p0 =	seq.s32 s5, $0x0;
	s5 =	sld [smem:$0x3FAA]  }
0x2b: {  	s6 =	sld [smem:$0x3FAB]  }
0x2c: {  	s7 =	sld [smem:$0x3FAC]  }
0x2d: {  	s3 =	simm.s32 $0x108;
	s8 =	sld [smem:$0x3FAD]  }
0x2e: {  	s3 =	simm.s32 @!p0 $0x1082;
	s9 =	sld [smem:$0x3FAE]  }
0x2f: {  	lr =	sadd.s32 s0, s3;
	s0 =	sld [smem:$0x3FA5]  }
0x30: {  	s3 =	sld [smem:$0x3FA8]  }
0x31: {  	[smem:$0x3FB1] =	sst s10  }
0x32: {  	s10 =	sld [smem:$0x3FAF];
	_ =	sdelay $0x3  }
0x33: {  	p0 =	seq.s32 s10, $0x1;
	s10 =	sld [smem:$0x3FB1];
	_ =	sdelay $0x3  }
0x34: {  	[smem:$0x3FB1] =	sst s10  }
0x35: {  	s10 =	sld [smem:$0x3FB0];
	_ =	sdelay $0x3  }
0x36: {  	p1 =	seq.s32 s10, $0x1;
	s10 =	sld [smem:$0x3FB1];
	_ =	sdelay $0x3  }
0x37: {  	[smem:$0x3FB1] =	sst s10  }
0x38: {  	s10 =	sld [smem:$0x3FB2]  }
0x39: {  	_ = 	snop;
	(pc) =	sbr.ind lr, $3  }
0x3a: {  	_ = 	snop  }
0x3b: {  	_ = 	snop  }
0x3c: {  	p2 =	seq.s32 s10, $0x1;
	s10 =	sld [smem:$0x3FB1]  }
0x3d: {  	_ =	shalt  }
0x3e: {  	_ =	shalt  }
0x3f: {  	_ =	shalt  }
0x40: {  	_ =	shalt  }
0x41: {  	_ =	shalt  }
0x42: {  	_ =	shalt  }
0x43: {  	_ =	shalt  }
0x44: {  	_ =	shalt  }
0x45: {  	_ =	shalt  }
0x46: {  	_ =	shalt  }
0x47: {  	_ =	shalt  }
0x48: {  	_ =	shalt  }
0x49: {  	_ =	shalt  }
0x4a: {  	_ =	shalt  }
0x4b: {  	_ =	shalt  }
0x4c: {  	_ =	shalt  }
0x4d: {  	_ =	shalt  }
0x4e: {  	_ =	shalt  }
0x4f: {  	_ =	shalt  }
0x50: {  	_ =	shalt  }
0x51: {  	_ =	shalt  }
0x52: {  	_ =	shalt  }
0x53: {  	_ =	shalt  }
0x54: {  	_ =	shalt  }
0x55: {  	_ =	shalt  }
0x56: {  	_ =	shalt  }
0x57: {  	_ =	shalt  }
0x58: {  	_ =	shalt  }
0x59: {  	_ =	shalt  }
0x5a: {  	_ =	shalt  }
0x5b: {  	_ =	shalt  }
0x5c: {  	_ =	shalt  }
0x5d: {  	_ =	shalt  }
0x5e: {  	_ =	shalt  }
0x5f: {  	_ =	shalt  }
0x60: {  	_ =	shalt  }
0x61: {  	_ =	shalt  }
0x62: {  	_ =	shalt  }
0x63: {  	_ =	shalt  }
0x64: {  	_ =	shalt  }
0x65: {  	_ =	shalt  }
0x66: {  	_ =	shalt  }
0x67: {  	_ =	shalt  }
0x68: {  	_ =	shalt  }
0x69: {  	_ =	shalt  }
0x6a: {  	_ =	shalt  }
0x6b: {  	_ =	shalt  }
0x6c: {  	_ =	shalt  }
0x6d: {  	_ =	shalt  }
0x6e: {  	_ =	shalt  }
0x6f: {  	_ =	shalt  }
0x70: {  	_ =	shalt  }
0x71: {  	_ =	shalt  }
0x72: {  	_ =	shalt  }
0x73: {  	_ =	shalt  }
0x74: {  	_ =	shalt  }
0x75: {  	_ =	shalt  }
0x76: {  	_ =	shalt  }
0x77: {  	_ =	shalt  }
0x78: {  	_ =	shalt  }
0x79: {  	_ =	shalt  }
0x7a: {  	_ =	shalt  }
0x7b: {  	_ =	shalt  }
0x7c: {  	_ =	shalt  }
0x7d: {  	_ =	shalt  }
0x7e: {  	_ =	shalt  }
0x7f: {  	_ =	shalt  }
0x80: {  	_ =	shalt  }
0x81: {  	_ =	shalt  }
0x82: {  	_ =	shalt  }
0x83: {  	_ =	shalt  }
0x84: {  	_ =	shalt  }
0x85: {  	_ =	shalt  }
0x86: {  	_ =	shalt  }
0x87: {  	_ =	shalt  }
.Lfunc_end0:
.L_simem_size_0:
called_computation_lowered:
.L_overlay_start_0:
0x88: {  	s2 =	sld [smem:$0x3FD9]  }
0x89: {  	s3 =	sld [smem:$0x3FFE];
	_ =	sdelay $0x1  }
0x8a: {  	s1 =	srdreg.scid  }
0x8b: {  	s0 =	sand.u32 $0x1, s1  }
0x8c: {  	s17 =	sshll.u32 s0, $0xA;
	s2 =	sadd.s32 s3, s2  }
0x8d: {  	s2 =	sadd.s32 s2, s17  }
0x8e: {  	[smem:$0x3FBD] =	sst s2  }
0x8f: {  	_ = 	snop  }
0x90: {  	s2 =	sld [smem:$0x3FD0];
	(tm) =	ssettm $0x1  }
0x91: {  	s18 =	sld [smem:$0x3FFB];
	_ =	sdelay $0x3  }
0x92: {  	_ =	strace s18  }
0x93: {  	s3 =	sld [smem:$0x3FFC];
	_ =	sdelay $0x3  }
0x94: {  	_ =	strace s3  }
0x95: {  	s3 =	sld [smem:$0x3FFD];
	_ =	sdelay $0x3  }
0x96: {  	_ =	strace s3  }
0x97: {  	_ =	strace $0x8FFFFFFF  }
0x98: {  	s19 =	sld [smem:$0x3FDB];
	_ =	sdelay $0x1  }
0x99: {  	s4 =	simm.s32 $_scs_section_size  }
0x9a: {  	s5 =	simm.s32 $_size__tile_overlayer_lowered;
	s6 =	simm.s32 $_tile_overlayer_lowered  }
0x9b: {  	s22 =	simm.s32 $0x1BFF;
	s21 =	sshll.u32 s6, $0x1;
	s3 =	sadd.s32 s4, s19  }
0x9c: {  	s7 =	simm.s32 $0x0;
	s20 =	sshll.u32 s5, $0x1;
	s5 =	sadd.s32 s21, s3  }
0x9d: {  	[timem:s7], [sflag:s22] =	dma.local [hbm:s5], s20  }
0x9e: {  	_ =	swait.ge [sflag:s22], s20  }
0x9f: {  	s4 =	ssub.s32 $0x0, s20;
	[sflag:s22] =	ssyncset.done $0x0  }
0xa0: {  	[sflag:s22] =	ssyncadd.s32 s4;
	_ =	sdelay $0x1  }
0xa1: {  	s23 =	simm.s32 $0x1B8B  }
0xa2: {  	_ =	swait.ge [sflag:s23], $0x1  }
0xa3: {  	[sflag:s23] =	ssyncset.done $0x0  }
0xa4: {  	s25 =	simm.s32 $0x1B8E;
	s24 =	sld [smem:$0x3FFE];
	[sflag:s23] =	ssyncadd.s32 $0xFFFFFFFF  }
0xa5: {  	s26 =	simm.s32 $execute0_lowered;
	[smem:$0x3FD2] =	sst s25  }
0xa6: {  	s5 =	sshll.u32 s26, $0x1;
	_ =	strace $0x80000046;
	[dreg:$0x1] =	wrdreg $0xFFFFFFFF  }
0xa7: {  	s28 =	simm.s32 $_size_execute0_lowered;
	s3 =	sadd.s32 s3, s5;
	[dreg:$0x0] =	wrdreg $0x0  }
0xa8: {  	s5 =	sshll.u32 s28, $0x1;
	[dreg:$0x2] =	wrdreg s3  }
0xa9: {  	[dreg:$0x3] =	wrdreg s5  }
0xaa: {  	[dreg:$0x4] =	wrdreg $0xC0  }
0xab: {  	_ =	task [dreg:s7], $0x5FFFF  }
0xac: {  	[dreg:$0x1] =	wrdreg $0xFFFFFFFF  }
0xad: {  	[dreg:$0x0] =	wrdreg $0x60  }
0xae: {  	[dreg:$0x2] =	wrdreg s24  }
0xaf: {  	[dreg:$0x3] =	wrdreg s2  }
0xb0: {  	[dreg:$0x4] =	wrdreg $0x50F00  }
0xb1: {  	[dreg:$0x5] =	wrdreg $0x53700  }
0xb2: {  	[dreg:$0x6] =	wrdreg $0x9  }
0xb3: {  	_ =	task.clear_ibuf [dreg:s7], $0x7FFFF;
	_ =	strace $0x90000046  }
0xb4: {  	s29 =	simm.s32 $0x9;
	_ =	strace $0x80000048  }
0xb5: {  	_ =	swait.ge [sflag:s29], $0x1  }
0xb6: {  	[sflag:s29] =	ssyncadd.s32 $0xFFFFFFFF  }
0xb7: {  	_ =	strace $0x90000048  }
0xb8: {  	_ =	sfence  }
0xb9: {  	s30 =	sld [smem:$0x0];
	_ =	sdelay $0x2  }
0xba: {  	s31 =	sshll.u32 s1, $0xD;
	s1 =	sshrl.u32 s1, $0x2  }
0xbb: {  	s3 =	sand.u32 $0x4000, s31;
	s1 =	sadd.s32 s1, s30  }
0xbc: {  	s0 =	sor.u32 s3, s0;
	s1 =	sshll.u32 s1, $0x11  }
0xbd: {  	s0 =	sor.u32 s1, s0  }
0xbe: {  	s0 =	sadd.s32 $0x8F2B, s0  }
0xbf: {  	[sflag:s0] =	ssyncadd.remote.s32 $0x1  }
0xc0: {  	_ =	sfence.sel $0xFFFF  }
0xc1: {  	[dreg:$0x0] =	wrdreg $0xFFFFFFFF;
	(pc) =	sbr.abs _section_cstart, $3  }
0xc2: {  	[dreg:$0x1] =	wrdreg $0xFFFFFFFF  }
0xc3: {  	_ =	task.clear_ibuf [dreg:s7], $0x2FFFF;
	_ =	strace $0x9FFFFFFF  }
0xc4: {  	(tm) =	ssettm $0x7FFFFFFF  }
0xc5: {  	_ =	shalt  }
tec
execute0_lowered:
.L_overlay_start_1:
0x0: {  	(tag) =	ssettag $0x1  }
0x1: {  	s5 =	rddreg [dreg:$0x0]  }
0x2: {  	s11 =	rddreg [dreg:$0x1]  }
0x3: {  	s2 =	rddreg [dreg:$0x2]  }
0x4: {  	s3 =	rddreg [dreg:$0x3]  }
0x5: {  	s0 =	rddreg [dreg:$0x4]  }
0x6: {  	s6 =	srdreg.scid;
	s1 =	stileid.u32;
	s4 =	simm.s32 $0x0  }
0x7: {  	s15 =	simm.s32 $0x50;
	s16 =	simm.s32 $0x4E20;
	s17 =	simm.s32 $0x1  }
0x8: {  	s18 =	simm.s32 $0x2;
	s19 =	simm.s32 $0x3;
	s20 =	simm.s32 $0x4  }
0x9: {  	s21 =	simm.s32 $0x5;
	s22 =	simm.s32 $0x0;
	s7 =	sand.u32 $0x1, s6  }
0xa: {  	s30 =	smul.u32 $0x280, s1;
	[smem:$0x7FF] =	sst s4;
	s10 =	sadd.s32 $0xC000, s5  }
0xb: {  	s9 =	sadd.s32 $0x7000, s5;
	s13 =	sadd.s32 $0x2000, s5;
	s31 =	smul.u32 $0x4E2, s1  }
0xc: {  	s8 =	smul.u32 $0x5000, s7;
	_ =	strace $0x80000047;
	s12 =	ssub.s32 $0x2, s7  }
0xd: {  	p0 =	seq.s32 s7, $0x1;
	s14 =	sshrl.u32 s12, $0x1;
	s6 =	sadd.s32 s30, s3  }
0xe: {  	s10 =	smov.u32 @p0 s9;
	s11 =	smov.u32 @p0 s13;
	s13 =	simm.s32 $0x6  }
0xf: {  	s8 =	sadd.s32 s30, s8;
	s12 =	ssub.s32 s12, s14;
	s10 =	sadd.s32 s10, s31  }
0x10: {  	s11 =	sadd.s32 s11, s31;
	s14 =	simm.s32 $0x2710;
	s8 =	sshrl.u32 s8, $0x3  }
0x11: {  	s9 =	smax.u32 s12, $0x1;
	s12 =	simm.s32 $0x4E70;
	s8 =	sadd.s32 s8, s5  }
0x12: {  	v0 =	vimm.f32 $0.0e+00;
	v1 =	vimm.f32 $1.000000000e+00;
	s5 =	sadd.s32 s30, s2;
	s7 =	sadd.s32 $0x11000, s8;
	s8 =	sadd.s32 $0x11500, s8  }
.LBB2_1:
0x13: {  	[tilespmem:$0x4E70] =	vst v0  }
0x14: {  	[tilespmem:$0x4E80] =	vst v0  }
0x15: {  	[tilespmem:$0x4E90] =	vst v0  }
0x16: {  	[tilespmem:$0x4EA0] =	vst v0  }
0x17: {  	[tilespmem:$0x4EB0] =	vst v0  }
0x18: {  	[tilespmem:$0x4EC0] =	vst v0  }
0x19: {  	[tilespmem:$0x4ED0] =	vst v0  }
0x1a: {  	[tilespmem:$0x4EE0] =	vst v0  }
0x1b: {  	[tilespmem:$0x4EF0] =	vst v0  }
0x1c: {  	[tilespmem:$0x4F00] =	vst v0  }
0x1d: {  	[tilespmem:$0x4F10] =	vst v0  }
0x1e: {  	[tilespmem:$0x4F20] =	vst v0  }
0x1f: {  	[tilespmem:$0x4F30] =	vst v0  }
0x20: {  	[tilespmem:$0x4F40] =	vst v0  }
0x21: {  	[tilespmem:$0x4F50] =	vst v0  }
0x22: {  	[tilespmem:$0x4F60] =	vst v0  }
0x23: {  	[tilespmem:$0x4F70] =	vst v0  }
0x24: {  	[tilespmem:$0x4F80] =	vst v0  }
0x25: {  	[tilespmem:$0x4F90] =	vst v0  }
0x26: {  	[tilespmem:$0x4FA0] =	vst v0  }
0x27: {  	[tilespmem:$0x4FB0] =	vst v0  }
0x28: {  	[tilespmem:$0x4FC0] =	vst v0  }
0x29: {  	[tilespmem:$0x4FD0] =	vst v0  }
0x2a: {  	[tilespmem:$0x4FE0] =	vst v0  }
0x2b: {  	[tilespmem:$0x4FF0] =	vst v0  }
0x2c: {  	[tilespmem:$0x5000] =	vst v0  }
0x2d: {  	[tilespmem:$0x5010] =	vst v0  }
0x2e: {  	[tilespmem:$0x5020] =	vst v0  }
0x2f: {  	[tilespmem:$0x5030] =	vst v0  }
0x30: {  	[tilespmem:$0x5040] =	vst v0  }
0x31: {  	[tilespmem:$0x5050] =	vst v0  }
0x32: {  	[tilespmem:$0x5060] =	vst v0  }
0x33: {  	[tilespmem:$0x5070] =	vst v0  }
0x34: {  	[tilespmem:$0x5080] =	vst v0  }
0x35: {  	[tilespmem:$0x5090] =	vst v0  }
0x36: {  	[tilespmem:$0x50A0] =	vst v0  }
0x37: {  	[tilespmem:$0x50B0] =	vst v0  }
0x38: {  	[tilespmem:$0x50C0] =	vst v0  }
0x39: {  	[tilespmem:$0x50D0] =	vst v0  }
0x3a: {  	[tilespmem:$0x50E0] =	vst v0  }
0x3b: {  	[tilespmem:$0x4E20] =	vst v1  }
0x3c: {  	[tilespmem:$0x4E30] =	vst v1  }
0x3d: {  	[tilespmem:$0x4E40] =	vst v1  }
0x3e: {  	[tilespmem:$0x4E50] =	vst v1  }
0x3f: {  	[tilespmem:$0x4E60] =	vst v1  }
0x40: {  	[spmem:s5] =	stream.linear.scatter [tilespmem:s12], [sflag:$0x6], $0x280, $0x38;
	[tilespmem:$0x55F0] =	vst v63  }
0x41: {  	_ =	swait.ge [sflag:s13], $0x280  }
0x42: {  	[sflag:s13] =	ssyncset.done $0x0  }
0x43: {  	[sflag:s13] =	ssyncadd.s32 $0xFFFFFD80  }
0x44: {  	[spmem:s6] =	stream.linear.scatter [tilespmem:s12], [sflag:$0x6], $0x280, $0x38;
	[tilespmem:$0x55F0] =	vst v63  }
0x45: {  	_ =	swait.ge [sflag:s13], $0x280  }
0x46: {  	[sflag:s13] =	ssyncset.done $0x0  }
0x47: {  	[sflag:s13] =	ssyncadd.s32 $0xFFFFFD80  }
0x48: {  	[tilespmem:s4], [sflag:$0x6] =	stream.linear.gather [hbm4b:s10+s4], $0x2710, $0x38;
	[tilespmem:$0x55F0] =	vst v63  }
0x49: {  	_ =	swait.ge [sflag:s13], $0x2710  }
0x4a: {  	[sflag:s13] =	ssyncset.done $0x0  }
0x4b: {  	[sflag:s13] =	ssyncadd.s32 $0xFFFFD8F0  }
0x4c: {  	[tilespmem:s14], [sflag:$0x6] =	stream.linear.gather [hbm4b:s11+s4], $0x2710, $0x38;
	[tilespmem:$0x55F0] =	vst v63  }
0x4d: {  	_ =	swait.ge [sflag:s13], $0x2710  }
0x4e: {  	[sflag:s13] =	ssyncset.done $0x0  }
0x4f: {  	[sflag:s13] =	ssyncadd.s32 $0xFFFFD8F0  }
0x50: {  	s23 =	simm.s32 $0x0;
	[bflag:$0x0] =	sbarrier.arrive $0xFFFF  }
0x51: {  	[spmem:s2] =	stream.indirect.scatter.add.f32 [tilespmem:s16], [sflag:$0x1], $0x1, s23, s15, $0xb8;
	[tilespmem:$0x55F0] =	vst v63  }
0x52: {  	s30 =	simm.s32 $0x2710  }
0x53: {  	[spmem:s3] =	stream.indirect.scatter.add.f32 [tilespmem:s16], [sflag:$0x1], $0x1, s30, s15, $0xb8;
	[tilespmem:$0x55F0] =	vst v63  }
0x54: {  	s31 =	simm.s32 $0x50  }
0x55: {  	[spmem:s2] =	stream.indirect.scatter.add.f32 [tilespmem:s16], [sflag:$0x2], $0x1, s31, s15, $0xb8;
	[tilespmem:$0x55F0] =	vst v63  }
0x56: {  	s24 =	simm.s32 $0x2760  }
0x57: {  	[spmem:s3] =	stream.indirect.scatter.add.f32 [tilespmem:s16], [sflag:$0x2], $0x1, s24, s15, $0xb8;
	[tilespmem:$0x55F0] =	vst v63  }
0x58: {  	s25 =	simm.s32 $0xA0  }
0x59: {  	[spmem:s2] =	stream.indirect.scatter.add.f32 [tilespmem:s16], [sflag:$0x3], $0x1, s25, s15, $0xb8;
	[tilespmem:$0x55F0] =	vst v63  }
0x5a: {  	s26 =	simm.s32 $0x27B0  }
0x5b: {  	[spmem:s3] =	stream.indirect.scatter.add.f32 [tilespmem:s16], [sflag:$0x3], $0x1, s26, s15, $0xb8;
	[tilespmem:$0x55F0] =	vst v63  }
0x5c: {  	s28 =	simm.s32 $0xF0  }
0x5d: {  	[spmem:s2] =	stream.indirect.scatter.add.f32 [tilespmem:s16], [sflag:$0x4], $0x1, s28, s15, $0xb8;
	[tilespmem:$0x55F0] =	vst v63  }
0x5e: {  	s29 =	simm.s32 $0x2800  }
0x5f: {  	[spmem:s3] =	stream.indirect.scatter.add.f32 [tilespmem:s16], [sflag:$0x4], $0x1, s29, s15, $0xb8;
	[tilespmem:$0x55F0] =	vst v63  }
0x60: {  	s30 =	simm.s32 $0x140  }
0x61: {  	[spmem:s2] =	stream.indirect.scatter.add.f32 [tilespmem:s16], [sflag:$0x5], $0x1, s30, s15, $0xb8;
	[tilespmem:$0x55F0] =	vst v63  }
0x62: {  	s31 =	simm.s32 $0x2850  }
0x63: {  	[spmem:s3] =	stream.indirect.scatter.add.f32 [tilespmem:s16], [sflag:$0x5], $0x1, s31, s15, $0xb8;
	[tilespmem:$0x55F0] =	vst v63  }
0x64: {  	_ =	swait.ge [sflag:s17], $0x50  }
0x65: {  	[sflag:s17] =	ssyncset.done $0x0  }
0x66: {  	[sflag:s17] =	ssyncadd.s32 $0xFFFFFFB0  }
0x67: {  	_ =	swait.ge [sflag:s17], $0x50  }
0x68: {  	[sflag:s17] =	ssyncset.done $0x0  }
0x69: {  	[sflag:s17] =	ssyncadd.s32 $0xFFFFFFB0  }
0x6a: {  	_ =	swait.ge [sflag:s18], $0x50  }
0x6b: {  	[sflag:s18] =	ssyncset.done $0x0  }
0x6c: {  	[sflag:s18] =	ssyncadd.s32 $0xFFFFFFB0  }
0x6d: {  	_ =	swait.ge [sflag:s18], $0x50  }
0x6e: {  	[sflag:s18] =	ssyncset.done $0x0  }
0x6f: {  	[sflag:s18] =	ssyncadd.s32 $0xFFFFFFB0  }
0x70: {  	_ =	swait.ge [sflag:s19], $0x50  }
0x71: {  	[sflag:s19] =	ssyncset.done $0x0  }
0x72: {  	[sflag:s19] =	ssyncadd.s32 $0xFFFFFFB0  }
0x73: {  	_ =	swait.ge [sflag:s19], $0x50  }
0x74: {  	[sflag:s19] =	ssyncset.done $0x0  }
0x75: {  	[sflag:s19] =	ssyncadd.s32 $0xFFFFFFB0  }
0x76: {  	_ =	swait.ge [sflag:s20], $0x50  }
0x77: {  	[sflag:s20] =	ssyncset.done $0x0  }
0x78: {  	[sflag:s20] =	ssyncadd.s32 $0xFFFFFFB0  }
0x79: {  	_ =	swait.ge [sflag:s20], $0x50  }
0x7a: {  	[sflag:s20] =	ssyncset.done $0x0  }
0x7b: {  	[sflag:s20] =	ssyncadd.s32 $0xFFFFFFB0  }
0x7c: {  	_ =	swait.ge [sflag:s21], $0x50  }
0x7d: {  	[sflag:s21] =	ssyncset.done $0x0  }
0x7e: {  	[sflag:s21] =	ssyncadd.s32 $0xFFFFFFB0  }
0x7f: {  	_ =	swait.ge [sflag:s21], $0x50  }
0x80: {  	s23 =	simm.s32 $0x640;
	s25 =	simm.s32 $0xC80;
	[sflag:s21] =	ssyncset.done $0x0  }
.LBB2_2:
0x81: {  	s26 =	sshra.s32 s23, $0x2  }
0x82: {  	[sflag:s21] =	ssyncadd.s32 $0xFFFFFFB0;
	s23 =	smov.u32 s25;
	s24 =	sadd.s32 $0x640, s25  }
0x83: {  	[spmem:s2] =	stream.indirect.scatter.add.f32 [tilespmem:s16], [sflag:$0x1], $0x1, s26, s15, $0xb8;
	[tilespmem:$0x55F0] =	vst v63  }
0x84: {  	p0 =	sne.s32 s25, $0x9600;
	s25 =	sadd.s32 $0x2710, s26  }
0x85: {  	[spmem:s3] =	stream.indirect.scatter.add.f32 [tilespmem:s16], [sflag:$0x1], $0x1, s25, s15, $0xb8;
	[tilespmem:$0x55F0] =	vst v63  }
0x86: {  	s25 =	sadd.s32 $0x50, s26  }
0x87: {  	[spmem:s2] =	stream.indirect.scatter.add.f32 [tilespmem:s16], [sflag:$0x2], $0x1, s25, s15, $0xb8;
	[tilespmem:$0x55F0] =	vst v63  }
0x88: {  	s25 =	sadd.s32 $0x2760, s26  }
0x89: {  	[spmem:s3] =	stream.indirect.scatter.add.f32 [tilespmem:s16], [sflag:$0x2], $0x1, s25, s15, $0xb8;
	[tilespmem:$0x55F0] =	vst v63  }
0x8a: {  	s25 =	sadd.s32 $0xA0, s26  }
0x8b: {  	[spmem:s2] =	stream.indirect.scatter.add.f32 [tilespmem:s16], [sflag:$0x3], $0x1, s25, s15, $0xb8;
	[tilespmem:$0x55F0] =	vst v63  }
0x8c: {  	s25 =	sadd.s32 $0x27B0, s26  }
0x8d: {  	[spmem:s3] =	stream.indirect.scatter.add.f32 [tilespmem:s16], [sflag:$0x3], $0x1, s25, s15, $0xb8;
	[tilespmem:$0x55F0] =	vst v63  }
0x8e: {  	s25 =	sadd.s32 $0xF0, s26  }
0x8f: {  	[spmem:s2] =	stream.indirect.scatter.add.f32 [tilespmem:s16], [sflag:$0x4], $0x1, s25, s15, $0xb8;
	[tilespmem:$0x55F0] =	vst v63  }
0x90: {  	s25 =	sadd.s32 $0x2800, s26  }
0x91: {  	[spmem:s3] =	stream.indirect.scatter.add.f32 [tilespmem:s16], [sflag:$0x4], $0x1, s25, s15, $0xb8;
	[tilespmem:$0x55F0] =	vst v63  }
0x92: {  	s25 =	sadd.s32 $0x140, s26  }
0x93: {  	[spmem:s2] =	stream.indirect.scatter.add.f32 [tilespmem:s16], [sflag:$0x5], $0x1, s25, s15, $0xb8;
	[tilespmem:$0x55F0] =	vst v63  }
0x94: {  	s25 =	sadd.s32 $0x2850, s26  }
0x95: {  	[spmem:s3] =	stream.indirect.scatter.add.f32 [tilespmem:s16], [sflag:$0x5], $0x1, s25, s15, $0xb8;
	[tilespmem:$0x55F0] =	vst v63  }
0x96: {  	_ =	swait.ge [sflag:s17], $0x50  }
0x97: {  	[sflag:s17] =	ssyncset.done $0x0  }
0x98: {  	[sflag:s17] =	ssyncadd.s32 $0xFFFFFFB0  }
0x99: {  	_ =	swait.ge [sflag:s17], $0x50  }
0x9a: {  	[sflag:s17] =	ssyncset.done $0x0  }
0x9b: {  	[sflag:s17] =	ssyncadd.s32 $0xFFFFFFB0  }
0x9c: {  	_ =	swait.ge [sflag:s18], $0x50  }
0x9d: {  	[sflag:s18] =	ssyncset.done $0x0  }
0x9e: {  	[sflag:s18] =	ssyncadd.s32 $0xFFFFFFB0  }
0x9f: {  	_ =	swait.ge [sflag:s18], $0x50  }
0xa0: {  	[sflag:s18] =	ssyncset.done $0x0  }
0xa1: {  	[sflag:s18] =	ssyncadd.s32 $0xFFFFFFB0  }
0xa2: {  	_ =	swait.ge [sflag:s19], $0x50  }
0xa3: {  	[sflag:s19] =	ssyncset.done $0x0  }
0xa4: {  	[sflag:s19] =	ssyncadd.s32 $0xFFFFFFB0  }
0xa5: {  	_ =	swait.ge [sflag:s19], $0x50  }
0xa6: {  	[sflag:s19] =	ssyncset.done $0x0  }
0xa7: {  	[sflag:s19] =	ssyncadd.s32 $0xFFFFFFB0  }
0xa8: {  	_ =	swait.ge [sflag:s20], $0x50  }
0xa9: {  	[sflag:s20] =	ssyncset.done $0x0  }
0xaa: {  	[sflag:s20] =	ssyncadd.s32 $0xFFFFFFB0  }
0xab: {  	_ =	swait.ge [sflag:s20], $0x50  }
0xac: {  	[sflag:s20] =	ssyncset.done $0x0  }
0xad: {  	[sflag:s20] =	ssyncadd.s32 $0xFFFFFFB0  }
.Ltmp0:
0xae: {  	_ =	swait.ge [sflag:s21], $0x50;
	(pc) =	sbr.rel @p0 .LBB2_2-.Ltmp0, $4  }
0xaf: {  	[sflag:s21] =	ssyncset.done $0x0  }
0xb0: {  	[sflag:s21] =	ssyncadd.s32 $0xFFFFFFB0  }
0xb1: {  	_ =	swait.ge [sflag:s21], $0x50  }
0xb2: {  	s25 =	smov.u32 s24;
	[sflag:s21] =	ssyncset.done $0x0  }
0xb3: {  	s23 =	sshra.s32 s23, $0x2;
	[sflag:s21] =	ssyncadd.s32 $0xFFFFFFB0  }
0xb4: {  	[spmem:s2] =	stream.indirect.scatter.add.f32 [tilespmem:s16], [sflag:$0x1], $0x1, s23, s15, $0xb8;
	[tilespmem:$0x55F0] =	vst v63  }
0xb5: {  	s24 =	sadd.s32 $0x2710, s23  }
0xb6: {  	[spmem:s3] =	stream.indirect.scatter.add.f32 [tilespmem:s16], [sflag:$0x1], $0x1, s24, s15, $0xb8;
	[tilespmem:$0x55F0] =	vst v63  }
0xb7: {  	s28 =	sadd.s32 $0x50, s23  }
0xb8: {  	[spmem:s2] =	stream.indirect.scatter.add.f32 [tilespmem:s16], [sflag:$0x2], $0x1, s28, s15, $0xb8;
	[tilespmem:$0x55F0] =	vst v63  }
0xb9: {  	s29 =	sadd.s32 $0x2760, s23  }
0xba: {  	[spmem:s3] =	stream.indirect.scatter.add.f32 [tilespmem:s16], [sflag:$0x2], $0x1, s29, s15, $0xb8;
	[tilespmem:$0x55F0] =	vst v63  }
0xbb: {  	s30 =	sadd.s32 $0xA0, s23  }
0xbc: {  	[spmem:s2] =	stream.indirect.scatter.add.f32 [tilespmem:s16], [sflag:$0x3], $0x1, s30, s15, $0xb8;
	[tilespmem:$0x55F0] =	vst v63  }
0xbd: {  	s31 =	sadd.s32 $0x27B0, s23  }
0xbe: {  	[spmem:s3] =	stream.indirect.scatter.add.f32 [tilespmem:s16], [sflag:$0x3], $0x1, s31, s15, $0xb8;
	[tilespmem:$0x55F0] =	vst v63  }
0xbf: {  	s25 =	sadd.s32 $0xF0, s23  }
0xc0: {  	[spmem:s2] =	stream.indirect.scatter.add.f32 [tilespmem:s16], [sflag:$0x4], $0x1, s25, s15, $0xb8;
	[tilespmem:$0x55F0] =	vst v63  }
0xc1: {  	s26 =	sadd.s32 $0x2800, s23  }
0xc2: {  	[spmem:s3] =	stream.indirect.scatter.add.f32 [tilespmem:s16], [sflag:$0x4], $0x1, s26, s15, $0xb8;
	[tilespmem:$0x55F0] =	vst v63  }
0xc3: {  	s28 =	sadd.s32 $0x140, s23  }
0xc4: {  	[spmem:s2] =	stream.indirect.scatter.add.f32 [tilespmem:s16], [sflag:$0x5], $0x1, s28, s15, $0xb8;
	[tilespmem:$0x55F0] =	vst v63  }
0xc5: {  	s23 =	sadd.s32 $0x2850, s23  }
0xc6: {  	[spmem:s3] =	stream.indirect.scatter.add.f32 [tilespmem:s16], [sflag:$0x5], $0x1, s23, s15, $0xb8;
	[tilespmem:$0x55F0] =	vst v63  }
0xc7: {  	_ =	swait.ge [sflag:s17], $0x50  }
0xc8: {  	[sflag:s17] =	ssyncset.done $0x0  }
0xc9: {  	[sflag:s17] =	ssyncadd.s32 $0xFFFFFFB0  }
0xca: {  	_ =	swait.ge [sflag:s17], $0x50  }
0xcb: {  	[sflag:s17] =	ssyncset.done $0x0  }
0xcc: {  	[sflag:s17] =	ssyncadd.s32 $0xFFFFFFB0  }
0xcd: {  	_ =	swait.ge [sflag:s18], $0x50  }
0xce: {  	[sflag:s18] =	ssyncset.done $0x0  }
0xcf: {  	[sflag:s18] =	ssyncadd.s32 $0xFFFFFFB0  }
0xd0: {  	_ =	swait.ge [sflag:s18], $0x50  }
0xd1: {  	[sflag:s18] =	ssyncset.done $0x0  }
0xd2: {  	[sflag:s18] =	ssyncadd.s32 $0xFFFFFFB0  }
0xd3: {  	_ =	swait.ge [sflag:s19], $0x50  }
0xd4: {  	[sflag:s19] =	ssyncset.done $0x0  }
0xd5: {  	[sflag:s19] =	ssyncadd.s32 $0xFFFFFFB0  }
0xd6: {  	_ =	swait.ge [sflag:s19], $0x50  }
0xd7: {  	[sflag:s19] =	ssyncset.done $0x0  }
0xd8: {  	[sflag:s19] =	ssyncadd.s32 $0xFFFFFFB0  }
0xd9: {  	_ =	swait.ge [sflag:s20], $0x50  }
0xda: {  	[sflag:s20] =	ssyncset.done $0x0  }
0xdb: {  	[sflag:s20] =	ssyncadd.s32 $0xFFFFFFB0  }
0xdc: {  	_ =	swait.ge [sflag:s20], $0x50  }
0xdd: {  	[sflag:s20] =	ssyncset.done $0x0  }
0xde: {  	[sflag:s20] =	ssyncadd.s32 $0xFFFFFFB0  }
0xdf: {  	_ =	swait.ge [sflag:s21], $0x50  }
0xe0: {  	[sflag:s21] =	ssyncset.done $0x0  }
0xe1: {  	[sflag:s21] =	ssyncadd.s32 $0xFFFFFFB0  }
0xe2: {  	_ =	swait.ge [sflag:s21], $0x50  }
0xe3: {  	[sflag:s21] =	ssyncset.done $0x0  }
0xe4: {  	s29 =	sshll.u32 s1, $0x6;
	[sflag:s21] =	ssyncadd.s32 $0xFFFFFFB0  }
0xe5: {  	s30 =	sshrl.u32 s5, $0x3;
	s23 =	sor.u32 $0x1C06, s29;
	[bflag:$0x0] =	sbarrier.arrive $0xFFFF  }
0xe6: {  	[hbm:s7], [sflag:s23] =	dma.local [spmem:s30], $0x50  }
0xe7: {  	s22 =	sadd.s32 $0x1, s22;
	_ =	swait.ge [sflag:s13], $0x50  }
0xe8: {  	p0 =	sne.s32 s22, s9;
	[sflag:s13] =	ssyncset.done $0x0  }
.Ltmp1:
0xe9: {  	s31 =	sshrl.u32 s6, $0x3;
	[sflag:s13] =	ssyncadd.s32 $0xFFFFFFB0;
	(pc) =	sbr.rel @p0 .LBB2_1-.Ltmp1, $4  }
0xea: {  	[hbm:s8], [sflag:s23] =	dma.local [spmem:s31], $0x50  }
0xeb: {  	_ =	swait.ge [sflag:s13], $0x50  }
0xec: {  	[sflag:s13] =	ssyncset.done $0x0  }
0xed: {  	[sflag:s13] =	ssyncadd.s32 $0xFFFFFFB0  }
0xee: {  	_ =	sfence.sel $0x180000  }
0xef: {  	[bflag:$0x0] =	sbarrier.arrive $0xFFFF  }
0xf0: {  	p0 =	sne.s32 s1, $0x0;
	_ =	strace $0x90000047  }
0xf1: {  	s0 =	sadd.s32 @!p0 $0x100000, s0;
	[bflag:$0x2] =	sbarrier.arrive $0xFFFF  }
0xf2: {  	[sflag:s0] =	ssyncadd.tile.s32 @!p0 $0x1;
	_ =	shalt  }
.Lfunc_end2:
_tile_overlayer_lowered:
.L_overlay_start_2:
0xf3: {  	(tag) =	ssettag $0x2  }
0xf4: {  	s0 =	rddreg [dreg:$0x0];
	s2 =	stileid.u32  }
0xf5: {  	s1 =	rddreg [dreg:$0x1];
	p0 =	sne.s32 s2, $0x0  }
0xf6: {  	s3 =	rddreg [dreg:$0x2];
	[bflag:$0x3] =	sbarrier.arrive $0xFFFF;
	s2 =	simm.s32 @!p0 $0x1C06  }
0xf7: {  	[timem:s3], [sflag:s2] =	dma.local @!p0 [hbm:s0], s1  }
0xf8: {  	s0 =	simm.s32 @!p0 $0x6  }
0xf9: {  	_ =	swait.ge @!p0 [sflag:s0], s1  }
0xfa: {  	s1 =	ssub.s32 @!p0 $0x0, s1;
	[sflag:s0] =	ssyncset.done @!p0 $0x0  }
0xfb: {  	[sflag:s0] =	ssyncadd.s32 @!p0 s1  }
0xfc: {  	[bflag:$0x3] =	sbarrier.arrive $0xFFFF  }
0xfd: {  	_ =	shalt  }

</sc_bundles>
